<compile_context>
chip_gen: v7x
topology: tpu7x:2x2x1
jax: 0.10.2.dev20260603
libtpu: 0.0.44.dev20260713+nightly
codegen_flags: <defaults>
</compile_context>

<pallas_src>
import functools

import jax
import jax.numpy as jnp
from jax import lax
from jax.experimental import pallas as pl
from jax.experimental.pallas import tpu as pltpu
from jax.experimental.pallas import tpu_sc as plsc

F32 = jnp.float32
LANES = 16
NCORE = 2
NSUB = 16
NW = NCORE * NSUB
BATCH = 128

_SC_PARAMS = pltpu.CompilerParams(use_tc_tiling_on_sc=False)


def _leaky_relu(v):
    return jnp.where(v >= 0, v, 0.2 * v)


def _w_from_rows(gs_i, gd_i):
    return jnp.exp(_leaky_relu(gs_i + jnp.flip(gd_i)))


def _mm1_body(x_ref, w1_ref, ac_ref, xwlo_ref, xwhi_ref, a1_ref):
    xw = jnp.dot(x_ref[...], w1_ref[...], preferred_element_type=F32)
    xwlo_ref[...] = xw[:, :128]
    xwhi_ref[...] = xw[:, 128:]
    a1_ref[...] = jnp.dot(xw, ac_ref[...], preferred_element_type=F32)


def _mid_body(plo_ref, phi_ref, asum_ref, b1_ref, w2_ref, a2c_ref,
              xw2_ref, a2_ref):
    lo = plo_ref[0] + plo_ref[1]
    hi = phi_ref[0] + phi_ref[1]
    s = asum_ref[0] + asum_ref[1]
    s = jnp.where(s == 0, 1.0, s)
    blk = lo.shape[0]
    den_lo = jnp.broadcast_to(s[:, 0:4, None], (blk, 4, 32)).reshape(blk, 128)
    den_hi = jnp.broadcast_to(s[:, 4:8, None], (blk, 4, 32)).reshape(blk, 128)
    h = jnp.concatenate([lo / den_lo, hi / den_hi], axis=1) + b1_ref[...]
    h = jnp.where(h > 0, h, jnp.exp(jnp.minimum(h, 0.0)) - 1.0)
    xw2 = jnp.dot(h, w2_ref[...], preferred_element_type=F32)
    xw2_ref[...] = xw2
    a2_ref[...] = jnp.dot(xw2, a2c_ref[...], preferred_element_type=F32)


def _fin_body(p2_ref, asum2_ref, b2_ref, out_ref):
    o = p2_ref[0] + p2_ref[1]
    s = asum2_ref[0, :, 0:1] + asum2_ref[1, :, 0:1]
    s = jnp.where(s == 0, 1.0, s)
    o = o[:, :40] / s + b2_ref[...]
    m = jnp.max(o, axis=1, keepdims=True)
    lse = jnp.log(jnp.sum(jnp.exp(o - m), axis=1, keepdims=True))
    out_ref[...] = o - m - lse


def _zero_rows(buf, nrow, ncol16):
    zero = jnp.zeros((LANES,), F32)

    def body(i, _):
        for k in range(ncol16):
            buf[i, pl.ds(LANES * k, LANES)] = zero
        return 0

    lax.fori_loop(0, nrow, body, 0)


def _make_asum_kernel(n_pad, nb, nb_pad):
    rows_per_tile = n_pad // NSUB

    @functools.partial(
        pl.kernel,
        out_type=(
            jax.ShapeDtypeStruct((NCORE, n_pad, 16), F32),
            jax.ShapeDtypeStruct((NW, nb * BATCH, 16), F32),
        ),
        mesh=plsc.VectorSubcoreMesh(core_axis_name="c", subcore_axis_name="s"),
        compiler_params=_SC_PARAMS,
        scratch_types=[
            pltpu.VMEM((nb_pad, BATCH), jnp.int32),
            pltpu.VMEM((nb_pad, BATCH), jnp.int32),
            pltpu.VMEM((BATCH, 16), F32),
            pltpu.VMEM((BATCH, 16), F32),
            pltpu.VMEM((BATCH, 16), F32),
            pltpu.VMEM((BATCH, 16), F32),
            pltpu.VMEM((BATCH, 16), F32),
            pltpu.VMEM((BATCH, 16), F32),
            pltpu.VMEM_SHARED((n_pad, 16), F32),
            pltpu.SemaphoreType.DMA,
            pltpu.SemaphoreType.DMA,
            pltpu.SemaphoreType.DMA,
            pltpu.SemaphoreType.DMA,
        ],
    )
    def asum_k(src_hbm, dst_hbm, a_hbm, asum_hbm, wdump_hbm,
               src_v, dst_v, gs_a, gd_a, gs_b, gd_b, wb_a, wb_b, accs,
               sem0, sem1, sem2, sem3):
        c = lax.axis_index("c")
        s = lax.axis_index("s")
        wid = s * NCORE + c
        row0 = s * rows_per_tile
        rows = pl.ds(row0, rows_per_tile)

        pltpu.sync_copy(src_hbm.at[wid], src_v)
        pltpu.sync_copy(dst_hbm.at[wid], dst_v)
        _zero_rows(gs_a, BATCH, 1)
        for i in range(rows_per_tile // BATCH):
            pltpu.sync_copy(gs_a, accs.at[pl.ds(row0 + i * BATCH, BATCH)])
        plsc.subcore_barrier()

        def issue(b, gs, gd, ss, sd):
            cs = pltpu.async_copy(a_hbm.at[src_v.at[b]], gs, ss)
            cd = pltpu.async_copy(a_hbm.at[dst_v.at[b]], gd, sd)
            return cs, cd

        def consume(b, cps, gs, gd, wb, sw):
            cps[0].wait()
            cps[1].wait()

            def wloop(i, _):
                wb[i, :] = _w_from_rows(gs[i, :], gd[i, :])
                return 0

            lax.fori_loop(0, BATCH, wloop, 0)
            cw = pltpu.async_copy(
                wb, wdump_hbm.at[wid, pl.ds(b * BATCH, BATCH)], sw)
            pltpu.sync_copy(wb, accs.at[dst_v.at[b]], add=True)
            return cw

        def pair_body(k, carry):
            b = 2 * k
            cps_a = issue(b, gs_a, gd_a, sem0, sem1)
            cps_b = issue(b + 1, gs_b, gd_b, sem2, sem3)
            cw_a = consume(b, cps_a, gs_a, gd_a, wb_a, sem0)
            cw_b = consume(b + 1, cps_b, gs_b, gd_b, wb_b, sem1)
            cw_a.wait()
            cw_b.wait()
            return carry

        lax.fori_loop(0, nb // 2, pair_body, 0)
        if nb % 2:
            cps_a = issue(nb - 1, gs_a, gd_a, sem0, sem1)
            cw = consume(nb - 1, cps_a, gs_a, gd_a, wb_a, sem0)
            cw.wait()
        plsc.subcore_barrier()
        pltpu.sync_copy(accs.at[rows], asum_hbm.at[c, rows])

    return asum_k


def _make_feat_kernel(n_pad, nb, nb_pad, two_pass):
    rows_per_tile = n_pad // NSUB
    n_tables = 2 if two_pass else 1

    @functools.partial(
        pl.kernel,
        out_type=tuple(
            jax.ShapeDtypeStruct((NCORE, n_pad, 128), F32)
            for _ in range(n_tables)),
        mesh=plsc.VectorSubcoreMesh(core_axis_name="c", subcore_axis_name="s"),
        compiler_params=_SC_PARAMS,
        scratch_types=[
            pltpu.VMEM((nb_pad, BATCH), jnp.int32),
            pltpu.VMEM((nb_pad, BATCH), jnp.int32),
            pltpu.VMEM((BATCH, 16), F32),
            pltpu.VMEM((BATCH, 128), F32),
            pltpu.VMEM_SHARED((n_pad, 128), F32),
            pltpu.SemaphoreType.DMA,
            pltpu.SemaphoreType.DMA,
        ],
    )
    def feat_k(src_hbm, dst_hbm, wdump_hbm, *rest):
        xw_hbms = rest[:n_tables]
        out_hbms = rest[n_tables:2 * n_tables]
        (src_v, dst_v, wb, xr, acc, sem0, sem2) = rest[2 * n_tables:]
        c = lax.axis_index("c")
        s = lax.axis_index("s")
        wid = s * NCORE + c
        row0 = s * rows_per_tile
        rows = pl.ds(row0, rows_per_tile)

        pltpu.sync_copy(src_hbm.at[wid], src_v)
        pltpu.sync_copy(dst_hbm.at[wid], dst_v)

        def zero_acc():
            _zero_rows(xr, BATCH, 8)
            for i in range(rows_per_tile // BATCH):
                pltpu.sync_copy(xr, acc.at[pl.ds(row0 + i * BATCH, BATCH)])

        def run_pass(xw_hbm, h0):
            def batch_body(b, _):
                cp2 = pltpu.async_copy(xw_hbm.at[src_v.at[b]], xr, sem2)
                cpw = pltpu.async_copy(
                    wdump_hbm.at[wid, pl.ds(b * BATCH, BATCH)], wb, sem0)
                cpw.wait()
                cp2.wait()

                def mloop(e, _):
                    wvec = wb[e, :]
                    for v in range(8):
                        wv = wvec[h0 + (v // 2)]
                        xr[e, pl.ds(LANES * v, LANES)] = (
                            xr[e, pl.ds(LANES * v, LANES)] * wv)
                    return 0

                lax.fori_loop(0, BATCH, mloop, 0)
                pltpu.sync_copy(xr, acc.at[dst_v.at[b]], add=True)
                return 0

            lax.fori_loop(0, nb, batch_body, 0)

        for p in range(n_tables):
            zero_acc()
            plsc.subcore_barrier()
            run_pass(xw_hbms[p], 4 * p if two_pass else 0)
            plsc.subcore_barrier()
            pltpu.sync_copy(acc.at[rows], out_hbms[p].at[c, rows])
            if p + 1 < n_tables:
                plsc.subcore_barrier()

    return feat_k


def kernel(x, edge_index, W1, att_src1, att_dst1, b1, W2, att_src2, att_dst2, b2):
    N, F = x.shape
    H1, C1 = att_src1.shape[1], att_src1.shape[2]
    D1 = H1 * C1
    NC = W2.shape[1]
    D2P = 128
    E = edge_index.shape[1]
    E2 = E + N
    n_pad = -(-(N + 1) // 2048) * 2048
    nb = -(-E2 // (NW * BATCH))
    nb_pad = -(-nb // 8) * 8
    e_pad = NW * nb * BATCH

    loop = jnp.arange(N, dtype=jnp.int32)
    src = jnp.concatenate([edge_index[0].astype(jnp.int32), loop])
    dst = jnp.concatenate([edge_index[1].astype(jnp.int32), loop])
    pad = jnp.full((e_pad - E2,), N, jnp.int32)
    src_p = jnp.pad(jnp.concatenate([src, pad]).reshape(NW, nb, BATCH),
                    ((0, 0), (0, nb_pad - nb), (0, 0)), constant_values=N)
    dst_p = jnp.pad(jnp.concatenate([dst, pad]).reshape(NW, nb, BATCH),
                    ((0, 0), (0, nb_pad - nb), (0, 0)), constant_values=N)

    x_pad = jnp.pad(x, ((0, n_pad - N), (0, 0)))
    eye1 = jnp.eye(H1, dtype=F32)
    a_src_m = (att_src1[0][:, :, None] * eye1[:, None, :]).reshape(D1, H1)
    a_dst_m = (att_dst1[0][:, :, None] * eye1[:, None, :]).reshape(D1, H1)
    a_comb_m = jnp.concatenate([a_src_m, a_dst_m[:, ::-1]], axis=1)
    w2_p = jnp.pad(W2, ((0, 0), (0, D2P - NC)))
    a2s_m = jnp.pad(jnp.tile(att_src2[0, 0][:, None], (1, 8)),
                    ((0, D2P - NC), (0, 0)))
    a2d_m = jnp.pad(jnp.tile(att_dst2[0, 0][:, None], (1, 8)),
                    ((0, D2P - NC), (0, 0)))
    a2_comb_m = jnp.concatenate([a2s_m, a2d_m], axis=1)
    b1_2d = b1[None, :]
    b2_2d = b2[None, :]

    BLK = 512
    grid = (n_pad // BLK,)

    xwlo, xwhi, a1 = pl.pallas_call(
        _mm1_body,
        grid=grid,
        in_specs=[
            pl.BlockSpec((BLK, F), lambda i: (i, 0)),
            pl.BlockSpec((F, D1), lambda i: (0, 0)),
            pl.BlockSpec((D1, 16), lambda i: (0, 0)),
        ],
        out_specs=[
            pl.BlockSpec((BLK, 128), lambda i: (i, 0)),
            pl.BlockSpec((BLK, 128), lambda i: (i, 0)),
            pl.BlockSpec((BLK, 16), lambda i: (i, 0)),
        ],
        out_shape=[
            jax.ShapeDtypeStruct((n_pad, 128), F32),
            jax.ShapeDtypeStruct((n_pad, 128), F32),
            jax.ShapeDtypeStruct((n_pad, 16), F32),
        ],
    )(x_pad, W1, a_comb_m)

    asum_p, wd1 = _make_asum_kernel(n_pad, nb, nb_pad)(src_p, dst_p, a1)
    plo, phi = _make_feat_kernel(n_pad, nb, nb_pad, True)(
        src_p, dst_p, wd1, xwlo, xwhi)

    xw2, a2 = pl.pallas_call(
        _mid_body,
        grid=grid,
        in_specs=[
            pl.BlockSpec((NCORE, BLK, 128), lambda i: (0, i, 0)),
            pl.BlockSpec((NCORE, BLK, 128), lambda i: (0, i, 0)),
            pl.BlockSpec((NCORE, BLK, 16), lambda i: (0, i, 0)),
            pl.BlockSpec((1, D1), lambda i: (0, 0)),
            pl.BlockSpec((D1, D2P), lambda i: (0, 0)),
            pl.BlockSpec((D2P, 16), lambda i: (0, 0)),
        ],
        out_specs=[
            pl.BlockSpec((BLK, D2P), lambda i: (i, 0)),
            pl.BlockSpec((BLK, 16), lambda i: (i, 0)),
        ],
        out_shape=[
            jax.ShapeDtypeStruct((n_pad, D2P), F32),
            jax.ShapeDtypeStruct((n_pad, 16), F32),
        ],
    )(plo, phi, asum_p, b1_2d, w2_p, a2_comb_m)

    asum2, wd2 = _make_asum_kernel(n_pad, nb, nb_pad)(src_p, dst_p, a2)
    (p2,) = _make_feat_kernel(n_pad, nb, nb_pad, False)(
        src_p, dst_p, wd2, xw2)

    out = pl.pallas_call(
        _fin_body,
        grid=grid,
        in_specs=[
            pl.BlockSpec((NCORE, BLK, D2P), lambda i: (0, i, 0)),
            pl.BlockSpec((NCORE, BLK, 16), lambda i: (0, i, 0)),
            pl.BlockSpec((1, NC), lambda i: (0, 0)),
        ],
        out_specs=pl.BlockSpec((BLK, NC), lambda i: (i, 0)),
        out_shape=jax.ShapeDtypeStruct((n_pad, NC), F32),
    )(p2, asum2, b2_2d)

    return out[:N]

# --- scband reference (transcript-rebuilt; emitter-appended) ---
"""Pipeline reference for scband-gat-84670985273814 (READ-ONLY COPY).

The authoritative reference and input builder live on the scoring server;
editing this copy changes nothing except your own understanding.
"""

import jax, jax.numpy as jnp
import numpy as np


def gat_conv(x, edge_index, W, att_src, att_dst, bias, concat):
    N = x.shape[0]
    H, C = att_src.shape[1], att_src.shape[2]
    xw = (x @ W).reshape(N, H, C)
    alpha_src = (xw * att_src).sum(-1)  # [N, H]
    alpha_dst = (xw * att_dst).sum(-1)  # [N, H]
    loop = jnp.arange(N, dtype=edge_index.dtype)
    src = jnp.concatenate([edge_index[0], loop])
    dst = jnp.concatenate([edge_index[1], loop])
    alpha = jax.nn.leaky_relu(alpha_src[src] + alpha_dst[dst], 0.2)  # [E+N, H]
    amax = jax.ops.segment_max(alpha, dst, num_segments=N)
    alpha = jnp.exp(alpha - amax[dst])
    asum = jax.ops.segment_sum(alpha, dst, num_segments=N)
    alpha = alpha / (asum[dst] + 1e-16)
    out = jax.ops.segment_sum(xw[src] * alpha[:, :, None], dst, num_segments=N)
    out = out.reshape(N, H * C) if concat else out.mean(axis=1)
    return out + bias


def setup_inputs(seed: int = 0):
    key = jax.random.key(seed)
    ks = jax.random.split(key, 10)
    N, E, F_in, H1, C1, NC = 10000, 320000, 128, 8, 32, 40
    x = jax.random.normal(ks[0], (N, F_in), dtype=jnp.float32)
    edge_index = jax.random.randint(ks[1], (2, E), 0, N, dtype=jnp.int32)
    W1 = jax.random.normal(ks[2], (F_in, H1 * C1), dtype=jnp.float32) / np.sqrt(F_in)
    att_src1 = jax.random.normal(ks[3], (1, H1, C1), dtype=jnp.float32) / np.sqrt(C1)
    att_dst1 = jax.random.normal(ks[4], (1, H1, C1), dtype=jnp.float32) / np.sqrt(C1)
    b1 = jnp.zeros((H1 * C1,), dtype=jnp.float32)
    W2 = jax.random.normal(ks[5], (H1 * C1, NC), dtype=jnp.float32) / np.sqrt(H1 * C1)
    att_src2 = jax.random.normal(ks[6], (1, 1, NC), dtype=jnp.float32) / np.sqrt(NC)
    att_dst2 = jax.random.normal(ks[7], (1, 1, NC), dtype=jnp.float32) / np.sqrt(NC)
    b2 = jnp.zeros((NC,), dtype=jnp.float32)
    return {"x": x, "edge_index": edge_index, "W1": W1, "att_src1": att_src1,
            "att_dst1": att_dst1, "b1": b1, "W2": W2, "att_src2": att_src2,
            "att_dst2": att_dst2, "b2": b2}


def reference(x, edge_index, W1, att_src1, att_dst1, b1, W2, att_src2, att_dst2, b2):
    # eval mode: dropout is identity
    h = jax.nn.elu(gat_conv(x, edge_index, W1, att_src1, att_dst1, b1, True))
    out = gat_conv(h, edge_index, W2, att_src2, att_dst2, b2, False)
    return jax.nn.log_softmax(out, axis=1)

if __name__ == "__main__":
    import jax
    _d = setup_inputs()
    print(jax.jit(kernel)(*tuple(_d.values())))

</pallas_src>

<mosaic_0001>
#map = affine_map<(d0, d1) -> (0, 0, 0)>
#map1 = affine_map<(d0, d1) -> (0, 0)>
module attributes {stable_mosaic.version = 14 : i64} {
  func.func @feat_k(%arg0: i32, %arg1: i32, %arg2: memref<32x88x128xi32, #tpu.memory_space<hbm>>, %arg3: memref<32x88x128xi32, #tpu.memory_space<hbm>>, %arg4: memref<32x10368x16xf32, #tpu.memory_space<hbm>>, %arg5: memref<10240x128xf32, #tpu.memory_space<hbm>>, %arg6: memref<10240x128xf32, #tpu.memory_space<hbm>>, %arg7: memref<2x10240x128xf32, #tpu.memory_space<hbm>>, %arg8: memref<2x10240x128xf32, #tpu.memory_space<hbm>>, %arg9: memref<88x128xi32, #tpu.memory_space<vmem>>, %arg10: memref<88x128xi32, #tpu.memory_space<vmem>>, %arg11: memref<128x16xf32, #tpu.memory_space<vmem>>, %arg12: memref<128x128xf32, #tpu.memory_space<vmem>>, %arg13: memref<10240x128xf32, #tpu.memory_space<vmem_shared>>, %arg14: memref<!tpu.dma_semaphore, #tpu.memory_space<semaphore_mem>>, %arg15: memref<!tpu.dma_semaphore, #tpu.memory_space<semaphore_mem>>) attributes {dimension_semantics = [#tpu.dimension_semantics<core_parallel>, #tpu.dimension_semantics<subcore_parallel>], iteration_bounds = array<i64: 2, 16>, scalar_prefetch = 0 : i64, scratch_operands = 7 : i64, tpu.core_type = #tpu.core_type<sc_vector_subcore>, window_params = [{transform_indices = #map}, {transform_indices = #map}, {transform_indices = #map}, {transform_indices = #map1}, {transform_indices = #map1}, {transform_indices = #map}, {transform_indices = #map}]} {
    %mul3A = arith.constant 2 : i32
    %mul3A_0 = arith.muli %arg1, %mul3A : i32
    %add3A = arith.addi %mul3A_0, %arg0 : i32
    %mul3A_1 = arith.constant 640 : i32
    %mul3A_2 = arith.muli %arg1, %mul3A_1 : i32
    "tpu.region"() ({
      %run_scoped3A = tpu.sem_alloc : memref<!tpu.dma_semaphore, #tpu.memory_space<semaphore_mem>>
      %dma_start3A = arith.constant 0 : i32
      %dma_start3A_57 = arith.constant 0 : i32
      %dma_start3A_58 = tpu.memref_slice %arg2[%add3A, %dma_start3A, %dma_start3A_57] : memref<32x88x128xi32, #tpu.memory_space<hbm>> -> memref<1x88x128xi32, #tpu.memory_space<hbm>>
      %dma_start3A_59 = tpu.memref_squeeze %dma_start3A_58 : memref<1x88x128xi32, #tpu.memory_space<hbm>> -> memref<88x128xi32, #tpu.memory_space<hbm>>
      %dma_start3A_60 = arith.constant 0 : i32
      %dma_start3A_61 = arith.constant 0 : i32
      %dma_start3A_62 = tpu.memref_slice %arg2[%add3A, %dma_start3A_60, %dma_start3A_61] : memref<32x88x128xi32, #tpu.memory_space<hbm>> -> memref<1x88x128xi32, #tpu.memory_space<hbm>>
      %dma_start3A_63 = tpu.memref_squeeze %dma_start3A_62 : memref<1x88x128xi32, #tpu.memory_space<hbm>> -> memref<88x128xi32, #tpu.memory_space<hbm>>
      tpu.enqueue_dma source(%dma_start3A_63 : memref<88x128xi32, #tpu.memory_space<hbm>>) target(%arg9 : memref<88x128xi32, #tpu.memory_space<vmem>>) target_semaphore(%run_scoped3A : memref<!tpu.dma_semaphore, #tpu.memory_space<semaphore_mem>>)
      %dma_wait3A = arith.constant 0 : i32
      %dma_wait3A_64 = arith.constant 0 : i32
      %dma_wait3A_65 = tpu.memref_slice %arg2[%add3A, %dma_wait3A, %dma_wait3A_64] : memref<32x88x128xi32, #tpu.memory_space<hbm>> -> memref<1x88x128xi32, #tpu.memory_space<hbm>>
      %dma_wait3A_66 = tpu.memref_squeeze %dma_wait3A_65 : memref<1x88x128xi32, #tpu.memory_space<hbm>> -> memref<88x128xi32, #tpu.memory_space<hbm>>
      %dma_wait3A_67 = arith.constant 0 : i32
      %dma_wait3A_68 = arith.constant 0 : i32
      %dma_wait3A_69 = tpu.memref_slice %arg2[%add3A, %dma_wait3A_67, %dma_wait3A_68] : memref<32x88x128xi32, #tpu.memory_space<hbm>> -> memref<1x88x128xi32, #tpu.memory_space<hbm>>
      %dma_wait3A_70 = tpu.memref_squeeze %dma_wait3A_69 : memref<1x88x128xi32, #tpu.memory_space<hbm>> -> memref<88x128xi32, #tpu.memory_space<hbm>>
      tpu.wait_dma2 semaphore(%run_scoped3A : memref<!tpu.dma_semaphore, #tpu.memory_space<semaphore_mem>>) src(%dma_wait3A_70 : memref<88x128xi32, #tpu.memory_space<hbm>>) dst(%arg9 : memref<88x128xi32, #tpu.memory_space<vmem>>)
      tpu.yield
    }) : () -> ()
    "tpu.region"() ({
      %run_scoped3A = tpu.sem_alloc : memref<!tpu.dma_semaphore, #tpu.memory_space<semaphore_mem>>
      %dma_start3A = arith.constant 0 : i32
      %dma_start3A_57 = arith.constant 0 : i32
      %dma_start3A_58 = tpu.memref_slice %arg3[%add3A, %dma_start3A, %dma_start3A_57] : memref<32x88x128xi32, #tpu.memory_space<hbm>> -> memref<1x88x128xi32, #tpu.memory_space<hbm>>
      %dma_start3A_59 = tpu.memref_squeeze %dma_start3A_58 : memref<1x88x128xi32, #tpu.memory_space<hbm>> -> memref<88x128xi32, #tpu.memory_space<hbm>>
      %dma_start3A_60 = arith.constant 0 : i32
      %dma_start3A_61 = arith.constant 0 : i32
      %dma_start3A_62 = tpu.memref_slice %arg3[%add3A, %dma_start3A_60, %dma_start3A_61] : memref<32x88x128xi32, #tpu.memory_space<hbm>> -> memref<1x88x128xi32, #tpu.memory_space<hbm>>
      %dma_start3A_63 = tpu.memref_squeeze %dma_start3A_62 : memref<1x88x128xi32, #tpu.memory_space<hbm>> -> memref<88x128xi32, #tpu.memory_space<hbm>>
      tpu.enqueue_dma source(%dma_start3A_63 : memref<88x128xi32, #tpu.memory_space<hbm>>) target(%arg10 : memref<88x128xi32, #tpu.memory_space<vmem>>) target_semaphore(%run_scoped3A : memref<!tpu.dma_semaphore, #tpu.memory_space<semaphore_mem>>)
      %dma_wait3A = arith.constant 0 : i32
      %dma_wait3A_64 = arith.constant 0 : i32
      %dma_wait3A_65 = tpu.memref_slice %arg3[%add3A, %dma_wait3A, %dma_wait3A_64] : memref<32x88x128xi32, #tpu.memory_space<hbm>> -> memref<1x88x128xi32, #tpu.memory_space<hbm>>
      %dma_wait3A_66 = tpu.memref_squeeze %dma_wait3A_65 : memref<1x88x128xi32, #tpu.memory_space<hbm>> -> memref<88x128xi32, #tpu.memory_space<hbm>>
      %dma_wait3A_67 = arith.constant 0 : i32
      %dma_wait3A_68 = arith.constant 0 : i32
      %dma_wait3A_69 = tpu.memref_slice %arg3[%add3A, %dma_wait3A_67, %dma_wait3A_68] : memref<32x88x128xi32, #tpu.memory_space<hbm>> -> memref<1x88x128xi32, #tpu.memory_space<hbm>>
      %dma_wait3A_70 = tpu.memref_squeeze %dma_wait3A_69 : memref<1x88x128xi32, #tpu.memory_space<hbm>> -> memref<88x128xi32, #tpu.memory_space<hbm>>
      tpu.wait_dma2 semaphore(%run_scoped3A : memref<!tpu.dma_semaphore, #tpu.memory_space<semaphore_mem>>) src(%dma_wait3A_70 : memref<88x128xi32, #tpu.memory_space<hbm>>) dst(%arg10 : memref<88x128xi32, #tpu.memory_space<vmem>>)
      tpu.yield
    }) : () -> ()
    %broadcast_in_dim3A = arith.constant 0.000000e+00 : f32
    %broadcast_in_dim3A_3 = vector.broadcast %broadcast_in_dim3A : f32 to vector<16xf32>
    %scan3A = arith.constant 0 : i32
    %scan3A_4 = arith.constant 0 : i32
    %scan3A_5 = arith.constant 128 : i32
    %scan3A_6 = arith.addi %scan3A_4, %scan3A_5 : i32
    %scan3A_7 = arith.constant 1 : i32
    %scan3A_8 = scf.for %scan3A_57 = %scan3A_4 to %scan3A_6 step %scan3A_7 iter_args(%scan3A_58 = %scan3A) -> (i32)  : i32 {
      %swap3A = arith.index_cast %scan3A_57 : i32 to index
      %swap3A_59 = arith.constant 0 : index
      %swap3A_60 = tpu.vector_load %arg12[%swap3A, %swap3A_59] {strides = array<i32>} : memref<128x128xf32, #tpu.memory_space<vmem>>, vector<1x16xf32>,
      %swap3A_61 = vector.shape_cast %swap3A_60 : vector<1x16xf32> to vector<16xf32>
      %swap3A_62 = vector.shape_cast %broadcast_in_dim3A_3 : vector<16xf32> to vector<1x16xf32>
      tpu.vector_store %arg12[%swap3A, %swap3A_59], %swap3A_62 {strides = array<i32>} : memref<128x128xf32, #tpu.memory_space<vmem>>, vector<1x16xf32>,
      %swap3A_63 = arith.index_cast %scan3A_57 : i32 to index
      %swap3A_64 = arith.constant 16 : index
      %swap3A_65 = tpu.vector_load %arg12[%swap3A_63, %swap3A_64] {strides = array<i32>} : memref<128x128xf32, #tpu.memory_space<vmem>>, vector<1x16xf32>,
      %swap3A_66 = vector.shape_cast %swap3A_65 : vector<1x16xf32> to vector<16xf32>
      %swap3A_67 = vector.shape_cast %broadcast_in_dim3A_3 : vector<16xf32> to vector<1x16xf32>
      tpu.vector_store %arg12[%swap3A_63, %swap3A_64], %swap3A_67 {strides = array<i32>} : memref<128x128xf32, #tpu.memory_space<vmem>>, vector<1x16xf32>,
      %swap3A_68 = arith.index_cast %scan3A_57 : i32 to index
      %swap3A_69 = arith.constant 32 : index
      %swap3A_70 = tpu.vector_load %arg12[%swap3A_68, %swap3A_69] {strides = array<i32>} : memref<128x128xf32, #tpu.memory_space<vmem>>, vector<1x16xf32>,
      %swap3A_71 = vector.shape_cast %swap3A_70 : vector<1x16xf32> to vector<16xf32>
      %swap3A_72 = vector.shape_cast %broadcast_in_dim3A_3 : vector<16xf32> to vector<1x16xf32>
      tpu.vector_store %arg12[%swap3A_68, %swap3A_69], %swap3A_72 {strides = array<i32>} : memref<128x128xf32, #tpu.memory_space<vmem>>, vector<1x16xf32>,
      %swap3A_73 = arith.index_cast %scan3A_57 : i32 to index
      %swap3A_74 = arith.constant 48 : index
      %swap3A_75 = tpu.vector_load %arg12[%swap3A_73, %swap3A_74] {strides = array<i32>} : memref<128x128xf32, #tpu.memory_space<vmem>>, vector<1x16xf32>,
      %swap3A_76 = vector.shape_cast %swap3A_75 : vector<1x16xf32> to vector<16xf32>
      %swap3A_77 = vector.shape_cast %broadcast_in_dim3A_3 : vector<16xf32> to vector<1x16xf32>
      tpu.vector_store %arg12[%swap3A_73, %swap3A_74], %swap3A_77 {strides = array<i32>} : memref<128x128xf32, #tpu.memory_space<vmem>>, vector<1x16xf32>,
      %swap3A_78 = arith.index_cast %scan3A_57 : i32 to index
      %swap3A_79 = arith.constant 64 : index
      %swap3A_80 = tpu.vector_load %arg12[%swap3A_78, %swap3A_79] {strides = array<i32>} : memref<128x128xf32, #tpu.memory_space<vmem>>, vector<1x16xf32>,
      %swap3A_81 = vector.shape_cast %swap3A_80 : vector<1x16xf32> to vector<16xf32>
      %swap3A_82 = vector.shape_cast %broadcast_in_dim3A_3 : vector<16xf32> to vector<1x16xf32>
      tpu.vector_store %arg12[%swap3A_78, %swap3A_79], %swap3A_82 {strides = array<i32>} : memref<128x128xf32, #tpu.memory_space<vmem>>, vector<1x16xf32>,
      %swap3A_83 = arith.index_cast %scan3A_57 : i32 to index
      %swap3A_84 = arith.constant 80 : index
      %swap3A_85 = tpu.vector_load %arg12[%swap3A_83, %swap3A_84] {strides = array<i32>} : memref<128x128xf32, #tpu.memory_space<vmem>>, vector<1x16xf32>,
      %swap3A_86 = vector.shape_cast %swap3A_85 : vector<1x16xf32> to vector<16xf32>
      %swap3A_87 = vector.shape_cast %broadcast_in_dim3A_3 : vector<16xf32> to vector<1x16xf32>
      tpu.vector_store %arg12[%swap3A_83, %swap3A_84], %swap3A_87 {strides = array<i32>} : memref<128x128xf32, #tpu.memory_space<vmem>>, vector<1x16xf32>,
      %swap3A_88 = arith.index_cast %scan3A_57 : i32 to index
      %swap3A_89 = arith.constant 96 : index
      %swap3A_90 = tpu.vector_load %arg12[%swap3A_88, %swap3A_89] {strides = array<i32>} : memref<128x128xf32, #tpu.memory_space<vmem>>, vector<1x16xf32>,
      %swap3A_91 = vector.shape_cast %swap3A_90 : vector<1x16xf32> to vector<16xf32>
      %swap3A_92 = vector.shape_cast %broadcast_in_dim3A_3 : vector<16xf32> to vector<1x16xf32>
      tpu.vector_store %arg12[%swap3A_88, %swap3A_89], %swap3A_92 {strides = array<i32>} : memref<128x128xf32, #tpu.memory_space<vmem>>, vector<1x16xf32>,
      %swap3A_93 = arith.index_cast %scan3A_57 : i32 to index
      %swap3A_94 = arith.constant 112 : index
      %swap3A_95 = tpu.vector_load %arg12[%swap3A_93, %swap3A_94] {strides = array<i32>} : memref<128x128xf32, #tpu.memory_space<vmem>>, vector<1x16xf32>,
      %swap3A_96 = vector.shape_cast %swap3A_95 : vector<1x16xf32> to vector<16xf32>
      %swap3A_97 = vector.shape_cast %broadcast_in_dim3A_3 : vector<16xf32> to vector<1x16xf32>
      tpu.vector_store %arg12[%swap3A_93, %swap3A_94], %swap3A_97 {strides = array<i32>} : memref<128x128xf32, #tpu.memory_space<vmem>>, vector<1x16xf32>,
      %scan3A_98 = arith.constant 0 : i32
      scf.yield %scan3A_98 : i32
    }
    %scan3A_9 = arith.constant 128 : i32
    %add3A_10 = arith.constant 0 : i32
    %add3A_11 = arith.addi %mul3A_2, %add3A_10 : i32
    "tpu.region"() ({
      %run_scoped3A = tpu.sem_alloc : memref<!tpu.dma_semaphore, #tpu.memory_space<semaphore_mem>>
      %dma_start3A = arith.constant 0 : i32
      %dma_start3A_57 = tpu.memref_slice %arg13[%add3A_11, %dma_start3A] : memref<10240x128xf32, #tpu.memory_space<vmem_shared>> -> memref<128x128xf32, #tpu.memory_space<vmem_shared>>
      %dma_start3A_58 = arith.constant 0 : i32
      %dma_start3A_59 = tpu.memref_slice %arg13[%add3A_11, %dma_start3A_58] : memref<10240x128xf32, #tpu.memory_space<vmem_shared>> -> memref<128x128xf32, #tpu.memory_space<vmem_shared>>
      tpu.enqueue_dma source(%arg12 : memref<128x128xf32, #tpu.memory_space<vmem>>) target(%dma_start3A_59 : memref<128x128xf32, #tpu.memory_space<vmem_shared>>) target_semaphore(%run_scoped3A : memref<!tpu.dma_semaphore, #tpu.memory_space<semaphore_mem>>)
      %dma_wait3A = arith.constant 0 : i32
      %dma_wait3A_60 = tpu.memref_slice %arg13[%add3A_11, %dma_wait3A] : memref<10240x128xf32, #tpu.memory_space<vmem_shared>> -> memref<128x128xf32, #tpu.memory_space<vmem_shared>>
      %dma_wait3A_61 = arith.constant 0 : i32
      %dma_wait3A_62 = tpu.memref_slice %arg13[%add3A_11, %dma_wait3A_61] : memref<10240x128xf32, #tpu.memory_space<vmem_shared>> -> memref<128x128xf32, #tpu.memory_space<vmem_shared>>
      tpu.wait_dma2 semaphore(%run_scoped3A : memref<!tpu.dma_semaphore, #tpu.memory_space<semaphore_mem>>) src(%arg12 : memref<128x128xf32, #tpu.memory_space<vmem>>) dst(%dma_wait3A_62 : memref<128x128xf32, #tpu.memory_space<vmem_shared>>)
      tpu.yield
    }) : () -> ()
    %add3A_12 = arith.constant 128 : i32
    %add3A_13 = arith.addi %mul3A_2, %add3A_12 : i32
    "tpu.region"() ({
      %run_scoped3A = tpu.sem_alloc : memref<!tpu.dma_semaphore, #tpu.memory_space<semaphore_mem>>
      %dma_start3A = arith.constant 0 : i32
      %dma_start3A_57 = tpu.memref_slice %arg13[%add3A_13, %dma_start3A] : memref<10240x128xf32, #tpu.memory_space<vmem_shared>> -> memref<128x128xf32, #tpu.memory_space<vmem_shared>>
      %dma_start3A_58 = arith.constant 0 : i32
      %dma_start3A_59 = tpu.memref_slice %arg13[%add3A_13, %dma_start3A_58] : memref<10240x128xf32, #tpu.memory_space<vmem_shared>> -> memref<128x128xf32, #tpu.memory_space<vmem_shared>>
      tpu.enqueue_dma source(%arg12 : memref<128x128xf32, #tpu.memory_space<vmem>>) target(%dma_start3A_59 : memref<128x128xf32, #tpu.memory_space<vmem_shared>>) target_semaphore(%run_scoped3A : memref<!tpu.dma_semaphore, #tpu.memory_space<semaphore_mem>>)
      %dma_wait3A = arith.constant 0 : i32
      %dma_wait3A_60 = tpu.memref_slice %arg13[%add3A_13, %dma_wait3A] : memref<10240x128xf32, #tpu.memory_space<vmem_shared>> -> memref<128x128xf32, #tpu.memory_space<vmem_shared>>
      %dma_wait3A_61 = arith.constant 0 : i32
      %dma_wait3A_62 = tpu.memref_slice %arg13[%add3A_13, %dma_wait3A_61] : memref<10240x128xf32, #tpu.memory_space<vmem_shared>> -> memref<128x128xf32, #tpu.memory_space<vmem_shared>>
      tpu.wait_dma2 semaphore(%run_scoped3A : memref<!tpu.dma_semaphore, #tpu.memory_space<semaphore_mem>>) src(%arg12 : memref<128x128xf32, #tpu.memory_space<vmem>>) dst(%dma_wait3A_62 : memref<128x128xf32, #tpu.memory_space<vmem_shared>>)
      tpu.yield
    }) : () -> ()
    %add3A_14 = arith.constant 256 : i32
    %add3A_15 = arith.addi %mul3A_2, %add3A_14 : i32
    "tpu.region"() ({
      %run_scoped3A = tpu.sem_alloc : memref<!tpu.dma_semaphore, #tpu.memory_space<semaphore_mem>>
      %dma_start3A = arith.constant 0 : i32
      %dma_start3A_57 = tpu.memref_slice %arg13[%add3A_15, %dma_start3A] : memref<10240x128xf32, #tpu.memory_space<vmem_shared>> -> memref<128x128xf32, #tpu.memory_space<vmem_shared>>
      %dma_start3A_58 = arith.constant 0 : i32
      %dma_start3A_59 = tpu.memref_slice %arg13[%add3A_15, %dma_start3A_58] : memref<10240x128xf32, #tpu.memory_space<vmem_shared>> -> memref<128x128xf32, #tpu.memory_space<vmem_shared>>
      tpu.enqueue_dma source(%arg12 : memref<128x128xf32, #tpu.memory_space<vmem>>) target(%dma_start3A_59 : memref<128x128xf32, #tpu.memory_space<vmem_shared>>) target_semaphore(%run_scoped3A : memref<!tpu.dma_semaphore, #tpu.memory_space<semaphore_mem>>)
      %dma_wait3A = arith.constant 0 : i32
      %dma_wait3A_60 = tpu.memref_slice %arg13[%add3A_15, %dma_wait3A] : memref<10240x128xf32, #tpu.memory_space<vmem_shared>> -> memref<128x128xf32, #tpu.memory_space<vmem_shared>>
      %dma_wait3A_61 = arith.constant 0 : i32
      %dma_wait3A_62 = tpu.memref_slice %arg13[%add3A_15, %dma_wait3A_61] : memref<10240x128xf32, #tpu.memory_space<vmem_shared>> -> memref<128x128xf32, #tpu.memory_space<vmem_shared>>
      tpu.wait_dma2 semaphore(%run_scoped3A : memref<!tpu.dma_semaphore, #tpu.memory_space<semaphore_mem>>) src(%arg12 : memref<128x128xf32, #tpu.memory_space<vmem>>) dst(%dma_wait3A_62 : memref<128x128xf32, #tpu.memory_space<vmem_shared>>)
      tpu.yield
    }) : () -> ()
    %add3A_16 = arith.constant 384 : i32
    %add3A_17 = arith.addi %mul3A_2, %add3A_16 : i32
    "tpu.region"() ({
      %run_scoped3A = tpu.sem_alloc : memref<!tpu.dma_semaphore, #tpu.memory_space<semaphore_mem>>
      %dma_start3A = arith.constant 0 : i32
      %dma_start3A_57 = tpu.memref_slice %arg13[%add3A_17, %dma_start3A] : memref<10240x128xf32, #tpu.memory_space<vmem_shared>> -> memref<128x128xf32, #tpu.memory_space<vmem_shared>>
      %dma_start3A_58 = arith.constant 0 : i32
      %dma_start3A_59 = tpu.memref_slice %arg13[%add3A_17, %dma_start3A_58] : memref<10240x128xf32, #tpu.memory_space<vmem_shared>> -> memref<128x128xf32, #tpu.memory_space<vmem_shared>>
      tpu.enqueue_dma source(%arg12 : memref<128x128xf32, #tpu.memory_space<vmem>>) target(%dma_start3A_59 : memref<128x128xf32, #tpu.memory_space<vmem_shared>>) target_semaphore(%run_scoped3A : memref<!tpu.dma_semaphore, #tpu.memory_space<semaphore_mem>>)
      %dma_wait3A = arith.constant 0 : i32
      %dma_wait3A_60 = tpu.memref_slice %arg13[%add3A_17, %dma_wait3A] : memref<10240x128xf32, #tpu.memory_space<vmem_shared>> -> memref<128x128xf32, #tpu.memory_space<vmem_shared>>
      %dma_wait3A_61 = arith.constant 0 : i32
      %dma_wait3A_62 = tpu.memref_slice %arg13[%add3A_17, %dma_wait3A_61] : memref<10240x128xf32, #tpu.memory_space<vmem_shared>> -> memref<128x128xf32, #tpu.memory_space<vmem_shared>>
      tpu.wait_dma2 semaphore(%run_scoped3A : memref<!tpu.dma_semaphore, #tpu.memory_space<semaphore_mem>>) src(%arg12 : memref<128x128xf32, #tpu.memory_space<vmem>>) dst(%dma_wait3A_62 : memref<128x128xf32, #tpu.memory_space<vmem_shared>>)
      tpu.yield
    }) : () -> ()
    %add3A_18 = arith.constant 512 : i32
    %add3A_19 = arith.addi %mul3A_2, %add3A_18 : i32
    "tpu.region"() ({
      %run_scoped3A = tpu.sem_alloc : memref<!tpu.dma_semaphore, #tpu.memory_space<semaphore_mem>>
      %dma_start3A = arith.constant 0 : i32
      %dma_start3A_57 = tpu.memref_slice %arg13[%add3A_19, %dma_start3A] : memref<10240x128xf32, #tpu.memory_space<vmem_shared>> -> memref<128x128xf32, #tpu.memory_space<vmem_shared>>
      %dma_start3A_58 = arith.constant 0 : i32
      %dma_start3A_59 = tpu.memref_slice %arg13[%add3A_19, %dma_start3A_58] : memref<10240x128xf32, #tpu.memory_space<vmem_shared>> -> memref<128x128xf32, #tpu.memory_space<vmem_shared>>
      tpu.enqueue_dma source(%arg12 : memref<128x128xf32, #tpu.memory_space<vmem>>) target(%dma_start3A_59 : memref<128x128xf32, #tpu.memory_space<vmem_shared>>) target_semaphore(%run_scoped3A : memref<!tpu.dma_semaphore, #tpu.memory_space<semaphore_mem>>)
      %dma_wait3A = arith.constant 0 : i32
      %dma_wait3A_60 = tpu.memref_slice %arg13[%add3A_19, %dma_wait3A] : memref<10240x128xf32, #tpu.memory_space<vmem_shared>> -> memref<128x128xf32, #tpu.memory_space<vmem_shared>>
      %dma_wait3A_61 = arith.constant 0 : i32
      %dma_wait3A_62 = tpu.memref_slice %arg13[%add3A_19, %dma_wait3A_61] : memref<10240x128xf32, #tpu.memory_space<vmem_shared>> -> memref<128x128xf32, #tpu.memory_space<vmem_shared>>
      tpu.wait_dma2 semaphore(%run_scoped3A : memref<!tpu.dma_semaphore, #tpu.memory_space<semaphore_mem>>) src(%arg12 : memref<128x128xf32, #tpu.memory_space<vmem>>) dst(%dma_wait3A_62 : memref<128x128xf32, #tpu.memory_space<vmem_shared>>)
      tpu.yield
    }) : () -> ()
    %barrier3A = arith.constant 0 : index
    tpu.barrier barrier_id(%barrier3A)
    %scan3A_20 = arith.constant 0 : i32
    %scan3A_21 = arith.constant 0 : i32
    %scan3A_22 = arith.constant 81 : i32
    %scan3A_23 = arith.addi %scan3A_21, %scan3A_22 : i32
    %scan3A_24 = arith.constant 1 : i32
    %scan3A_25 = scf.for %scan3A_57 = %scan3A_21 to %scan3A_23 step %scan3A_24 iter_args(%scan3A_58 = %scan3A_20) -> (i32)  : i32 {
      %dma_start3A = arith.constant 0 : i32
      %dma_start3A_59 = tpu.memref_slice %arg9[%scan3A_57, %dma_start3A] : memref<88x128xi32, #tpu.memory_space<vmem>> -> memref<1x128xi32, #tpu.memory_space<vmem>>
      %dma_start3A_60 = tpu.memref_squeeze %dma_start3A_59 : memref<1x128xi32, #tpu.memory_space<vmem>> -> memref<128xi32, #tpu.memory_space<vmem>>
      %dma_start3A_61 = arith.constant 0 : i32
      %dma_start3A_62 = arith.constant 0 : i32
      %dma_start3A_63 = tpu.memref_slice %arg5[%dma_start3A_61, %dma_start3A_62] : memref<10240x128xf32, #tpu.memory_space<hbm>> -> memref<10240x128xf32, #tpu.memory_space<hbm>>
      tpu.enqueue_indirect_dma source(%dma_start3A_63 : memref<10240x128xf32, #tpu.memory_space<hbm>>) target(%arg12 : memref<128x128xf32, #tpu.memory_space<vmem>>) offsets(%dma_start3A_60 : memref<128xi32, #tpu.memory_space<vmem>>) semaphore(%arg15 : memref<!tpu.dma_semaphore, #tpu.memory_space<semaphore_mem>>)
      %mul3A_64 = arith.constant 128 : i32
      %mul3A_65 = arith.muli %scan3A_57, %mul3A_64 : i32
      %dma_start3A_66 = arith.constant 0 : i32
      %dma_start3A_67 = tpu.memref_slice %arg4[%add3A, %mul3A_65, %dma_start3A_66] : memref<32x10368x16xf32, #tpu.memory_space<hbm>> -> memref<1x128x16xf32, #tpu.memory_space<hbm>>
      %dma_start3A_68 = tpu.memref_squeeze %dma_start3A_67 : memref<1x128x16xf32, #tpu.memory_space<hbm>> -> memref<128x16xf32, #tpu.memory_space<hbm>>
      %dma_start3A_69 = arith.constant 0 : i32
      %dma_start3A_70 = tpu.memref_slice %arg4[%add3A, %mul3A_65, %dma_start3A_69] : memref<32x10368x16xf32, #tpu.memory_space<hbm>> -> memref<1x128x16xf32, #tpu.memory_space<hbm>>
      %dma_start3A_71 = tpu.memref_squeeze %dma_start3A_70 : memref<1x128x16xf32, #tpu.memory_space<hbm>> -> memref<128x16xf32, #tpu.memory_space<hbm>>
      tpu.enqueue_dma source(%dma_start3A_71 : memref<128x16xf32, #tpu.memory_space<hbm>>) target(%arg11 : memref<128x16xf32, #tpu.memory_space<vmem>>) target_semaphore(%arg14 : memref<!tpu.dma_semaphore, #tpu.memory_space<semaphore_mem>>)
      %dma_wait3A = arith.constant 0 : i32
      %dma_wait3A_72 = tpu.memref_slice %arg4[%add3A, %mul3A_65, %dma_wait3A] : memref<32x10368x16xf32, #tpu.memory_space<hbm>> -> memref<1x128x16xf32, #tpu.memory_space<hbm>>
      %dma_wait3A_73 = tpu.memref_squeeze %dma_wait3A_72 : memref<1x128x16xf32, #tpu.memory_space<hbm>> -> memref<128x16xf32, #tpu.memory_space<hbm>>
      %dma_wait3A_74 = arith.constant 0 : i32
      %dma_wait3A_75 = tpu.memref_slice %arg4[%add3A, %mul3A_65, %dma_wait3A_74] : memref<32x10368x16xf32, #tpu.memory_space<hbm>> -> memref<1x128x16xf32, #tpu.memory_space<hbm>>
      %dma_wait3A_76 = tpu.memref_squeeze %dma_wait3A_75 : memref<1x128x16xf32, #tpu.memory_space<hbm>> -> memref<128x16xf32, #tpu.memory_space<hbm>>
      tpu.wait_dma2 semaphore(%arg14 : memref<!tpu.dma_semaphore, #tpu.memory_space<semaphore_mem>>) src(%dma_wait3A_76 : memref<128x16xf32, #tpu.memory_space<hbm>>) dst(%arg11 : memref<128x16xf32, #tpu.memory_space<vmem>>)
      %dma_wait3A_77 = arith.constant 0 : i32
      %dma_wait3A_78 = tpu.memref_slice %arg9[%scan3A_57, %dma_wait3A_77] : memref<88x128xi32, #tpu.memory_space<vmem>> -> memref<1x128xi32, #tpu.memory_space<vmem>>
      %dma_wait3A_79 = tpu.memref_squeeze %dma_wait3A_78 : memref<1x128xi32, #tpu.memory_space<vmem>> -> memref<128xi32, #tpu.memory_space<vmem>>
      %dma_wait3A_80 = arith.constant 0 : i32
      %dma_wait3A_81 = arith.constant 0 : i32
      %dma_wait3A_82 = tpu.memref_slice %arg5[%dma_wait3A_80, %dma_wait3A_81] : memref<10240x128xf32, #tpu.memory_space<hbm>> -> memref<10240x128xf32, #tpu.memory_space<hbm>>
      tpu.wait_indirect_dma semaphore(%arg15 : memref<!tpu.dma_semaphore, #tpu.memory_space<semaphore_mem>>) src(%dma_wait3A_82 : memref<10240x128xf32, #tpu.memory_space<hbm>>) dst(%arg12 : memref<128x128xf32, #tpu.memory_space<vmem>>)
      %scan3A_83 = arith.constant 0 : i32
      %scan3A_84 = arith.constant 0 : i32
      %scan3A_85 = arith.constant 128 : i32
      %scan3A_86 = arith.addi %scan3A_84, %scan3A_85 : i32
      %scan3A_87 = arith.constant 1 : i32
      %scan3A_88 = scf.for %scan3A_91 = %scan3A_84 to %scan3A_86 step %scan3A_87 iter_args(%scan3A_92 = %scan3A_83) -> (i32)  : i32 {
        %get3A = arith.index_cast %scan3A_91 : i32 to index
        %get3A_93 = arith.constant 0 : index
        %get3A_94 = tpu.vector_load %arg11[%get3A, %get3A_93] {strides = array<i32>} : memref<128x16xf32, #tpu.memory_space<vmem>>, vector<1x16xf32>,
        %get3A_95 = vector.shape_cast %get3A_94 : vector<1x16xf32> to vector<16xf32>
        %slice3A = vector.extract_strided_slice %get3A_95 {offsets = [0], sizes = [1], strides = [1]} : vector<16xf32> to vector<1xf32>
        %squeeze3A = vector.extract %slice3A[0] : f32 from vector<1xf32>
        %get3A_96 = arith.index_cast %scan3A_91 : i32 to index
        %get3A_97 = arith.constant 0 : index
        %get3A_98 = tpu.vector_load %arg12[%get3A_96, %get3A_97] {strides = array<i32>} : memref<128x128xf32, #tpu.memory_space<vmem>>, vector<1x16xf32>,
        %get3A_99 = vector.shape_cast %get3A_98 : vector<1x16xf32> to vector<16xf32>
        %mul3A_100 = vector.broadcast %squeeze3A : f32 to vector<16xf32>
        %mul3A_101 = arith.mulf %get3A_99, %mul3A_100 : vector<16xf32>
        %swap3A = arith.index_cast %scan3A_91 : i32 to index
        %swap3A_102 = arith.constant 0 : index
        %swap3A_103 = tpu.vector_load %arg12[%swap3A, %swap3A_102] {strides = array<i32>} : memref<128x128xf32, #tpu.memory_space<vmem>>, vector<1x16xf32>,
        %swap3A_104 = vector.shape_cast %swap3A_103 : vector<1x16xf32> to vector<16xf32>
        %swap3A_105 = vector.shape_cast %mul3A_101 : vector<16xf32> to vector<1x16xf32>
        tpu.vector_store %arg12[%swap3A, %swap3A_102], %swap3A_105 {strides = array<i32>} : memref<128x128xf32, #tpu.memory_space<vmem>>, vector<1x16xf32>,
        %slice3A_106 = vector.extract_strided_slice %get3A_95 {offsets = [0], sizes = [1], strides = [1]} : vector<16xf32> to vector<1xf32>
        %squeeze3A_107 = vector.extract %slice3A_106[0] : f32 from vector<1xf32>
        %get3A_108 = arith.index_cast %scan3A_91 : i32 to index
        %get3A_109 = arith.constant 16 : index
        %get3A_110 = tpu.vector_load %arg12[%get3A_108, %get3A_109] {strides = array<i32>} : memref<128x128xf32, #tpu.memory_space<vmem>>, vector<1x16xf32>,
        %get3A_111 = vector.shape_cast %get3A_110 : vector<1x16xf32> to vector<16xf32>
        %mul3A_112 = vector.broadcast %squeeze3A_107 : f32 to vector<16xf32>
        %mul3A_113 = arith.mulf %get3A_111, %mul3A_112 : vector<16xf32>
        %swap3A_114 = arith.index_cast %scan3A_91 : i32 to index
        %swap3A_115 = arith.constant 16 : index
        %swap3A_116 = tpu.vector_load %arg12[%swap3A_114, %swap3A_115] {strides = array<i32>} : memref<128x128xf32, #tpu.memory_space<vmem>>, vector<1x16xf32>,
        %swap3A_117 = vector.shape_cast %swap3A_116 : vector<1x16xf32> to vector<16xf32>
        %swap3A_118 = vector.shape_cast %mul3A_113 : vector<16xf32> to vector<1x16xf32>
        tpu.vector_store %arg12[%swap3A_114, %swap3A_115], %swap3A_118 {strides = array<i32>} : memref<128x128xf32, #tpu.memory_space<vmem>>, vector<1x16xf32>,
        %slice3A_119 = vector.extract_strided_slice %get3A_95 {offsets = [1], sizes = [1], strides = [1]} : vector<16xf32> to vector<1xf32>
        %squeeze3A_120 = vector.extract %slice3A_119[0] : f32 from vector<1xf32>
        %get3A_121 = arith.index_cast %scan3A_91 : i32 to index
        %get3A_122 = arith.constant 32 : index
        %get3A_123 = tpu.vector_load %arg12[%get3A_121, %get3A_122] {strides = array<i32>} : memref<128x128xf32, #tpu.memory_space<vmem>>, vector<1x16xf32>,
        %get3A_124 = vector.shape_cast %get3A_123 : vector<1x16xf32> to vector<16xf32>
        %mul3A_125 = vector.broadcast %squeeze3A_120 : f32 to vector<16xf32>
        %mul3A_126 = arith.mulf %get3A_124, %mul3A_125 : vector<16xf32>
        %swap3A_127 = arith.index_cast %scan3A_91 : i32 to index
        %swap3A_128 = arith.constant 32 : index
        %swap3A_129 = tpu.vector_load %arg12[%swap3A_127, %swap3A_128] {strides = array<i32>} : memref<128x128xf32, #tpu.memory_space<vmem>>, vector<1x16xf32>,
        %swap3A_130 = vector.shape_cast %swap3A_129 : vector<1x16xf32> to vector<16xf32>
        %swap3A_131 = vector.shape_cast %mul3A_126 : vector<16xf32> to vector<1x16xf32>
        tpu.vector_store %arg12[%swap3A_127, %swap3A_128], %swap3A_131 {strides = array<i32>} : memref<128x128xf32, #tpu.memory_space<vmem>>, vector<1x16xf32>,
        %slice3A_132 = vector.extract_strided_slice %get3A_95 {offsets = [1], sizes = [1], strides = [1]} : vector<16xf32> to vector<1xf32>
        %squeeze3A_133 = vector.extract %slice3A_132[0] : f32 from vector<1xf32>
        %get3A_134 = arith.index_cast %scan3A_91 : i32 to index
        %get3A_135 = arith.constant 48 : index
        %get3A_136 = tpu.vector_load %arg12[%get3A_134, %get3A_135] {strides = array<i32>} : memref<128x128xf32, #tpu.memory_space<vmem>>, vector<1x16xf32>,
        %get3A_137 = vector.shape_cast %get3A_136 : vector<1x16xf32> to vector<16xf32>
        %mul3A_138 = vector.broadcast %squeeze3A_133 : f32 to vector<16xf32>
        %mul3A_139 = arith.mulf %get3A_137, %mul3A_138 : vector<16xf32>
        %swap3A_140 = arith.index_cast %scan3A_91 : i32 to index
        %swap3A_141 = arith.constant 48 : index
        %swap3A_142 = tpu.vector_load %arg12[%swap3A_140, %swap3A_141] {strides = array<i32>} : memref<128x128xf32, #tpu.memory_space<vmem>>, vector<1x16xf32>,
        %swap3A_143 = vector.shape_cast %swap3A_142 : vector<1x16xf32> to vector<16xf32>
        %swap3A_144 = vector.shape_cast %mul3A_139 : vector<16xf32> to vector<1x16xf32>
        tpu.vector_store %arg12[%swap3A_140, %swap3A_141], %swap3A_144 {strides = array<i32>} : memref<128x128xf32, #tpu.memory_space<vmem>>, vector<1x16xf32>,
        %slice3A_145 = vector.extract_strided_slice %get3A_95 {offsets = [2], sizes = [1], strides = [1]} : vector<16xf32> to vector<1xf32>
        %squeeze3A_146 = vector.extract %slice3A_145[0] : f32 from vector<1xf32>
        %get3A_147 = arith.index_cast %scan3A_91 : i32 to index
        %get3A_148 = arith.constant 64 : index
        %get3A_149 = tpu.vector_load %arg12[%get3A_147, %get3A_148] {strides = array<i32>} : memref<128x128xf32, #tpu.memory_space<vmem>>, vector<1x16xf32>,
        %get3A_150 = vector.shape_cast %get3A_149 : vector<1x16xf32> to vector<16xf32>
        %mul3A_151 = vector.broadcast %squeeze3A_146 : f32 to vector<16xf32>
        %mul3A_152 = arith.mulf %get3A_150, %mul3A_151 : vector<16xf32>
        %swap3A_153 = arith.index_cast %scan3A_91 : i32 to index
        %swap3A_154 = arith.constant 64 : index
        %swap3A_155 = tpu.vector_load %arg12[%swap3A_153, %swap3A_154] {strides = array<i32>} : memref<128x128xf32, #tpu.memory_space<vmem>>, vector<1x16xf32>,
        %swap3A_156 = vector.shape_cast %swap3A_155 : vector<1x16xf32> to vector<16xf32>
        %swap3A_157 = vector.shape_cast %mul3A_152 : vector<16xf32> to vector<1x16xf32>
        tpu.vector_store %arg12[%swap3A_153, %swap3A_154], %swap3A_157 {strides = array<i32>} : memref<128x128xf32, #tpu.memory_space<vmem>>, vector<1x16xf32>,
        %slice3A_158 = vector.extract_strided_slice %get3A_95 {offsets = [2], sizes = [1], strides = [1]} : vector<16xf32> to vector<1xf32>
        %squeeze3A_159 = vector.extract %slice3A_158[0] : f32 from vector<1xf32>
        %get3A_160 = arith.index_cast %scan3A_91 : i32 to index
        %get3A_161 = arith.constant 80 : index
        %get3A_162 = tpu.vector_load %arg12[%get3A_160, %get3A_161] {strides = array<i32>} : memref<128x128xf32, #tpu.memory_space<vmem>>, vector<1x16xf32>,
        %get3A_163 = vector.shape_cast %get3A_162 : vector<1x16xf32> to vector<16xf32>
        %mul3A_164 = vector.broadcast %squeeze3A_159 : f32 to vector<16xf32>
        %mul3A_165 = arith.mulf %get3A_163, %mul3A_164 : vector<16xf32>
        %swap3A_166 = arith.index_cast %scan3A_91 : i32 to index
        %swap3A_167 = arith.constant 80 : index
        %swap3A_168 = tpu.vector_load %arg12[%swap3A_166, %swap3A_167] {strides = array<i32>} : memref<128x128xf32, #tpu.memory_space<vmem>>, vector<1x16xf32>,
        %swap3A_169 = vector.shape_cast %swap3A_168 : vector<1x16xf32> to vector<16xf32>
        %swap3A_170 = vector.shape_cast %mul3A_165 : vector<16xf32> to vector<1x16xf32>
        tpu.vector_store %arg12[%swap3A_166, %swap3A_167], %swap3A_170 {strides = array<i32>} : memref<128x128xf32, #tpu.memory_space<vmem>>, vector<1x16xf32>,
        %slice3A_171 = vector.extract_strided_slice %get3A_95 {offsets = [3], sizes = [1], strides = [1]} : vector<16xf32> to vector<1xf32>
        %squeeze3A_172 = vector.extract %slice3A_171[0] : f32 from vector<1xf32>
        %get3A_173 = arith.index_cast %scan3A_91 : i32 to index
        %get3A_174 = arith.constant 96 : index
        %get3A_175 = tpu.vector_load %arg12[%get3A_173, %get3A_174] {strides = array<i32>} : memref<128x128xf32, #tpu.memory_space<vmem>>, vector<1x16xf32>,
        %get3A_176 = vector.shape_cast %get3A_175 : vector<1x16xf32> to vector<16xf32>
        %mul3A_177 = vector.broadcast %squeeze3A_172 : f32 to vector<16xf32>
        %mul3A_178 = arith.mulf %get3A_176, %mul3A_177 : vector<16xf32>
        %swap3A_179 = arith.index_cast %scan3A_91 : i32 to index
        %swap3A_180 = arith.constant 96 : index
        %swap3A_181 = tpu.vector_load %arg12[%swap3A_179, %swap3A_180] {strides = array<i32>} : memref<128x128xf32, #tpu.memory_space<vmem>>, vector<1x16xf32>,
        %swap3A_182 = vector.shape_cast %swap3A_181 : vector<1x16xf32> to vector<16xf32>
        %swap3A_183 = vector.shape_cast %mul3A_178 : vector<16xf32> to vector<1x16xf32>
        tpu.vector_store %arg12[%swap3A_179, %swap3A_180], %swap3A_183 {strides = array<i32>} : memref<128x128xf32, #tpu.memory_space<vmem>>, vector<1x16xf32>,
        %slice3A_184 = vector.extract_strided_slice %get3A_95 {offsets = [3], sizes = [1], strides = [1]} : vector<16xf32> to vector<1xf32>
        %squeeze3A_185 = vector.extract %slice3A_184[0] : f32 from vector<1xf32>
        %get3A_186 = arith.index_cast %scan3A_91 : i32 to index
        %get3A_187 = arith.constant 112 : index
        %get3A_188 = tpu.vector_load %arg12[%get3A_186, %get3A_187] {strides = array<i32>} : memref<128x128xf32, #tpu.memory_space<vmem>>, vector<1x16xf32>,
        %get3A_189 = vector.shape_cast %get3A_188 : vector<1x16xf32> to vector<16xf32>
        %mul3A_190 = vector.broadcast %squeeze3A_185 : f32 to vector<16xf32>
        %mul3A_191 = arith.mulf %get3A_189, %mul3A_190 : vector<16xf32>
        %swap3A_192 = arith.index_cast %scan3A_91 : i32 to index
        %swap3A_193 = arith.constant 112 : index
        %swap3A_194 = tpu.vector_load %arg12[%swap3A_192, %swap3A_193] {strides = array<i32>} : memref<128x128xf32, #tpu.memory_space<vmem>>, vector<1x16xf32>,
        %swap3A_195 = vector.shape_cast %swap3A_194 : vector<1x16xf32> to vector<16xf32>
        %swap3A_196 = vector.shape_cast %mul3A_191 : vector<16xf32> to vector<1x16xf32>
        tpu.vector_store %arg12[%swap3A_192, %swap3A_193], %swap3A_196 {strides = array<i32>} : memref<128x128xf32, #tpu.memory_space<vmem>>, vector<1x16xf32>,
        %scan3A_197 = arith.constant 0 : i32
        scf.yield %scan3A_197 : i32
      }
      %scan3A_89 = arith.constant 128 : i32
      "tpu.region"() ({
        %run_scoped3A = tpu.sem_alloc : memref<!tpu.dma_semaphore, #tpu.memory_space<semaphore_mem>>
        %dma_start3A_91 = arith.constant 0 : i32
        %dma_start3A_92 = tpu.memref_slice %arg10[%scan3A_57, %dma_start3A_91] : memref<88x128xi32, #tpu.memory_space<vmem>> -> memref<1x128xi32, #tpu.memory_space<vmem>>
        %dma_start3A_93 = tpu.memref_squeeze %dma_start3A_92 : memref<1x128xi32, #tpu.memory_space<vmem>> -> memref<128xi32, #tpu.memory_space<vmem>>
        %dma_start3A_94 = arith.constant 0 : i32
        %dma_start3A_95 = arith.constant 0 : i32
        %dma_start3A_96 = tpu.memref_slice %arg13[%dma_start3A_94, %dma_start3A_95] : memref<10240x128xf32, #tpu.memory_space<vmem_shared>> -> memref<10240x128xf32, #tpu.memory_space<vmem_shared>>
        tpu.enqueue_indirect_dma source(%arg12 : memref<128x128xf32, #tpu.memory_space<vmem>>) target(%dma_start3A_96 : memref<10240x128xf32, #tpu.memory_space<vmem_shared>>) offsets(%dma_start3A_93 : memref<128xi32, #tpu.memory_space<vmem>>) semaphore(%run_scoped3A : memref<!tpu.dma_semaphore, #tpu.memory_space<semaphore_mem>>) {add = true}
        %dma_wait3A_97 = arith.constant 0 : i32
        %dma_wait3A_98 = tpu.memref_slice %arg10[%scan3A_57, %dma_wait3A_97] : memref<88x128xi32, #tpu.memory_space<vmem>> -> memref<1x128xi32, #tpu.memory_space<vmem>>
        %dma_wait3A_99 = tpu.memref_squeeze %dma_wait3A_98 : memref<1x128xi32, #tpu.memory_space<vmem>> -> memref<128xi32, #tpu.memory_space<vmem>>
        %dma_wait3A_100 = arith.constant 0 : i32
        %dma_wait3A_101 = arith.constant 0 : i32
        %dma_wait3A_102 = tpu.memref_slice %arg13[%dma_wait3A_100, %dma_wait3A_101] : memref<10240x128xf32, #tpu.memory_space<vmem_shared>> -> memref<10240x128xf32, #tpu.memory_space<vmem_shared>>
        tpu.wait_indirect_dma semaphore(%run_scoped3A : memref<!tpu.dma_semaphore, #tpu.memory_space<semaphore_mem>>) src(%arg12 : memref<128x128xf32, #tpu.memory_space<vmem>>) dst(%dma_wait3A_102 : memref<10240x128xf32, #tpu.memory_space<vmem_shared>>)
        tpu.yield
      }) : () -> ()
      %scan3A_90 = arith.constant 0 : i32
      scf.yield %scan3A_90 : i32
    }
    %scan3A_26 = arith.constant 81 : i32
    %barrier3A_27 = arith.constant 0 : index
    tpu.barrier barrier_id(%barrier3A_27)
    "tpu.region"() ({
      %run_scoped3A = tpu.sem_alloc : memref<!tpu.dma_semaphore, #tpu.memory_space<semaphore_mem>>
      %dma_start3A = arith.constant 0 : i32
      %dma_start3A_57 = tpu.memref_slice %arg7[%arg0, %mul3A_2, %dma_start3A] : memref<2x10240x128xf32, #tpu.memory_space<hbm>> -> memref<1x640x128xf32, #tpu.memory_space<hbm>>
      %dma_start3A_58 = tpu.memref_squeeze %dma_start3A_57 : memref<1x640x128xf32, #tpu.memory_space<hbm>> -> memref<640x128xf32, #tpu.memory_space<hbm>>
      %dma_start3A_59 = arith.constant 0 : i32
      %dma_start3A_60 = tpu.memref_slice %arg13[%mul3A_2, %dma_start3A_59] : memref<10240x128xf32, #tpu.memory_space<vmem_shared>> -> memref<640x128xf32, #tpu.memory_space<vmem_shared>>
      tpu.enqueue_dma source(%dma_start3A_60 : memref<640x128xf32, #tpu.memory_space<vmem_shared>>) target(%dma_start3A_58 : memref<640x128xf32, #tpu.memory_space<hbm>>) target_semaphore(%run_scoped3A : memref<!tpu.dma_semaphore, #tpu.memory_space<semaphore_mem>>)
      %dma_wait3A = arith.constant 0 : i32
      %dma_wait3A_61 = tpu.memref_slice %arg7[%arg0, %mul3A_2, %dma_wait3A] : memref<2x10240x128xf32, #tpu.memory_space<hbm>> -> memref<1x640x128xf32, #tpu.memory_space<hbm>>
      %dma_wait3A_62 = tpu.memref_squeeze %dma_wait3A_61 : memref<1x640x128xf32, #tpu.memory_space<hbm>> -> memref<640x128xf32, #tpu.memory_space<hbm>>
      %dma_wait3A_63 = arith.constant 0 : i32
      %dma_wait3A_64 = tpu.memref_slice %arg13[%mul3A_2, %dma_wait3A_63] : memref<10240x128xf32, #tpu.memory_space<vmem_shared>> -> memref<640x128xf32, #tpu.memory_space<vmem_shared>>
      tpu.wait_dma2 semaphore(%run_scoped3A : memref<!tpu.dma_semaphore, #tpu.memory_space<semaphore_mem>>) src(%dma_wait3A_64 : memref<640x128xf32, #tpu.memory_space<vmem_shared>>) dst(%dma_wait3A_62 : memref<640x128xf32, #tpu.memory_space<hbm>>)
      tpu.yield
    }) : () -> ()
    %barrier3A_28 = arith.constant 0 : index
    tpu.barrier barrier_id(%barrier3A_28)
    %broadcast_in_dim3A_29 = arith.constant 0.000000e+00 : f32
    %broadcast_in_dim3A_30 = vector.broadcast %broadcast_in_dim3A_29 : f32 to vector<16xf32>
    %scan3A_31 = arith.constant 0 : i32
    %scan3A_32 = arith.constant 0 : i32
    %scan3A_33 = arith.constant 128 : i32
    %scan3A_34 = arith.addi %scan3A_32, %scan3A_33 : i32
    %scan3A_35 = arith.constant 1 : i32
    %scan3A_36 = scf.for %scan3A_57 = %scan3A_32 to %scan3A_34 step %scan3A_35 iter_args(%scan3A_58 = %scan3A_31) -> (i32)  : i32 {
      %swap3A = arith.index_cast %scan3A_57 : i32 to index
      %swap3A_59 = arith.constant 0 : index
      %swap3A_60 = tpu.vector_load %arg12[%swap3A, %swap3A_59] {strides = array<i32>} : memref<128x128xf32, #tpu.memory_space<vmem>>, vector<1x16xf32>,
      %swap3A_61 = vector.shape_cast %swap3A_60 : vector<1x16xf32> to vector<16xf32>
      %swap3A_62 = vector.shape_cast %broadcast_in_dim3A_30 : vector<16xf32> to vector<1x16xf32>
      tpu.vector_store %arg12[%swap3A, %swap3A_59], %swap3A_62 {strides = array<i32>} : memref<128x128xf32, #tpu.memory_space<vmem>>, vector<1x16xf32>,
      %swap3A_63 = arith.index_cast %scan3A_57 : i32 to index
      %swap3A_64 = arith.constant 16 : index
      %swap3A_65 = tpu.vector_load %arg12[%swap3A_63, %swap3A_64] {strides = array<i32>} : memref<128x128xf32, #tpu.memory_space<vmem>>, vector<1x16xf32>,
      %swap3A_66 = vector.shape_cast %swap3A_65 : vector<1x16xf32> to vector<16xf32>
      %swap3A_67 = vector.shape_cast %broadcast_in_dim3A_30 : vector<16xf32> to vector<1x16xf32>
      tpu.vector_store %arg12[%swap3A_63, %swap3A_64], %swap3A_67 {strides = array<i32>} : memref<128x128xf32, #tpu.memory_space<vmem>>, vector<1x16xf32>,
      %swap3A_68 = arith.index_cast %scan3A_57 : i32 to index
      %swap3A_69 = arith.constant 32 : index
      %swap3A_70 = tpu.vector_load %arg12[%swap3A_68, %swap3A_69] {strides = array<i32>} : memref<128x128xf32, #tpu.memory_space<vmem>>, vector<1x16xf32>,
      %swap3A_71 = vector.shape_cast %swap3A_70 : vector<1x16xf32> to vector<16xf32>
      %swap3A_72 = vector.shape_cast %broadcast_in_dim3A_30 : vector<16xf32> to vector<1x16xf32>
      tpu.vector_store %arg12[%swap3A_68, %swap3A_69], %swap3A_72 {strides = array<i32>} : memref<128x128xf32, #tpu.memory_space<vmem>>, vector<1x16xf32>,
      %swap3A_73 = arith.index_cast %scan3A_57 : i32 to index
      %swap3A_74 = arith.constant 48 : index
      %swap3A_75 = tpu.vector_load %arg12[%swap3A_73, %swap3A_74] {strides = array<i32>} : memref<128x128xf32, #tpu.memory_space<vmem>>, vector<1x16xf32>,
      %swap3A_76 = vector.shape_cast %swap3A_75 : vector<1x16xf32> to vector<16xf32>
      %swap3A_77 = vector.shape_cast %broadcast_in_dim3A_30 : vector<16xf32> to vector<1x16xf32>
      tpu.vector_store %arg12[%swap3A_73, %swap3A_74], %swap3A_77 {strides = array<i32>} : memref<128x128xf32, #tpu.memory_space<vmem>>, vector<1x16xf32>,
      %swap3A_78 = arith.index_cast %scan3A_57 : i32 to index
      %swap3A_79 = arith.constant 64 : index
      %swap3A_80 = tpu.vector_load %arg12[%swap3A_78, %swap3A_79] {strides = array<i32>} : memref<128x128xf32, #tpu.memory_space<vmem>>, vector<1x16xf32>,
      %swap3A_81 = vector.shape_cast %swap3A_80 : vector<1x16xf32> to vector<16xf32>
      %swap3A_82 = vector.shape_cast %broadcast_in_dim3A_30 : vector<16xf32> to vector<1x16xf32>
      tpu.vector_store %arg12[%swap3A_78, %swap3A_79], %swap3A_82 {strides = array<i32>} : memref<128x128xf32, #tpu.memory_space<vmem>>, vector<1x16xf32>,
      %swap3A_83 = arith.index_cast %scan3A_57 : i32 to index
      %swap3A_84 = arith.constant 80 : index
      %swap3A_85 = tpu.vector_load %arg12[%swap3A_83, %swap3A_84] {strides = array<i32>} : memref<128x128xf32, #tpu.memory_space<vmem>>, vector<1x16xf32>,
      %swap3A_86 = vector.shape_cast %swap3A_85 : vector<1x16xf32> to vector<16xf32>
      %swap3A_87 = vector.shape_cast %broadcast_in_dim3A_30 : vector<16xf32> to vector<1x16xf32>
      tpu.vector_store %arg12[%swap3A_83, %swap3A_84], %swap3A_87 {strides = array<i32>} : memref<128x128xf32, #tpu.memory_space<vmem>>, vector<1x16xf32>,
      %swap3A_88 = arith.index_cast %scan3A_57 : i32 to index
      %swap3A_89 = arith.constant 96 : index
      %swap3A_90 = tpu.vector_load %arg12[%swap3A_88, %swap3A_89] {strides = array<i32>} : memref<128x128xf32, #tpu.memory_space<vmem>>, vector<1x16xf32>,
      %swap3A_91 = vector.shape_cast %swap3A_90 : vector<1x16xf32> to vector<16xf32>
      %swap3A_92 = vector.shape_cast %broadcast_in_dim3A_30 : vector<16xf32> to vector<1x16xf32>
      tpu.vector_store %arg12[%swap3A_88, %swap3A_89], %swap3A_92 {strides = array<i32>} : memref<128x128xf32, #tpu.memory_space<vmem>>, vector<1x16xf32>,
      %swap3A_93 = arith.index_cast %scan3A_57 : i32 to index
      %swap3A_94 = arith.constant 112 : index
      %swap3A_95 = tpu.vector_load %arg12[%swap3A_93, %swap3A_94] {strides = array<i32>} : memref<128x128xf32, #tpu.memory_space<vmem>>, vector<1x16xf32>,
      %swap3A_96 = vector.shape_cast %swap3A_95 : vector<1x16xf32> to vector<16xf32>
      %swap3A_97 = vector.shape_cast %broadcast_in_dim3A_30 : vector<16xf32> to vector<1x16xf32>
      tpu.vector_store %arg12[%swap3A_93, %swap3A_94], %swap3A_97 {strides = array<i32>} : memref<128x128xf32, #tpu.memory_space<vmem>>, vector<1x16xf32>,
      %scan3A_98 = arith.constant 0 : i32
      scf.yield %scan3A_98 : i32
    }
    %scan3A_37 = arith.constant 128 : i32
    %add3A_38 = arith.constant 0 : i32
    %add3A_39 = arith.addi %mul3A_2, %add3A_38 : i32
    "tpu.region"() ({
      %run_scoped3A = tpu.sem_alloc : memref<!tpu.dma_semaphore, #tpu.memory_space<semaphore_mem>>
      %dma_start3A = arith.constant 0 : i32
      %dma_start3A_57 = tpu.memref_slice %arg13[%add3A_39, %dma_start3A] : memref<10240x128xf32, #tpu.memory_space<vmem_shared>> -> memref<128x128xf32, #tpu.memory_space<vmem_shared>>
      %dma_start3A_58 = arith.constant 0 : i32
      %dma_start3A_59 = tpu.memref_slice %arg13[%add3A_39, %dma_start3A_58] : memref<10240x128xf32, #tpu.memory_space<vmem_shared>> -> memref<128x128xf32, #tpu.memory_space<vmem_shared>>
      tpu.enqueue_dma source(%arg12 : memref<128x128xf32, #tpu.memory_space<vmem>>) target(%dma_start3A_59 : memref<128x128xf32, #tpu.memory_space<vmem_shared>>) target_semaphore(%run_scoped3A : memref<!tpu.dma_semaphore, #tpu.memory_space<semaphore_mem>>)
      %dma_wait3A = arith.constant 0 : i32
      %dma_wait3A_60 = tpu.memref_slice %arg13[%add3A_39, %dma_wait3A] : memref<10240x128xf32, #tpu.memory_space<vmem_shared>> -> memref<128x128xf32, #tpu.memory_space<vmem_shared>>
      %dma_wait3A_61 = arith.constant 0 : i32
      %dma_wait3A_62 = tpu.memref_slice %arg13[%add3A_39, %dma_wait3A_61] : memref<10240x128xf32, #tpu.memory_space<vmem_shared>> -> memref<128x128xf32, #tpu.memory_space<vmem_shared>>
      tpu.wait_dma2 semaphore(%run_scoped3A : memref<!tpu.dma_semaphore, #tpu.memory_space<semaphore_mem>>) src(%arg12 : memref<128x128xf32, #tpu.memory_space<vmem>>) dst(%dma_wait3A_62 : memref<128x128xf32, #tpu.memory_space<vmem_shared>>)
      tpu.yield
    }) : () -> ()
    %add3A_40 = arith.constant 128 : i32
    %add3A_41 = arith.addi %mul3A_2, %add3A_40 : i32
    "tpu.region"() ({
      %run_scoped3A = tpu.sem_alloc : memref<!tpu.dma_semaphore, #tpu.memory_space<semaphore_mem>>
      %dma_start3A = arith.constant 0 : i32
      %dma_start3A_57 = tpu.memref_slice %arg13[%add3A_41, %dma_start3A] : memref<10240x128xf32, #tpu.memory_space<vmem_shared>> -> memref<128x128xf32, #tpu.memory_space<vmem_shared>>
      %dma_start3A_58 = arith.constant 0 : i32
      %dma_start3A_59 = tpu.memref_slice %arg13[%add3A_41, %dma_start3A_58] : memref<10240x128xf32, #tpu.memory_space<vmem_shared>> -> memref<128x128xf32, #tpu.memory_space<vmem_shared>>
      tpu.enqueue_dma source(%arg12 : memref<128x128xf32, #tpu.memory_space<vmem>>) target(%dma_start3A_59 : memref<128x128xf32, #tpu.memory_space<vmem_shared>>) target_semaphore(%run_scoped3A : memref<!tpu.dma_semaphore, #tpu.memory_space<semaphore_mem>>)
      %dma_wait3A = arith.constant 0 : i32
      %dma_wait3A_60 = tpu.memref_slice %arg13[%add3A_41, %dma_wait3A] : memref<10240x128xf32, #tpu.memory_space<vmem_shared>> -> memref<128x128xf32, #tpu.memory_space<vmem_shared>>
      %dma_wait3A_61 = arith.constant 0 : i32
      %dma_wait3A_62 = tpu.memref_slice %arg13[%add3A_41, %dma_wait3A_61] : memref<10240x128xf32, #tpu.memory_space<vmem_shared>> -> memref<128x128xf32, #tpu.memory_space<vmem_shared>>
      tpu.wait_dma2 semaphore(%run_scoped3A : memref<!tpu.dma_semaphore, #tpu.memory_space<semaphore_mem>>) src(%arg12 : memref<128x128xf32, #tpu.memory_space<vmem>>) dst(%dma_wait3A_62 : memref<128x128xf32, #tpu.memory_space<vmem_shared>>)
      tpu.yield
    }) : () -> ()
    %add3A_42 = arith.constant 256 : i32
    %add3A_43 = arith.addi %mul3A_2, %add3A_42 : i32
    "tpu.region"() ({
      %run_scoped3A = tpu.sem_alloc : memref<!tpu.dma_semaphore, #tpu.memory_space<semaphore_mem>>
      %dma_start3A = arith.constant 0 : i32
      %dma_start3A_57 = tpu.memref_slice %arg13[%add3A_43, %dma_start3A] : memref<10240x128xf32, #tpu.memory_space<vmem_shared>> -> memref<128x128xf32, #tpu.memory_space<vmem_shared>>
      %dma_start3A_58 = arith.constant 0 : i32
      %dma_start3A_59 = tpu.memref_slice %arg13[%add3A_43, %dma_start3A_58] : memref<10240x128xf32, #tpu.memory_space<vmem_shared>> -> memref<128x128xf32, #tpu.memory_space<vmem_shared>>
      tpu.enqueue_dma source(%arg12 : memref<128x128xf32, #tpu.memory_space<vmem>>) target(%dma_start3A_59 : memref<128x128xf32, #tpu.memory_space<vmem_shared>>) target_semaphore(%run_scoped3A : memref<!tpu.dma_semaphore, #tpu.memory_space<semaphore_mem>>)
      %dma_wait3A = arith.constant 0 : i32
      %dma_wait3A_60 = tpu.memref_slice %arg13[%add3A_43, %dma_wait3A] : memref<10240x128xf32, #tpu.memory_space<vmem_shared>> -> memref<128x128xf32, #tpu.memory_space<vmem_shared>>
      %dma_wait3A_61 = arith.constant 0 : i32
      %dma_wait3A_62 = tpu.memref_slice %arg13[%add3A_43, %dma_wait3A_61] : memref<10240x128xf32, #tpu.memory_space<vmem_shared>> -> memref<128x128xf32, #tpu.memory_space<vmem_shared>>
      tpu.wait_dma2 semaphore(%run_scoped3A : memref<!tpu.dma_semaphore, #tpu.memory_space<semaphore_mem>>) src(%arg12 : memref<128x128xf32, #tpu.memory_space<vmem>>) dst(%dma_wait3A_62 : memref<128x128xf32, #tpu.memory_space<vmem_shared>>)
      tpu.yield
    }) : () -> ()
    %add3A_44 = arith.constant 384 : i32
    %add3A_45 = arith.addi %mul3A_2, %add3A_44 : i32
    "tpu.region"() ({
      %run_scoped3A = tpu.sem_alloc : memref<!tpu.dma_semaphore, #tpu.memory_space<semaphore_mem>>
      %dma_start3A = arith.constant 0 : i32
      %dma_start3A_57 = tpu.memref_slice %arg13[%add3A_45, %dma_start3A] : memref<10240x128xf32, #tpu.memory_space<vmem_shared>> -> memref<128x128xf32, #tpu.memory_space<vmem_shared>>
      %dma_start3A_58 = arith.constant 0 : i32
      %dma_start3A_59 = tpu.memref_slice %arg13[%add3A_45, %dma_start3A_58] : memref<10240x128xf32, #tpu.memory_space<vmem_shared>> -> memref<128x128xf32, #tpu.memory_space<vmem_shared>>
      tpu.enqueue_dma source(%arg12 : memref<128x128xf32, #tpu.memory_space<vmem>>) target(%dma_start3A_59 : memref<128x128xf32, #tpu.memory_space<vmem_shared>>) target_semaphore(%run_scoped3A : memref<!tpu.dma_semaphore, #tpu.memory_space<semaphore_mem>>)
      %dma_wait3A = arith.constant 0 : i32
      %dma_wait3A_60 = tpu.memref_slice %arg13[%add3A_45, %dma_wait3A] : memref<10240x128xf32, #tpu.memory_space<vmem_shared>> -> memref<128x128xf32, #tpu.memory_space<vmem_shared>>
      %dma_wait3A_61 = arith.constant 0 : i32
      %dma_wait3A_62 = tpu.memref_slice %arg13[%add3A_45, %dma_wait3A_61] : memref<10240x128xf32, #tpu.memory_space<vmem_shared>> -> memref<128x128xf32, #tpu.memory_space<vmem_shared>>
      tpu.wait_dma2 semaphore(%run_scoped3A : memref<!tpu.dma_semaphore, #tpu.memory_space<semaphore_mem>>) src(%arg12 : memref<128x128xf32, #tpu.memory_space<vmem>>) dst(%dma_wait3A_62 : memref<128x128xf32, #tpu.memory_space<vmem_shared>>)
      tpu.yield
    }) : () -> ()
    %add3A_46 = arith.constant 512 : i32
    %add3A_47 = arith.addi %mul3A_2, %add3A_46 : i32
    "tpu.region"() ({
      %run_scoped3A = tpu.sem_alloc : memref<!tpu.dma_semaphore, #tpu.memory_space<semaphore_mem>>
      %dma_start3A = arith.constant 0 : i32
      %dma_start3A_57 = tpu.memref_slice %arg13[%add3A_47, %dma_start3A] : memref<10240x128xf32, #tpu.memory_space<vmem_shared>> -> memref<128x128xf32, #tpu.memory_space<vmem_shared>>
      %dma_start3A_58 = arith.constant 0 : i32
      %dma_start3A_59 = tpu.memref_slice %arg13[%add3A_47, %dma_start3A_58] : memref<10240x128xf32, #tpu.memory_space<vmem_shared>> -> memref<128x128xf32, #tpu.memory_space<vmem_shared>>
      tpu.enqueue_dma source(%arg12 : memref<128x128xf32, #tpu.memory_space<vmem>>) target(%dma_start3A_59 : memref<128x128xf32, #tpu.memory_space<vmem_shared>>) target_semaphore(%run_scoped3A : memref<!tpu.dma_semaphore, #tpu.memory_space<semaphore_mem>>)
      %dma_wait3A = arith.constant 0 : i32
      %dma_wait3A_60 = tpu.memref_slice %arg13[%add3A_47, %dma_wait3A] : memref<10240x128xf32, #tpu.memory_space<vmem_shared>> -> memref<128x128xf32, #tpu.memory_space<vmem_shared>>
      %dma_wait3A_61 = arith.constant 0 : i32
      %dma_wait3A_62 = tpu.memref_slice %arg13[%add3A_47, %dma_wait3A_61] : memref<10240x128xf32, #tpu.memory_space<vmem_shared>> -> memref<128x128xf32, #tpu.memory_space<vmem_shared>>
      tpu.wait_dma2 semaphore(%run_scoped3A : memref<!tpu.dma_semaphore, #tpu.memory_space<semaphore_mem>>) src(%arg12 : memref<128x128xf32, #tpu.memory_space<vmem>>) dst(%dma_wait3A_62 : memref<128x128xf32, #tpu.memory_space<vmem_shared>>)
      tpu.yield
    }) : () -> ()
    %barrier3A_48 = arith.constant 0 : index
    tpu.barrier barrier_id(%barrier3A_48)
    %scan3A_49 = arith.constant 0 : i32
    %scan3A_50 = arith.constant 0 : i32
    %scan3A_51 = arith.constant 81 : i32
    %scan3A_52 = arith.addi %scan3A_50, %scan3A_51 : i32
    %scan3A_53 = arith.constant 1 : i32
    %scan3A_54 = scf.for %scan3A_57 = %scan3A_50 to %scan3A_52 step %scan3A_53 iter_args(%scan3A_58 = %scan3A_49) -> (i32)  : i32 {
      %dma_start3A = arith.constant 0 : i32
      %dma_start3A_59 = tpu.memref_slice %arg9[%scan3A_57, %dma_start3A] : memref<88x128xi32, #tpu.memory_space<vmem>> -> memref<1x128xi32, #tpu.memory_space<vmem>>
      %dma_start3A_60 = tpu.memref_squeeze %dma_start3A_59 : memref<1x128xi32, #tpu.memory_space<vmem>> -> memref<128xi32, #tpu.memory_space<vmem>>
      %dma_start3A_61 = arith.constant 0 : i32
      %dma_start3A_62 = arith.constant 0 : i32
      %dma_start3A_63 = tpu.memref_slice %arg6[%dma_start3A_61, %dma_start3A_62] : memref<10240x128xf32, #tpu.memory_space<hbm>> -> memref<10240x128xf32, #tpu.memory_space<hbm>>
      tpu.enqueue_indirect_dma source(%dma_start3A_63 : memref<10240x128xf32, #tpu.memory_space<hbm>>) target(%arg12 : memref<128x128xf32, #tpu.memory_space<vmem>>) offsets(%dma_start3A_60 : memref<128xi32, #tpu.memory_space<vmem>>) semaphore(%arg15 : memref<!tpu.dma_semaphore, #tpu.memory_space<semaphore_mem>>)
      %mul3A_64 = arith.constant 128 : i32
      %mul3A_65 = arith.muli %scan3A_57, %mul3A_64 : i32
      %dma_start3A_66 = arith.constant 0 : i32
      %dma_start3A_67 = tpu.memref_slice %arg4[%add3A, %mul3A_65, %dma_start3A_66] : memref<32x10368x16xf32, #tpu.memory_space<hbm>> -> memref<1x128x16xf32, #tpu.memory_space<hbm>>
      %dma_start3A_68 = tpu.memref_squeeze %dma_start3A_67 : memref<1x128x16xf32, #tpu.memory_space<hbm>> -> memref<128x16xf32, #tpu.memory_space<hbm>>
      %dma_start3A_69 = arith.constant 0 : i32
      %dma_start3A_70 = tpu.memref_slice %arg4[%add3A, %mul3A_65, %dma_start3A_69] : memref<32x10368x16xf32, #tpu.memory_space<hbm>> -> memref<1x128x16xf32, #tpu.memory_space<hbm>>
      %dma_start3A_71 = tpu.memref_squeeze %dma_start3A_70 : memref<1x128x16xf32, #tpu.memory_space<hbm>> -> memref<128x16xf32, #tpu.memory_space<hbm>>
      tpu.enqueue_dma source(%dma_start3A_71 : memref<128x16xf32, #tpu.memory_space<hbm>>) target(%arg11 : memref<128x16xf32, #tpu.memory_space<vmem>>) target_semaphore(%arg14 : memref<!tpu.dma_semaphore, #tpu.memory_space<semaphore_mem>>)
      %dma_wait3A = arith.constant 0 : i32
      %dma_wait3A_72 = tpu.memref_slice %arg4[%add3A, %mul3A_65, %dma_wait3A] : memref<32x10368x16xf32, #tpu.memory_space<hbm>> -> memref<1x128x16xf32, #tpu.memory_space<hbm>>
      %dma_wait3A_73 = tpu.memref_squeeze %dma_wait3A_72 : memref<1x128x16xf32, #tpu.memory_space<hbm>> -> memref<128x16xf32, #tpu.memory_space<hbm>>
      %dma_wait3A_74 = arith.constant 0 : i32
      %dma_wait3A_75 = tpu.memref_slice %arg4[%add3A, %mul3A_65, %dma_wait3A_74] : memref<32x10368x16xf32, #tpu.memory_space<hbm>> -> memref<1x128x16xf32, #tpu.memory_space<hbm>>
      %dma_wait3A_76 = tpu.memref_squeeze %dma_wait3A_75 : memref<1x128x16xf32, #tpu.memory_space<hbm>> -> memref<128x16xf32, #tpu.memory_space<hbm>>
      tpu.wait_dma2 semaphore(%arg14 : memref<!tpu.dma_semaphore, #tpu.memory_space<semaphore_mem>>) src(%dma_wait3A_76 : memref<128x16xf32, #tpu.memory_space<hbm>>) dst(%arg11 : memref<128x16xf32, #tpu.memory_space<vmem>>)
      %dma_wait3A_77 = arith.constant 0 : i32
      %dma_wait3A_78 = tpu.memref_slice %arg9[%scan3A_57, %dma_wait3A_77] : memref<88x128xi32, #tpu.memory_space<vmem>> -> memref<1x128xi32, #tpu.memory_space<vmem>>
      %dma_wait3A_79 = tpu.memref_squeeze %dma_wait3A_78 : memref<1x128xi32, #tpu.memory_space<vmem>> -> memref<128xi32, #tpu.memory_space<vmem>>
      %dma_wait3A_80 = arith.constant 0 : i32
      %dma_wait3A_81 = arith.constant 0 : i32
      %dma_wait3A_82 = tpu.memref_slice %arg6[%dma_wait3A_80, %dma_wait3A_81] : memref<10240x128xf32, #tpu.memory_space<hbm>> -> memref<10240x128xf32, #tpu.memory_space<hbm>>
      tpu.wait_indirect_dma semaphore(%arg15 : memref<!tpu.dma_semaphore, #tpu.memory_space<semaphore_mem>>) src(%dma_wait3A_82 : memref<10240x128xf32, #tpu.memory_space<hbm>>) dst(%arg12 : memref<128x128xf32, #tpu.memory_space<vmem>>)
      %scan3A_83 = arith.constant 0 : i32
      %scan3A_84 = arith.constant 0 : i32
      %scan3A_85 = arith.constant 128 : i32
      %scan3A_86 = arith.addi %scan3A_84, %scan3A_85 : i32
      %scan3A_87 = arith.constant 1 : i32
      %scan3A_88 = scf.for %scan3A_91 = %scan3A_84 to %scan3A_86 step %scan3A_87 iter_args(%scan3A_92 = %scan3A_83) -> (i32)  : i32 {
        %get3A = arith.index_cast %scan3A_91 : i32 to index
        %get3A_93 = arith.constant 0 : index
        %get3A_94 = tpu.vector_load %arg11[%get3A, %get3A_93] {strides = array<i32>} : memref<128x16xf32, #tpu.memory_space<vmem>>, vector<1x16xf32>,
        %get3A_95 = vector.shape_cast %get3A_94 : vector<1x16xf32> to vector<16xf32>
        %slice3A = vector.extract_strided_slice %get3A_95 {offsets = [4], sizes = [1], strides = [1]} : vector<16xf32> to vector<1xf32>
        %squeeze3A = vector.extract %slice3A[0] : f32 from vector<1xf32>
        %get3A_96 = arith.index_cast %scan3A_91 : i32 to index
        %get3A_97 = arith.constant 0 : index
        %get3A_98 = tpu.vector_load %arg12[%get3A_96, %get3A_97] {strides = array<i32>} : memref<128x128xf32, #tpu.memory_space<vmem>>, vector<1x16xf32>,
        %get3A_99 = vector.shape_cast %get3A_98 : vector<1x16xf32> to vector<16xf32>
        %mul3A_100 = vector.broadcast %squeeze3A : f32 to vector<16xf32>
        %mul3A_101 = arith.mulf %get3A_99, %mul3A_100 : vector<16xf32>
        %swap3A = arith.index_cast %scan3A_91 : i32 to index
        %swap3A_102 = arith.constant 0 : index
        %swap3A_103 = tpu.vector_load %arg12[%swap3A, %swap3A_102] {strides = array<i32>} : memref<128x128xf32, #tpu.memory_space<vmem>>, vector<1x16xf32>,
        %swap3A_104 = vector.shape_cast %swap3A_103 : vector<1x16xf32> to vector<16xf32>
        %swap3A_105 = vector.shape_cast %mul3A_101 : vector<16xf32> to vector<1x16xf32>
        tpu.vector_store %arg12[%swap3A, %swap3A_102], %swap3A_105 {strides = array<i32>} : memref<128x128xf32, #tpu.memory_space<vmem>>, vector<1x16xf32>,
        %slice3A_106 = vector.extract_strided_slice %get3A_95 {offsets = [4], sizes = [1], strides = [1]} : vector<16xf32> to vector<1xf32>
        %squeeze3A_107 = vector.extract %slice3A_106[0] : f32 from vector<1xf32>
        %get3A_108 = arith.index_cast %scan3A_91 : i32 to index
        %get3A_109 = arith.constant 16 : index
        %get3A_110 = tpu.vector_load %arg12[%get3A_108, %get3A_109] {strides = array<i32>} : memref<128x128xf32, #tpu.memory_space<vmem>>, vector<1x16xf32>,
        %get3A_111 = vector.shape_cast %get3A_110 : vector<1x16xf32> to vector<16xf32>
        %mul3A_112 = vector.broadcast %squeeze3A_107 : f32 to vector<16xf32>
        %mul3A_113 = arith.mulf %get3A_111, %mul3A_112 : vector<16xf32>
        %swap3A_114 = arith.index_cast %scan3A_91 : i32 to index
        %swap3A_115 = arith.constant 16 : index
        %swap3A_116 = tpu.vector_load %arg12[%swap3A_114, %swap3A_115] {strides = array<i32>} : memref<128x128xf32, #tpu.memory_space<vmem>>, vector<1x16xf32>,
        %swap3A_117 = vector.shape_cast %swap3A_116 : vector<1x16xf32> to vector<16xf32>
        %swap3A_118 = vector.shape_cast %mul3A_113 : vector<16xf32> to vector<1x16xf32>
        tpu.vector_store %arg12[%swap3A_114, %swap3A_115], %swap3A_118 {strides = array<i32>} : memref<128x128xf32, #tpu.memory_space<vmem>>, vector<1x16xf32>,
        %slice3A_119 = vector.extract_strided_slice %get3A_95 {offsets = [5], sizes = [1], strides = [1]} : vector<16xf32> to vector<1xf32>
        %squeeze3A_120 = vector.extract %slice3A_119[0] : f32 from vector<1xf32>
        %get3A_121 = arith.index_cast %scan3A_91 : i32 to index
        %get3A_122 = arith.constant 32 : index
        %get3A_123 = tpu.vector_load %arg12[%get3A_121, %get3A_122] {strides = array<i32>} : memref<128x128xf32, #tpu.memory_space<vmem>>, vector<1x16xf32>,
        %get3A_124 = vector.shape_cast %get3A_123 : vector<1x16xf32> to vector<16xf32>
        %mul3A_125 = vector.broadcast %squeeze3A_120 : f32 to vector<16xf32>
        %mul3A_126 = arith.mulf %get3A_124, %mul3A_125 : vector<16xf32>
        %swap3A_127 = arith.index_cast %scan3A_91 : i32 to index
        %swap3A_128 = arith.constant 32 : index
        %swap3A_129 = tpu.vector_load %arg12[%swap3A_127, %swap3A_128] {strides = array<i32>} : memref<128x128xf32, #tpu.memory_space<vmem>>, vector<1x16xf32>,
        %swap3A_130 = vector.shape_cast %swap3A_129 : vector<1x16xf32> to vector<16xf32>
        %swap3A_131 = vector.shape_cast %mul3A_126 : vector<16xf32> to vector<1x16xf32>
        tpu.vector_store %arg12[%swap3A_127, %swap3A_128], %swap3A_131 {strides = array<i32>} : memref<128x128xf32, #tpu.memory_space<vmem>>, vector<1x16xf32>,
        %slice3A_132 = vector.extract_strided_slice %get3A_95 {offsets = [5], sizes = [1], strides = [1]} : vector<16xf32> to vector<1xf32>
        %squeeze3A_133 = vector.extract %slice3A_132[0] : f32 from vector<1xf32>
        %get3A_134 = arith.index_cast %scan3A_91 : i32 to index
        %get3A_135 = arith.constant 48 : index
        %get3A_136 = tpu.vector_load %arg12[%get3A_134, %get3A_135] {strides = array<i32>} : memref<128x128xf32, #tpu.memory_space<vmem>>, vector<1x16xf32>,
        %get3A_137 = vector.shape_cast %get3A_136 : vector<1x16xf32> to vector<16xf32>
        %mul3A_138 = vector.broadcast %squeeze3A_133 : f32 to vector<16xf32>
        %mul3A_139 = arith.mulf %get3A_137, %mul3A_138 : vector<16xf32>
        %swap3A_140 = arith.index_cast %scan3A_91 : i32 to index
        %swap3A_141 = arith.constant 48 : index
        %swap3A_142 = tpu.vector_load %arg12[%swap3A_140, %swap3A_141] {strides = array<i32>} : memref<128x128xf32, #tpu.memory_space<vmem>>, vector<1x16xf32>,
        %swap3A_143 = vector.shape_cast %swap3A_142 : vector<1x16xf32> to vector<16xf32>
        %swap3A_144 = vector.shape_cast %mul3A_139 : vector<16xf32> to vector<1x16xf32>
        tpu.vector_store %arg12[%swap3A_140, %swap3A_141], %swap3A_144 {strides = array<i32>} : memref<128x128xf32, #tpu.memory_space<vmem>>, vector<1x16xf32>,
        %slice3A_145 = vector.extract_strided_slice %get3A_95 {offsets = [6], sizes = [1], strides = [1]} : vector<16xf32> to vector<1xf32>
        %squeeze3A_146 = vector.extract %slice3A_145[0] : f32 from vector<1xf32>
        %get3A_147 = arith.index_cast %scan3A_91 : i32 to index
        %get3A_148 = arith.constant 64 : index
        %get3A_149 = tpu.vector_load %arg12[%get3A_147, %get3A_148] {strides = array<i32>} : memref<128x128xf32, #tpu.memory_space<vmem>>, vector<1x16xf32>,
        %get3A_150 = vector.shape_cast %get3A_149 : vector<1x16xf32> to vector<16xf32>
        %mul3A_151 = vector.broadcast %squeeze3A_146 : f32 to vector<16xf32>
        %mul3A_152 = arith.mulf %get3A_150, %mul3A_151 : vector<16xf32>
        %swap3A_153 = arith.index_cast %scan3A_91 : i32 to index
        %swap3A_154 = arith.constant 64 : index
        %swap3A_155 = tpu.vector_load %arg12[%swap3A_153, %swap3A_154] {strides = array<i32>} : memref<128x128xf32, #tpu.memory_space<vmem>>, vector<1x16xf32>,
        %swap3A_156 = vector.shape_cast %swap3A_155 : vector<1x16xf32> to vector<16xf32>
        %swap3A_157 = vector.shape_cast %mul3A_152 : vector<16xf32> to vector<1x16xf32>
        tpu.vector_store %arg12[%swap3A_153, %swap3A_154], %swap3A_157 {strides = array<i32>} : memref<128x128xf32, #tpu.memory_space<vmem>>, vector<1x16xf32>,
        %slice3A_158 = vector.extract_strided_slice %get3A_95 {offsets = [6], sizes = [1], strides = [1]} : vector<16xf32> to vector<1xf32>
        %squeeze3A_159 = vector.extract %slice3A_158[0] : f32 from vector<1xf32>
        %get3A_160 = arith.index_cast %scan3A_91 : i32 to index
        %get3A_161 = arith.constant 80 : index
        %get3A_162 = tpu.vector_load %arg12[%get3A_160, %get3A_161] {strides = array<i32>} : memref<128x128xf32, #tpu.memory_space<vmem>>, vector<1x16xf32>,
        %get3A_163 = vector.shape_cast %get3A_162 : vector<1x16xf32> to vector<16xf32>
        %mul3A_164 = vector.broadcast %squeeze3A_159 : f32 to vector<16xf32>
        %mul3A_165 = arith.mulf %get3A_163, %mul3A_164 : vector<16xf32>
        %swap3A_166 = arith.index_cast %scan3A_91 : i32 to index
        %swap3A_167 = arith.constant 80 : index
        %swap3A_168 = tpu.vector_load %arg12[%swap3A_166, %swap3A_167] {strides = array<i32>} : memref<128x128xf32, #tpu.memory_space<vmem>>, vector<1x16xf32>,
        %swap3A_169 = vector.shape_cast %swap3A_168 : vector<1x16xf32> to vector<16xf32>
        %swap3A_170 = vector.shape_cast %mul3A_165 : vector<16xf32> to vector<1x16xf32>
        tpu.vector_store %arg12[%swap3A_166, %swap3A_167], %swap3A_170 {strides = array<i32>} : memref<128x128xf32, #tpu.memory_space<vmem>>, vector<1x16xf32>,
        %slice3A_171 = vector.extract_strided_slice %get3A_95 {offsets = [7], sizes = [1], strides = [1]} : vector<16xf32> to vector<1xf32>
        %squeeze3A_172 = vector.extract %slice3A_171[0] : f32 from vector<1xf32>
        %get3A_173 = arith.index_cast %scan3A_91 : i32 to index
        %get3A_174 = arith.constant 96 : index
        %get3A_175 = tpu.vector_load %arg12[%get3A_173, %get3A_174] {strides = array<i32>} : memref<128x128xf32, #tpu.memory_space<vmem>>, vector<1x16xf32>,
        %get3A_176 = vector.shape_cast %get3A_175 : vector<1x16xf32> to vector<16xf32>
        %mul3A_177 = vector.broadcast %squeeze3A_172 : f32 to vector<16xf32>
        %mul3A_178 = arith.mulf %get3A_176, %mul3A_177 : vector<16xf32>
        %swap3A_179 = arith.index_cast %scan3A_91 : i32 to index
        %swap3A_180 = arith.constant 96 : index
        %swap3A_181 = tpu.vector_load %arg12[%swap3A_179, %swap3A_180] {strides = array<i32>} : memref<128x128xf32, #tpu.memory_space<vmem>>, vector<1x16xf32>,
        %swap3A_182 = vector.shape_cast %swap3A_181 : vector<1x16xf32> to vector<16xf32>
        %swap3A_183 = vector.shape_cast %mul3A_178 : vector<16xf32> to vector<1x16xf32>
        tpu.vector_store %arg12[%swap3A_179, %swap3A_180], %swap3A_183 {strides = array<i32>} : memref<128x128xf32, #tpu.memory_space<vmem>>, vector<1x16xf32>,
        %slice3A_184 = vector.extract_strided_slice %get3A_95 {offsets = [7], sizes = [1], strides = [1]} : vector<16xf32> to vector<1xf32>
        %squeeze3A_185 = vector.extract %slice3A_184[0] : f32 from vector<1xf32>
        %get3A_186 = arith.index_cast %scan3A_91 : i32 to index
        %get3A_187 = arith.constant 112 : index
        %get3A_188 = tpu.vector_load %arg12[%get3A_186, %get3A_187] {strides = array<i32>} : memref<128x128xf32, #tpu.memory_space<vmem>>, vector<1x16xf32>,
        %get3A_189 = vector.shape_cast %get3A_188 : vector<1x16xf32> to vector<16xf32>
        %mul3A_190 = vector.broadcast %squeeze3A_185 : f32 to vector<16xf32>
        %mul3A_191 = arith.mulf %get3A_189, %mul3A_190 : vector<16xf32>
        %swap3A_192 = arith.index_cast %scan3A_91 : i32 to index
        %swap3A_193 = arith.constant 112 : index
        %swap3A_194 = tpu.vector_load %arg12[%swap3A_192, %swap3A_193] {strides = array<i32>} : memref<128x128xf32, #tpu.memory_space<vmem>>, vector<1x16xf32>,
        %swap3A_195 = vector.shape_cast %swap3A_194 : vector<1x16xf32> to vector<16xf32>
        %swap3A_196 = vector.shape_cast %mul3A_191 : vector<16xf32> to vector<1x16xf32>
        tpu.vector_store %arg12[%swap3A_192, %swap3A_193], %swap3A_196 {strides = array<i32>} : memref<128x128xf32, #tpu.memory_space<vmem>>, vector<1x16xf32>,
        %scan3A_197 = arith.constant 0 : i32
        scf.yield %scan3A_197 : i32
      }
      %scan3A_89 = arith.constant 128 : i32
      "tpu.region"() ({
        %run_scoped3A = tpu.sem_alloc : memref<!tpu.dma_semaphore, #tpu.memory_space<semaphore_mem>>
        %dma_start3A_91 = arith.constant 0 : i32
        %dma_start3A_92 = tpu.memref_slice %arg10[%scan3A_57, %dma_start3A_91] : memref<88x128xi32, #tpu.memory_space<vmem>> -> memref<1x128xi32, #tpu.memory_space<vmem>>
        %dma_start3A_93 = tpu.memref_squeeze %dma_start3A_92 : memref<1x128xi32, #tpu.memory_space<vmem>> -> memref<128xi32, #tpu.memory_space<vmem>>
        %dma_start3A_94 = arith.constant 0 : i32
        %dma_start3A_95 = arith.constant 0 : i32
        %dma_start3A_96 = tpu.memref_slice %arg13[%dma_start3A_94, %dma_start3A_95] : memref<10240x128xf32, #tpu.memory_space<vmem_shared>> -> memref<10240x128xf32, #tpu.memory_space<vmem_shared>>
        tpu.enqueue_indirect_dma source(%arg12 : memref<128x128xf32, #tpu.memory_space<vmem>>) target(%dma_start3A_96 : memref<10240x128xf32, #tpu.memory_space<vmem_shared>>) offsets(%dma_start3A_93 : memref<128xi32, #tpu.memory_space<vmem>>) semaphore(%run_scoped3A : memref<!tpu.dma_semaphore, #tpu.memory_space<semaphore_mem>>) {add = true}
        %dma_wait3A_97 = arith.constant 0 : i32
        %dma_wait3A_98 = tpu.memref_slice %arg10[%scan3A_57, %dma_wait3A_97] : memref<88x128xi32, #tpu.memory_space<vmem>> -> memref<1x128xi32, #tpu.memory_space<vmem>>
        %dma_wait3A_99 = tpu.memref_squeeze %dma_wait3A_98 : memref<1x128xi32, #tpu.memory_space<vmem>> -> memref<128xi32, #tpu.memory_space<vmem>>
        %dma_wait3A_100 = arith.constant 0 : i32
        %dma_wait3A_101 = arith.constant 0 : i32
        %dma_wait3A_102 = tpu.memref_slice %arg13[%dma_wait3A_100, %dma_wait3A_101] : memref<10240x128xf32, #tpu.memory_space<vmem_shared>> -> memref<10240x128xf32, #tpu.memory_space<vmem_shared>>
        tpu.wait_indirect_dma semaphore(%run_scoped3A : memref<!tpu.dma_semaphore, #tpu.memory_space<semaphore_mem>>) src(%arg12 : memref<128x128xf32, #tpu.memory_space<vmem>>) dst(%dma_wait3A_102 : memref<10240x128xf32, #tpu.memory_space<vmem_shared>>)
        tpu.yield
      }) : () -> ()
      %scan3A_90 = arith.constant 0 : i32
      scf.yield %scan3A_90 : i32
    }
    %scan3A_55 = arith.constant 81 : i32
    %barrier3A_56 = arith.constant 0 : index
    tpu.barrier barrier_id(%barrier3A_56)
    "tpu.region"() ({
      %run_scoped3A = tpu.sem_alloc : memref<!tpu.dma_semaphore, #tpu.memory_space<semaphore_mem>>
      %dma_start3A = arith.constant 0 : i32
      %dma_start3A_57 = tpu.memref_slice %arg8[%arg0, %mul3A_2, %dma_start3A] : memref<2x10240x128xf32, #tpu.memory_space<hbm>> -> memref<1x640x128xf32, #tpu.memory_space<hbm>>
      %dma_start3A_58 = tpu.memref_squeeze %dma_start3A_57 : memref<1x640x128xf32, #tpu.memory_space<hbm>> -> memref<640x128xf32, #tpu.memory_space<hbm>>
      %dma_start3A_59 = arith.constant 0 : i32
      %dma_start3A_60 = tpu.memref_slice %arg13[%mul3A_2, %dma_start3A_59] : memref<10240x128xf32, #tpu.memory_space<vmem_shared>> -> memref<640x128xf32, #tpu.memory_space<vmem_shared>>
      tpu.enqueue_dma source(%dma_start3A_60 : memref<640x128xf32, #tpu.memory_space<vmem_shared>>) target(%dma_start3A_58 : memref<640x128xf32, #tpu.memory_space<hbm>>) target_semaphore(%run_scoped3A : memref<!tpu.dma_semaphore, #tpu.memory_space<semaphore_mem>>)
      %dma_wait3A = arith.constant 0 : i32
      %dma_wait3A_61 = tpu.memref_slice %arg8[%arg0, %mul3A_2, %dma_wait3A] : memref<2x10240x128xf32, #tpu.memory_space<hbm>> -> memref<1x640x128xf32, #tpu.memory_space<hbm>>
      %dma_wait3A_62 = tpu.memref_squeeze %dma_wait3A_61 : memref<1x640x128xf32, #tpu.memory_space<hbm>> -> memref<640x128xf32, #tpu.memory_space<hbm>>
      %dma_wait3A_63 = arith.constant 0 : i32
      %dma_wait3A_64 = tpu.memref_slice %arg13[%mul3A_2, %dma_wait3A_63] : memref<10240x128xf32, #tpu.memory_space<vmem_shared>> -> memref<640x128xf32, #tpu.memory_space<vmem_shared>>
      tpu.wait_dma2 semaphore(%run_scoped3A : memref<!tpu.dma_semaphore, #tpu.memory_space<semaphore_mem>>) src(%dma_wait3A_64 : memref<640x128xf32, #tpu.memory_space<vmem_shared>>) dst(%dma_wait3A_62 : memref<640x128xf32, #tpu.memory_space<hbm>>)
      tpu.yield
    }) : () -> ()
    return
  }
}

#map = affine_map<(d0, d1) -> (0, 0, 0)>
#map1 = affine_map<(d0, d1) -> (0, 0)>
module attributes {stable_mosaic.version = 14 : i64} {
  func.func @asum_k(%arg0: i32, %arg1: i32, %arg2: memref<32x88x128xi32, #tpu.memory_space<hbm>>, %arg3: memref<32x88x128xi32, #tpu.memory_space<hbm>>, %arg4: memref<10240x16xf32, #tpu.memory_space<hbm>>, %arg5: memref<2x10240x16xf32, #tpu.memory_space<hbm>>, %arg6: memref<32x10368x16xf32, #tpu.memory_space<hbm>>, %arg7: memref<88x128xi32, #tpu.memory_space<vmem>>, %arg8: memref<88x128xi32, #tpu.memory_space<vmem>>, %arg9: memref<128x16xf32, #tpu.memory_space<vmem>>, %arg10: memref<128x16xf32, #tpu.memory_space<vmem>>, %arg11: memref<128x16xf32, #tpu.memory_space<vmem>>, %arg12: memref<128x16xf32, #tpu.memory_space<vmem>>, %arg13: memref<128x16xf32, #tpu.memory_space<vmem>>, %arg14: memref<128x16xf32, #tpu.memory_space<vmem>>, %arg15: memref<10240x16xf32, #tpu.memory_space<vmem_shared>>, %arg16: memref<!tpu.dma_semaphore, #tpu.memory_space<semaphore_mem>>, %arg17: memref<!tpu.dma_semaphore, #tpu.memory_space<semaphore_mem>>, %arg18: memref<!tpu.dma_semaphore, #tpu.memory_space<semaphore_mem>>, %arg19: memref<!tpu.dma_semaphore, #tpu.memory_space<semaphore_mem>>) attributes {dimension_semantics = [#tpu.dimension_semantics<core_parallel>, #tpu.dimension_semantics<subcore_parallel>], iteration_bounds = array<i64: 2, 16>, scalar_prefetch = 0 : i64, scratch_operands = 13 : i64, tpu.core_type = #tpu.core_type<sc_vector_subcore>, window_params = [{transform_indices = #map}, {transform_indices = #map}, {transform_indices = #map1}, {transform_indices = #map}, {transform_indices = #map}]} {
    %mul3A = arith.constant 2 : i32
    %mul3A_0 = arith.muli %arg1, %mul3A : i32
    %add3A = arith.addi %mul3A_0, %arg0 : i32
    %mul3A_1 = arith.constant 640 : i32
    %mul3A_2 = arith.muli %arg1, %mul3A_1 : i32
    "tpu.region"() ({
      %run_scoped3A_76 = tpu.sem_alloc : memref<!tpu.dma_semaphore, #tpu.memory_space<semaphore_mem>>
      %dma_start3A_77 = arith.constant 0 : i32
      %dma_start3A_78 = arith.constant 0 : i32
      %dma_start3A_79 = tpu.memref_slice %arg2[%add3A, %dma_start3A_77, %dma_start3A_78] : memref<32x88x128xi32, #tpu.memory_space<hbm>> -> memref<1x88x128xi32, #tpu.memory_space<hbm>>
      %dma_start3A_80 = tpu.memref_squeeze %dma_start3A_79 : memref<1x88x128xi32, #tpu.memory_space<hbm>> -> memref<88x128xi32, #tpu.memory_space<hbm>>
      %dma_start3A_81 = arith.constant 0 : i32
      %dma_start3A_82 = arith.constant 0 : i32
      %dma_start3A_83 = tpu.memref_slice %arg2[%add3A, %dma_start3A_81, %dma_start3A_82] : memref<32x88x128xi32, #tpu.memory_space<hbm>> -> memref<1x88x128xi32, #tpu.memory_space<hbm>>
      %dma_start3A_84 = tpu.memref_squeeze %dma_start3A_83 : memref<1x88x128xi32, #tpu.memory_space<hbm>> -> memref<88x128xi32, #tpu.memory_space<hbm>>
      tpu.enqueue_dma source(%dma_start3A_84 : memref<88x128xi32, #tpu.memory_space<hbm>>) target(%arg7 : memref<88x128xi32, #tpu.memory_space<vmem>>) target_semaphore(%run_scoped3A_76 : memref<!tpu.dma_semaphore, #tpu.memory_space<semaphore_mem>>)
      %dma_wait3A_85 = arith.constant 0 : i32
      %dma_wait3A_86 = arith.constant 0 : i32
      %dma_wait3A_87 = tpu.memref_slice %arg2[%add3A, %dma_wait3A_85, %dma_wait3A_86] : memref<32x88x128xi32, #tpu.memory_space<hbm>> -> memref<1x88x128xi32, #tpu.memory_space<hbm>>
      %dma_wait3A_88 = tpu.memref_squeeze %dma_wait3A_87 : memref<1x88x128xi32, #tpu.memory_space<hbm>> -> memref<88x128xi32, #tpu.memory_space<hbm>>
      %dma_wait3A_89 = arith.constant 0 : i32
      %dma_wait3A_90 = arith.constant 0 : i32
      %dma_wait3A_91 = tpu.memref_slice %arg2[%add3A, %dma_wait3A_89, %dma_wait3A_90] : memref<32x88x128xi32, #tpu.memory_space<hbm>> -> memref<1x88x128xi32, #tpu.memory_space<hbm>>
      %dma_wait3A_92 = tpu.memref_squeeze %dma_wait3A_91 : memref<1x88x128xi32, #tpu.memory_space<hbm>> -> memref<88x128xi32, #tpu.memory_space<hbm>>
      tpu.wait_dma2 semaphore(%run_scoped3A_76 : memref<!tpu.dma_semaphore, #tpu.memory_space<semaphore_mem>>) src(%dma_wait3A_92 : memref<88x128xi32, #tpu.memory_space<hbm>>) dst(%arg7 : memref<88x128xi32, #tpu.memory_space<vmem>>)
      tpu.yield
    }) : () -> ()
    "tpu.region"() ({
      %run_scoped3A_76 = tpu.sem_alloc : memref<!tpu.dma_semaphore, #tpu.memory_space<semaphore_mem>>
      %dma_start3A_77 = arith.constant 0 : i32
      %dma_start3A_78 = arith.constant 0 : i32
      %dma_start3A_79 = tpu.memref_slice %arg3[%add3A, %dma_start3A_77, %dma_start3A_78] : memref<32x88x128xi32, #tpu.memory_space<hbm>> -> memref<1x88x128xi32, #tpu.memory_space<hbm>>
      %dma_start3A_80 = tpu.memref_squeeze %dma_start3A_79 : memref<1x88x128xi32, #tpu.memory_space<hbm>> -> memref<88x128xi32, #tpu.memory_space<hbm>>
      %dma_start3A_81 = arith.constant 0 : i32
      %dma_start3A_82 = arith.constant 0 : i32
      %dma_start3A_83 = tpu.memref_slice %arg3[%add3A, %dma_start3A_81, %dma_start3A_82] : memref<32x88x128xi32, #tpu.memory_space<hbm>> -> memref<1x88x128xi32, #tpu.memory_space<hbm>>
      %dma_start3A_84 = tpu.memref_squeeze %dma_start3A_83 : memref<1x88x128xi32, #tpu.memory_space<hbm>> -> memref<88x128xi32, #tpu.memory_space<hbm>>
      tpu.enqueue_dma source(%dma_start3A_84 : memref<88x128xi32, #tpu.memory_space<hbm>>) target(%arg8 : memref<88x128xi32, #tpu.memory_space<vmem>>) target_semaphore(%run_scoped3A_76 : memref<!tpu.dma_semaphore, #tpu.memory_space<semaphore_mem>>)
      %dma_wait3A_85 = arith.constant 0 : i32
      %dma_wait3A_86 = arith.constant 0 : i32
      %dma_wait3A_87 = tpu.memref_slice %arg3[%add3A, %dma_wait3A_85, %dma_wait3A_86] : memref<32x88x128xi32, #tpu.memory_space<hbm>> -> memref<1x88x128xi32, #tpu.memory_space<hbm>>
      %dma_wait3A_88 = tpu.memref_squeeze %dma_wait3A_87 : memref<1x88x128xi32, #tpu.memory_space<hbm>> -> memref<88x128xi32, #tpu.memory_space<hbm>>
      %dma_wait3A_89 = arith.constant 0 : i32
      %dma_wait3A_90 = arith.constant 0 : i32
      %dma_wait3A_91 = tpu.memref_slice %arg3[%add3A, %dma_wait3A_89, %dma_wait3A_90] : memref<32x88x128xi32, #tpu.memory_space<hbm>> -> memref<1x88x128xi32, #tpu.memory_space<hbm>>
      %dma_wait3A_92 = tpu.memref_squeeze %dma_wait3A_91 : memref<1x88x128xi32, #tpu.memory_space<hbm>> -> memref<88x128xi32, #tpu.memory_space<hbm>>
      tpu.wait_dma2 semaphore(%run_scoped3A_76 : memref<!tpu.dma_semaphore, #tpu.memory_space<semaphore_mem>>) src(%dma_wait3A_92 : memref<88x128xi32, #tpu.memory_space<hbm>>) dst(%arg8 : memref<88x128xi32, #tpu.memory_space<vmem>>)
      tpu.yield
    }) : () -> ()
    %broadcast_in_dim3A = arith.constant 0.000000e+00 : f32
    %broadcast_in_dim3A_3 = vector.broadcast %broadcast_in_dim3A : f32 to vector<16xf32>
    %scan3A = arith.constant 0 : i32
    %scan3A_4 = arith.constant 0 : i32
    %scan3A_5 = arith.constant 128 : i32
    %scan3A_6 = arith.addi %scan3A_4, %scan3A_5 : i32
    %scan3A_7 = arith.constant 1 : i32
    %scan3A_8 = scf.for %scan3A_76 = %scan3A_4 to %scan3A_6 step %scan3A_7 iter_args(%scan3A_77 = %scan3A) -> (i32)  : i32 {
      %swap3A = arith.index_cast %scan3A_76 : i32 to index
      %swap3A_78 = arith.constant 0 : index
      %swap3A_79 = tpu.vector_load %arg9[%swap3A, %swap3A_78] {strides = array<i32>} : memref<128x16xf32, #tpu.memory_space<vmem>>, vector<1x16xf32>,
      %swap3A_80 = vector.shape_cast %swap3A_79 : vector<1x16xf32> to vector<16xf32>
      %swap3A_81 = vector.shape_cast %broadcast_in_dim3A_3 : vector<16xf32> to vector<1x16xf32>
      tpu.vector_store %arg9[%swap3A, %swap3A_78], %swap3A_81 {strides = array<i32>} : memref<128x16xf32, #tpu.memory_space<vmem>>, vector<1x16xf32>,
      %scan3A_82 = arith.constant 0 : i32
      scf.yield %scan3A_82 : i32
    }
    %scan3A_9 = arith.constant 128 : i32
    %add3A_10 = arith.constant 0 : i32
    %add3A_11 = arith.addi %mul3A_2, %add3A_10 : i32
    "tpu.region"() ({
      %run_scoped3A_76 = tpu.sem_alloc : memref<!tpu.dma_semaphore, #tpu.memory_space<semaphore_mem>>
      %dma_start3A_77 = arith.constant 0 : i32
      %dma_start3A_78 = tpu.memref_slice %arg15[%add3A_11, %dma_start3A_77] : memref<10240x16xf32, #tpu.memory_space<vmem_shared>> -> memref<128x16xf32, #tpu.memory_space<vmem_shared>>
      %dma_start3A_79 = arith.constant 0 : i32
      %dma_start3A_80 = tpu.memref_slice %arg15[%add3A_11, %dma_start3A_79] : memref<10240x16xf32, #tpu.memory_space<vmem_shared>> -> memref<128x16xf32, #tpu.memory_space<vmem_shared>>
      tpu.enqueue_dma source(%arg9 : memref<128x16xf32, #tpu.memory_space<vmem>>) target(%dma_start3A_80 : memref<128x16xf32, #tpu.memory_space<vmem_shared>>) target_semaphore(%run_scoped3A_76 : memref<!tpu.dma_semaphore, #tpu.memory_space<semaphore_mem>>)
      %dma_wait3A_81 = arith.constant 0 : i32
      %dma_wait3A_82 = tpu.memref_slice %arg15[%add3A_11, %dma_wait3A_81] : memref<10240x16xf32, #tpu.memory_space<vmem_shared>> -> memref<128x16xf32, #tpu.memory_space<vmem_shared>>
      %dma_wait3A_83 = arith.constant 0 : i32
      %dma_wait3A_84 = tpu.memref_slice %arg15[%add3A_11, %dma_wait3A_83] : memref<10240x16xf32, #tpu.memory_space<vmem_shared>> -> memref<128x16xf32, #tpu.memory_space<vmem_shared>>
      tpu.wait_dma2 semaphore(%run_scoped3A_76 : memref<!tpu.dma_semaphore, #tpu.memory_space<semaphore_mem>>) src(%arg9 : memref<128x16xf32, #tpu.memory_space<vmem>>) dst(%dma_wait3A_84 : memref<128x16xf32, #tpu.memory_space<vmem_shared>>)
      tpu.yield
    }) : () -> ()
    %add3A_12 = arith.constant 128 : i32
    %add3A_13 = arith.addi %mul3A_2, %add3A_12 : i32
    "tpu.region"() ({
      %run_scoped3A_76 = tpu.sem_alloc : memref<!tpu.dma_semaphore, #tpu.memory_space<semaphore_mem>>
      %dma_start3A_77 = arith.constant 0 : i32
      %dma_start3A_78 = tpu.memref_slice %arg15[%add3A_13, %dma_start3A_77] : memref<10240x16xf32, #tpu.memory_space<vmem_shared>> -> memref<128x16xf32, #tpu.memory_space<vmem_shared>>
      %dma_start3A_79 = arith.constant 0 : i32
      %dma_start3A_80 = tpu.memref_slice %arg15[%add3A_13, %dma_start3A_79] : memref<10240x16xf32, #tpu.memory_space<vmem_shared>> -> memref<128x16xf32, #tpu.memory_space<vmem_shared>>
      tpu.enqueue_dma source(%arg9 : memref<128x16xf32, #tpu.memory_space<vmem>>) target(%dma_start3A_80 : memref<128x16xf32, #tpu.memory_space<vmem_shared>>) target_semaphore(%run_scoped3A_76 : memref<!tpu.dma_semaphore, #tpu.memory_space<semaphore_mem>>)
      %dma_wait3A_81 = arith.constant 0 : i32
      %dma_wait3A_82 = tpu.memref_slice %arg15[%add3A_13, %dma_wait3A_81] : memref<10240x16xf32, #tpu.memory_space<vmem_shared>> -> memref<128x16xf32, #tpu.memory_space<vmem_shared>>
      %dma_wait3A_83 = arith.constant 0 : i32
      %dma_wait3A_84 = tpu.memref_slice %arg15[%add3A_13, %dma_wait3A_83] : memref<10240x16xf32, #tpu.memory_space<vmem_shared>> -> memref<128x16xf32, #tpu.memory_space<vmem_shared>>
      tpu.wait_dma2 semaphore(%run_scoped3A_76 : memref<!tpu.dma_semaphore, #tpu.memory_space<semaphore_mem>>) src(%arg9 : memref<128x16xf32, #tpu.memory_space<vmem>>) dst(%dma_wait3A_84 : memref<128x16xf32, #tpu.memory_space<vmem_shared>>)
      tpu.yield
    }) : () -> ()
    %add3A_14 = arith.constant 256 : i32
    %add3A_15 = arith.addi %mul3A_2, %add3A_14 : i32
    "tpu.region"() ({
      %run_scoped3A_76 = tpu.sem_alloc : memref<!tpu.dma_semaphore, #tpu.memory_space<semaphore_mem>>
      %dma_start3A_77 = arith.constant 0 : i32
      %dma_start3A_78 = tpu.memref_slice %arg15[%add3A_15, %dma_start3A_77] : memref<10240x16xf32, #tpu.memory_space<vmem_shared>> -> memref<128x16xf32, #tpu.memory_space<vmem_shared>>
      %dma_start3A_79 = arith.constant 0 : i32
      %dma_start3A_80 = tpu.memref_slice %arg15[%add3A_15, %dma_start3A_79] : memref<10240x16xf32, #tpu.memory_space<vmem_shared>> -> memref<128x16xf32, #tpu.memory_space<vmem_shared>>
      tpu.enqueue_dma source(%arg9 : memref<128x16xf32, #tpu.memory_space<vmem>>) target(%dma_start3A_80 : memref<128x16xf32, #tpu.memory_space<vmem_shared>>) target_semaphore(%run_scoped3A_76 : memref<!tpu.dma_semaphore, #tpu.memory_space<semaphore_mem>>)
      %dma_wait3A_81 = arith.constant 0 : i32
      %dma_wait3A_82 = tpu.memref_slice %arg15[%add3A_15, %dma_wait3A_81] : memref<10240x16xf32, #tpu.memory_space<vmem_shared>> -> memref<128x16xf32, #tpu.memory_space<vmem_shared>>
      %dma_wait3A_83 = arith.constant 0 : i32
      %dma_wait3A_84 = tpu.memref_slice %arg15[%add3A_15, %dma_wait3A_83] : memref<10240x16xf32, #tpu.memory_space<vmem_shared>> -> memref<128x16xf32, #tpu.memory_space<vmem_shared>>
      tpu.wait_dma2 semaphore(%run_scoped3A_76 : memref<!tpu.dma_semaphore, #tpu.memory_space<semaphore_mem>>) src(%arg9 : memref<128x16xf32, #tpu.memory_space<vmem>>) dst(%dma_wait3A_84 : memref<128x16xf32, #tpu.memory_space<vmem_shared>>)
      tpu.yield
    }) : () -> ()
    %add3A_16 = arith.constant 384 : i32
    %add3A_17 = arith.addi %mul3A_2, %add3A_16 : i32
    "tpu.region"() ({
      %run_scoped3A_76 = tpu.sem_alloc : memref<!tpu.dma_semaphore, #tpu.memory_space<semaphore_mem>>
      %dma_start3A_77 = arith.constant 0 : i32
      %dma_start3A_78 = tpu.memref_slice %arg15[%add3A_17, %dma_start3A_77] : memref<10240x16xf32, #tpu.memory_space<vmem_shared>> -> memref<128x16xf32, #tpu.memory_space<vmem_shared>>
      %dma_start3A_79 = arith.constant 0 : i32
      %dma_start3A_80 = tpu.memref_slice %arg15[%add3A_17, %dma_start3A_79] : memref<10240x16xf32, #tpu.memory_space<vmem_shared>> -> memref<128x16xf32, #tpu.memory_space<vmem_shared>>
      tpu.enqueue_dma source(%arg9 : memref<128x16xf32, #tpu.memory_space<vmem>>) target(%dma_start3A_80 : memref<128x16xf32, #tpu.memory_space<vmem_shared>>) target_semaphore(%run_scoped3A_76 : memref<!tpu.dma_semaphore, #tpu.memory_space<semaphore_mem>>)
      %dma_wait3A_81 = arith.constant 0 : i32
      %dma_wait3A_82 = tpu.memref_slice %arg15[%add3A_17, %dma_wait3A_81] : memref<10240x16xf32, #tpu.memory_space<vmem_shared>> -> memref<128x16xf32, #tpu.memory_space<vmem_shared>>
      %dma_wait3A_83 = arith.constant 0 : i32
      %dma_wait3A_84 = tpu.memref_slice %arg15[%add3A_17, %dma_wait3A_83] : memref<10240x16xf32, #tpu.memory_space<vmem_shared>> -> memref<128x16xf32, #tpu.memory_space<vmem_shared>>
      tpu.wait_dma2 semaphore(%run_scoped3A_76 : memref<!tpu.dma_semaphore, #tpu.memory_space<semaphore_mem>>) src(%arg9 : memref<128x16xf32, #tpu.memory_space<vmem>>) dst(%dma_wait3A_84 : memref<128x16xf32, #tpu.memory_space<vmem_shared>>)
      tpu.yield
    }) : () -> ()
    %add3A_18 = arith.constant 512 : i32
    %add3A_19 = arith.addi %mul3A_2, %add3A_18 : i32
    "tpu.region"() ({
      %run_scoped3A_76 = tpu.sem_alloc : memref<!tpu.dma_semaphore, #tpu.memory_space<semaphore_mem>>
      %dma_start3A_77 = arith.constant 0 : i32
      %dma_start3A_78 = tpu.memref_slice %arg15[%add3A_19, %dma_start3A_77] : memref<10240x16xf32, #tpu.memory_space<vmem_shared>> -> memref<128x16xf32, #tpu.memory_space<vmem_shared>>
      %dma_start3A_79 = arith.constant 0 : i32
      %dma_start3A_80 = tpu.memref_slice %arg15[%add3A_19, %dma_start3A_79] : memref<10240x16xf32, #tpu.memory_space<vmem_shared>> -> memref<128x16xf32, #tpu.memory_space<vmem_shared>>
      tpu.enqueue_dma source(%arg9 : memref<128x16xf32, #tpu.memory_space<vmem>>) target(%dma_start3A_80 : memref<128x16xf32, #tpu.memory_space<vmem_shared>>) target_semaphore(%run_scoped3A_76 : memref<!tpu.dma_semaphore, #tpu.memory_space<semaphore_mem>>)
      %dma_wait3A_81 = arith.constant 0 : i32
      %dma_wait3A_82 = tpu.memref_slice %arg15[%add3A_19, %dma_wait3A_81] : memref<10240x16xf32, #tpu.memory_space<vmem_shared>> -> memref<128x16xf32, #tpu.memory_space<vmem_shared>>
      %dma_wait3A_83 = arith.constant 0 : i32
      %dma_wait3A_84 = tpu.memref_slice %arg15[%add3A_19, %dma_wait3A_83] : memref<10240x16xf32, #tpu.memory_space<vmem_shared>> -> memref<128x16xf32, #tpu.memory_space<vmem_shared>>
      tpu.wait_dma2 semaphore(%run_scoped3A_76 : memref<!tpu.dma_semaphore, #tpu.memory_space<semaphore_mem>>) src(%arg9 : memref<128x16xf32, #tpu.memory_space<vmem>>) dst(%dma_wait3A_84 : memref<128x16xf32, #tpu.memory_space<vmem_shared>>)
      tpu.yield
    }) : () -> ()
    %barrier3A = arith.constant 0 : index
    tpu.barrier barrier_id(%barrier3A)
    %scan3A_20 = arith.constant 0 : i32
    %scan3A_21 = arith.constant 0 : i32
    %scan3A_22 = arith.constant 40 : i32
    %scan3A_23 = arith.addi %scan3A_21, %scan3A_22 : i32
    %scan3A_24 = arith.constant 1 : i32
    scf.for %scan3A_76 = %scan3A_21 to %scan3A_23 step %scan3A_24  : i32 {
      %mul3A_77 = arith.constant 2 : i32
      %mul3A_78 = arith.muli %mul3A_77, %scan3A_76 : i32
      %dma_start3A_79 = arith.constant 0 : i32
      %dma_start3A_80 = tpu.memref_slice %arg7[%mul3A_78, %dma_start3A_79] : memref<88x128xi32, #tpu.memory_space<vmem>> -> memref<1x128xi32, #tpu.memory_space<vmem>>
      %dma_start3A_81 = tpu.memref_squeeze %dma_start3A_80 : memref<1x128xi32, #tpu.memory_space<vmem>> -> memref<128xi32, #tpu.memory_space<vmem>>
      %dma_start3A_82 = arith.constant 0 : i32
      %dma_start3A_83 = arith.constant 0 : i32
      %dma_start3A_84 = tpu.memref_slice %arg4[%dma_start3A_82, %dma_start3A_83] : memref<10240x16xf32, #tpu.memory_space<hbm>> -> memref<10240x16xf32, #tpu.memory_space<hbm>>
      tpu.enqueue_indirect_dma source(%dma_start3A_84 : memref<10240x16xf32, #tpu.memory_space<hbm>>) target(%arg9 : memref<128x16xf32, #tpu.memory_space<vmem>>) offsets(%dma_start3A_81 : memref<128xi32, #tpu.memory_space<vmem>>) semaphore(%arg16 : memref<!tpu.dma_semaphore, #tpu.memory_space<semaphore_mem>>)
      %dma_start3A_85 = arith.constant 0 : i32
      %dma_start3A_86 = tpu.memref_slice %arg8[%mul3A_78, %dma_start3A_85] : memref<88x128xi32, #tpu.memory_space<vmem>> -> memref<1x128xi32, #tpu.memory_space<vmem>>
      %dma_start3A_87 = tpu.memref_squeeze %dma_start3A_86 : memref<1x128xi32, #tpu.memory_space<vmem>> -> memref<128xi32, #tpu.memory_space<vmem>>
      %dma_start3A_88 = arith.constant 0 : i32
      %dma_start3A_89 = arith.constant 0 : i32
      %dma_start3A_90 = tpu.memref_slice %arg4[%dma_start3A_88, %dma_start3A_89] : memref<10240x16xf32, #tpu.memory_space<hbm>> -> memref<10240x16xf32, #tpu.memory_space<hbm>>
      tpu.enqueue_indirect_dma source(%dma_start3A_90 : memref<10240x16xf32, #tpu.memory_space<hbm>>) target(%arg10 : memref<128x16xf32, #tpu.memory_space<vmem>>) offsets(%dma_start3A_87 : memref<128xi32, #tpu.memory_space<vmem>>) semaphore(%arg17 : memref<!tpu.dma_semaphore, #tpu.memory_space<semaphore_mem>>)
      %add3A_91 = arith.constant 1 : i32
      %add3A_92 = arith.addi %mul3A_78, %add3A_91 : i32
      %dma_start3A_93 = arith.constant 0 : i32
      %dma_start3A_94 = tpu.memref_slice %arg7[%add3A_92, %dma_start3A_93] : memref<88x128xi32, #tpu.memory_space<vmem>> -> memref<1x128xi32, #tpu.memory_space<vmem>>
      %dma_start3A_95 = tpu.memref_squeeze %dma_start3A_94 : memref<1x128xi32, #tpu.memory_space<vmem>> -> memref<128xi32, #tpu.memory_space<vmem>>
      %dma_start3A_96 = arith.constant 0 : i32
      %dma_start3A_97 = arith.constant 0 : i32
      %dma_start3A_98 = tpu.memref_slice %arg4[%dma_start3A_96, %dma_start3A_97] : memref<10240x16xf32, #tpu.memory_space<hbm>> -> memref<10240x16xf32, #tpu.memory_space<hbm>>
      tpu.enqueue_indirect_dma source(%dma_start3A_98 : memref<10240x16xf32, #tpu.memory_space<hbm>>) target(%arg11 : memref<128x16xf32, #tpu.memory_space<vmem>>) offsets(%dma_start3A_95 : memref<128xi32, #tpu.memory_space<vmem>>) semaphore(%arg18 : memref<!tpu.dma_semaphore, #tpu.memory_space<semaphore_mem>>)
      %dma_start3A_99 = arith.constant 0 : i32
      %dma_start3A_100 = tpu.memref_slice %arg8[%add3A_92, %dma_start3A_99] : memref<88x128xi32, #tpu.memory_space<vmem>> -> memref<1x128xi32, #tpu.memory_space<vmem>>
      %dma_start3A_101 = tpu.memref_squeeze %dma_start3A_100 : memref<1x128xi32, #tpu.memory_space<vmem>> -> memref<128xi32, #tpu.memory_space<vmem>>
      %dma_start3A_102 = arith.constant 0 : i32
      %dma_start3A_103 = arith.constant 0 : i32
      %dma_start3A_104 = tpu.memref_slice %arg4[%dma_start3A_102, %dma_start3A_103] : memref<10240x16xf32, #tpu.memory_space<hbm>> -> memref<10240x16xf32, #tpu.memory_space<hbm>>
      tpu.enqueue_indirect_dma source(%dma_start3A_104 : memref<10240x16xf32, #tpu.memory_space<hbm>>) target(%arg12 : memref<128x16xf32, #tpu.memory_space<vmem>>) offsets(%dma_start3A_101 : memref<128xi32, #tpu.memory_space<vmem>>) semaphore(%arg19 : memref<!tpu.dma_semaphore, #tpu.memory_space<semaphore_mem>>)
      %dma_wait3A_105 = arith.constant 0 : i32
      %dma_wait3A_106 = tpu.memref_slice %arg7[%mul3A_78, %dma_wait3A_105] : memref<88x128xi32, #tpu.memory_space<vmem>> -> memref<1x128xi32, #tpu.memory_space<vmem>>
      %dma_wait3A_107 = tpu.memref_squeeze %dma_wait3A_106 : memref<1x128xi32, #tpu.memory_space<vmem>> -> memref<128xi32, #tpu.memory_space<vmem>>
      %dma_wait3A_108 = arith.constant 0 : i32
      %dma_wait3A_109 = arith.constant 0 : i32
      %dma_wait3A_110 = tpu.memref_slice %arg4[%dma_wait3A_108, %dma_wait3A_109] : memref<10240x16xf32, #tpu.memory_space<hbm>> -> memref<10240x16xf32, #tpu.memory_space<hbm>>
      tpu.wait_indirect_dma semaphore(%arg16 : memref<!tpu.dma_semaphore, #tpu.memory_space<semaphore_mem>>) src(%dma_wait3A_110 : memref<10240x16xf32, #tpu.memory_space<hbm>>) dst(%arg9 : memref<128x16xf32, #tpu.memory_space<vmem>>)
      %dma_wait3A_111 = arith.constant 0 : i32
      %dma_wait3A_112 = tpu.memref_slice %arg8[%mul3A_78, %dma_wait3A_111] : memref<88x128xi32, #tpu.memory_space<vmem>> -> memref<1x128xi32, #tpu.memory_space<vmem>>
      %dma_wait3A_113 = tpu.memref_squeeze %dma_wait3A_112 : memref<1x128xi32, #tpu.memory_space<vmem>> -> memref<128xi32, #tpu.memory_space<vmem>>
      %dma_wait3A_114 = arith.constant 0 : i32
      %dma_wait3A_115 = arith.constant 0 : i32
      %dma_wait3A_116 = tpu.memref_slice %arg4[%dma_wait3A_114, %dma_wait3A_115] : memref<10240x16xf32, #tpu.memory_space<hbm>> -> memref<10240x16xf32, #tpu.memory_space<hbm>>
      tpu.wait_indirect_dma semaphore(%arg17 : memref<!tpu.dma_semaphore, #tpu.memory_space<semaphore_mem>>) src(%dma_wait3A_116 : memref<10240x16xf32, #tpu.memory_space<hbm>>) dst(%arg10 : memref<128x16xf32, #tpu.memory_space<vmem>>)
      %scan3A_117 = arith.constant 0 : i32
      %scan3A_118 = arith.constant 0 : i32
      %scan3A_119 = arith.constant 128 : i32
      %scan3A_120 = arith.addi %scan3A_118, %scan3A_119 : i32
      %scan3A_121 = arith.constant 1 : i32
      %scan3A_122 = scf.for %scan3A_173 = %scan3A_118 to %scan3A_120 step %scan3A_121 iter_args(%scan3A_174 = %scan3A_117) -> (i32)  : i32 {
        %get3A = arith.index_cast %scan3A_173 : i32 to index
        %get3A_175 = arith.constant 0 : index
        %get3A_176 = tpu.vector_load %arg9[%get3A, %get3A_175] {strides = array<i32>} : memref<128x16xf32, #tpu.memory_space<vmem>>, vector<1x16xf32>,
        %get3A_177 = vector.shape_cast %get3A_176 : vector<1x16xf32> to vector<16xf32>
        %get3A_178 = arith.index_cast %scan3A_173 : i32 to index
        %get3A_179 = arith.constant 0 : index
        %get3A_180 = tpu.vector_load %arg10[%get3A_178, %get3A_179] {strides = array<i32>} : memref<128x16xf32, #tpu.memory_space<vmem>>, vector<1x16xf32>,
        %get3A_181 = vector.shape_cast %get3A_180 : vector<1x16xf32> to vector<16xf32>
        %rev3A = arith.constant 15 : i32
        %rev3A_182 = vector.broadcast %rev3A : i32 to vector<16xi32>
        %rev3A_183 = tpu.iota {dimensions = array<i32: 0>} : vector<16xi32>
        %rev3A_184 = arith.subi %rev3A_182, %rev3A_183 : vector<16xi32>
        %rev3A_185 = tpu.dynamic_gather %get3A_181[%rev3A_184] in [0] : vector<16xf32>, vector<16xi32> -> vector<16xf32>
        %add3A_186 = arith.addf %get3A_177, %rev3A_185 : vector<16xf32>
        %ge3A = arith.constant 0.000000e+00 : f32
        %ge3A_187 = vector.broadcast %ge3A : f32 to vector<16xf32>
        %ge3A_188 = arith.cmpf oge, %add3A_186, %ge3A_187 : vector<16xf32>
        %mul3A_189 = arith.constant 2.000000e-01 : f32
        %mul3A_190 = vector.broadcast %mul3A_189 : f32 to vector<16xf32>
        %mul3A_191 = arith.mulf %mul3A_190, %add3A_186 : vector<16xf32>
        %select_n3A = arith.select %ge3A_188, %add3A_186, %mul3A_191 : vector<16xi1>, vector<16xf32>
        %exp3A = math.exp %select_n3A : vector<16xf32>
        %swap3A = arith.index_cast %scan3A_173 : i32 to index
        %swap3A_192 = arith.constant 0 : index
        %swap3A_193 = tpu.vector_load %arg13[%swap3A, %swap3A_192] {strides = array<i32>} : memref<128x16xf32, #tpu.memory_space<vmem>>, vector<1x16xf32>,
        %swap3A_194 = vector.shape_cast %swap3A_193 : vector<1x16xf32> to vector<16xf32>
        %swap3A_195 = vector.shape_cast %exp3A : vector<16xf32> to vector<1x16xf32>
        tpu.vector_store %arg13[%swap3A, %swap3A_192], %swap3A_195 {strides = array<i32>} : memref<128x16xf32, #tpu.memory_space<vmem>>, vector<1x16xf32>,
        %scan3A_196 = arith.constant 0 : i32
        scf.yield %scan3A_196 : i32
      }
      %scan3A_123 = arith.constant 128 : i32
      %mul3A_124 = arith.constant 128 : i32
      %mul3A_125 = arith.muli %mul3A_78, %mul3A_124 : i32
      %dma_start3A_126 = arith.constant 0 : i32
      %dma_start3A_127 = tpu.memref_slice %arg6[%add3A, %mul3A_125, %dma_start3A_126] : memref<32x10368x16xf32, #tpu.memory_space<hbm>> -> memref<1x128x16xf32, #tpu.memory_space<hbm>>
      %dma_start3A_128 = tpu.memref_squeeze %dma_start3A_127 : memref<1x128x16xf32, #tpu.memory_space<hbm>> -> memref<128x16xf32, #tpu.memory_space<hbm>>
      %dma_start3A_129 = arith.constant 0 : i32
      %dma_start3A_130 = tpu.memref_slice %arg6[%add3A, %mul3A_125, %dma_start3A_129] : memref<32x10368x16xf32, #tpu.memory_space<hbm>> -> memref<1x128x16xf32, #tpu.memory_space<hbm>>
      %dma_start3A_131 = tpu.memref_squeeze %dma_start3A_130 : memref<1x128x16xf32, #tpu.memory_space<hbm>> -> memref<128x16xf32, #tpu.memory_space<hbm>>
      tpu.enqueue_dma source(%arg13 : memref<128x16xf32, #tpu.memory_space<vmem>>) target(%dma_start3A_131 : memref<128x16xf32, #tpu.memory_space<hbm>>) target_semaphore(%arg16 : memref<!tpu.dma_semaphore, #tpu.memory_space<semaphore_mem>>)
      "tpu.region"() ({
        %run_scoped3A_173 = tpu.sem_alloc : memref<!tpu.dma_semaphore, #tpu.memory_space<semaphore_mem>>
        %dma_start3A_174 = arith.constant 0 : i32
        %dma_start3A_175 = tpu.memref_slice %arg8[%mul3A_78, %dma_start3A_174] : memref<88x128xi32, #tpu.memory_space<vmem>> -> memref<1x128xi32, #tpu.memory_space<vmem>>
        %dma_start3A_176 = tpu.memref_squeeze %dma_start3A_175 : memref<1x128xi32, #tpu.memory_space<vmem>> -> memref<128xi32, #tpu.memory_space<vmem>>
        %dma_start3A_177 = arith.constant 0 : i32
        %dma_start3A_178 = arith.constant 0 : i32
        %dma_start3A_179 = tpu.memref_slice %arg15[%dma_start3A_177, %dma_start3A_178] : memref<10240x16xf32, #tpu.memory_space<vmem_shared>> -> memref<10240x16xf32, #tpu.memory_space<vmem_shared>>
        tpu.enqueue_indirect_dma source(%arg13 : memref<128x16xf32, #tpu.memory_space<vmem>>) target(%dma_start3A_179 : memref<10240x16xf32, #tpu.memory_space<vmem_shared>>) offsets(%dma_start3A_176 : memref<128xi32, #tpu.memory_space<vmem>>) semaphore(%run_scoped3A_173 : memref<!tpu.dma_semaphore, #tpu.memory_space<semaphore_mem>>) {add = true}
        %dma_wait3A_180 = arith.constant 0 : i32
        %dma_wait3A_181 = tpu.memref_slice %arg8[%mul3A_78, %dma_wait3A_180] : memref<88x128xi32, #tpu.memory_space<vmem>> -> memref<1x128xi32, #tpu.memory_space<vmem>>
        %dma_wait3A_182 = tpu.memref_squeeze %dma_wait3A_181 : memref<1x128xi32, #tpu.memory_space<vmem>> -> memref<128xi32, #tpu.memory_space<vmem>>
        %dma_wait3A_183 = arith.constant 0 : i32
        %dma_wait3A_184 = arith.constant 0 : i32
        %dma_wait3A_185 = tpu.memref_slice %arg15[%dma_wait3A_183, %dma_wait3A_184] : memref<10240x16xf32, #tpu.memory_space<vmem_shared>> -> memref<10240x16xf32, #tpu.memory_space<vmem_shared>>
        tpu.wait_indirect_dma semaphore(%run_scoped3A_173 : memref<!tpu.dma_semaphore, #tpu.memory_space<semaphore_mem>>) src(%arg13 : memref<128x16xf32, #tpu.memory_space<vmem>>) dst(%dma_wait3A_185 : memref<10240x16xf32, #tpu.memory_space<vmem_shared>>)
        tpu.yield
      }) : () -> ()
      %add3A_132 = arith.constant 1 : i32
      %add3A_133 = arith.addi %mul3A_78, %add3A_132 : i32
      %dma_wait3A_134 = arith.constant 0 : i32
      %dma_wait3A_135 = tpu.memref_slice %arg7[%add3A_92, %dma_wait3A_134] : memref<88x128xi32, #tpu.memory_space<vmem>> -> memref<1x128xi32, #tpu.memory_space<vmem>>
      %dma_wait3A_136 = tpu.memref_squeeze %dma_wait3A_135 : memref<1x128xi32, #tpu.memory_space<vmem>> -> memref<128xi32, #tpu.memory_space<vmem>>
      %dma_wait3A_137 = arith.constant 0 : i32
      %dma_wait3A_138 = arith.constant 0 : i32
      %dma_wait3A_139 = tpu.memref_slice %arg4[%dma_wait3A_137, %dma_wait3A_138] : memref<10240x16xf32, #tpu.memory_space<hbm>> -> memref<10240x16xf32, #tpu.memory_space<hbm>>
      tpu.wait_indirect_dma semaphore(%arg18 : memref<!tpu.dma_semaphore, #tpu.memory_space<semaphore_mem>>) src(%dma_wait3A_139 : memref<10240x16xf32, #tpu.memory_space<hbm>>) dst(%arg11 : memref<128x16xf32, #tpu.memory_space<vmem>>)
      %dma_wait3A_140 = arith.constant 0 : i32
      %dma_wait3A_141 = tpu.memref_slice %arg8[%add3A_92, %dma_wait3A_140] : memref<88x128xi32, #tpu.memory_space<vmem>> -> memref<1x128xi32, #tpu.memory_space<vmem>>
      %dma_wait3A_142 = tpu.memref_squeeze %dma_wait3A_141 : memref<1x128xi32, #tpu.memory_space<vmem>> -> memref<128xi32, #tpu.memory_space<vmem>>
      %dma_wait3A_143 = arith.constant 0 : i32
      %dma_wait3A_144 = arith.constant 0 : i32
      %dma_wait3A_145 = tpu.memref_slice %arg4[%dma_wait3A_143, %dma_wait3A_144] : memref<10240x16xf32, #tpu.memory_space<hbm>> -> memref<10240x16xf32, #tpu.memory_space<hbm>>
      tpu.wait_indirect_dma semaphore(%arg19 : memref<!tpu.dma_semaphore, #tpu.memory_space<semaphore_mem>>) src(%dma_wait3A_145 : memref<10240x16xf32, #tpu.memory_space<hbm>>) dst(%arg12 : memref<128x16xf32, #tpu.memory_space<vmem>>)
      %scan3A_146 = arith.constant 0 : i32
      %scan3A_147 = arith.constant 0 : i32
      %scan3A_148 = arith.constant 128 : i32
      %scan3A_149 = arith.addi %scan3A_147, %scan3A_148 : i32
      %scan3A_150 = arith.constant 1 : i32
      %scan3A_151 = scf.for %scan3A_173 = %scan3A_147 to %scan3A_149 step %scan3A_150 iter_args(%scan3A_174 = %scan3A_146) -> (i32)  : i32 {
        %get3A = arith.index_cast %scan3A_173 : i32 to index
        %get3A_175 = arith.constant 0 : index
        %get3A_176 = tpu.vector_load %arg11[%get3A, %get3A_175] {strides = array<i32>} : memref<128x16xf32, #tpu.memory_space<vmem>>, vector<1x16xf32>,
        %get3A_177 = vector.shape_cast %get3A_176 : vector<1x16xf32> to vector<16xf32>
        %get3A_178 = arith.index_cast %scan3A_173 : i32 to index
        %get3A_179 = arith.constant 0 : index
        %get3A_180 = tpu.vector_load %arg12[%get3A_178, %get3A_179] {strides = array<i32>} : memref<128x16xf32, #tpu.memory_space<vmem>>, vector<1x16xf32>,
        %get3A_181 = vector.shape_cast %get3A_180 : vector<1x16xf32> to vector<16xf32>
        %rev3A = arith.constant 15 : i32
        %rev3A_182 = vector.broadcast %rev3A : i32 to vector<16xi32>
        %rev3A_183 = tpu.iota {dimensions = array<i32: 0>} : vector<16xi32>
        %rev3A_184 = arith.subi %rev3A_182, %rev3A_183 : vector<16xi32>
        %rev3A_185 = tpu.dynamic_gather %get3A_181[%rev3A_184] in [0] : vector<16xf32>, vector<16xi32> -> vector<16xf32>
        %add3A_186 = arith.addf %get3A_177, %rev3A_185 : vector<16xf32>
        %ge3A = arith.constant 0.000000e+00 : f32
        %ge3A_187 = vector.broadcast %ge3A : f32 to vector<16xf32>
        %ge3A_188 = arith.cmpf oge, %add3A_186, %ge3A_187 : vector<16xf32>
        %mul3A_189 = arith.constant 2.000000e-01 : f32
        %mul3A_190 = vector.broadcast %mul3A_189 : f32 to vector<16xf32>
        %mul3A_191 = arith.mulf %mul3A_190, %add3A_186 : vector<16xf32>
        %select_n3A = arith.select %ge3A_188, %add3A_186, %mul3A_191 : vector<16xi1>, vector<16xf32>
        %exp3A = math.exp %select_n3A : vector<16xf32>
        %swap3A = arith.index_cast %scan3A_173 : i32 to index
        %swap3A_192 = arith.constant 0 : index
        %swap3A_193 = tpu.vector_load %arg14[%swap3A, %swap3A_192] {strides = array<i32>} : memref<128x16xf32, #tpu.memory_space<vmem>>, vector<1x16xf32>,
        %swap3A_194 = vector.shape_cast %swap3A_193 : vector<1x16xf32> to vector<16xf32>
        %swap3A_195 = vector.shape_cast %exp3A : vector<16xf32> to vector<1x16xf32>
        tpu.vector_store %arg14[%swap3A, %swap3A_192], %swap3A_195 {strides = array<i32>} : memref<128x16xf32, #tpu.memory_space<vmem>>, vector<1x16xf32>,
        %scan3A_196 = arith.constant 0 : i32
        scf.yield %scan3A_196 : i32
      }
      %scan3A_152 = arith.constant 128 : i32
      %mul3A_153 = arith.constant 128 : i32
      %mul3A_154 = arith.muli %add3A_133, %mul3A_153 : i32
      %dma_start3A_155 = arith.constant 0 : i32
      %dma_start3A_156 = tpu.memref_slice %arg6[%add3A, %mul3A_154, %dma_start3A_155] : memref<32x10368x16xf32, #tpu.memory_space<hbm>> -> memref<1x128x16xf32, #tpu.memory_space<hbm>>
      %dma_start3A_157 = tpu.memref_squeeze %dma_start3A_156 : memref<1x128x16xf32, #tpu.memory_space<hbm>> -> memref<128x16xf32, #tpu.memory_space<hbm>>
      %dma_start3A_158 = arith.constant 0 : i32
      %dma_start3A_159 = tpu.memref_slice %arg6[%add3A, %mul3A_154, %dma_start3A_158] : memref<32x10368x16xf32, #tpu.memory_space<hbm>> -> memref<1x128x16xf32, #tpu.memory_space<hbm>>
      %dma_start3A_160 = tpu.memref_squeeze %dma_start3A_159 : memref<1x128x16xf32, #tpu.memory_space<hbm>> -> memref<128x16xf32, #tpu.memory_space<hbm>>
      tpu.enqueue_dma source(%arg14 : memref<128x16xf32, #tpu.memory_space<vmem>>) target(%dma_start3A_160 : memref<128x16xf32, #tpu.memory_space<hbm>>) target_semaphore(%arg17 : memref<!tpu.dma_semaphore, #tpu.memory_space<semaphore_mem>>)
      "tpu.region"() ({
        %run_scoped3A_173 = tpu.sem_alloc : memref<!tpu.dma_semaphore, #tpu.memory_space<semaphore_mem>>
        %dma_start3A_174 = arith.constant 0 : i32
        %dma_start3A_175 = tpu.memref_slice %arg8[%add3A_133, %dma_start3A_174] : memref<88x128xi32, #tpu.memory_space<vmem>> -> memref<1x128xi32, #tpu.memory_space<vmem>>
        %dma_start3A_176 = tpu.memref_squeeze %dma_start3A_175 : memref<1x128xi32, #tpu.memory_space<vmem>> -> memref<128xi32, #tpu.memory_space<vmem>>
        %dma_start3A_177 = arith.constant 0 : i32
        %dma_start3A_178 = arith.constant 0 : i32
        %dma_start3A_179 = tpu.memref_slice %arg15[%dma_start3A_177, %dma_start3A_178] : memref<10240x16xf32, #tpu.memory_space<vmem_shared>> -> memref<10240x16xf32, #tpu.memory_space<vmem_shared>>
        tpu.enqueue_indirect_dma source(%arg14 : memref<128x16xf32, #tpu.memory_space<vmem>>) target(%dma_start3A_179 : memref<10240x16xf32, #tpu.memory_space<vmem_shared>>) offsets(%dma_start3A_176 : memref<128xi32, #tpu.memory_space<vmem>>) semaphore(%run_scoped3A_173 : memref<!tpu.dma_semaphore, #tpu.memory_space<semaphore_mem>>) {add = true}
        %dma_wait3A_180 = arith.constant 0 : i32
        %dma_wait3A_181 = tpu.memref_slice %arg8[%add3A_133, %dma_wait3A_180] : memref<88x128xi32, #tpu.memory_space<vmem>> -> memref<1x128xi32, #tpu.memory_space<vmem>>
        %dma_wait3A_182 = tpu.memref_squeeze %dma_wait3A_181 : memref<1x128xi32, #tpu.memory_space<vmem>> -> memref<128xi32, #tpu.memory_space<vmem>>
        %dma_wait3A_183 = arith.constant 0 : i32
        %dma_wait3A_184 = arith.constant 0 : i32
        %dma_wait3A_185 = tpu.memref_slice %arg15[%dma_wait3A_183, %dma_wait3A_184] : memref<10240x16xf32, #tpu.memory_space<vmem_shared>> -> memref<10240x16xf32, #tpu.memory_space<vmem_shared>>
        tpu.wait_indirect_dma semaphore(%run_scoped3A_173 : memref<!tpu.dma_semaphore, #tpu.memory_space<semaphore_mem>>) src(%arg14 : memref<128x16xf32, #tpu.memory_space<vmem>>) dst(%dma_wait3A_185 : memref<10240x16xf32, #tpu.memory_space<vmem_shared>>)
        tpu.yield
      }) : () -> ()
      %dma_wait3A_161 = arith.constant 0 : i32
      %dma_wait3A_162 = tpu.memref_slice %arg6[%add3A, %mul3A_125, %dma_wait3A_161] : memref<32x10368x16xf32, #tpu.memory_space<hbm>> -> memref<1x128x16xf32, #tpu.memory_space<hbm>>
      %dma_wait3A_163 = tpu.memref_squeeze %dma_wait3A_162 : memref<1x128x16xf32, #tpu.memory_space<hbm>> -> memref<128x16xf32, #tpu.memory_space<hbm>>
      %dma_wait3A_164 = arith.constant 0 : i32
      %dma_wait3A_165 = tpu.memref_slice %arg6[%add3A, %mul3A_125, %dma_wait3A_164] : memref<32x10368x16xf32, #tpu.memory_space<hbm>> -> memref<1x128x16xf32, #tpu.memory_space<hbm>>
      %dma_wait3A_166 = tpu.memref_squeeze %dma_wait3A_165 : memref<1x128x16xf32, #tpu.memory_space<hbm>> -> memref<128x16xf32, #tpu.memory_space<hbm>>
      tpu.wait_dma2 semaphore(%arg16 : memref<!tpu.dma_semaphore, #tpu.memory_space<semaphore_mem>>) src(%arg13 : memref<128x16xf32, #tpu.memory_space<vmem>>) dst(%dma_wait3A_166 : memref<128x16xf32, #tpu.memory_space<hbm>>)
      %dma_wait3A_167 = arith.constant 0 : i32
      %dma_wait3A_168 = tpu.memref_slice %arg6[%add3A, %mul3A_154, %dma_wait3A_167] : memref<32x10368x16xf32, #tpu.memory_space<hbm>> -> memref<1x128x16xf32, #tpu.memory_space<hbm>>
      %dma_wait3A_169 = tpu.memref_squeeze %dma_wait3A_168 : memref<1x128x16xf32, #tpu.memory_space<hbm>> -> memref<128x16xf32, #tpu.memory_space<hbm>>
      %dma_wait3A_170 = arith.constant 0 : i32
      %dma_wait3A_171 = tpu.memref_slice %arg6[%add3A, %mul3A_154, %dma_wait3A_170] : memref<32x10368x16xf32, #tpu.memory_space<hbm>> -> memref<1x128x16xf32, #tpu.memory_space<hbm>>
      %dma_wait3A_172 = tpu.memref_squeeze %dma_wait3A_171 : memref<1x128x16xf32, #tpu.memory_space<hbm>> -> memref<128x16xf32, #tpu.memory_space<hbm>>
      tpu.wait_dma2 semaphore(%arg17 : memref<!tpu.dma_semaphore, #tpu.memory_space<semaphore_mem>>) src(%arg14 : memref<128x16xf32, #tpu.memory_space<vmem>>) dst(%dma_wait3A_172 : memref<128x16xf32, #tpu.memory_space<hbm>>)
    }
    %scan3A_25 = arith.constant 40 : i32
    %dma_start3A = arith.constant 80 : i32
    %dma_start3A_26 = arith.constant 0 : i32
    %dma_start3A_27 = tpu.memref_slice %arg7[%dma_start3A, %dma_start3A_26] : memref<88x128xi32, #tpu.memory_space<vmem>> -> memref<1x128xi32, #tpu.memory_space<vmem>>
    %dma_start3A_28 = tpu.memref_squeeze %dma_start3A_27 : memref<1x128xi32, #tpu.memory_space<vmem>> -> memref<128xi32, #tpu.memory_space<vmem>>
    %dma_start3A_29 = arith.constant 0 : i32
    %dma_start3A_30 = arith.constant 0 : i32
    %dma_start3A_31 = tpu.memref_slice %arg4[%dma_start3A_29, %dma_start3A_30] : memref<10240x16xf32, #tpu.memory_space<hbm>> -> memref<10240x16xf32, #tpu.memory_space<hbm>>
    tpu.enqueue_indirect_dma source(%dma_start3A_31 : memref<10240x16xf32, #tpu.memory_space<hbm>>) target(%arg9 : memref<128x16xf32, #tpu.memory_space<vmem>>) offsets(%dma_start3A_28 : memref<128xi32, #tpu.memory_space<vmem>>) semaphore(%arg16 : memref<!tpu.dma_semaphore, #tpu.memory_space<semaphore_mem>>)
    %dma_start3A_32 = arith.constant 80 : i32
    %dma_start3A_33 = arith.constant 0 : i32
    %dma_start3A_34 = tpu.memref_slice %arg8[%dma_start3A_32, %dma_start3A_33] : memref<88x128xi32, #tpu.memory_space<vmem>> -> memref<1x128xi32, #tpu.memory_space<vmem>>
    %dma_start3A_35 = tpu.memref_squeeze %dma_start3A_34 : memref<1x128xi32, #tpu.memory_space<vmem>> -> memref<128xi32, #tpu.memory_space<vmem>>
    %dma_start3A_36 = arith.constant 0 : i32
    %dma_start3A_37 = arith.constant 0 : i32
    %dma_start3A_38 = tpu.memref_slice %arg4[%dma_start3A_36, %dma_start3A_37] : memref<10240x16xf32, #tpu.memory_space<hbm>> -> memref<10240x16xf32, #tpu.memory_space<hbm>>
    tpu.enqueue_indirect_dma source(%dma_start3A_38 : memref<10240x16xf32, #tpu.memory_space<hbm>>) target(%arg10 : memref<128x16xf32, #tpu.memory_space<vmem>>) offsets(%dma_start3A_35 : memref<128xi32, #tpu.memory_space<vmem>>) semaphore(%arg17 : memref<!tpu.dma_semaphore, #tpu.memory_space<semaphore_mem>>)
    %dma_wait3A = arith.constant 80 : i32
    %dma_wait3A_39 = arith.constant 0 : i32
    %dma_wait3A_40 = tpu.memref_slice %arg7[%dma_wait3A, %dma_wait3A_39] : memref<88x128xi32, #tpu.memory_space<vmem>> -> memref<1x128xi32, #tpu.memory_space<vmem>>
    %dma_wait3A_41 = tpu.memref_squeeze %dma_wait3A_40 : memref<1x128xi32, #tpu.memory_space<vmem>> -> memref<128xi32, #tpu.memory_space<vmem>>
    %dma_wait3A_42 = arith.constant 0 : i32
    %dma_wait3A_43 = arith.constant 0 : i32
    %dma_wait3A_44 = tpu.memref_slice %arg4[%dma_wait3A_42, %dma_wait3A_43] : memref<10240x16xf32, #tpu.memory_space<hbm>> -> memref<10240x16xf32, #tpu.memory_space<hbm>>
    tpu.wait_indirect_dma semaphore(%arg16 : memref<!tpu.dma_semaphore, #tpu.memory_space<semaphore_mem>>) src(%dma_wait3A_44 : memref<10240x16xf32, #tpu.memory_space<hbm>>) dst(%arg9 : memref<128x16xf32, #tpu.memory_space<vmem>>)
    %dma_wait3A_45 = arith.constant 80 : i32
    %dma_wait3A_46 = arith.constant 0 : i32
    %dma_wait3A_47 = tpu.memref_slice %arg8[%dma_wait3A_45, %dma_wait3A_46] : memref<88x128xi32, #tpu.memory_space<vmem>> -> memref<1x128xi32, #tpu.memory_space<vmem>>
    %dma_wait3A_48 = tpu.memref_squeeze %dma_wait3A_47 : memref<1x128xi32, #tpu.memory_space<vmem>> -> memref<128xi32, #tpu.memory_space<vmem>>
    %dma_wait3A_49 = arith.constant 0 : i32
    %dma_wait3A_50 = arith.constant 0 : i32
    %dma_wait3A_51 = tpu.memref_slice %arg4[%dma_wait3A_49, %dma_wait3A_50] : memref<10240x16xf32, #tpu.memory_space<hbm>> -> memref<10240x16xf32, #tpu.memory_space<hbm>>
    tpu.wait_indirect_dma semaphore(%arg17 : memref<!tpu.dma_semaphore, #tpu.memory_space<semaphore_mem>>) src(%dma_wait3A_51 : memref<10240x16xf32, #tpu.memory_space<hbm>>) dst(%arg10 : memref<128x16xf32, #tpu.memory_space<vmem>>)
    %scan3A_52 = arith.constant 0 : i32
    %scan3A_53 = arith.constant 0 : i32
    %scan3A_54 = arith.constant 128 : i32
    %scan3A_55 = arith.addi %scan3A_53, %scan3A_54 : i32
    %scan3A_56 = arith.constant 1 : i32
    %scan3A_57 = scf.for %scan3A_76 = %scan3A_53 to %scan3A_55 step %scan3A_56 iter_args(%scan3A_77 = %scan3A_52) -> (i32)  : i32 {
      %get3A = arith.index_cast %scan3A_76 : i32 to index
      %get3A_78 = arith.constant 0 : index
      %get3A_79 = tpu.vector_load %arg9[%get3A, %get3A_78] {strides = array<i32>} : memref<128x16xf32, #tpu.memory_space<vmem>>, vector<1x16xf32>,
      %get3A_80 = vector.shape_cast %get3A_79 : vector<1x16xf32> to vector<16xf32>
      %get3A_81 = arith.index_cast %scan3A_76 : i32 to index
      %get3A_82 = arith.constant 0 : index
      %get3A_83 = tpu.vector_load %arg10[%get3A_81, %get3A_82] {strides = array<i32>} : memref<128x16xf32, #tpu.memory_space<vmem>>, vector<1x16xf32>,
      %get3A_84 = vector.shape_cast %get3A_83 : vector<1x16xf32> to vector<16xf32>
      %rev3A = arith.constant 15 : i32
      %rev3A_85 = vector.broadcast %rev3A : i32 to vector<16xi32>
      %rev3A_86 = tpu.iota {dimensions = array<i32: 0>} : vector<16xi32>
      %rev3A_87 = arith.subi %rev3A_85, %rev3A_86 : vector<16xi32>
      %rev3A_88 = tpu.dynamic_gather %get3A_84[%rev3A_87] in [0] : vector<16xf32>, vector<16xi32> -> vector<16xf32>
      %add3A_89 = arith.addf %get3A_80, %rev3A_88 : vector<16xf32>
      %ge3A = arith.constant 0.000000e+00 : f32
      %ge3A_90 = vector.broadcast %ge3A : f32 to vector<16xf32>
      %ge3A_91 = arith.cmpf oge, %add3A_89, %ge3A_90 : vector<16xf32>
      %mul3A_92 = arith.constant 2.000000e-01 : f32
      %mul3A_93 = vector.broadcast %mul3A_92 : f32 to vector<16xf32>
      %mul3A_94 = arith.mulf %mul3A_93, %add3A_89 : vector<16xf32>
      %select_n3A = arith.select %ge3A_91, %add3A_89, %mul3A_94 : vector<16xi1>, vector<16xf32>
      %exp3A = math.exp %select_n3A : vector<16xf32>
      %swap3A = arith.index_cast %scan3A_76 : i32 to index
      %swap3A_95 = arith.constant 0 : index
      %swap3A_96 = tpu.vector_load %arg13[%swap3A, %swap3A_95] {strides = array<i32>} : memref<128x16xf32, #tpu.memory_space<vmem>>, vector<1x16xf32>,
      %swap3A_97 = vector.shape_cast %swap3A_96 : vector<1x16xf32> to vector<16xf32>
      %swap3A_98 = vector.shape_cast %exp3A : vector<16xf32> to vector<1x16xf32>
      tpu.vector_store %arg13[%swap3A, %swap3A_95], %swap3A_98 {strides = array<i32>} : memref<128x16xf32, #tpu.memory_space<vmem>>, vector<1x16xf32>,
      %scan3A_99 = arith.constant 0 : i32
      scf.yield %scan3A_99 : i32
    }
    %scan3A_58 = arith.constant 128 : i32
    %dma_start3A_59 = arith.constant 10240 : i32
    %dma_start3A_60 = arith.constant 0 : i32
    %dma_start3A_61 = tpu.memref_slice %arg6[%add3A, %dma_start3A_59, %dma_start3A_60] : memref<32x10368x16xf32, #tpu.memory_space<hbm>> -> memref<1x128x16xf32, #tpu.memory_space<hbm>>
    %dma_start3A_62 = tpu.memref_squeeze %dma_start3A_61 : memref<1x128x16xf32, #tpu.memory_space<hbm>> -> memref<128x16xf32, #tpu.memory_space<hbm>>
    %dma_start3A_63 = arith.constant 10240 : i32
    %dma_start3A_64 = arith.constant 0 : i32
    %dma_start3A_65 = tpu.memref_slice %arg6[%add3A, %dma_start3A_63, %dma_start3A_64] : memref<32x10368x16xf32, #tpu.memory_space<hbm>> -> memref<1x128x16xf32, #tpu.memory_space<hbm>>
    %dma_start3A_66 = tpu.memref_squeeze %dma_start3A_65 : memref<1x128x16xf32, #tpu.memory_space<hbm>> -> memref<128x16xf32, #tpu.memory_space<hbm>>
    tpu.enqueue_dma source(%arg13 : memref<128x16xf32, #tpu.memory_space<vmem>>) target(%dma_start3A_66 : memref<128x16xf32, #tpu.memory_space<hbm>>) target_semaphore(%arg16 : memref<!tpu.dma_semaphore, #tpu.memory_space<semaphore_mem>>)
    %run_scoped3A = arith.constant 80 : i32
    "tpu.region"() ({
      %run_scoped3A_76 = tpu.sem_alloc : memref<!tpu.dma_semaphore, #tpu.memory_space<semaphore_mem>>
      %dma_start3A_77 = arith.constant 0 : i32
      %dma_start3A_78 = tpu.memref_slice %arg8[%run_scoped3A, %dma_start3A_77] : memref<88x128xi32, #tpu.memory_space<vmem>> -> memref<1x128xi32, #tpu.memory_space<vmem>>
      %dma_start3A_79 = tpu.memref_squeeze %dma_start3A_78 : memref<1x128xi32, #tpu.memory_space<vmem>> -> memref<128xi32, #tpu.memory_space<vmem>>
      %dma_start3A_80 = arith.constant 0 : i32
      %dma_start3A_81 = arith.constant 0 : i32
      %dma_start3A_82 = tpu.memref_slice %arg15[%dma_start3A_80, %dma_start3A_81] : memref<10240x16xf32, #tpu.memory_space<vmem_shared>> -> memref<10240x16xf32, #tpu.memory_space<vmem_shared>>
      tpu.enqueue_indirect_dma source(%arg13 : memref<128x16xf32, #tpu.memory_space<vmem>>) target(%dma_start3A_82 : memref<10240x16xf32, #tpu.memory_space<vmem_shared>>) offsets(%dma_start3A_79 : memref<128xi32, #tpu.memory_space<vmem>>) semaphore(%run_scoped3A_76 : memref<!tpu.dma_semaphore, #tpu.memory_space<semaphore_mem>>) {add = true}
      %dma_wait3A_83 = arith.constant 0 : i32
      %dma_wait3A_84 = tpu.memref_slice %arg8[%run_scoped3A, %dma_wait3A_83] : memref<88x128xi32, #tpu.memory_space<vmem>> -> memref<1x128xi32, #tpu.memory_space<vmem>>
      %dma_wait3A_85 = tpu.memref_squeeze %dma_wait3A_84 : memref<1x128xi32, #tpu.memory_space<vmem>> -> memref<128xi32, #tpu.memory_space<vmem>>
      %dma_wait3A_86 = arith.constant 0 : i32
      %dma_wait3A_87 = arith.constant 0 : i32
      %dma_wait3A_88 = tpu.memref_slice %arg15[%dma_wait3A_86, %dma_wait3A_87] : memref<10240x16xf32, #tpu.memory_space<vmem_shared>> -> memref<10240x16xf32, #tpu.memory_space<vmem_shared>>
      tpu.wait_indirect_dma semaphore(%run_scoped3A_76 : memref<!tpu.dma_semaphore, #tpu.memory_space<semaphore_mem>>) src(%arg13 : memref<128x16xf32, #tpu.memory_space<vmem>>) dst(%dma_wait3A_88 : memref<10240x16xf32, #tpu.memory_space<vmem_shared>>)
      tpu.yield
    }) : () -> ()
    %dma_wait3A_67 = arith.constant 10240 : i32
    %dma_wait3A_68 = arith.constant 0 : i32
    %dma_wait3A_69 = tpu.memref_slice %arg6[%add3A, %dma_wait3A_67, %dma_wait3A_68] : memref<32x10368x16xf32, #tpu.memory_space<hbm>> -> memref<1x128x16xf32, #tpu.memory_space<hbm>>
    %dma_wait3A_70 = tpu.memref_squeeze %dma_wait3A_69 : memref<1x128x16xf32, #tpu.memory_space<hbm>> -> memref<128x16xf32, #tpu.memory_space<hbm>>
    %dma_wait3A_71 = arith.constant 10240 : i32
    %dma_wait3A_72 = arith.constant 0 : i32
    %dma_wait3A_73 = tpu.memref_slice %arg6[%add3A, %dma_wait3A_71, %dma_wait3A_72] : memref<32x10368x16xf32, #tpu.memory_space<hbm>> -> memref<1x128x16xf32, #tpu.memory_space<hbm>>
    %dma_wait3A_74 = tpu.memref_squeeze %dma_wait3A_73 : memref<1x128x16xf32, #tpu.memory_space<hbm>> -> memref<128x16xf32, #tpu.memory_space<hbm>>
    tpu.wait_dma2 semaphore(%arg16 : memref<!tpu.dma_semaphore, #tpu.memory_space<semaphore_mem>>) src(%arg13 : memref<128x16xf32, #tpu.memory_space<vmem>>) dst(%dma_wait3A_74 : memref<128x16xf32, #tpu.memory_space<hbm>>)
    %barrier3A_75 = arith.constant 0 : index
    tpu.barrier barrier_id(%barrier3A_75)
    "tpu.region"() ({
      %run_scoped3A_76 = tpu.sem_alloc : memref<!tpu.dma_semaphore, #tpu.memory_space<semaphore_mem>>
      %dma_start3A_77 = arith.constant 0 : i32
      %dma_start3A_78 = tpu.memref_slice %arg5[%arg0, %mul3A_2, %dma_start3A_77] : memref<2x10240x16xf32, #tpu.memory_space<hbm>> -> memref<1x640x16xf32, #tpu.memory_space<hbm>>
      %dma_start3A_79 = tpu.memref_squeeze %dma_start3A_78 : memref<1x640x16xf32, #tpu.memory_space<hbm>> -> memref<640x16xf32, #tpu.memory_space<hbm>>
      %dma_start3A_80 = arith.constant 0 : i32
      %dma_start3A_81 = tpu.memref_slice %arg15[%mul3A_2, %dma_start3A_80] : memref<10240x16xf32, #tpu.memory_space<vmem_shared>> -> memref<640x16xf32, #tpu.memory_space<vmem_shared>>
      tpu.enqueue_dma source(%dma_start3A_81 : memref<640x16xf32, #tpu.memory_space<vmem_shared>>) target(%dma_start3A_79 : memref<640x16xf32, #tpu.memory_space<hbm>>) target_semaphore(%run_scoped3A_76 : memref<!tpu.dma_semaphore, #tpu.memory_space<semaphore_mem>>)
      %dma_wait3A_82 = arith.constant 0 : i32
      %dma_wait3A_83 = tpu.memref_slice %arg5[%arg0, %mul3A_2, %dma_wait3A_82] : memref<2x10240x16xf32, #tpu.memory_space<hbm>> -> memref<1x640x16xf32, #tpu.memory_space<hbm>>
      %dma_wait3A_84 = tpu.memref_squeeze %dma_wait3A_83 : memref<1x640x16xf32, #tpu.memory_space<hbm>> -> memref<640x16xf32, #tpu.memory_space<hbm>>
      %dma_wait3A_85 = arith.constant 0 : i32
      %dma_wait3A_86 = tpu.memref_slice %arg15[%mul3A_2, %dma_wait3A_85] : memref<10240x16xf32, #tpu.memory_space<vmem_shared>> -> memref<640x16xf32, #tpu.memory_space<vmem_shared>>
      tpu.wait_dma2 semaphore(%run_scoped3A_76 : memref<!tpu.dma_semaphore, #tpu.memory_space<semaphore_mem>>) src(%dma_wait3A_86 : memref<640x16xf32, #tpu.memory_space<vmem_shared>>) dst(%dma_wait3A_84 : memref<640x16xf32, #tpu.memory_space<hbm>>)
      tpu.yield
    }) : () -> ()
    return
  }
}

#map = affine_map<(d0, d1) -> (0, 0, 0)>
#map1 = affine_map<(d0, d1) -> (0, 0)>
module attributes {stable_mosaic.version = 14 : i64} {
  func.func @feat_k(%arg0: i32, %arg1: i32, %arg2: memref<32x88x128xi32, #tpu.memory_space<hbm>>, %arg3: memref<32x88x128xi32, #tpu.memory_space<hbm>>, %arg4: memref<32x10368x16xf32, #tpu.memory_space<hbm>>, %arg5: memref<10240x128xf32, #tpu.memory_space<hbm>>, %arg6: memref<2x10240x128xf32, #tpu.memory_space<hbm>>, %arg7: memref<88x128xi32, #tpu.memory_space<vmem>>, %arg8: memref<88x128xi32, #tpu.memory_space<vmem>>, %arg9: memref<128x16xf32, #tpu.memory_space<vmem>>, %arg10: memref<128x128xf32, #tpu.memory_space<vmem>>, %arg11: memref<10240x128xf32, #tpu.memory_space<vmem_shared>>, %arg12: memref<!tpu.dma_semaphore, #tpu.memory_space<semaphore_mem>>, %arg13: memref<!tpu.dma_semaphore, #tpu.memory_space<semaphore_mem>>) attributes {dimension_semantics = [#tpu.dimension_semantics<core_parallel>, #tpu.dimension_semantics<subcore_parallel>], iteration_bounds = array<i64: 2, 16>, scalar_prefetch = 0 : i64, scratch_operands = 7 : i64, tpu.core_type = #tpu.core_type<sc_vector_subcore>, window_params = [{transform_indices = #map}, {transform_indices = #map}, {transform_indices = #map}, {transform_indices = #map1}, {transform_indices = #map}]} {
    %mul3A = arith.constant 2 : i32
    %mul3A_0 = arith.muli %arg1, %mul3A : i32
    %add3A = arith.addi %mul3A_0, %arg0 : i32
    %mul3A_1 = arith.constant 640 : i32
    %mul3A_2 = arith.muli %arg1, %mul3A_1 : i32
    "tpu.region"() ({
      %run_scoped3A = tpu.sem_alloc : memref<!tpu.dma_semaphore, #tpu.memory_space<semaphore_mem>>
      %dma_start3A = arith.constant 0 : i32
      %dma_start3A_28 = arith.constant 0 : i32
      %dma_start3A_29 = tpu.memref_slice %arg2[%add3A, %dma_start3A, %dma_start3A_28] : memref<32x88x128xi32, #tpu.memory_space<hbm>> -> memref<1x88x128xi32, #tpu.memory_space<hbm>>
      %dma_start3A_30 = tpu.memref_squeeze %dma_start3A_29 : memref<1x88x128xi32, #tpu.memory_space<hbm>> -> memref<88x128xi32, #tpu.memory_space<hbm>>
      %dma_start3A_31 = arith.constant 0 : i32
      %dma_start3A_32 = arith.constant 0 : i32
      %dma_start3A_33 = tpu.memref_slice %arg2[%add3A, %dma_start3A_31, %dma_start3A_32] : memref<32x88x128xi32, #tpu.memory_space<hbm>> -> memref<1x88x128xi32, #tpu.memory_space<hbm>>
      %dma_start3A_34 = tpu.memref_squeeze %dma_start3A_33 : memref<1x88x128xi32, #tpu.memory_space<hbm>> -> memref<88x128xi32, #tpu.memory_space<hbm>>
      tpu.enqueue_dma source(%dma_start3A_34 : memref<88x128xi32, #tpu.memory_space<hbm>>) target(%arg7 : memref<88x128xi32, #tpu.memory_space<vmem>>) target_semaphore(%run_scoped3A : memref<!tpu.dma_semaphore, #tpu.memory_space<semaphore_mem>>)
      %dma_wait3A = arith.constant 0 : i32
      %dma_wait3A_35 = arith.constant 0 : i32
      %dma_wait3A_36 = tpu.memref_slice %arg2[%add3A, %dma_wait3A, %dma_wait3A_35] : memref<32x88x128xi32, #tpu.memory_space<hbm>> -> memref<1x88x128xi32, #tpu.memory_space<hbm>>
      %dma_wait3A_37 = tpu.memref_squeeze %dma_wait3A_36 : memref<1x88x128xi32, #tpu.memory_space<hbm>> -> memref<88x128xi32, #tpu.memory_space<hbm>>
      %dma_wait3A_38 = arith.constant 0 : i32
      %dma_wait3A_39 = arith.constant 0 : i32
      %dma_wait3A_40 = tpu.memref_slice %arg2[%add3A, %dma_wait3A_38, %dma_wait3A_39] : memref<32x88x128xi32, #tpu.memory_space<hbm>> -> memref<1x88x128xi32, #tpu.memory_space<hbm>>
      %dma_wait3A_41 = tpu.memref_squeeze %dma_wait3A_40 : memref<1x88x128xi32, #tpu.memory_space<hbm>> -> memref<88x128xi32, #tpu.memory_space<hbm>>
      tpu.wait_dma2 semaphore(%run_scoped3A : memref<!tpu.dma_semaphore, #tpu.memory_space<semaphore_mem>>) src(%dma_wait3A_41 : memref<88x128xi32, #tpu.memory_space<hbm>>) dst(%arg7 : memref<88x128xi32, #tpu.memory_space<vmem>>)
      tpu.yield
    }) : () -> ()
    "tpu.region"() ({
      %run_scoped3A = tpu.sem_alloc : memref<!tpu.dma_semaphore, #tpu.memory_space<semaphore_mem>>
      %dma_start3A = arith.constant 0 : i32
      %dma_start3A_28 = arith.constant 0 : i32
      %dma_start3A_29 = tpu.memref_slice %arg3[%add3A, %dma_start3A, %dma_start3A_28] : memref<32x88x128xi32, #tpu.memory_space<hbm>> -> memref<1x88x128xi32, #tpu.memory_space<hbm>>
      %dma_start3A_30 = tpu.memref_squeeze %dma_start3A_29 : memref<1x88x128xi32, #tpu.memory_space<hbm>> -> memref<88x128xi32, #tpu.memory_space<hbm>>
      %dma_start3A_31 = arith.constant 0 : i32
      %dma_start3A_32 = arith.constant 0 : i32
      %dma_start3A_33 = tpu.memref_slice %arg3[%add3A, %dma_start3A_31, %dma_start3A_32] : memref<32x88x128xi32, #tpu.memory_space<hbm>> -> memref<1x88x128xi32, #tpu.memory_space<hbm>>
      %dma_start3A_34 = tpu.memref_squeeze %dma_start3A_33 : memref<1x88x128xi32, #tpu.memory_space<hbm>> -> memref<88x128xi32, #tpu.memory_space<hbm>>
      tpu.enqueue_dma source(%dma_start3A_34 : memref<88x128xi32, #tpu.memory_space<hbm>>) target(%arg8 : memref<88x128xi32, #tpu.memory_space<vmem>>) target_semaphore(%run_scoped3A : memref<!tpu.dma_semaphore, #tpu.memory_space<semaphore_mem>>)
      %dma_wait3A = arith.constant 0 : i32
      %dma_wait3A_35 = arith.constant 0 : i32
      %dma_wait3A_36 = tpu.memref_slice %arg3[%add3A, %dma_wait3A, %dma_wait3A_35] : memref<32x88x128xi32, #tpu.memory_space<hbm>> -> memref<1x88x128xi32, #tpu.memory_space<hbm>>
      %dma_wait3A_37 = tpu.memref_squeeze %dma_wait3A_36 : memref<1x88x128xi32, #tpu.memory_space<hbm>> -> memref<88x128xi32, #tpu.memory_space<hbm>>
      %dma_wait3A_38 = arith.constant 0 : i32
      %dma_wait3A_39 = arith.constant 0 : i32
      %dma_wait3A_40 = tpu.memref_slice %arg3[%add3A, %dma_wait3A_38, %dma_wait3A_39] : memref<32x88x128xi32, #tpu.memory_space<hbm>> -> memref<1x88x128xi32, #tpu.memory_space<hbm>>
      %dma_wait3A_41 = tpu.memref_squeeze %dma_wait3A_40 : memref<1x88x128xi32, #tpu.memory_space<hbm>> -> memref<88x128xi32, #tpu.memory_space<hbm>>
      tpu.wait_dma2 semaphore(%run_scoped3A : memref<!tpu.dma_semaphore, #tpu.memory_space<semaphore_mem>>) src(%dma_wait3A_41 : memref<88x128xi32, #tpu.memory_space<hbm>>) dst(%arg8 : memref<88x128xi32, #tpu.memory_space<vmem>>)
      tpu.yield
    }) : () -> ()
    %broadcast_in_dim3A = arith.constant 0.000000e+00 : f32
    %broadcast_in_dim3A_3 = vector.broadcast %broadcast_in_dim3A : f32 to vector<16xf32>
    %scan3A = arith.constant 0 : i32
    %scan3A_4 = arith.constant 0 : i32
    %scan3A_5 = arith.constant 128 : i32
    %scan3A_6 = arith.addi %scan3A_4, %scan3A_5 : i32
    %scan3A_7 = arith.constant 1 : i32
    %scan3A_8 = scf.for %scan3A_28 = %scan3A_4 to %scan3A_6 step %scan3A_7 iter_args(%scan3A_29 = %scan3A) -> (i32)  : i32 {
      %swap3A = arith.index_cast %scan3A_28 : i32 to index
      %swap3A_30 = arith.constant 0 : index
      %swap3A_31 = tpu.vector_load %arg10[%swap3A, %swap3A_30] {strides = array<i32>} : memref<128x128xf32, #tpu.memory_space<vmem>>, vector<1x16xf32>,
      %swap3A_32 = vector.shape_cast %swap3A_31 : vector<1x16xf32> to vector<16xf32>
      %swap3A_33 = vector.shape_cast %broadcast_in_dim3A_3 : vector<16xf32> to vector<1x16xf32>
      tpu.vector_store %arg10[%swap3A, %swap3A_30], %swap3A_33 {strides = array<i32>} : memref<128x128xf32, #tpu.memory_space<vmem>>, vector<1x16xf32>,
      %swap3A_34 = arith.index_cast %scan3A_28 : i32 to index
      %swap3A_35 = arith.constant 16 : index
      %swap3A_36 = tpu.vector_load %arg10[%swap3A_34, %swap3A_35] {strides = array<i32>} : memref<128x128xf32, #tpu.memory_space<vmem>>, vector<1x16xf32>,
      %swap3A_37 = vector.shape_cast %swap3A_36 : vector<1x16xf32> to vector<16xf32>
      %swap3A_38 = vector.shape_cast %broadcast_in_dim3A_3 : vector<16xf32> to vector<1x16xf32>
      tpu.vector_store %arg10[%swap3A_34, %swap3A_35], %swap3A_38 {strides = array<i32>} : memref<128x128xf32, #tpu.memory_space<vmem>>, vector<1x16xf32>,
      %swap3A_39 = arith.index_cast %scan3A_28 : i32 to index
      %swap3A_40 = arith.constant 32 : index
      %swap3A_41 = tpu.vector_load %arg10[%swap3A_39, %swap3A_40] {strides = array<i32>} : memref<128x128xf32, #tpu.memory_space<vmem>>, vector<1x16xf32>,
      %swap3A_42 = vector.shape_cast %swap3A_41 : vector<1x16xf32> to vector<16xf32>
      %swap3A_43 = vector.shape_cast %broadcast_in_dim3A_3 : vector<16xf32> to vector<1x16xf32>
      tpu.vector_store %arg10[%swap3A_39, %swap3A_40], %swap3A_43 {strides = array<i32>} : memref<128x128xf32, #tpu.memory_space<vmem>>, vector<1x16xf32>,
      %swap3A_44 = arith.index_cast %scan3A_28 : i32 to index
      %swap3A_45 = arith.constant 48 : index
      %swap3A_46 = tpu.vector_load %arg10[%swap3A_44, %swap3A_45] {strides = array<i32>} : memref<128x128xf32, #tpu.memory_space<vmem>>, vector<1x16xf32>,
      %swap3A_47 = vector.shape_cast %swap3A_46 : vector<1x16xf32> to vector<16xf32>
      %swap3A_48 = vector.shape_cast %broadcast_in_dim3A_3 : vector<16xf32> to vector<1x16xf32>
      tpu.vector_store %arg10[%swap3A_44, %swap3A_45], %swap3A_48 {strides = array<i32>} : memref<128x128xf32, #tpu.memory_space<vmem>>, vector<1x16xf32>,
      %swap3A_49 = arith.index_cast %scan3A_28 : i32 to index
      %swap3A_50 = arith.constant 64 : index
      %swap3A_51 = tpu.vector_load %arg10[%swap3A_49, %swap3A_50] {strides = array<i32>} : memref<128x128xf32, #tpu.memory_space<vmem>>, vector<1x16xf32>,
      %swap3A_52 = vector.shape_cast %swap3A_51 : vector<1x16xf32> to vector<16xf32>
      %swap3A_53 = vector.shape_cast %broadcast_in_dim3A_3 : vector<16xf32> to vector<1x16xf32>
      tpu.vector_store %arg10[%swap3A_49, %swap3A_50], %swap3A_53 {strides = array<i32>} : memref<128x128xf32, #tpu.memory_space<vmem>>, vector<1x16xf32>,
      %swap3A_54 = arith.index_cast %scan3A_28 : i32 to index
      %swap3A_55 = arith.constant 80 : index
      %swap3A_56 = tpu.vector_load %arg10[%swap3A_54, %swap3A_55] {strides = array<i32>} : memref<128x128xf32, #tpu.memory_space<vmem>>, vector<1x16xf32>,
      %swap3A_57 = vector.shape_cast %swap3A_56 : vector<1x16xf32> to vector<16xf32>
      %swap3A_58 = vector.shape_cast %broadcast_in_dim3A_3 : vector<16xf32> to vector<1x16xf32>
      tpu.vector_store %arg10[%swap3A_54, %swap3A_55], %swap3A_58 {strides = array<i32>} : memref<128x128xf32, #tpu.memory_space<vmem>>, vector<1x16xf32>,
      %swap3A_59 = arith.index_cast %scan3A_28 : i32 to index
      %swap3A_60 = arith.constant 96 : index
      %swap3A_61 = tpu.vector_load %arg10[%swap3A_59, %swap3A_60] {strides = array<i32>} : memref<128x128xf32, #tpu.memory_space<vmem>>, vector<1x16xf32>,
      %swap3A_62 = vector.shape_cast %swap3A_61 : vector<1x16xf32> to vector<16xf32>
      %swap3A_63 = vector.shape_cast %broadcast_in_dim3A_3 : vector<16xf32> to vector<1x16xf32>
      tpu.vector_store %arg10[%swap3A_59, %swap3A_60], %swap3A_63 {strides = array<i32>} : memref<128x128xf32, #tpu.memory_space<vmem>>, vector<1x16xf32>,
      %swap3A_64 = arith.index_cast %scan3A_28 : i32 to index
      %swap3A_65 = arith.constant 112 : index
      %swap3A_66 = tpu.vector_load %arg10[%swap3A_64, %swap3A_65] {strides = array<i32>} : memref<128x128xf32, #tpu.memory_space<vmem>>, vector<1x16xf32>,
      %swap3A_67 = vector.shape_cast %swap3A_66 : vector<1x16xf32> to vector<16xf32>
      %swap3A_68 = vector.shape_cast %broadcast_in_dim3A_3 : vector<16xf32> to vector<1x16xf32>
      tpu.vector_store %arg10[%swap3A_64, %swap3A_65], %swap3A_68 {strides = array<i32>} : memref<128x128xf32, #tpu.memory_space<vmem>>, vector<1x16xf32>,
      %scan3A_69 = arith.constant 0 : i32
      scf.yield %scan3A_69 : i32
    }
    %scan3A_9 = arith.constant 128 : i32
    %add3A_10 = arith.constant 0 : i32
    %add3A_11 = arith.addi %mul3A_2, %add3A_10 : i32
    "tpu.region"() ({
      %run_scoped3A = tpu.sem_alloc : memref<!tpu.dma_semaphore, #tpu.memory_space<semaphore_mem>>
      %dma_start3A = arith.constant 0 : i32
      %dma_start3A_28 = tpu.memref_slice %arg11[%add3A_11, %dma_start3A] : memref<10240x128xf32, #tpu.memory_space<vmem_shared>> -> memref<128x128xf32, #tpu.memory_space<vmem_shared>>
      %dma_start3A_29 = arith.constant 0 : i32
      %dma_start3A_30 = tpu.memref_slice %arg11[%add3A_11, %dma_start3A_29] : memref<10240x128xf32, #tpu.memory_space<vmem_shared>> -> memref<128x128xf32, #tpu.memory_space<vmem_shared>>
      tpu.enqueue_dma source(%arg10 : memref<128x128xf32, #tpu.memory_space<vmem>>) target(%dma_start3A_30 : memref<128x128xf32, #tpu.memory_space<vmem_shared>>) target_semaphore(%run_scoped3A : memref<!tpu.dma_semaphore, #tpu.memory_space<semaphore_mem>>)
      %dma_wait3A = arith.constant 0 : i32
      %dma_wait3A_31 = tpu.memref_slice %arg11[%add3A_11, %dma_wait3A] : memref<10240x128xf32, #tpu.memory_space<vmem_shared>> -> memref<128x128xf32, #tpu.memory_space<vmem_shared>>
      %dma_wait3A_32 = arith.constant 0 : i32
      %dma_wait3A_33 = tpu.memref_slice %arg11[%add3A_11, %dma_wait3A_32] : memref<10240x128xf32, #tpu.memory_space<vmem_shared>> -> memref<128x128xf32, #tpu.memory_space<vmem_shared>>
      tpu.wait_dma2 semaphore(%run_scoped3A : memref<!tpu.dma_semaphore, #tpu.memory_space<semaphore_mem>>) src(%arg10 : memref<128x128xf32, #tpu.memory_space<vmem>>) dst(%dma_wait3A_33 : memref<128x128xf32, #tpu.memory_space<vmem_shared>>)
      tpu.yield
    }) : () -> ()
    %add3A_12 = arith.constant 128 : i32
    %add3A_13 = arith.addi %mul3A_2, %add3A_12 : i32
    "tpu.region"() ({
      %run_scoped3A = tpu.sem_alloc : memref<!tpu.dma_semaphore, #tpu.memory_space<semaphore_mem>>
      %dma_start3A = arith.constant 0 : i32
      %dma_start3A_28 = tpu.memref_slice %arg11[%add3A_13, %dma_start3A] : memref<10240x128xf32, #tpu.memory_space<vmem_shared>> -> memref<128x128xf32, #tpu.memory_space<vmem_shared>>
      %dma_start3A_29 = arith.constant 0 : i32
      %dma_start3A_30 = tpu.memref_slice %arg11[%add3A_13, %dma_start3A_29] : memref<10240x128xf32, #tpu.memory_space<vmem_shared>> -> memref<128x128xf32, #tpu.memory_space<vmem_shared>>
      tpu.enqueue_dma source(%arg10 : memref<128x128xf32, #tpu.memory_space<vmem>>) target(%dma_start3A_30 : memref<128x128xf32, #tpu.memory_space<vmem_shared>>) target_semaphore(%run_scoped3A : memref<!tpu.dma_semaphore, #tpu.memory_space<semaphore_mem>>)
      %dma_wait3A = arith.constant 0 : i32
      %dma_wait3A_31 = tpu.memref_slice %arg11[%add3A_13, %dma_wait3A] : memref<10240x128xf32, #tpu.memory_space<vmem_shared>> -> memref<128x128xf32, #tpu.memory_space<vmem_shared>>
      %dma_wait3A_32 = arith.constant 0 : i32
      %dma_wait3A_33 = tpu.memref_slice %arg11[%add3A_13, %dma_wait3A_32] : memref<10240x128xf32, #tpu.memory_space<vmem_shared>> -> memref<128x128xf32, #tpu.memory_space<vmem_shared>>
      tpu.wait_dma2 semaphore(%run_scoped3A : memref<!tpu.dma_semaphore, #tpu.memory_space<semaphore_mem>>) src(%arg10 : memref<128x128xf32, #tpu.memory_space<vmem>>) dst(%dma_wait3A_33 : memref<128x128xf32, #tpu.memory_space<vmem_shared>>)
      tpu.yield
    }) : () -> ()
    %add3A_14 = arith.constant 256 : i32
    %add3A_15 = arith.addi %mul3A_2, %add3A_14 : i32
    "tpu.region"() ({
      %run_scoped3A = tpu.sem_alloc : memref<!tpu.dma_semaphore, #tpu.memory_space<semaphore_mem>>
      %dma_start3A = arith.constant 0 : i32
      %dma_start3A_28 = tpu.memref_slice %arg11[%add3A_15, %dma_start3A] : memref<10240x128xf32, #tpu.memory_space<vmem_shared>> -> memref<128x128xf32, #tpu.memory_space<vmem_shared>>
      %dma_start3A_29 = arith.constant 0 : i32
      %dma_start3A_30 = tpu.memref_slice %arg11[%add3A_15, %dma_start3A_29] : memref<10240x128xf32, #tpu.memory_space<vmem_shared>> -> memref<128x128xf32, #tpu.memory_space<vmem_shared>>
      tpu.enqueue_dma source(%arg10 : memref<128x128xf32, #tpu.memory_space<vmem>>) target(%dma_start3A_30 : memref<128x128xf32, #tpu.memory_space<vmem_shared>>) target_semaphore(%run_scoped3A : memref<!tpu.dma_semaphore, #tpu.memory_space<semaphore_mem>>)
      %dma_wait3A = arith.constant 0 : i32
      %dma_wait3A_31 = tpu.memref_slice %arg11[%add3A_15, %dma_wait3A] : memref<10240x128xf32, #tpu.memory_space<vmem_shared>> -> memref<128x128xf32, #tpu.memory_space<vmem_shared>>
      %dma_wait3A_32 = arith.constant 0 : i32
      %dma_wait3A_33 = tpu.memref_slice %arg11[%add3A_15, %dma_wait3A_32] : memref<10240x128xf32, #tpu.memory_space<vmem_shared>> -> memref<128x128xf32, #tpu.memory_space<vmem_shared>>
      tpu.wait_dma2 semaphore(%run_scoped3A : memref<!tpu.dma_semaphore, #tpu.memory_space<semaphore_mem>>) src(%arg10 : memref<128x128xf32, #tpu.memory_space<vmem>>) dst(%dma_wait3A_33 : memref<128x128xf32, #tpu.memory_space<vmem_shared>>)
      tpu.yield
    }) : () -> ()
    %add3A_16 = arith.constant 384 : i32
    %add3A_17 = arith.addi %mul3A_2, %add3A_16 : i32
    "tpu.region"() ({
      %run_scoped3A = tpu.sem_alloc : memref<!tpu.dma_semaphore, #tpu.memory_space<semaphore_mem>>
      %dma_start3A = arith.constant 0 : i32
      %dma_start3A_28 = tpu.memref_slice %arg11[%add3A_17, %dma_start3A] : memref<10240x128xf32, #tpu.memory_space<vmem_shared>> -> memref<128x128xf32, #tpu.memory_space<vmem_shared>>
      %dma_start3A_29 = arith.constant 0 : i32
      %dma_start3A_30 = tpu.memref_slice %arg11[%add3A_17, %dma_start3A_29] : memref<10240x128xf32, #tpu.memory_space<vmem_shared>> -> memref<128x128xf32, #tpu.memory_space<vmem_shared>>
      tpu.enqueue_dma source(%arg10 : memref<128x128xf32, #tpu.memory_space<vmem>>) target(%dma_start3A_30 : memref<128x128xf32, #tpu.memory_space<vmem_shared>>) target_semaphore(%run_scoped3A : memref<!tpu.dma_semaphore, #tpu.memory_space<semaphore_mem>>)
      %dma_wait3A = arith.constant 0 : i32
      %dma_wait3A_31 = tpu.memref_slice %arg11[%add3A_17, %dma_wait3A] : memref<10240x128xf32, #tpu.memory_space<vmem_shared>> -> memref<128x128xf32, #tpu.memory_space<vmem_shared>>
      %dma_wait3A_32 = arith.constant 0 : i32
      %dma_wait3A_33 = tpu.memref_slice %arg11[%add3A_17, %dma_wait3A_32] : memref<10240x128xf32, #tpu.memory_space<vmem_shared>> -> memref<128x128xf32, #tpu.memory_space<vmem_shared>>
      tpu.wait_dma2 semaphore(%run_scoped3A : memref<!tpu.dma_semaphore, #tpu.memory_space<semaphore_mem>>) src(%arg10 : memref<128x128xf32, #tpu.memory_space<vmem>>) dst(%dma_wait3A_33 : memref<128x128xf32, #tpu.memory_space<vmem_shared>>)
      tpu.yield
    }) : () -> ()
    %add3A_18 = arith.constant 512 : i32
    %add3A_19 = arith.addi %mul3A_2, %add3A_18 : i32
    "tpu.region"() ({
      %run_scoped3A = tpu.sem_alloc : memref<!tpu.dma_semaphore, #tpu.memory_space<semaphore_mem>>
      %dma_start3A = arith.constant 0 : i32
      %dma_start3A_28 = tpu.memref_slice %arg11[%add3A_19, %dma_start3A] : memref<10240x128xf32, #tpu.memory_space<vmem_shared>> -> memref<128x128xf32, #tpu.memory_space<vmem_shared>>
      %dma_start3A_29 = arith.constant 0 : i32
      %dma_start3A_30 = tpu.memref_slice %arg11[%add3A_19, %dma_start3A_29] : memref<10240x128xf32, #tpu.memory_space<vmem_shared>> -> memref<128x128xf32, #tpu.memory_space<vmem_shared>>
      tpu.enqueue_dma source(%arg10 : memref<128x128xf32, #tpu.memory_space<vmem>>) target(%dma_start3A_30 : memref<128x128xf32, #tpu.memory_space<vmem_shared>>) target_semaphore(%run_scoped3A : memref<!tpu.dma_semaphore, #tpu.memory_space<semaphore_mem>>)
      %dma_wait3A = arith.constant 0 : i32
      %dma_wait3A_31 = tpu.memref_slice %arg11[%add3A_19, %dma_wait3A] : memref<10240x128xf32, #tpu.memory_space<vmem_shared>> -> memref<128x128xf32, #tpu.memory_space<vmem_shared>>
      %dma_wait3A_32 = arith.constant 0 : i32
      %dma_wait3A_33 = tpu.memref_slice %arg11[%add3A_19, %dma_wait3A_32] : memref<10240x128xf32, #tpu.memory_space<vmem_shared>> -> memref<128x128xf32, #tpu.memory_space<vmem_shared>>
      tpu.wait_dma2 semaphore(%run_scoped3A : memref<!tpu.dma_semaphore, #tpu.memory_space<semaphore_mem>>) src(%arg10 : memref<128x128xf32, #tpu.memory_space<vmem>>) dst(%dma_wait3A_33 : memref<128x128xf32, #tpu.memory_space<vmem_shared>>)
      tpu.yield
    }) : () -> ()
    %barrier3A = arith.constant 0 : index
    tpu.barrier barrier_id(%barrier3A)
    %scan3A_20 = arith.constant 0 : i32
    %scan3A_21 = arith.constant 0 : i32
    %scan3A_22 = arith.constant 81 : i32
    %scan3A_23 = arith.addi %scan3A_21, %scan3A_22 : i32
    %scan3A_24 = arith.constant 1 : i32
    %scan3A_25 = scf.for %scan3A_28 = %scan3A_21 to %scan3A_23 step %scan3A_24 iter_args(%scan3A_29 = %scan3A_20) -> (i32)  : i32 {
      %dma_start3A = arith.constant 0 : i32
      %dma_start3A_30 = tpu.memref_slice %arg7[%scan3A_28, %dma_start3A] : memref<88x128xi32, #tpu.memory_space<vmem>> -> memref<1x128xi32, #tpu.memory_space<vmem>>
      %dma_start3A_31 = tpu.memref_squeeze %dma_start3A_30 : memref<1x128xi32, #tpu.memory_space<vmem>> -> memref<128xi32, #tpu.memory_space<vmem>>
      %dma_start3A_32 = arith.constant 0 : i32
      %dma_start3A_33 = arith.constant 0 : i32
      %dma_start3A_34 = tpu.memref_slice %arg5[%dma_start3A_32, %dma_start3A_33] : memref<10240x128xf32, #tpu.memory_space<hbm>> -> memref<10240x128xf32, #tpu.memory_space<hbm>>
      tpu.enqueue_indirect_dma source(%dma_start3A_34 : memref<10240x128xf32, #tpu.memory_space<hbm>>) target(%arg10 : memref<128x128xf32, #tpu.memory_space<vmem>>) offsets(%dma_start3A_31 : memref<128xi32, #tpu.memory_space<vmem>>) semaphore(%arg13 : memref<!tpu.dma_semaphore, #tpu.memory_space<semaphore_mem>>)
      %mul3A_35 = arith.constant 128 : i32
      %mul3A_36 = arith.muli %scan3A_28, %mul3A_35 : i32
      %dma_start3A_37 = arith.constant 0 : i32
      %dma_start3A_38 = tpu.memref_slice %arg4[%add3A, %mul3A_36, %dma_start3A_37] : memref<32x10368x16xf32, #tpu.memory_space<hbm>> -> memref<1x128x16xf32, #tpu.memory_space<hbm>>
      %dma_start3A_39 = tpu.memref_squeeze %dma_start3A_38 : memref<1x128x16xf32, #tpu.memory_space<hbm>> -> memref<128x16xf32, #tpu.memory_space<hbm>>
      %dma_start3A_40 = arith.constant 0 : i32
      %dma_start3A_41 = tpu.memref_slice %arg4[%add3A, %mul3A_36, %dma_start3A_40] : memref<32x10368x16xf32, #tpu.memory_space<hbm>> -> memref<1x128x16xf32, #tpu.memory_space<hbm>>
      %dma_start3A_42 = tpu.memref_squeeze %dma_start3A_41 : memref<1x128x16xf32, #tpu.memory_space<hbm>> -> memref<128x16xf32, #tpu.memory_space<hbm>>
      tpu.enqueue_dma source(%dma_start3A_42 : memref<128x16xf32, #tpu.memory_space<hbm>>) target(%arg9 : memref<128x16xf32, #tpu.memory_space<vmem>>) target_semaphore(%arg12 : memref<!tpu.dma_semaphore, #tpu.memory_space<semaphore_mem>>)
      %dma_wait3A = arith.constant 0 : i32
      %dma_wait3A_43 = tpu.memref_slice %arg4[%add3A, %mul3A_36, %dma_wait3A] : memref<32x10368x16xf32, #tpu.memory_space<hbm>> -> memref<1x128x16xf32, #tpu.memory_space<hbm>>
      %dma_wait3A_44 = tpu.memref_squeeze %dma_wait3A_43 : memref<1x128x16xf32, #tpu.memory_space<hbm>> -> memref<128x16xf32, #tpu.memory_space<hbm>>
      %dma_wait3A_45 = arith.constant 0 : i32
      %dma_wait3A_46 = tpu.memref_slice %arg4[%add3A, %mul3A_36, %dma_wait3A_45] : memref<32x10368x16xf32, #tpu.memory_space<hbm>> -> memref<1x128x16xf32, #tpu.memory_space<hbm>>
      %dma_wait3A_47 = tpu.memref_squeeze %dma_wait3A_46 : memref<1x128x16xf32, #tpu.memory_space<hbm>> -> memref<128x16xf32, #tpu.memory_space<hbm>>
      tpu.wait_dma2 semaphore(%arg12 : memref<!tpu.dma_semaphore, #tpu.memory_space<semaphore_mem>>) src(%dma_wait3A_47 : memref<128x16xf32, #tpu.memory_space<hbm>>) dst(%arg9 : memref<128x16xf32, #tpu.memory_space<vmem>>)
      %dma_wait3A_48 = arith.constant 0 : i32
      %dma_wait3A_49 = tpu.memref_slice %arg7[%scan3A_28, %dma_wait3A_48] : memref<88x128xi32, #tpu.memory_space<vmem>> -> memref<1x128xi32, #tpu.memory_space<vmem>>
      %dma_wait3A_50 = tpu.memref_squeeze %dma_wait3A_49 : memref<1x128xi32, #tpu.memory_space<vmem>> -> memref<128xi32, #tpu.memory_space<vmem>>
      %dma_wait3A_51 = arith.constant 0 : i32
      %dma_wait3A_52 = arith.constant 0 : i32
      %dma_wait3A_53 = tpu.memref_slice %arg5[%dma_wait3A_51, %dma_wait3A_52] : memref<10240x128xf32, #tpu.memory_space<hbm>> -> memref<10240x128xf32, #tpu.memory_space<hbm>>
      tpu.wait_indirect_dma semaphore(%arg13 : memref<!tpu.dma_semaphore, #tpu.memory_space<semaphore_mem>>) src(%dma_wait3A_53 : memref<10240x128xf32, #tpu.memory_space<hbm>>) dst(%arg10 : memref<128x128xf32, #tpu.memory_space<vmem>>)
      %scan3A_54 = arith.constant 0 : i32
      %scan3A_55 = arith.constant 0 : i32
      %scan3A_56 = arith.constant 128 : i32
      %scan3A_57 = arith.addi %scan3A_55, %scan3A_56 : i32
      %scan3A_58 = arith.constant 1 : i32
      %scan3A_59 = scf.for %scan3A_62 = %scan3A_55 to %scan3A_57 step %scan3A_58 iter_args(%scan3A_63 = %scan3A_54) -> (i32)  : i32 {
        %get3A = arith.index_cast %scan3A_62 : i32 to index
        %get3A_64 = arith.constant 0 : index
        %get3A_65 = tpu.vector_load %arg9[%get3A, %get3A_64] {strides = array<i32>} : memref<128x16xf32, #tpu.memory_space<vmem>>, vector<1x16xf32>,
        %get3A_66 = vector.shape_cast %get3A_65 : vector<1x16xf32> to vector<16xf32>
        %slice3A = vector.extract_strided_slice %get3A_66 {offsets = [0], sizes = [1], strides = [1]} : vector<16xf32> to vector<1xf32>
        %squeeze3A = vector.extract %slice3A[0] : f32 from vector<1xf32>
        %get3A_67 = arith.index_cast %scan3A_62 : i32 to index
        %get3A_68 = arith.constant 0 : index
        %get3A_69 = tpu.vector_load %arg10[%get3A_67, %get3A_68] {strides = array<i32>} : memref<128x128xf32, #tpu.memory_space<vmem>>, vector<1x16xf32>,
        %get3A_70 = vector.shape_cast %get3A_69 : vector<1x16xf32> to vector<16xf32>
        %mul3A_71 = vector.broadcast %squeeze3A : f32 to vector<16xf32>
        %mul3A_72 = arith.mulf %get3A_70, %mul3A_71 : vector<16xf32>
        %swap3A = arith.index_cast %scan3A_62 : i32 to index
        %swap3A_73 = arith.constant 0 : index
        %swap3A_74 = tpu.vector_load %arg10[%swap3A, %swap3A_73] {strides = array<i32>} : memref<128x128xf32, #tpu.memory_space<vmem>>, vector<1x16xf32>,
        %swap3A_75 = vector.shape_cast %swap3A_74 : vector<1x16xf32> to vector<16xf32>
        %swap3A_76 = vector.shape_cast %mul3A_72 : vector<16xf32> to vector<1x16xf32>
        tpu.vector_store %arg10[%swap3A, %swap3A_73], %swap3A_76 {strides = array<i32>} : memref<128x128xf32, #tpu.memory_space<vmem>>, vector<1x16xf32>,
        %slice3A_77 = vector.extract_strided_slice %get3A_66 {offsets = [0], sizes = [1], strides = [1]} : vector<16xf32> to vector<1xf32>
        %squeeze3A_78 = vector.extract %slice3A_77[0] : f32 from vector<1xf32>
        %get3A_79 = arith.index_cast %scan3A_62 : i32 to index
        %get3A_80 = arith.constant 16 : index
        %get3A_81 = tpu.vector_load %arg10[%get3A_79, %get3A_80] {strides = array<i32>} : memref<128x128xf32, #tpu.memory_space<vmem>>, vector<1x16xf32>,
        %get3A_82 = vector.shape_cast %get3A_81 : vector<1x16xf32> to vector<16xf32>
        %mul3A_83 = vector.broadcast %squeeze3A_78 : f32 to vector<16xf32>
        %mul3A_84 = arith.mulf %get3A_82, %mul3A_83 : vector<16xf32>
        %swap3A_85 = arith.index_cast %scan3A_62 : i32 to index
        %swap3A_86 = arith.constant 16 : index
        %swap3A_87 = tpu.vector_load %arg10[%swap3A_85, %swap3A_86] {strides = array<i32>} : memref<128x128xf32, #tpu.memory_space<vmem>>, vector<1x16xf32>,
        %swap3A_88 = vector.shape_cast %swap3A_87 : vector<1x16xf32> to vector<16xf32>
        %swap3A_89 = vector.shape_cast %mul3A_84 : vector<16xf32> to vector<1x16xf32>
        tpu.vector_store %arg10[%swap3A_85, %swap3A_86], %swap3A_89 {strides = array<i32>} : memref<128x128xf32, #tpu.memory_space<vmem>>, vector<1x16xf32>,
        %slice3A_90 = vector.extract_strided_slice %get3A_66 {offsets = [1], sizes = [1], strides = [1]} : vector<16xf32> to vector<1xf32>
        %squeeze3A_91 = vector.extract %slice3A_90[0] : f32 from vector<1xf32>
        %get3A_92 = arith.index_cast %scan3A_62 : i32 to index
        %get3A_93 = arith.constant 32 : index
        %get3A_94 = tpu.vector_load %arg10[%get3A_92, %get3A_93] {strides = array<i32>} : memref<128x128xf32, #tpu.memory_space<vmem>>, vector<1x16xf32>,
        %get3A_95 = vector.shape_cast %get3A_94 : vector<1x16xf32> to vector<16xf32>
        %mul3A_96 = vector.broadcast %squeeze3A_91 : f32 to vector<16xf32>
        %mul3A_97 = arith.mulf %get3A_95, %mul3A_96 : vector<16xf32>
        %swap3A_98 = arith.index_cast %scan3A_62 : i32 to index
        %swap3A_99 = arith.constant 32 : index
        %swap3A_100 = tpu.vector_load %arg10[%swap3A_98, %swap3A_99] {strides = array<i32>} : memref<128x128xf32, #tpu.memory_space<vmem>>, vector<1x16xf32>,
        %swap3A_101 = vector.shape_cast %swap3A_100 : vector<1x16xf32> to vector<16xf32>
        %swap3A_102 = vector.shape_cast %mul3A_97 : vector<16xf32> to vector<1x16xf32>
        tpu.vector_store %arg10[%swap3A_98, %swap3A_99], %swap3A_102 {strides = array<i32>} : memref<128x128xf32, #tpu.memory_space<vmem>>, vector<1x16xf32>,
        %slice3A_103 = vector.extract_strided_slice %get3A_66 {offsets = [1], sizes = [1], strides = [1]} : vector<16xf32> to vector<1xf32>
        %squeeze3A_104 = vector.extract %slice3A_103[0] : f32 from vector<1xf32>
        %get3A_105 = arith.index_cast %scan3A_62 : i32 to index
        %get3A_106 = arith.constant 48 : index
        %get3A_107 = tpu.vector_load %arg10[%get3A_105, %get3A_106] {strides = array<i32>} : memref<128x128xf32, #tpu.memory_space<vmem>>, vector<1x16xf32>,
        %get3A_108 = vector.shape_cast %get3A_107 : vector<1x16xf32> to vector<16xf32>
        %mul3A_109 = vector.broadcast %squeeze3A_104 : f32 to vector<16xf32>
        %mul3A_110 = arith.mulf %get3A_108, %mul3A_109 : vector<16xf32>
        %swap3A_111 = arith.index_cast %scan3A_62 : i32 to index
        %swap3A_112 = arith.constant 48 : index
        %swap3A_113 = tpu.vector_load %arg10[%swap3A_111, %swap3A_112] {strides = array<i32>} : memref<128x128xf32, #tpu.memory_space<vmem>>, vector<1x16xf32>,
        %swap3A_114 = vector.shape_cast %swap3A_113 : vector<1x16xf32> to vector<16xf32>
        %swap3A_115 = vector.shape_cast %mul3A_110 : vector<16xf32> to vector<1x16xf32>
        tpu.vector_store %arg10[%swap3A_111, %swap3A_112], %swap3A_115 {strides = array<i32>} : memref<128x128xf32, #tpu.memory_space<vmem>>, vector<1x16xf32>,
        %slice3A_116 = vector.extract_strided_slice %get3A_66 {offsets = [2], sizes = [1], strides = [1]} : vector<16xf32> to vector<1xf32>
        %squeeze3A_117 = vector.extract %slice3A_116[0] : f32 from vector<1xf32>
        %get3A_118 = arith.index_cast %scan3A_62 : i32 to index
        %get3A_119 = arith.constant 64 : index
        %get3A_120 = tpu.vector_load %arg10[%get3A_118, %get3A_119] {strides = array<i32>} : memref<128x128xf32, #tpu.memory_space<vmem>>, vector<1x16xf32>,
        %get3A_121 = vector.shape_cast %get3A_120 : vector<1x16xf32> to vector<16xf32>
        %mul3A_122 = vector.broadcast %squeeze3A_117 : f32 to vector<16xf32>
        %mul3A_123 = arith.mulf %get3A_121, %mul3A_122 : vector<16xf32>
        %swap3A_124 = arith.index_cast %scan3A_62 : i32 to index
        %swap3A_125 = arith.constant 64 : index
        %swap3A_126 = tpu.vector_load %arg10[%swap3A_124, %swap3A_125] {strides = array<i32>} : memref<128x128xf32, #tpu.memory_space<vmem>>, vector<1x16xf32>,
        %swap3A_127 = vector.shape_cast %swap3A_126 : vector<1x16xf32> to vector<16xf32>
        %swap3A_128 = vector.shape_cast %mul3A_123 : vector<16xf32> to vector<1x16xf32>
        tpu.vector_store %arg10[%swap3A_124, %swap3A_125], %swap3A_128 {strides = array<i32>} : memref<128x128xf32, #tpu.memory_space<vmem>>, vector<1x16xf32>,
        %slice3A_129 = vector.extract_strided_slice %get3A_66 {offsets = [2], sizes = [1], strides = [1]} : vector<16xf32> to vector<1xf32>
        %squeeze3A_130 = vector.extract %slice3A_129[0] : f32 from vector<1xf32>
        %get3A_131 = arith.index_cast %scan3A_62 : i32 to index
        %get3A_132 = arith.constant 80 : index
        %get3A_133 = tpu.vector_load %arg10[%get3A_131, %get3A_132] {strides = array<i32>} : memref<128x128xf32, #tpu.memory_space<vmem>>, vector<1x16xf32>,
        %get3A_134 = vector.shape_cast %get3A_133 : vector<1x16xf32> to vector<16xf32>
        %mul3A_135 = vector.broadcast %squeeze3A_130 : f32 to vector<16xf32>
        %mul3A_136 = arith.mulf %get3A_134, %mul3A_135 : vector<16xf32>
        %swap3A_137 = arith.index_cast %scan3A_62 : i32 to index
        %swap3A_138 = arith.constant 80 : index
        %swap3A_139 = tpu.vector_load %arg10[%swap3A_137, %swap3A_138] {strides = array<i32>} : memref<128x128xf32, #tpu.memory_space<vmem>>, vector<1x16xf32>,
        %swap3A_140 = vector.shape_cast %swap3A_139 : vector<1x16xf32> to vector<16xf32>
        %swap3A_141 = vector.shape_cast %mul3A_136 : vector<16xf32> to vector<1x16xf32>
        tpu.vector_store %arg10[%swap3A_137, %swap3A_138], %swap3A_141 {strides = array<i32>} : memref<128x128xf32, #tpu.memory_space<vmem>>, vector<1x16xf32>,
        %slice3A_142 = vector.extract_strided_slice %get3A_66 {offsets = [3], sizes = [1], strides = [1]} : vector<16xf32> to vector<1xf32>
        %squeeze3A_143 = vector.extract %slice3A_142[0] : f32 from vector<1xf32>
        %get3A_144 = arith.index_cast %scan3A_62 : i32 to index
        %get3A_145 = arith.constant 96 : index
        %get3A_146 = tpu.vector_load %arg10[%get3A_144, %get3A_145] {strides = array<i32>} : memref<128x128xf32, #tpu.memory_space<vmem>>, vector<1x16xf32>,
        %get3A_147 = vector.shape_cast %get3A_146 : vector<1x16xf32> to vector<16xf32>
        %mul3A_148 = vector.broadcast %squeeze3A_143 : f32 to vector<16xf32>
        %mul3A_149 = arith.mulf %get3A_147, %mul3A_148 : vector<16xf32>
        %swap3A_150 = arith.index_cast %scan3A_62 : i32 to index
        %swap3A_151 = arith.constant 96 : index
        %swap3A_152 = tpu.vector_load %arg10[%swap3A_150, %swap3A_151] {strides = array<i32>} : memref<128x128xf32, #tpu.memory_space<vmem>>, vector<1x16xf32>,
        %swap3A_153 = vector.shape_cast %swap3A_152 : vector<1x16xf32> to vector<16xf32>
        %swap3A_154 = vector.shape_cast %mul3A_149 : vector<16xf32> to vector<1x16xf32>
        tpu.vector_store %arg10[%swap3A_150, %swap3A_151], %swap3A_154 {strides = array<i32>} : memref<128x128xf32, #tpu.memory_space<vmem>>, vector<1x16xf32>,
        %slice3A_155 = vector.extract_strided_slice %get3A_66 {offsets = [3], sizes = [1], strides = [1]} : vector<16xf32> to vector<1xf32>
        %squeeze3A_156 = vector.extract %slice3A_155[0] : f32 from vector<1xf32>
        %get3A_157 = arith.index_cast %scan3A_62 : i32 to index
        %get3A_158 = arith.constant 112 : index
        %get3A_159 = tpu.vector_load %arg10[%get3A_157, %get3A_158] {strides = array<i32>} : memref<128x128xf32, #tpu.memory_space<vmem>>, vector<1x16xf32>,
        %get3A_160 = vector.shape_cast %get3A_159 : vector<1x16xf32> to vector<16xf32>
        %mul3A_161 = vector.broadcast %squeeze3A_156 : f32 to vector<16xf32>
        %mul3A_162 = arith.mulf %get3A_160, %mul3A_161 : vector<16xf32>
        %swap3A_163 = arith.index_cast %scan3A_62 : i32 to index
        %swap3A_164 = arith.constant 112 : index
        %swap3A_165 = tpu.vector_load %arg10[%swap3A_163, %swap3A_164] {strides = array<i32>} : memref<128x128xf32, #tpu.memory_space<vmem>>, vector<1x16xf32>,
        %swap3A_166 = vector.shape_cast %swap3A_165 : vector<1x16xf32> to vector<16xf32>
        %swap3A_167 = vector.shape_cast %mul3A_162 : vector<16xf32> to vector<1x16xf32>
        tpu.vector_store %arg10[%swap3A_163, %swap3A_164], %swap3A_167 {strides = array<i32>} : memref<128x128xf32, #tpu.memory_space<vmem>>, vector<1x16xf32>,
        %scan3A_168 = arith.constant 0 : i32
        scf.yield %scan3A_168 : i32
      }
      %scan3A_60 = arith.constant 128 : i32
      "tpu.region"() ({
        %run_scoped3A = tpu.sem_alloc : memref<!tpu.dma_semaphore, #tpu.memory_space<semaphore_mem>>
        %dma_start3A_62 = arith.constant 0 : i32
        %dma_start3A_63 = tpu.memref_slice %arg8[%scan3A_28, %dma_start3A_62] : memref<88x128xi32, #tpu.memory_space<vmem>> -> memref<1x128xi32, #tpu.memory_space<vmem>>
        %dma_start3A_64 = tpu.memref_squeeze %dma_start3A_63 : memref<1x128xi32, #tpu.memory_space<vmem>> -> memref<128xi32, #tpu.memory_space<vmem>>
        %dma_start3A_65 = arith.constant 0 : i32
        %dma_start3A_66 = arith.constant 0 : i32
        %dma_start3A_67 = tpu.memref_slice %arg11[%dma_start3A_65, %dma_start3A_66] : memref<10240x128xf32, #tpu.memory_space<vmem_shared>> -> memref<10240x128xf32, #tpu.memory_space<vmem_shared>>
        tpu.enqueue_indirect_dma source(%arg10 : memref<128x128xf32, #tpu.memory_space<vmem>>) target(%dma_start3A_67 : memref<10240x128xf32, #tpu.memory_space<vmem_shared>>) offsets(%dma_start3A_64 : memref<128xi32, #tpu.memory_space<vmem>>) semaphore(%run_scoped3A : memref<!tpu.dma_semaphore, #tpu.memory_space<semaphore_mem>>) {add = true}
        %dma_wait3A_68 = arith.constant 0 : i32
        %dma_wait3A_69 = tpu.memref_slice %arg8[%scan3A_28, %dma_wait3A_68] : memref<88x128xi32, #tpu.memory_space<vmem>> -> memref<1x128xi32, #tpu.memory_space<vmem>>
        %dma_wait3A_70 = tpu.memref_squeeze %dma_wait3A_69 : memref<1x128xi32, #tpu.memory_space<vmem>> -> memref<128xi32, #tpu.memory_space<vmem>>
        %dma_wait3A_71 = arith.constant 0 : i32
        %dma_wait3A_72 = arith.constant 0 : i32
        %dma_wait3A_73 = tpu.memref_slice %arg11[%dma_wait3A_71, %dma_wait3A_72] : memref<10240x128xf32, #tpu.memory_space<vmem_shared>> -> memref<10240x128xf32, #tpu.memory_space<vmem_shared>>
        tpu.wait_indirect_dma semaphore(%run_scoped3A : memref<!tpu.dma_semaphore, #tpu.memory_space<semaphore_mem>>) src(%arg10 : memref<128x128xf32, #tpu.memory_space<vmem>>) dst(%dma_wait3A_73 : memref<10240x128xf32, #tpu.memory_space<vmem_shared>>)
        tpu.yield
      }) : () -> ()
      %scan3A_61 = arith.constant 0 : i32
      scf.yield %scan3A_61 : i32
    }
    %scan3A_26 = arith.constant 81 : i32
    %barrier3A_27 = arith.constant 0 : index
    tpu.barrier barrier_id(%barrier3A_27)
    "tpu.region"() ({
      %run_scoped3A = tpu.sem_alloc : memref<!tpu.dma_semaphore, #tpu.memory_space<semaphore_mem>>
      %dma_start3A = arith.constant 0 : i32
      %dma_start3A_28 = tpu.memref_slice %arg6[%arg0, %mul3A_2, %dma_start3A] : memref<2x10240x128xf32, #tpu.memory_space<hbm>> -> memref<1x640x128xf32, #tpu.memory_space<hbm>>
      %dma_start3A_29 = tpu.memref_squeeze %dma_start3A_28 : memref<1x640x128xf32, #tpu.memory_space<hbm>> -> memref<640x128xf32, #tpu.memory_space<hbm>>
      %dma_start3A_30 = arith.constant 0 : i32
      %dma_start3A_31 = tpu.memref_slice %arg11[%mul3A_2, %dma_start3A_30] : memref<10240x128xf32, #tpu.memory_space<vmem_shared>> -> memref<640x128xf32, #tpu.memory_space<vmem_shared>>
      tpu.enqueue_dma source(%dma_start3A_31 : memref<640x128xf32, #tpu.memory_space<vmem_shared>>) target(%dma_start3A_29 : memref<640x128xf32, #tpu.memory_space<hbm>>) target_semaphore(%run_scoped3A : memref<!tpu.dma_semaphore, #tpu.memory_space<semaphore_mem>>)
      %dma_wait3A = arith.constant 0 : i32
      %dma_wait3A_32 = tpu.memref_slice %arg6[%arg0, %mul3A_2, %dma_wait3A] : memref<2x10240x128xf32, #tpu.memory_space<hbm>> -> memref<1x640x128xf32, #tpu.memory_space<hbm>>
      %dma_wait3A_33 = tpu.memref_squeeze %dma_wait3A_32 : memref<1x640x128xf32, #tpu.memory_space<hbm>> -> memref<640x128xf32, #tpu.memory_space<hbm>>
      %dma_wait3A_34 = arith.constant 0 : i32
      %dma_wait3A_35 = tpu.memref_slice %arg11[%mul3A_2, %dma_wait3A_34] : memref<10240x128xf32, #tpu.memory_space<vmem_shared>> -> memref<640x128xf32, #tpu.memory_space<vmem_shared>>
      tpu.wait_dma2 semaphore(%run_scoped3A : memref<!tpu.dma_semaphore, #tpu.memory_space<semaphore_mem>>) src(%dma_wait3A_35 : memref<640x128xf32, #tpu.memory_space<vmem_shared>>) dst(%dma_wait3A_33 : memref<640x128xf32, #tpu.memory_space<hbm>>)
      tpu.yield
    }) : () -> ()
    return
  }
}

#map = affine_map<(d0, d1) -> (0, 0, 0)>
#map1 = affine_map<(d0, d1) -> (0, 0)>
module attributes {stable_mosaic.version = 14 : i64} {
  func.func @asum_k(%arg0: i32, %arg1: i32, %arg2: memref<32x88x128xi32, #tpu.memory_space<hbm>>, %arg3: memref<32x88x128xi32, #tpu.memory_space<hbm>>, %arg4: memref<10240x16xf32, #tpu.memory_space<hbm>>, %arg5: memref<2x10240x16xf32, #tpu.memory_space<hbm>>, %arg6: memref<32x10368x16xf32, #tpu.memory_space<hbm>>, %arg7: memref<88x128xi32, #tpu.memory_space<vmem>>, %arg8: memref<88x128xi32, #tpu.memory_space<vmem>>, %arg9: memref<128x16xf32, #tpu.memory_space<vmem>>, %arg10: memref<128x16xf32, #tpu.memory_space<vmem>>, %arg11: memref<128x16xf32, #tpu.memory_space<vmem>>, %arg12: memref<128x16xf32, #tpu.memory_space<vmem>>, %arg13: memref<128x16xf32, #tpu.memory_space<vmem>>, %arg14: memref<128x16xf32, #tpu.memory_space<vmem>>, %arg15: memref<10240x16xf32, #tpu.memory_space<vmem_shared>>, %arg16: memref<!tpu.dma_semaphore, #tpu.memory_space<semaphore_mem>>, %arg17: memref<!tpu.dma_semaphore, #tpu.memory_space<semaphore_mem>>, %arg18: memref<!tpu.dma_semaphore, #tpu.memory_space<semaphore_mem>>, %arg19: memref<!tpu.dma_semaphore, #tpu.memory_space<semaphore_mem>>) attributes {dimension_semantics = [#tpu.dimension_semantics<core_parallel>, #tpu.dimension_semantics<subcore_parallel>], iteration_bounds = array<i64: 2, 16>, scalar_prefetch = 0 : i64, scratch_operands = 13 : i64, tpu.core_type = #tpu.core_type<sc_vector_subcore>, window_params = [{transform_indices = #map}, {transform_indices = #map}, {transform_indices = #map1}, {transform_indices = #map}, {transform_indices = #map}]} {
    %mul3A = arith.constant 2 : i32
    %mul3A_0 = arith.muli %arg1, %mul3A : i32
    %add3A = arith.addi %mul3A_0, %arg0 : i32
    %mul3A_1 = arith.constant 640 : i32
    %mul3A_2 = arith.muli %arg1, %mul3A_1 : i32
    "tpu.region"() ({
      %run_scoped3A_76 = tpu.sem_alloc : memref<!tpu.dma_semaphore, #tpu.memory_space<semaphore_mem>>
      %dma_start3A_77 = arith.constant 0 : i32
      %dma_start3A_78 = arith.constant 0 : i32
      %dma_start3A_79 = tpu.memref_slice %arg2[%add3A, %dma_start3A_77, %dma_start3A_78] : memref<32x88x128xi32, #tpu.memory_space<hbm>> -> memref<1x88x128xi32, #tpu.memory_space<hbm>>
      %dma_start3A_80 = tpu.memref_squeeze %dma_start3A_79 : memref<1x88x128xi32, #tpu.memory_space<hbm>> -> memref<88x128xi32, #tpu.memory_space<hbm>>
      %dma_start3A_81 = arith.constant 0 : i32
      %dma_start3A_82 = arith.constant 0 : i32
      %dma_start3A_83 = tpu.memref_slice %arg2[%add3A, %dma_start3A_81, %dma_start3A_82] : memref<32x88x128xi32, #tpu.memory_space<hbm>> -> memref<1x88x128xi32, #tpu.memory_space<hbm>>
      %dma_start3A_84 = tpu.memref_squeeze %dma_start3A_83 : memref<1x88x128xi32, #tpu.memory_space<hbm>> -> memref<88x128xi32, #tpu.memory_space<hbm>>
      tpu.enqueue_dma source(%dma_start3A_84 : memref<88x128xi32, #tpu.memory_space<hbm>>) target(%arg7 : memref<88x128xi32, #tpu.memory_space<vmem>>) target_semaphore(%run_scoped3A_76 : memref<!tpu.dma_semaphore, #tpu.memory_space<semaphore_mem>>)
      %dma_wait3A_85 = arith.constant 0 : i32
      %dma_wait3A_86 = arith.constant 0 : i32
      %dma_wait3A_87 = tpu.memref_slice %arg2[%add3A, %dma_wait3A_85, %dma_wait3A_86] : memref<32x88x128xi32, #tpu.memory_space<hbm>> -> memref<1x88x128xi32, #tpu.memory_space<hbm>>
      %dma_wait3A_88 = tpu.memref_squeeze %dma_wait3A_87 : memref<1x88x128xi32, #tpu.memory_space<hbm>> -> memref<88x128xi32, #tpu.memory_space<hbm>>
      %dma_wait3A_89 = arith.constant 0 : i32
      %dma_wait3A_90 = arith.constant 0 : i32
      %dma_wait3A_91 = tpu.memref_slice %arg2[%add3A, %dma_wait3A_89, %dma_wait3A_90] : memref<32x88x128xi32, #tpu.memory_space<hbm>> -> memref<1x88x128xi32, #tpu.memory_space<hbm>>
      %dma_wait3A_92 = tpu.memref_squeeze %dma_wait3A_91 : memref<1x88x128xi32, #tpu.memory_space<hbm>> -> memref<88x128xi32, #tpu.memory_space<hbm>>
      tpu.wait_dma2 semaphore(%run_scoped3A_76 : memref<!tpu.dma_semaphore, #tpu.memory_space<semaphore_mem>>) src(%dma_wait3A_92 : memref<88x128xi32, #tpu.memory_space<hbm>>) dst(%arg7 : memref<88x128xi32, #tpu.memory_space<vmem>>)
      tpu.yield
    }) : () -> ()
    "tpu.region"() ({
      %run_scoped3A_76 = tpu.sem_alloc : memref<!tpu.dma_semaphore, #tpu.memory_space<semaphore_mem>>
      %dma_start3A_77 = arith.constant 0 : i32
      %dma_start3A_78 = arith.constant 0 : i32
      %dma_start3A_79 = tpu.memref_slice %arg3[%add3A, %dma_start3A_77, %dma_start3A_78] : memref<32x88x128xi32, #tpu.memory_space<hbm>> -> memref<1x88x128xi32, #tpu.memory_space<hbm>>
      %dma_start3A_80 = tpu.memref_squeeze %dma_start3A_79 : memref<1x88x128xi32, #tpu.memory_space<hbm>> -> memref<88x128xi32, #tpu.memory_space<hbm>>
      %dma_start3A_81 = arith.constant 0 : i32
      %dma_start3A_82 = arith.constant 0 : i32
      %dma_start3A_83 = tpu.memref_slice %arg3[%add3A, %dma_start3A_81, %dma_start3A_82] : memref<32x88x128xi32, #tpu.memory_space<hbm>> -> memref<1x88x128xi32, #tpu.memory_space<hbm>>
      %dma_start3A_84 = tpu.memref_squeeze %dma_start3A_83 : memref<1x88x128xi32, #tpu.memory_space<hbm>> -> memref<88x128xi32, #tpu.memory_space<hbm>>
      tpu.enqueue_dma source(%dma_start3A_84 : memref<88x128xi32, #tpu.memory_space<hbm>>) target(%arg8 : memref<88x128xi32, #tpu.memory_space<vmem>>) target_semaphore(%run_scoped3A_76 : memref<!tpu.dma_semaphore, #tpu.memory_space<semaphore_mem>>)
      %dma_wait3A_85 = arith.constant 0 : i32
      %dma_wait3A_86 = arith.constant 0 : i32
      %dma_wait3A_87 = tpu.memref_slice %arg3[%add3A, %dma_wait3A_85, %dma_wait3A_86] : memref<32x88x128xi32, #tpu.memory_space<hbm>> -> memref<1x88x128xi32, #tpu.memory_space<hbm>>
      %dma_wait3A_88 = tpu.memref_squeeze %dma_wait3A_87 : memref<1x88x128xi32, #tpu.memory_space<hbm>> -> memref<88x128xi32, #tpu.memory_space<hbm>>
      %dma_wait3A_89 = arith.constant 0 : i32
      %dma_wait3A_90 = arith.constant 0 : i32
      %dma_wait3A_91 = tpu.memref_slice %arg3[%add3A, %dma_wait3A_89, %dma_wait3A_90] : memref<32x88x128xi32, #tpu.memory_space<hbm>> -> memref<1x88x128xi32, #tpu.memory_space<hbm>>
      %dma_wait3A_92 = tpu.memref_squeeze %dma_wait3A_91 : memref<1x88x128xi32, #tpu.memory_space<hbm>> -> memref<88x128xi32, #tpu.memory_space<hbm>>
      tpu.wait_dma2 semaphore(%run_scoped3A_76 : memref<!tpu.dma_semaphore, #tpu.memory_space<semaphore_mem>>) src(%dma_wait3A_92 : memref<88x128xi32, #tpu.memory_space<hbm>>) dst(%arg8 : memref<88x128xi32, #tpu.memory_space<vmem>>)
      tpu.yield
    }) : () -> ()
    %broadcast_in_dim3A = arith.constant 0.000000e+00 : f32
    %broadcast_in_dim3A_3 = vector.broadcast %broadcast_in_dim3A : f32 to vector<16xf32>
    %scan3A = arith.constant 0 : i32
    %scan3A_4 = arith.constant 0 : i32
    %scan3A_5 = arith.constant 128 : i32
    %scan3A_6 = arith.addi %scan3A_4, %scan3A_5 : i32
    %scan3A_7 = arith.constant 1 : i32
    %scan3A_8 = scf.for %scan3A_76 = %scan3A_4 to %scan3A_6 step %scan3A_7 iter_args(%scan3A_77 = %scan3A) -> (i32)  : i32 {
      %swap3A = arith.index_cast %scan3A_76 : i32 to index
      %swap3A_78 = arith.constant 0 : index
      %swap3A_79 = tpu.vector_load %arg9[%swap3A, %swap3A_78] {strides = array<i32>} : memref<128x16xf32, #tpu.memory_space<vmem>>, vector<1x16xf32>,
      %swap3A_80 = vector.shape_cast %swap3A_79 : vector<1x16xf32> to vector<16xf32>
      %swap3A_81 = vector.shape_cast %broadcast_in_dim3A_3 : vector<16xf32> to vector<1x16xf32>
      tpu.vector_store %arg9[%swap3A, %swap3A_78], %swap3A_81 {strides = array<i32>} : memref<128x16xf32, #tpu.memory_space<vmem>>, vector<1x16xf32>,
      %scan3A_82 = arith.constant 0 : i32
      scf.yield %scan3A_82 : i32
    }
    %scan3A_9 = arith.constant 128 : i32
    %add3A_10 = arith.constant 0 : i32
    %add3A_11 = arith.addi %mul3A_2, %add3A_10 : i32
    "tpu.region"() ({
      %run_scoped3A_76 = tpu.sem_alloc : memref<!tpu.dma_semaphore, #tpu.memory_space<semaphore_mem>>
      %dma_start3A_77 = arith.constant 0 : i32
      %dma_start3A_78 = tpu.memref_slice %arg15[%add3A_11, %dma_start3A_77] : memref<10240x16xf32, #tpu.memory_space<vmem_shared>> -> memref<128x16xf32, #tpu.memory_space<vmem_shared>>
      %dma_start3A_79 = arith.constant 0 : i32
      %dma_start3A_80 = tpu.memref_slice %arg15[%add3A_11, %dma_start3A_79] : memref<10240x16xf32, #tpu.memory_space<vmem_shared>> -> memref<128x16xf32, #tpu.memory_space<vmem_shared>>
      tpu.enqueue_dma source(%arg9 : memref<128x16xf32, #tpu.memory_space<vmem>>) target(%dma_start3A_80 : memref<128x16xf32, #tpu.memory_space<vmem_shared>>) target_semaphore(%run_scoped3A_76 : memref<!tpu.dma_semaphore, #tpu.memory_space<semaphore_mem>>)
      %dma_wait3A_81 = arith.constant 0 : i32
      %dma_wait3A_82 = tpu.memref_slice %arg15[%add3A_11, %dma_wait3A_81] : memref<10240x16xf32, #tpu.memory_space<vmem_shared>> -> memref<128x16xf32, #tpu.memory_space<vmem_shared>>
      %dma_wait3A_83 = arith.constant 0 : i32
      %dma_wait3A_84 = tpu.memref_slice %arg15[%add3A_11, %dma_wait3A_83] : memref<10240x16xf32, #tpu.memory_space<vmem_shared>> -> memref<128x16xf32, #tpu.memory_space<vmem_shared>>
      tpu.wait_dma2 semaphore(%run_scoped3A_76 : memref<!tpu.dma_semaphore, #tpu.memory_space<semaphore_mem>>) src(%arg9 : memref<128x16xf32, #tpu.memory_space<vmem>>) dst(%dma_wait3A_84 : memref<128x16xf32, #tpu.memory_space<vmem_shared>>)
      tpu.yield
    }) : () -> ()
    %add3A_12 = arith.constant 128 : i32
    %add3A_13 = arith.addi %mul3A_2, %add3A_12 : i32
    "tpu.region"() ({
      %run_scoped3A_76 = tpu.sem_alloc : memref<!tpu.dma_semaphore, #tpu.memory_space<semaphore_mem>>
      %dma_start3A_77 = arith.constant 0 : i32
      %dma_start3A_78 = tpu.memref_slice %arg15[%add3A_13, %dma_start3A_77] : memref<10240x16xf32, #tpu.memory_space<vmem_shared>> -> memref<128x16xf32, #tpu.memory_space<vmem_shared>>
      %dma_start3A_79 = arith.constant 0 : i32
      %dma_start3A_80 = tpu.memref_slice %arg15[%add3A_13, %dma_start3A_79] : memref<10240x16xf32, #tpu.memory_space<vmem_shared>> -> memref<128x16xf32, #tpu.memory_space<vmem_shared>>
      tpu.enqueue_dma source(%arg9 : memref<128x16xf32, #tpu.memory_space<vmem>>) target(%dma_start3A_80 : memref<128x16xf32, #tpu.memory_space<vmem_shared>>) target_semaphore(%run_scoped3A_76 : memref<!tpu.dma_semaphore, #tpu.memory_space<semaphore_mem>>)
      %dma_wait3A_81 = arith.constant 0 : i32
      %dma_wait3A_82 = tpu.memref_slice %arg15[%add3A_13, %dma_wait3A_81] : memref<10240x16xf32, #tpu.memory_space<vmem_shared>> -> memref<128x16xf32, #tpu.memory_space<vmem_shared>>
      %dma_wait3A_83 = arith.constant 0 : i32
      %dma_wait3A_84 = tpu.memref_slice %arg15[%add3A_13, %dma_wait3A_83] : memref<10240x16xf32, #tpu.memory_space<vmem_shared>> -> memref<128x16xf32, #tpu.memory_space<vmem_shared>>
      tpu.wait_dma2 semaphore(%run_scoped3A_76 : memref<!tpu.dma_semaphore, #tpu.memory_space<semaphore_mem>>) src(%arg9 : memref<128x16xf32, #tpu.memory_space<vmem>>) dst(%dma_wait3A_84 : memref<128x16xf32, #tpu.memory_space<vmem_shared>>)
      tpu.yield
    }) : () -> ()
    %add3A_14 = arith.constant 256 : i32
    %add3A_15 = arith.addi %mul3A_2, %add3A_14 : i32
    "tpu.region"() ({
      %run_scoped3A_76 = tpu.sem_alloc : memref<!tpu.dma_semaphore, #tpu.memory_space<semaphore_mem>>
      %dma_start3A_77 = arith.constant 0 : i32
      %dma_start3A_78 = tpu.memref_slice %arg15[%add3A_15, %dma_start3A_77] : memref<10240x16xf32, #tpu.memory_space<vmem_shared>> -> memref<128x16xf32, #tpu.memory_space<vmem_shared>>
      %dma_start3A_79 = arith.constant 0 : i32
      %dma_start3A_80 = tpu.memref_slice %arg15[%add3A_15, %dma_start3A_79] : memref<10240x16xf32, #tpu.memory_space<vmem_shared>> -> memref<128x16xf32, #tpu.memory_space<vmem_shared>>
      tpu.enqueue_dma source(%arg9 : memref<128x16xf32, #tpu.memory_space<vmem>>) target(%dma_start3A_80 : memref<128x16xf32, #tpu.memory_space<vmem_shared>>) target_semaphore(%run_scoped3A_76 : memref<!tpu.dma_semaphore, #tpu.memory_space<semaphore_mem>>)
      %dma_wait3A_81 = arith.constant 0 : i32
      %dma_wait3A_82 = tpu.memref_slice %arg15[%add3A_15, %dma_wait3A_81] : memref<10240x16xf32, #tpu.memory_space<vmem_shared>> -> memref<128x16xf32, #tpu.memory_space<vmem_shared>>
      %dma_wait3A_83 = arith.constant 0 : i32
      %dma_wait3A_84 = tpu.memref_slice %arg15[%add3A_15, %dma_wait3A_83] : memref<10240x16xf32, #tpu.memory_space<vmem_shared>> -> memref<128x16xf32, #tpu.memory_space<vmem_shared>>
      tpu.wait_dma2 semaphore(%run_scoped3A_76 : memref<!tpu.dma_semaphore, #tpu.memory_space<semaphore_mem>>) src(%arg9 : memref<128x16xf32, #tpu.memory_space<vmem>>) dst(%dma_wait3A_84 : memref<128x16xf32, #tpu.memory_space<vmem_shared>>)
      tpu.yield
    }) : () -> ()
    %add3A_16 = arith.constant 384 : i32
    %add3A_17 = arith.addi %mul3A_2, %add3A_16 : i32
    "tpu.region"() ({
      %run_scoped3A_76 = tpu.sem_alloc : memref<!tpu.dma_semaphore, #tpu.memory_space<semaphore_mem>>
      %dma_start3A_77 = arith.constant 0 : i32
      %dma_start3A_78 = tpu.memref_slice %arg15[%add3A_17, %dma_start3A_77] : memref<10240x16xf32, #tpu.memory_space<vmem_shared>> -> memref<128x16xf32, #tpu.memory_space<vmem_shared>>
      %dma_start3A_79 = arith.constant 0 : i32
      %dma_start3A_80 = tpu.memref_slice %arg15[%add3A_17, %dma_start3A_79] : memref<10240x16xf32, #tpu.memory_space<vmem_shared>> -> memref<128x16xf32, #tpu.memory_space<vmem_shared>>
      tpu.enqueue_dma source(%arg9 : memref<128x16xf32, #tpu.memory_space<vmem>>) target(%dma_start3A_80 : memref<128x16xf32, #tpu.memory_space<vmem_shared>>) target_semaphore(%run_scoped3A_76 : memref<!tpu.dma_semaphore, #tpu.memory_space<semaphore_mem>>)
      %dma_wait3A_81 = arith.constant 0 : i32
      %dma_wait3A_82 = tpu.memref_slice %arg15[%add3A_17, %dma_wait3A_81] : memref<10240x16xf32, #tpu.memory_space<vmem_shared>> -> memref<128x16xf32, #tpu.memory_space<vmem_shared>>
      %dma_wait3A_83 = arith.constant 0 : i32
      %dma_wait3A_84 = tpu.memref_slice %arg15[%add3A_17, %dma_wait3A_83] : memref<10240x16xf32, #tpu.memory_space<vmem_shared>> -> memref<128x16xf32, #tpu.memory_space<vmem_shared>>
      tpu.wait_dma2 semaphore(%run_scoped3A_76 : memref<!tpu.dma_semaphore, #tpu.memory_space<semaphore_mem>>) src(%arg9 : memref<128x16xf32, #tpu.memory_space<vmem>>) dst(%dma_wait3A_84 : memref<128x16xf32, #tpu.memory_space<vmem_shared>>)
      tpu.yield
    }) : () -> ()
    %add3A_18 = arith.constant 512 : i32
    %add3A_19 = arith.addi %mul3A_2, %add3A_18 : i32
    "tpu.region"() ({
      %run_scoped3A_76 = tpu.sem_alloc : memref<!tpu.dma_semaphore, #tpu.memory_space<semaphore_mem>>
      %dma_start3A_77 = arith.constant 0 : i32
      %dma_start3A_78 = tpu.memref_slice %arg15[%add3A_19, %dma_start3A_77] : memref<10240x16xf32, #tpu.memory_space<vmem_shared>> -> memref<128x16xf32, #tpu.memory_space<vmem_shared>>
      %dma_start3A_79 = arith.constant 0 : i32
      %dma_start3A_80 = tpu.memref_slice %arg15[%add3A_19, %dma_start3A_79] : memref<10240x16xf32, #tpu.memory_space<vmem_shared>> -> memref<128x16xf32, #tpu.memory_space<vmem_shared>>
      tpu.enqueue_dma source(%arg9 : memref<128x16xf32, #tpu.memory_space<vmem>>) target(%dma_start3A_80 : memref<128x16xf32, #tpu.memory_space<vmem_shared>>) target_semaphore(%run_scoped3A_76 : memref<!tpu.dma_semaphore, #tpu.memory_space<semaphore_mem>>)
      %dma_wait3A_81 = arith.constant 0 : i32
      %dma_wait3A_82 = tpu.memref_slice %arg15[%add3A_19, %dma_wait3A_81] : memref<10240x16xf32, #tpu.memory_space<vmem_shared>> -> memref<128x16xf32, #tpu.memory_space<vmem_shared>>
      %dma_wait3A_83 = arith.constant 0 : i32
      %dma_wait3A_84 = tpu.memref_slice %arg15[%add3A_19, %dma_wait3A_83] : memref<10240x16xf32, #tpu.memory_space<vmem_shared>> -> memref<128x16xf32, #tpu.memory_space<vmem_shared>>
      tpu.wait_dma2 semaphore(%run_scoped3A_76 : memref<!tpu.dma_semaphore, #tpu.memory_space<semaphore_mem>>) src(%arg9 : memref<128x16xf32, #tpu.memory_space<vmem>>) dst(%dma_wait3A_84 : memref<128x16xf32, #tpu.memory_space<vmem_shared>>)
      tpu.yield
    }) : () -> ()
    %barrier3A = arith.constant 0 : index
    tpu.barrier barrier_id(%barrier3A)
    %scan3A_20 = arith.constant 0 : i32
    %scan3A_21 = arith.constant 0 : i32
    %scan3A_22 = arith.constant 40 : i32
    %scan3A_23 = arith.addi %scan3A_21, %scan3A_22 : i32
    %scan3A_24 = arith.constant 1 : i32
    scf.for %scan3A_76 = %scan3A_21 to %scan3A_23 step %scan3A_24  : i32 {
      %mul3A_77 = arith.constant 2 : i32
      %mul3A_78 = arith.muli %mul3A_77, %scan3A_76 : i32
      %dma_start3A_79 = arith.constant 0 : i32
      %dma_start3A_80 = tpu.memref_slice %arg7[%mul3A_78, %dma_start3A_79] : memref<88x128xi32, #tpu.memory_space<vmem>> -> memref<1x128xi32, #tpu.memory_space<vmem>>
      %dma_start3A_81 = tpu.memref_squeeze %dma_start3A_80 : memref<1x128xi32, #tpu.memory_space<vmem>> -> memref<128xi32, #tpu.memory_space<vmem>>
      %dma_start3A_82 = arith.constant 0 : i32
      %dma_start3A_83 = arith.constant 0 : i32
      %dma_start3A_84 = tpu.memref_slice %arg4[%dma_start3A_82, %dma_start3A_83] : memref<10240x16xf32, #tpu.memory_space<hbm>> -> memref<10240x16xf32, #tpu.memory_space<hbm>>
      tpu.enqueue_indirect_dma source(%dma_start3A_84 : memref<10240x16xf32, #tpu.memory_space<hbm>>) target(%arg9 : memref<128x16xf32, #tpu.memory_space<vmem>>) offsets(%dma_start3A_81 : memref<128xi32, #tpu.memory_space<vmem>>) semaphore(%arg16 : memref<!tpu.dma_semaphore, #tpu.memory_space<semaphore_mem>>)
      %dma_start3A_85 = arith.constant 0 : i32
      %dma_start3A_86 = tpu.memref_slice %arg8[%mul3A_78, %dma_start3A_85] : memref<88x128xi32, #tpu.memory_space<vmem>> -> memref<1x128xi32, #tpu.memory_space<vmem>>
      %dma_start3A_87 = tpu.memref_squeeze %dma_start3A_86 : memref<1x128xi32, #tpu.memory_space<vmem>> -> memref<128xi32, #tpu.memory_space<vmem>>
      %dma_start3A_88 = arith.constant 0 : i32
      %dma_start3A_89 = arith.constant 0 : i32
      %dma_start3A_90 = tpu.memref_slice %arg4[%dma_start3A_88, %dma_start3A_89] : memref<10240x16xf32, #tpu.memory_space<hbm>> -> memref<10240x16xf32, #tpu.memory_space<hbm>>
      tpu.enqueue_indirect_dma source(%dma_start3A_90 : memref<10240x16xf32, #tpu.memory_space<hbm>>) target(%arg10 : memref<128x16xf32, #tpu.memory_space<vmem>>) offsets(%dma_start3A_87 : memref<128xi32, #tpu.memory_space<vmem>>) semaphore(%arg17 : memref<!tpu.dma_semaphore, #tpu.memory_space<semaphore_mem>>)
      %add3A_91 = arith.constant 1 : i32
      %add3A_92 = arith.addi %mul3A_78, %add3A_91 : i32
      %dma_start3A_93 = arith.constant 0 : i32
      %dma_start3A_94 = tpu.memref_slice %arg7[%add3A_92, %dma_start3A_93] : memref<88x128xi32, #tpu.memory_space<vmem>> -> memref<1x128xi32, #tpu.memory_space<vmem>>
      %dma_start3A_95 = tpu.memref_squeeze %dma_start3A_94 : memref<1x128xi32, #tpu.memory_space<vmem>> -> memref<128xi32, #tpu.memory_space<vmem>>
      %dma_start3A_96 = arith.constant 0 : i32
      %dma_start3A_97 = arith.constant 0 : i32
      %dma_start3A_98 = tpu.memref_slice %arg4[%dma_start3A_96, %dma_start3A_97] : memref<10240x16xf32, #tpu.memory_space<hbm>> -> memref<10240x16xf32, #tpu.memory_space<hbm>>
      tpu.enqueue_indirect_dma source(%dma_start3A_98 : memref<10240x16xf32, #tpu.memory_space<hbm>>) target(%arg11 : memref<128x16xf32, #tpu.memory_space<vmem>>) offsets(%dma_start3A_95 : memref<128xi32, #tpu.memory_space<vmem>>) semaphore(%arg18 : memref<!tpu.dma_semaphore, #tpu.memory_space<semaphore_mem>>)
      %dma_start3A_99 = arith.constant 0 : i32
      %dma_start3A_100 = tpu.memref_slice %arg8[%add3A_92, %dma_start3A_99] : memref<88x128xi32, #tpu.memory_space<vmem>> -> memref<1x128xi32, #tpu.memory_space<vmem>>
      %dma_start3A_101 = tpu.memref_squeeze %dma_start3A_100 : memref<1x128xi32, #tpu.memory_space<vmem>> -> memref<128xi32, #tpu.memory_space<vmem>>
      %dma_start3A_102 = arith.constant 0 : i32
      %dma_start3A_103 = arith.constant 0 : i32
      %dma_start3A_104 = tpu.memref_slice %arg4[%dma_start3A_102, %dma_start3A_103] : memref<10240x16xf32, #tpu.memory_space<hbm>> -> memref<10240x16xf32, #tpu.memory_space<hbm>>
      tpu.enqueue_indirect_dma source(%dma_start3A_104 : memref<10240x16xf32, #tpu.memory_space<hbm>>) target(%arg12 : memref<128x16xf32, #tpu.memory_space<vmem>>) offsets(%dma_start3A_101 : memref<128xi32, #tpu.memory_space<vmem>>) semaphore(%arg19 : memref<!tpu.dma_semaphore, #tpu.memory_space<semaphore_mem>>)
      %dma_wait3A_105 = arith.constant 0 : i32
      %dma_wait3A_106 = tpu.memref_slice %arg7[%mul3A_78, %dma_wait3A_105] : memref<88x128xi32, #tpu.memory_space<vmem>> -> memref<1x128xi32, #tpu.memory_space<vmem>>
      %dma_wait3A_107 = tpu.memref_squeeze %dma_wait3A_106 : memref<1x128xi32, #tpu.memory_space<vmem>> -> memref<128xi32, #tpu.memory_space<vmem>>
      %dma_wait3A_108 = arith.constant 0 : i32
      %dma_wait3A_109 = arith.constant 0 : i32
      %dma_wait3A_110 = tpu.memref_slice %arg4[%dma_wait3A_108, %dma_wait3A_109] : memref<10240x16xf32, #tpu.memory_space<hbm>> -> memref<10240x16xf32, #tpu.memory_space<hbm>>
      tpu.wait_indirect_dma semaphore(%arg16 : memref<!tpu.dma_semaphore, #tpu.memory_space<semaphore_mem>>) src(%dma_wait3A_110 : memref<10240x16xf32, #tpu.memory_space<hbm>>) dst(%arg9 : memref<128x16xf32, #tpu.memory_space<vmem>>)
      %dma_wait3A_111 = arith.constant 0 : i32
      %dma_wait3A_112 = tpu.memref_slice %arg8[%mul3A_78, %dma_wait3A_111] : memref<88x128xi32, #tpu.memory_space<vmem>> -> memref<1x128xi32, #tpu.memory_space<vmem>>
      %dma_wait3A_113 = tpu.memref_squeeze %dma_wait3A_112 : memref<1x128xi32, #tpu.memory_space<vmem>> -> memref<128xi32, #tpu.memory_space<vmem>>
      %dma_wait3A_114 = arith.constant 0 : i32
      %dma_wait3A_115 = arith.constant 0 : i32
      %dma_wait3A_116 = tpu.memref_slice %arg4[%dma_wait3A_114, %dma_wait3A_115] : memref<10240x16xf32, #tpu.memory_space<hbm>> -> memref<10240x16xf32, #tpu.memory_space<hbm>>
      tpu.wait_indirect_dma semaphore(%arg17 : memref<!tpu.dma_semaphore, #tpu.memory_space<semaphore_mem>>) src(%dma_wait3A_116 : memref<10240x16xf32, #tpu.memory_space<hbm>>) dst(%arg10 : memref<128x16xf32, #tpu.memory_space<vmem>>)
      %scan3A_117 = arith.constant 0 : i32
      %scan3A_118 = arith.constant 0 : i32
      %scan3A_119 = arith.constant 128 : i32
      %scan3A_120 = arith.addi %scan3A_118, %scan3A_119 : i32
      %scan3A_121 = arith.constant 1 : i32
      %scan3A_122 = scf.for %scan3A_173 = %scan3A_118 to %scan3A_120 step %scan3A_121 iter_args(%scan3A_174 = %scan3A_117) -> (i32)  : i32 {
        %get3A = arith.index_cast %scan3A_173 : i32 to index
        %get3A_175 = arith.constant 0 : index
        %get3A_176 = tpu.vector_load %arg9[%get3A, %get3A_175] {strides = array<i32>} : memref<128x16xf32, #tpu.memory_space<vmem>>, vector<1x16xf32>,
        %get3A_177 = vector.shape_cast %get3A_176 : vector<1x16xf32> to vector<16xf32>
        %get3A_178 = arith.index_cast %scan3A_173 : i32 to index
        %get3A_179 = arith.constant 0 : index
        %get3A_180 = tpu.vector_load %arg10[%get3A_178, %get3A_179] {strides = array<i32>} : memref<128x16xf32, #tpu.memory_space<vmem>>, vector<1x16xf32>,
        %get3A_181 = vector.shape_cast %get3A_180 : vector<1x16xf32> to vector<16xf32>
        %rev3A = arith.constant 15 : i32
        %rev3A_182 = vector.broadcast %rev3A : i32 to vector<16xi32>
        %rev3A_183 = tpu.iota {dimensions = array<i32: 0>} : vector<16xi32>
        %rev3A_184 = arith.subi %rev3A_182, %rev3A_183 : vector<16xi32>
        %rev3A_185 = tpu.dynamic_gather %get3A_181[%rev3A_184] in [0] : vector<16xf32>, vector<16xi32> -> vector<16xf32>
        %add3A_186 = arith.addf %get3A_177, %rev3A_185 : vector<16xf32>
        %ge3A = arith.constant 0.000000e+00 : f32
        %ge3A_187 = vector.broadcast %ge3A : f32 to vector<16xf32>
        %ge3A_188 = arith.cmpf oge, %add3A_186, %ge3A_187 : vector<16xf32>
        %mul3A_189 = arith.constant 2.000000e-01 : f32
        %mul3A_190 = vector.broadcast %mul3A_189 : f32 to vector<16xf32>
        %mul3A_191 = arith.mulf %mul3A_190, %add3A_186 : vector<16xf32>
        %select_n3A = arith.select %ge3A_188, %add3A_186, %mul3A_191 : vector<16xi1>, vector<16xf32>
        %exp3A = math.exp %select_n3A : vector<16xf32>
        %swap3A = arith.index_cast %scan3A_173 : i32 to index
        %swap3A_192 = arith.constant 0 : index
        %swap3A_193 = tpu.vector_load %arg13[%swap3A, %swap3A_192] {strides = array<i32>} : memref<128x16xf32, #tpu.memory_space<vmem>>, vector<1x16xf32>,
        %swap3A_194 = vector.shape_cast %swap3A_193 : vector<1x16xf32> to vector<16xf32>
        %swap3A_195 = vector.shape_cast %exp3A : vector<16xf32> to vector<1x16xf32>
        tpu.vector_store %arg13[%swap3A, %swap3A_192], %swap3A_195 {strides = array<i32>} : memref<128x16xf32, #tpu.memory_space<vmem>>, vector<1x16xf32>,
        %scan3A_196 = arith.constant 0 : i32
        scf.yield %scan3A_196 : i32
      }
      %scan3A_123 = arith.constant 128 : i32
      %mul3A_124 = arith.constant 128 : i32
      %mul3A_125 = arith.muli %mul3A_78, %mul3A_124 : i32
      %dma_start3A_126 = arith.constant 0 : i32
      %dma_start3A_127 = tpu.memref_slice %arg6[%add3A, %mul3A_125, %dma_start3A_126] : memref<32x10368x16xf32, #tpu.memory_space<hbm>> -> memref<1x128x16xf32, #tpu.memory_space<hbm>>
      %dma_start3A_128 = tpu.memref_squeeze %dma_start3A_127 : memref<1x128x16xf32, #tpu.memory_space<hbm>> -> memref<128x16xf32, #tpu.memory_space<hbm>>
      %dma_start3A_129 = arith.constant 0 : i32
      %dma_start3A_130 = tpu.memref_slice %arg6[%add3A, %mul3A_125, %dma_start3A_129] : memref<32x10368x16xf32, #tpu.memory_space<hbm>> -> memref<1x128x16xf32, #tpu.memory_space<hbm>>
      %dma_start3A_131 = tpu.memref_squeeze %dma_start3A_130 : memref<1x128x16xf32, #tpu.memory_space<hbm>> -> memref<128x16xf32, #tpu.memory_space<hbm>>
      tpu.enqueue_dma source(%arg13 : memref<128x16xf32, #tpu.memory_space<vmem>>) target(%dma_start3A_131 : memref<128x16xf32, #tpu.memory_space<hbm>>) target_semaphore(%arg16 : memref<!tpu.dma_semaphore, #tpu.memory_space<semaphore_mem>>)
      "tpu.region"() ({
        %run_scoped3A_173 = tpu.sem_alloc : memref<!tpu.dma_semaphore, #tpu.memory_space<semaphore_mem>>
        %dma_start3A_174 = arith.constant 0 : i32
        %dma_start3A_175 = tpu.memref_slice %arg8[%mul3A_78, %dma_start3A_174] : memref<88x128xi32, #tpu.memory_space<vmem>> -> memref<1x128xi32, #tpu.memory_space<vmem>>
        %dma_start3A_176 = tpu.memref_squeeze %dma_start3A_175 : memref<1x128xi32, #tpu.memory_space<vmem>> -> memref<128xi32, #tpu.memory_space<vmem>>
        %dma_start3A_177 = arith.constant 0 : i32
        %dma_start3A_178 = arith.constant 0 : i32
        %dma_start3A_179 = tpu.memref_slice %arg15[%dma_start3A_177, %dma_start3A_178] : memref<10240x16xf32, #tpu.memory_space<vmem_shared>> -> memref<10240x16xf32, #tpu.memory_space<vmem_shared>>
        tpu.enqueue_indirect_dma source(%arg13 : memref<128x16xf32, #tpu.memory_space<vmem>>) target(%dma_start3A_179 : memref<10240x16xf32, #tpu.memory_space<vmem_shared>>) offsets(%dma_start3A_176 : memref<128xi32, #tpu.memory_space<vmem>>) semaphore(%run_scoped3A_173 : memref<!tpu.dma_semaphore, #tpu.memory_space<semaphore_mem>>) {add = true}
        %dma_wait3A_180 = arith.constant 0 : i32
        %dma_wait3A_181 = tpu.memref_slice %arg8[%mul3A_78, %dma_wait3A_180] : memref<88x128xi32, #tpu.memory_space<vmem>> -> memref<1x128xi32, #tpu.memory_space<vmem>>
        %dma_wait3A_182 = tpu.memref_squeeze %dma_wait3A_181 : memref<1x128xi32, #tpu.memory_space<vmem>> -> memref<128xi32, #tpu.memory_space<vmem>>
        %dma_wait3A_183 = arith.constant 0 : i32
        %dma_wait3A_184 = arith.constant 0 : i32
        %dma_wait3A_185 = tpu.memref_slice %arg15[%dma_wait3A_183, %dma_wait3A_184] : memref<10240x16xf32, #tpu.memory_space<vmem_shared>> -> memref<10240x16xf32, #tpu.memory_space<vmem_shared>>
        tpu.wait_indirect_dma semaphore(%run_scoped3A_173 : memref<!tpu.dma_semaphore, #tpu.memory_space<semaphore_mem>>) src(%arg13 : memref<128x16xf32, #tpu.memory_space<vmem>>) dst(%dma_wait3A_185 : memref<10240x16xf32, #tpu.memory_space<vmem_shared>>)
        tpu.yield
      }) : () -> ()
      %add3A_132 = arith.constant 1 : i32
      %add3A_133 = arith.addi %mul3A_78, %add3A_132 : i32
      %dma_wait3A_134 = arith.constant 0 : i32
      %dma_wait3A_135 = tpu.memref_slice %arg7[%add3A_92, %dma_wait3A_134] : memref<88x128xi32, #tpu.memory_space<vmem>> -> memref<1x128xi32, #tpu.memory_space<vmem>>
      %dma_wait3A_136 = tpu.memref_squeeze %dma_wait3A_135 : memref<1x128xi32, #tpu.memory_space<vmem>> -> memref<128xi32, #tpu.memory_space<vmem>>
      %dma_wait3A_137 = arith.constant 0 : i32
      %dma_wait3A_138 = arith.constant 0 : i32
      %dma_wait3A_139 = tpu.memref_slice %arg4[%dma_wait3A_137, %dma_wait3A_138] : memref<10240x16xf32, #tpu.memory_space<hbm>> -> memref<10240x16xf32, #tpu.memory_space<hbm>>
      tpu.wait_indirect_dma semaphore(%arg18 : memref<!tpu.dma_semaphore, #tpu.memory_space<semaphore_mem>>) src(%dma_wait3A_139 : memref<10240x16xf32, #tpu.memory_space<hbm>>) dst(%arg11 : memref<128x16xf32, #tpu.memory_space<vmem>>)
      %dma_wait3A_140 = arith.constant 0 : i32
      %dma_wait3A_141 = tpu.memref_slice %arg8[%add3A_92, %dma_wait3A_140] : memref<88x128xi32, #tpu.memory_space<vmem>> -> memref<1x128xi32, #tpu.memory_space<vmem>>
      %dma_wait3A_142 = tpu.memref_squeeze %dma_wait3A_141 : memref<1x128xi32, #tpu.memory_space<vmem>> -> memref<128xi32, #tpu.memory_space<vmem>>
      %dma_wait3A_143 = arith.constant 0 : i32
      %dma_wait3A_144 = arith.constant 0 : i32
      %dma_wait3A_145 = tpu.memref_slice %arg4[%dma_wait3A_143, %dma_wait3A_144] : memref<10240x16xf32, #tpu.memory_space<hbm>> -> memref<10240x16xf32, #tpu.memory_space<hbm>>
      tpu.wait_indirect_dma semaphore(%arg19 : memref<!tpu.dma_semaphore, #tpu.memory_space<semaphore_mem>>) src(%dma_wait3A_145 : memref<10240x16xf32, #tpu.memory_space<hbm>>) dst(%arg12 : memref<128x16xf32, #tpu.memory_space<vmem>>)
      %scan3A_146 = arith.constant 0 : i32
      %scan3A_147 = arith.constant 0 : i32
      %scan3A_148 = arith.constant 128 : i32
      %scan3A_149 = arith.addi %scan3A_147, %scan3A_148 : i32
      %scan3A_150 = arith.constant 1 : i32
      %scan3A_151 = scf.for %scan3A_173 = %scan3A_147 to %scan3A_149 step %scan3A_150 iter_args(%scan3A_174 = %scan3A_146) -> (i32)  : i32 {
        %get3A = arith.index_cast %scan3A_173 : i32 to index
        %get3A_175 = arith.constant 0 : index
        %get3A_176 = tpu.vector_load %arg11[%get3A, %get3A_175] {strides = array<i32>} : memref<128x16xf32, #tpu.memory_space<vmem>>, vector<1x16xf32>,
        %get3A_177 = vector.shape_cast %get3A_176 : vector<1x16xf32> to vector<16xf32>
        %get3A_178 = arith.index_cast %scan3A_173 : i32 to index
        %get3A_179 = arith.constant 0 : index
        %get3A_180 = tpu.vector_load %arg12[%get3A_178, %get3A_179] {strides = array<i32>} : memref<128x16xf32, #tpu.memory_space<vmem>>, vector<1x16xf32>,
        %get3A_181 = vector.shape_cast %get3A_180 : vector<1x16xf32> to vector<16xf32>
        %rev3A = arith.constant 15 : i32
        %rev3A_182 = vector.broadcast %rev3A : i32 to vector<16xi32>
        %rev3A_183 = tpu.iota {dimensions = array<i32: 0>} : vector<16xi32>
        %rev3A_184 = arith.subi %rev3A_182, %rev3A_183 : vector<16xi32>
        %rev3A_185 = tpu.dynamic_gather %get3A_181[%rev3A_184] in [0] : vector<16xf32>, vector<16xi32> -> vector<16xf32>
        %add3A_186 = arith.addf %get3A_177, %rev3A_185 : vector<16xf32>
        %ge3A = arith.constant 0.000000e+00 : f32
        %ge3A_187 = vector.broadcast %ge3A : f32 to vector<16xf32>
        %ge3A_188 = arith.cmpf oge, %add3A_186, %ge3A_187 : vector<16xf32>
        %mul3A_189 = arith.constant 2.000000e-01 : f32
        %mul3A_190 = vector.broadcast %mul3A_189 : f32 to vector<16xf32>
        %mul3A_191 = arith.mulf %mul3A_190, %add3A_186 : vector<16xf32>
        %select_n3A = arith.select %ge3A_188, %add3A_186, %mul3A_191 : vector<16xi1>, vector<16xf32>
        %exp3A = math.exp %select_n3A : vector<16xf32>
        %swap3A = arith.index_cast %scan3A_173 : i32 to index
        %swap3A_192 = arith.constant 0 : index
        %swap3A_193 = tpu.vector_load %arg14[%swap3A, %swap3A_192] {strides = array<i32>} : memref<128x16xf32, #tpu.memory_space<vmem>>, vector<1x16xf32>,
        %swap3A_194 = vector.shape_cast %swap3A_193 : vector<1x16xf32> to vector<16xf32>
        %swap3A_195 = vector.shape_cast %exp3A : vector<16xf32> to vector<1x16xf32>
        tpu.vector_store %arg14[%swap3A, %swap3A_192], %swap3A_195 {strides = array<i32>} : memref<128x16xf32, #tpu.memory_space<vmem>>, vector<1x16xf32>,
        %scan3A_196 = arith.constant 0 : i32
        scf.yield %scan3A_196 : i32
      }
      %scan3A_152 = arith.constant 128 : i32
      %mul3A_153 = arith.constant 128 : i32
      %mul3A_154 = arith.muli %add3A_133, %mul3A_153 : i32
      %dma_start3A_155 = arith.constant 0 : i32
      %dma_start3A_156 = tpu.memref_slice %arg6[%add3A, %mul3A_154, %dma_start3A_155] : memref<32x10368x16xf32, #tpu.memory_space<hbm>> -> memref<1x128x16xf32, #tpu.memory_space<hbm>>
      %dma_start3A_157 = tpu.memref_squeeze %dma_start3A_156 : memref<1x128x16xf32, #tpu.memory_space<hbm>> -> memref<128x16xf32, #tpu.memory_space<hbm>>
      %dma_start3A_158 = arith.constant 0 : i32
      %dma_start3A_159 = tpu.memref_slice %arg6[%add3A, %mul3A_154, %dma_start3A_158] : memref<32x10368x16xf32, #tpu.memory_space<hbm>> -> memref<1x128x16xf32, #tpu.memory_space<hbm>>
      %dma_start3A_160 = tpu.memref_squeeze %dma_start3A_159 : memref<1x128x16xf32, #tpu.memory_space<hbm>> -> memref<128x16xf32, #tpu.memory_space<hbm>>
      tpu.enqueue_dma source(%arg14 : memref<128x16xf32, #tpu.memory_space<vmem>>) target(%dma_start3A_160 : memref<128x16xf32, #tpu.memory_space<hbm>>) target_semaphore(%arg17 : memref<!tpu.dma_semaphore, #tpu.memory_space<semaphore_mem>>)
      "tpu.region"() ({
        %run_scoped3A_173 = tpu.sem_alloc : memref<!tpu.dma_semaphore, #tpu.memory_space<semaphore_mem>>
        %dma_start3A_174 = arith.constant 0 : i32
        %dma_start3A_175 = tpu.memref_slice %arg8[%add3A_133, %dma_start3A_174] : memref<88x128xi32, #tpu.memory_space<vmem>> -> memref<1x128xi32, #tpu.memory_space<vmem>>
        %dma_start3A_176 = tpu.memref_squeeze %dma_start3A_175 : memref<1x128xi32, #tpu.memory_space<vmem>> -> memref<128xi32, #tpu.memory_space<vmem>>
        %dma_start3A_177 = arith.constant 0 : i32
        %dma_start3A_178 = arith.constant 0 : i32
        %dma_start3A_179 = tpu.memref_slice %arg15[%dma_start3A_177, %dma_start3A_178] : memref<10240x16xf32, #tpu.memory_space<vmem_shared>> -> memref<10240x16xf32, #tpu.memory_space<vmem_shared>>
        tpu.enqueue_indirect_dma source(%arg14 : memref<128x16xf32, #tpu.memory_space<vmem>>) target(%dma_start3A_179 : memref<10240x16xf32, #tpu.memory_space<vmem_shared>>) offsets(%dma_start3A_176 : memref<128xi32, #tpu.memory_space<vmem>>) semaphore(%run_scoped3A_173 : memref<!tpu.dma_semaphore, #tpu.memory_space<semaphore_mem>>) {add = true}
        %dma_wait3A_180 = arith.constant 0 : i32
        %dma_wait3A_181 = tpu.memref_slice %arg8[%add3A_133, %dma_wait3A_180] : memref<88x128xi32, #tpu.memory_space<vmem>> -> memref<1x128xi32, #tpu.memory_space<vmem>>
        %dma_wait3A_182 = tpu.memref_squeeze %dma_wait3A_181 : memref<1x128xi32, #tpu.memory_space<vmem>> -> memref<128xi32, #tpu.memory_space<vmem>>
        %dma_wait3A_183 = arith.constant 0 : i32
        %dma_wait3A_184 = arith.constant 0 : i32
        %dma_wait3A_185 = tpu.memref_slice %arg15[%dma_wait3A_183, %dma_wait3A_184] : memref<10240x16xf32, #tpu.memory_space<vmem_shared>> -> memref<10240x16xf32, #tpu.memory_space<vmem_shared>>
        tpu.wait_indirect_dma semaphore(%run_scoped3A_173 : memref<!tpu.dma_semaphore, #tpu.memory_space<semaphore_mem>>) src(%arg14 : memref<128x16xf32, #tpu.memory_space<vmem>>) dst(%dma_wait3A_185 : memref<10240x16xf32, #tpu.memory_space<vmem_shared>>)
        tpu.yield
      }) : () -> ()
      %dma_wait3A_161 = arith.constant 0 : i32
      %dma_wait3A_162 = tpu.memref_slice %arg6[%add3A, %mul3A_125, %dma_wait3A_161] : memref<32x10368x16xf32, #tpu.memory_space<hbm>> -> memref<1x128x16xf32, #tpu.memory_space<hbm>>
      %dma_wait3A_163 = tpu.memref_squeeze %dma_wait3A_162 : memref<1x128x16xf32, #tpu.memory_space<hbm>> -> memref<128x16xf32, #tpu.memory_space<hbm>>
      %dma_wait3A_164 = arith.constant 0 : i32
      %dma_wait3A_165 = tpu.memref_slice %arg6[%add3A, %mul3A_125, %dma_wait3A_164] : memref<32x10368x16xf32, #tpu.memory_space<hbm>> -> memref<1x128x16xf32, #tpu.memory_space<hbm>>
      %dma_wait3A_166 = tpu.memref_squeeze %dma_wait3A_165 : memref<1x128x16xf32, #tpu.memory_space<hbm>> -> memref<128x16xf32, #tpu.memory_space<hbm>>
      tpu.wait_dma2 semaphore(%arg16 : memref<!tpu.dma_semaphore, #tpu.memory_space<semaphore_mem>>) src(%arg13 : memref<128x16xf32, #tpu.memory_space<vmem>>) dst(%dma_wait3A_166 : memref<128x16xf32, #tpu.memory_space<hbm>>)
      %dma_wait3A_167 = arith.constant 0 : i32
      %dma_wait3A_168 = tpu.memref_slice %arg6[%add3A, %mul3A_154, %dma_wait3A_167] : memref<32x10368x16xf32, #tpu.memory_space<hbm>> -> memref<1x128x16xf32, #tpu.memory_space<hbm>>
      %dma_wait3A_169 = tpu.memref_squeeze %dma_wait3A_168 : memref<1x128x16xf32, #tpu.memory_space<hbm>> -> memref<128x16xf32, #tpu.memory_space<hbm>>
      %dma_wait3A_170 = arith.constant 0 : i32
      %dma_wait3A_171 = tpu.memref_slice %arg6[%add3A, %mul3A_154, %dma_wait3A_170] : memref<32x10368x16xf32, #tpu.memory_space<hbm>> -> memref<1x128x16xf32, #tpu.memory_space<hbm>>
      %dma_wait3A_172 = tpu.memref_squeeze %dma_wait3A_171 : memref<1x128x16xf32, #tpu.memory_space<hbm>> -> memref<128x16xf32, #tpu.memory_space<hbm>>
      tpu.wait_dma2 semaphore(%arg17 : memref<!tpu.dma_semaphore, #tpu.memory_space<semaphore_mem>>) src(%arg14 : memref<128x16xf32, #tpu.memory_space<vmem>>) dst(%dma_wait3A_172 : memref<128x16xf32, #tpu.memory_space<hbm>>)
    }
    %scan3A_25 = arith.constant 40 : i32
    %dma_start3A = arith.constant 80 : i32
    %dma_start3A_26 = arith.constant 0 : i32
    %dma_start3A_27 = tpu.memref_slice %arg7[%dma_start3A, %dma_start3A_26] : memref<88x128xi32, #tpu.memory_space<vmem>> -> memref<1x128xi32, #tpu.memory_space<vmem>>
    %dma_start3A_28 = tpu.memref_squeeze %dma_start3A_27 : memref<1x128xi32, #tpu.memory_space<vmem>> -> memref<128xi32, #tpu.memory_space<vmem>>
    %dma_start3A_29 = arith.constant 0 : i32
    %dma_start3A_30 = arith.constant 0 : i32
    %dma_start3A_31 = tpu.memref_slice %arg4[%dma_start3A_29, %dma_start3A_30] : memref<10240x16xf32, #tpu.memory_space<hbm>> -> memref<10240x16xf32, #tpu.memory_space<hbm>>
    tpu.enqueue_indirect_dma source(%dma_start3A_31 : memref<10240x16xf32, #tpu.memory_space<hbm>>) target(%arg9 : memref<128x16xf32, #tpu.memory_space<vmem>>) offsets(%dma_start3A_28 : memref<128xi32, #tpu.memory_space<vmem>>) semaphore(%arg16 : memref<!tpu.dma_semaphore, #tpu.memory_space<semaphore_mem>>)
    %dma_start3A_32 = arith.constant 80 : i32
    %dma_start3A_33 = arith.constant 0 : i32
    %dma_start3A_34 = tpu.memref_slice %arg8[%dma_start3A_32, %dma_start3A_33] : memref<88x128xi32, #tpu.memory_space<vmem>> -> memref<1x128xi32, #tpu.memory_space<vmem>>
    %dma_start3A_35 = tpu.memref_squeeze %dma_start3A_34 : memref<1x128xi32, #tpu.memory_space<vmem>> -> memref<128xi32, #tpu.memory_space<vmem>>
    %dma_start3A_36 = arith.constant 0 : i32
    %dma_start3A_37 = arith.constant 0 : i32
    %dma_start3A_38 = tpu.memref_slice %arg4[%dma_start3A_36, %dma_start3A_37] : memref<10240x16xf32, #tpu.memory_space<hbm>> -> memref<10240x16xf32, #tpu.memory_space<hbm>>
    tpu.enqueue_indirect_dma source(%dma_start3A_38 : memref<10240x16xf32, #tpu.memory_space<hbm>>) target(%arg10 : memref<128x16xf32, #tpu.memory_space<vmem>>) offsets(%dma_start3A_35 : memref<128xi32, #tpu.memory_space<vmem>>) semaphore(%arg17 : memref<!tpu.dma_semaphore, #tpu.memory_space<semaphore_mem>>)
    %dma_wait3A = arith.constant 80 : i32
    %dma_wait3A_39 = arith.constant 0 : i32
    %dma_wait3A_40 = tpu.memref_slice %arg7[%dma_wait3A, %dma_wait3A_39] : memref<88x128xi32, #tpu.memory_space<vmem>> -> memref<1x128xi32, #tpu.memory_space<vmem>>
    %dma_wait3A_41 = tpu.memref_squeeze %dma_wait3A_40 : memref<1x128xi32, #tpu.memory_space<vmem>> -> memref<128xi32, #tpu.memory_space<vmem>>
    %dma_wait3A_42 = arith.constant 0 : i32
    %dma_wait3A_43 = arith.constant 0 : i32
    %dma_wait3A_44 = tpu.memref_slice %arg4[%dma_wait3A_42, %dma_wait3A_43] : memref<10240x16xf32, #tpu.memory_space<hbm>> -> memref<10240x16xf32, #tpu.memory_space<hbm>>
    tpu.wait_indirect_dma semaphore(%arg16 : memref<!tpu.dma_semaphore, #tpu.memory_space<semaphore_mem>>) src(%dma_wait3A_44 : memref<10240x16xf32, #tpu.memory_space<hbm>>) dst(%arg9 : memref<128x16xf32, #tpu.memory_space<vmem>>)
    %dma_wait3A_45 = arith.constant 80 : i32
    %dma_wait3A_46 = arith.constant 0 : i32
    %dma_wait3A_47 = tpu.memref_slice %arg8[%dma_wait3A_45, %dma_wait3A_46] : memref<88x128xi32, #tpu.memory_space<vmem>> -> memref<1x128xi32, #tpu.memory_space<vmem>>
    %dma_wait3A_48 = tpu.memref_squeeze %dma_wait3A_47 : memref<1x128xi32, #tpu.memory_space<vmem>> -> memref<128xi32, #tpu.memory_space<vmem>>
    %dma_wait3A_49 = arith.constant 0 : i32
    %dma_wait3A_50 = arith.constant 0 : i32
    %dma_wait3A_51 = tpu.memref_slice %arg4[%dma_wait3A_49, %dma_wait3A_50] : memref<10240x16xf32, #tpu.memory_space<hbm>> -> memref<10240x16xf32, #tpu.memory_space<hbm>>
    tpu.wait_indirect_dma semaphore(%arg17 : memref<!tpu.dma_semaphore, #tpu.memory_space<semaphore_mem>>) src(%dma_wait3A_51 : memref<10240x16xf32, #tpu.memory_space<hbm>>) dst(%arg10 : memref<128x16xf32, #tpu.memory_space<vmem>>)
    %scan3A_52 = arith.constant 0 : i32
    %scan3A_53 = arith.constant 0 : i32
    %scan3A_54 = arith.constant 128 : i32
    %scan3A_55 = arith.addi %scan3A_53, %scan3A_54 : i32
    %scan3A_56 = arith.constant 1 : i32
    %scan3A_57 = scf.for %scan3A_76 = %scan3A_53 to %scan3A_55 step %scan3A_56 iter_args(%scan3A_77 = %scan3A_52) -> (i32)  : i32 {
      %get3A = arith.index_cast %scan3A_76 : i32 to index
      %get3A_78 = arith.constant 0 : index
      %get3A_79 = tpu.vector_load %arg9[%get3A, %get3A_78] {strides = array<i32>} : memref<128x16xf32, #tpu.memory_space<vmem>>, vector<1x16xf32>,
      %get3A_80 = vector.shape_cast %get3A_79 : vector<1x16xf32> to vector<16xf32>
      %get3A_81 = arith.index_cast %scan3A_76 : i32 to index
      %get3A_82 = arith.constant 0 : index
      %get3A_83 = tpu.vector_load %arg10[%get3A_81, %get3A_82] {strides = array<i32>} : memref<128x16xf32, #tpu.memory_space<vmem>>, vector<1x16xf32>,
      %get3A_84 = vector.shape_cast %get3A_83 : vector<1x16xf32> to vector<16xf32>
      %rev3A = arith.constant 15 : i32
      %rev3A_85 = vector.broadcast %rev3A : i32 to vector<16xi32>
      %rev3A_86 = tpu.iota {dimensions = array<i32: 0>} : vector<16xi32>
      %rev3A_87 = arith.subi %rev3A_85, %rev3A_86 : vector<16xi32>
      %rev3A_88 = tpu.dynamic_gather %get3A_84[%rev3A_87] in [0] : vector<16xf32>, vector<16xi32> -> vector<16xf32>
      %add3A_89 = arith.addf %get3A_80, %rev3A_88 : vector<16xf32>
      %ge3A = arith.constant 0.000000e+00 : f32
      %ge3A_90 = vector.broadcast %ge3A : f32 to vector<16xf32>
      %ge3A_91 = arith.cmpf oge, %add3A_89, %ge3A_90 : vector<16xf32>
      %mul3A_92 = arith.constant 2.000000e-01 : f32
      %mul3A_93 = vector.broadcast %mul3A_92 : f32 to vector<16xf32>
      %mul3A_94 = arith.mulf %mul3A_93, %add3A_89 : vector<16xf32>
      %select_n3A = arith.select %ge3A_91, %add3A_89, %mul3A_94 : vector<16xi1>, vector<16xf32>
      %exp3A = math.exp %select_n3A : vector<16xf32>
      %swap3A = arith.index_cast %scan3A_76 : i32 to index
      %swap3A_95 = arith.constant 0 : index
      %swap3A_96 = tpu.vector_load %arg13[%swap3A, %swap3A_95] {strides = array<i32>} : memref<128x16xf32, #tpu.memory_space<vmem>>, vector<1x16xf32>,
      %swap3A_97 = vector.shape_cast %swap3A_96 : vector<1x16xf32> to vector<16xf32>
      %swap3A_98 = vector.shape_cast %exp3A : vector<16xf32> to vector<1x16xf32>
      tpu.vector_store %arg13[%swap3A, %swap3A_95], %swap3A_98 {strides = array<i32>} : memref<128x16xf32, #tpu.memory_space<vmem>>, vector<1x16xf32>,
      %scan3A_99 = arith.constant 0 : i32
      scf.yield %scan3A_99 : i32
    }
    %scan3A_58 = arith.constant 128 : i32
    %dma_start3A_59 = arith.constant 10240 : i32
    %dma_start3A_60 = arith.constant 0 : i32
    %dma_start3A_61 = tpu.memref_slice %arg6[%add3A, %dma_start3A_59, %dma_start3A_60] : memref<32x10368x16xf32, #tpu.memory_space<hbm>> -> memref<1x128x16xf32, #tpu.memory_space<hbm>>
    %dma_start3A_62 = tpu.memref_squeeze %dma_start3A_61 : memref<1x128x16xf32, #tpu.memory_space<hbm>> -> memref<128x16xf32, #tpu.memory_space<hbm>>
    %dma_start3A_63 = arith.constant 10240 : i32
    %dma_start3A_64 = arith.constant 0 : i32
    %dma_start3A_65 = tpu.memref_slice %arg6[%add3A, %dma_start3A_63, %dma_start3A_64] : memref<32x10368x16xf32, #tpu.memory_space<hbm>> -> memref<1x128x16xf32, #tpu.memory_space<hbm>>
    %dma_start3A_66 = tpu.memref_squeeze %dma_start3A_65 : memref<1x128x16xf32, #tpu.memory_space<hbm>> -> memref<128x16xf32, #tpu.memory_space<hbm>>
    tpu.enqueue_dma source(%arg13 : memref<128x16xf32, #tpu.memory_space<vmem>>) target(%dma_start3A_66 : memref<128x16xf32, #tpu.memory_space<hbm>>) target_semaphore(%arg16 : memref<!tpu.dma_semaphore, #tpu.memory_space<semaphore_mem>>)
    %run_scoped3A = arith.constant 80 : i32
    "tpu.region"() ({
      %run_scoped3A_76 = tpu.sem_alloc : memref<!tpu.dma_semaphore, #tpu.memory_space<semaphore_mem>>
      %dma_start3A_77 = arith.constant 0 : i32
      %dma_start3A_78 = tpu.memref_slice %arg8[%run_scoped3A, %dma_start3A_77] : memref<88x128xi32, #tpu.memory_space<vmem>> -> memref<1x128xi32, #tpu.memory_space<vmem>>
      %dma_start3A_79 = tpu.memref_squeeze %dma_start3A_78 : memref<1x128xi32, #tpu.memory_space<vmem>> -> memref<128xi32, #tpu.memory_space<vmem>>
      %dma_start3A_80 = arith.constant 0 : i32
      %dma_start3A_81 = arith.constant 0 : i32
      %dma_start3A_82 = tpu.memref_slice %arg15[%dma_start3A_80, %dma_start3A_81] : memref<10240x16xf32, #tpu.memory_space<vmem_shared>> -> memref<10240x16xf32, #tpu.memory_space<vmem_shared>>
      tpu.enqueue_indirect_dma source(%arg13 : memref<128x16xf32, #tpu.memory_space<vmem>>) target(%dma_start3A_82 : memref<10240x16xf32, #tpu.memory_space<vmem_shared>>) offsets(%dma_start3A_79 : memref<128xi32, #tpu.memory_space<vmem>>) semaphore(%run_scoped3A_76 : memref<!tpu.dma_semaphore, #tpu.memory_space<semaphore_mem>>) {add = true}
      %dma_wait3A_83 = arith.constant 0 : i32
      %dma_wait3A_84 = tpu.memref_slice %arg8[%run_scoped3A, %dma_wait3A_83] : memref<88x128xi32, #tpu.memory_space<vmem>> -> memref<1x128xi32, #tpu.memory_space<vmem>>
      %dma_wait3A_85 = tpu.memref_squeeze %dma_wait3A_84 : memref<1x128xi32, #tpu.memory_space<vmem>> -> memref<128xi32, #tpu.memory_space<vmem>>
      %dma_wait3A_86 = arith.constant 0 : i32
      %dma_wait3A_87 = arith.constant 0 : i32
      %dma_wait3A_88 = tpu.memref_slice %arg15[%dma_wait3A_86, %dma_wait3A_87] : memref<10240x16xf32, #tpu.memory_space<vmem_shared>> -> memref<10240x16xf32, #tpu.memory_space<vmem_shared>>
      tpu.wait_indirect_dma semaphore(%run_scoped3A_76 : memref<!tpu.dma_semaphore, #tpu.memory_space<semaphore_mem>>) src(%arg13 : memref<128x16xf32, #tpu.memory_space<vmem>>) dst(%dma_wait3A_88 : memref<10240x16xf32, #tpu.memory_space<vmem_shared>>)
      tpu.yield
    }) : () -> ()
    %dma_wait3A_67 = arith.constant 10240 : i32
    %dma_wait3A_68 = arith.constant 0 : i32
    %dma_wait3A_69 = tpu.memref_slice %arg6[%add3A, %dma_wait3A_67, %dma_wait3A_68] : memref<32x10368x16xf32, #tpu.memory_space<hbm>> -> memref<1x128x16xf32, #tpu.memory_space<hbm>>
    %dma_wait3A_70 = tpu.memref_squeeze %dma_wait3A_69 : memref<1x128x16xf32, #tpu.memory_space<hbm>> -> memref<128x16xf32, #tpu.memory_space<hbm>>
    %dma_wait3A_71 = arith.constant 10240 : i32
    %dma_wait3A_72 = arith.constant 0 : i32
    %dma_wait3A_73 = tpu.memref_slice %arg6[%add3A, %dma_wait3A_71, %dma_wait3A_72] : memref<32x10368x16xf32, #tpu.memory_space<hbm>> -> memref<1x128x16xf32, #tpu.memory_space<hbm>>
    %dma_wait3A_74 = tpu.memref_squeeze %dma_wait3A_73 : memref<1x128x16xf32, #tpu.memory_space<hbm>> -> memref<128x16xf32, #tpu.memory_space<hbm>>
    tpu.wait_dma2 semaphore(%arg16 : memref<!tpu.dma_semaphore, #tpu.memory_space<semaphore_mem>>) src(%arg13 : memref<128x16xf32, #tpu.memory_space<vmem>>) dst(%dma_wait3A_74 : memref<128x16xf32, #tpu.memory_space<hbm>>)
    %barrier3A_75 = arith.constant 0 : index
    tpu.barrier barrier_id(%barrier3A_75)
    "tpu.region"() ({
      %run_scoped3A_76 = tpu.sem_alloc : memref<!tpu.dma_semaphore, #tpu.memory_space<semaphore_mem>>
      %dma_start3A_77 = arith.constant 0 : i32
      %dma_start3A_78 = tpu.memref_slice %arg5[%arg0, %mul3A_2, %dma_start3A_77] : memref<2x10240x16xf32, #tpu.memory_space<hbm>> -> memref<1x640x16xf32, #tpu.memory_space<hbm>>
      %dma_start3A_79 = tpu.memref_squeeze %dma_start3A_78 : memref<1x640x16xf32, #tpu.memory_space<hbm>> -> memref<640x16xf32, #tpu.memory_space<hbm>>
      %dma_start3A_80 = arith.constant 0 : i32
      %dma_start3A_81 = tpu.memref_slice %arg15[%mul3A_2, %dma_start3A_80] : memref<10240x16xf32, #tpu.memory_space<vmem_shared>> -> memref<640x16xf32, #tpu.memory_space<vmem_shared>>
      tpu.enqueue_dma source(%dma_start3A_81 : memref<640x16xf32, #tpu.memory_space<vmem_shared>>) target(%dma_start3A_79 : memref<640x16xf32, #tpu.memory_space<hbm>>) target_semaphore(%run_scoped3A_76 : memref<!tpu.dma_semaphore, #tpu.memory_space<semaphore_mem>>)
      %dma_wait3A_82 = arith.constant 0 : i32
      %dma_wait3A_83 = tpu.memref_slice %arg5[%arg0, %mul3A_2, %dma_wait3A_82] : memref<2x10240x16xf32, #tpu.memory_space<hbm>> -> memref<1x640x16xf32, #tpu.memory_space<hbm>>
      %dma_wait3A_84 = tpu.memref_squeeze %dma_wait3A_83 : memref<1x640x16xf32, #tpu.memory_space<hbm>> -> memref<640x16xf32, #tpu.memory_space<hbm>>
      %dma_wait3A_85 = arith.constant 0 : i32
      %dma_wait3A_86 = tpu.memref_slice %arg15[%mul3A_2, %dma_wait3A_85] : memref<10240x16xf32, #tpu.memory_space<vmem_shared>> -> memref<640x16xf32, #tpu.memory_space<vmem_shared>>
      tpu.wait_dma2 semaphore(%run_scoped3A_76 : memref<!tpu.dma_semaphore, #tpu.memory_space<semaphore_mem>>) src(%dma_wait3A_86 : memref<640x16xf32, #tpu.memory_space<vmem_shared>>) dst(%dma_wait3A_84 : memref<640x16xf32, #tpu.memory_space<hbm>>)
      tpu.yield
    }) : () -> ()
    return
  }
}

module attributes {stable_mosaic.version = 14 : i64} {
  func.func @_mm1_body(%arg0: i32, %arg1: memref<512x128xf32, #tpu.memory_space<vmem>>, %arg2: memref<128x256xf32, #tpu.memory_space<vmem>>, %arg3: memref<256x16xf32, #tpu.memory_space<vmem>>, %arg4: memref<512x128xf32, #tpu.memory_space<vmem>>, %arg5: memref<512x128xf32, #tpu.memory_space<vmem>>, %arg6: memref<512x16xf32, #tpu.memory_space<vmem>>) attributes {dimension_semantics = [#tpu.dimension_semantics<arbitrary>], iteration_bounds = array<i64: 20>, scalar_prefetch = 0 : i64, scratch_operands = 0 : i64, tpu.core_type = #tpu.core_type<tc>, window_params = [{transform_indices = @transform_0, window_bounds = array<i64: 512, 128>}, {pipeline_mode = #tpu.pipeline_mode<synchronous>, transform_indices = @transform_1, window_bounds = array<i64: 128, 256>}, {pipeline_mode = #tpu.pipeline_mode<synchronous>, transform_indices = @transform_2, window_bounds = array<i64: 256, 16>}, {transform_indices = @transform_3, window_bounds = array<i64: 512, 128>}, {transform_indices = @transform_4, window_bounds = array<i64: 512, 128>}, {transform_indices = @transform_5, window_bounds = array<i64: 512, 16>}]} {
    %get3A = arith.constant 0 : index
    %get3A_0 = arith.constant 0 : index
    %get3A_1 = vector.load %arg1[%get3A, %get3A_0] : memref<512x128xf32, #tpu.memory_space<vmem>>, vector<512x128xf32>
    %get3A_2 = arith.constant 0 : index
    %get3A_3 = arith.constant 0 : index
    %get3A_4 = vector.load %arg2[%get3A_2, %get3A_3] : memref<128x256xf32, #tpu.memory_space<vmem>>, vector<128x256xf32>
    %dot_general3A = arith.constant dense<0.000000e+00> : vector<512x256xf32>
    %dot_general3A_5 = tpu.matmul %get3A_1, %get3A_4, %dot_general3A {dimension_numbers = #tpu.dot_dimension_numbers<[1], [0], [0], [1], [0, 0, 1, 1], [], []>, transpose_lhs_hint = false} : vector<512x128xf32>, vector<128x256xf32>, vector<512x256xf32> -> vector<512x256xf32>
    %slice3A = vector.extract_strided_slice %dot_general3A_5 {offsets = [0, 0], sizes = [512, 128], strides = [1, 1]} : vector<512x256xf32> to vector<512x128xf32>
    %swap3A = arith.constant 0 : index
    %swap3A_6 = arith.constant 0 : index
    %swap3A_7 = vector.load %arg4[%swap3A, %swap3A_6] : memref<512x128xf32, #tpu.memory_space<vmem>>, vector<512x128xf32>
    tpu.vector_store %arg4[%swap3A, %swap3A_6], %slice3A {strides = array<i32>} : memref<512x128xf32, #tpu.memory_space<vmem>>, vector<512x128xf32>,
    %slice3A_8 = vector.extract_strided_slice %dot_general3A_5 {offsets = [0, 128], sizes = [512, 128], strides = [1, 1]} : vector<512x256xf32> to vector<512x128xf32>
    %swap3A_9 = arith.constant 0 : index
    %swap3A_10 = arith.constant 0 : index
    %swap3A_11 = vector.load %arg5[%swap3A_9, %swap3A_10] : memref<512x128xf32, #tpu.memory_space<vmem>>, vector<512x128xf32>
    tpu.vector_store %arg5[%swap3A_9, %swap3A_10], %slice3A_8 {strides = array<i32>} : memref<512x128xf32, #tpu.memory_space<vmem>>, vector<512x128xf32>,
    %get3A_12 = arith.constant 0 : index
    %get3A_13 = arith.constant 0 : index
    %get3A_14 = vector.load %arg3[%get3A_12, %get3A_13] : memref<256x16xf32, #tpu.memory_space<vmem>>, vector<256x16xf32>
    %dot_general3A_15 = arith.constant dense<0.000000e+00> : vector<512x16xf32>
    %dot_general3A_16 = tpu.matmul %dot_general3A_5, %get3A_14, %dot_general3A_15 {dimension_numbers = #tpu.dot_dimension_numbers<[1], [0], [0], [1], [0, 0, 1, 1], [], []>, transpose_lhs_hint = false} : vector<512x256xf32>, vector<256x16xf32>, vector<512x16xf32> -> vector<512x16xf32>
    %swap3A_17 = arith.constant 0 : index
    %swap3A_18 = arith.constant 0 : index
    %swap3A_19 = vector.load %arg6[%swap3A_17, %swap3A_18] : memref<512x16xf32, #tpu.memory_space<vmem>>, vector<512x16xf32>
    tpu.vector_store %arg6[%swap3A_17, %swap3A_18], %dot_general3A_16 {strides = array<i32>} : memref<512x16xf32, #tpu.memory_space<vmem>>, vector<512x16xf32>,
    return
  }
  func.func @transform_0(%arg0: i32) -> (i32, i32) {
    %c0_i32 = arith.constant 0 : i32
    %c0_i32_0 = arith.constant 0 : i32
    return %arg0, %c0_i32 : i32, i32
  }
  func.func @transform_1(%arg0: i32) -> (i32, i32) {
    %c0_i32 = arith.constant 0 : i32
    %c0_i32_0 = arith.constant 0 : i32
    %c0_i32_1 = arith.constant 0 : i32
    return %c0_i32, %c0_i32_0 : i32, i32
  }
  func.func @transform_2(%arg0: i32) -> (i32, i32) {
    %c0_i32 = arith.constant 0 : i32
    %c0_i32_0 = arith.constant 0 : i32
    %c0_i32_1 = arith.constant 0 : i32
    return %c0_i32, %c0_i32_0 : i32, i32
  }
  func.func @transform_3(%arg0: i32) -> (i32, i32) {
    %c0_i32 = arith.constant 0 : i32
    %c0_i32_0 = arith.constant 0 : i32
    return %arg0, %c0_i32 : i32, i32
  }
  func.func @transform_4(%arg0: i32) -> (i32, i32) {
    %c0_i32 = arith.constant 0 : i32
    %c0_i32_0 = arith.constant 0 : i32
    return %arg0, %c0_i32 : i32, i32
  }
  func.func @transform_5(%arg0: i32) -> (i32, i32) {
    %c0_i32 = arith.constant 0 : i32
    %c0_i32_0 = arith.constant 0 : i32
    return %arg0, %c0_i32 : i32, i32
  }
}

module attributes {stable_mosaic.version = 14 : i64} {
  func.func @_mid_body(%arg0: i32, %arg1: memref<2x512x128xf32, #tpu.memory_space<vmem>>, %arg2: memref<2x512x128xf32, #tpu.memory_space<vmem>>, %arg3: memref<2x512x16xf32, #tpu.memory_space<vmem>>, %arg4: memref<1x256xf32, #tpu.memory_space<vmem>>, %arg5: memref<256x128xf32, #tpu.memory_space<vmem>>, %arg6: memref<128x16xf32, #tpu.memory_space<vmem>>, %arg7: memref<512x128xf32, #tpu.memory_space<vmem>>, %arg8: memref<512x16xf32, #tpu.memory_space<vmem>>) attributes {dimension_semantics = [#tpu.dimension_semantics<arbitrary>], iteration_bounds = array<i64: 20>, scalar_prefetch = 0 : i64, scratch_operands = 0 : i64, tpu.core_type = #tpu.core_type<tc>, window_params = [{transform_indices = @transform_0, window_bounds = array<i64: 2, 512, 128>}, {transform_indices = @transform_1, window_bounds = array<i64: 2, 512, 128>}, {transform_indices = @transform_2, window_bounds = array<i64: 2, 512, 16>}, {pipeline_mode = #tpu.pipeline_mode<synchronous>, transform_indices = @transform_3, window_bounds = array<i64: 1, 256>}, {pipeline_mode = #tpu.pipeline_mode<synchronous>, transform_indices = @transform_4, window_bounds = array<i64: 256, 128>}, {pipeline_mode = #tpu.pipeline_mode<synchronous>, transform_indices = @transform_5, window_bounds = array<i64: 128, 16>}, {transform_indices = @transform_6, window_bounds = array<i64: 512, 128>}, {transform_indices = @transform_7, window_bounds = array<i64: 512, 16>}]} {
    %get3A = arith.constant 0 : index
    %get3A_0 = arith.constant 0 : index
    %get3A_1 = arith.constant 0 : index
    %get3A_2 = vector.load %arg1[%get3A, %get3A_0, %get3A_1] : memref<2x512x128xf32, #tpu.memory_space<vmem>>, vector<1x512x128xf32>
    %get3A_3 = vector.shape_cast %get3A_2 : vector<1x512x128xf32> to vector<512x128xf32>
    %get3A_4 = arith.constant 1 : index
    %get3A_5 = arith.constant 0 : index
    %get3A_6 = arith.constant 0 : index
    %get3A_7 = vector.load %arg1[%get3A_4, %get3A_5, %get3A_6] : memref<2x512x128xf32, #tpu.memory_space<vmem>>, vector<1x512x128xf32>
    %get3A_8 = vector.shape_cast %get3A_7 : vector<1x512x128xf32> to vector<512x128xf32>
    %add3A = arith.addf %get3A_3, %get3A_8 : vector<512x128xf32>
    %get3A_9 = arith.constant 0 : index
    %get3A_10 = arith.constant 0 : index
    %get3A_11 = arith.constant 0 : index
    %get3A_12 = vector.load %arg2[%get3A_9, %get3A_10, %get3A_11] : memref<2x512x128xf32, #tpu.memory_space<vmem>>, vector<1x512x128xf32>
    %get3A_13 = vector.shape_cast %get3A_12 : vector<1x512x128xf32> to vector<512x128xf32>
    %get3A_14 = arith.constant 1 : index
    %get3A_15 = arith.constant 0 : index
    %get3A_16 = arith.constant 0 : index
    %get3A_17 = vector.load %arg2[%get3A_14, %get3A_15, %get3A_16] : memref<2x512x128xf32, #tpu.memory_space<vmem>>, vector<1x512x128xf32>
    %get3A_18 = vector.shape_cast %get3A_17 : vector<1x512x128xf32> to vector<512x128xf32>
    %add3A_19 = arith.addf %get3A_13, %get3A_18 : vector<512x128xf32>
    %get3A_20 = arith.constant 0 : index
    %get3A_21 = arith.constant 0 : index
    %get3A_22 = arith.constant 0 : index
    %get3A_23 = vector.load %arg3[%get3A_20, %get3A_21, %get3A_22] : memref<2x512x16xf32, #tpu.memory_space<vmem>>, vector<1x512x16xf32>
    %get3A_24 = vector.shape_cast %get3A_23 : vector<1x512x16xf32> to vector<512x16xf32>
    %get3A_25 = arith.constant 1 : index
    %get3A_26 = arith.constant 0 : index
    %get3A_27 = arith.constant 0 : index
    %get3A_28 = vector.load %arg3[%get3A_25, %get3A_26, %get3A_27] : memref<2x512x16xf32, #tpu.memory_space<vmem>>, vector<1x512x16xf32>
    %get3A_29 = vector.shape_cast %get3A_28 : vector<1x512x16xf32> to vector<512x16xf32>
    %add3A_30 = arith.addf %get3A_24, %get3A_29 : vector<512x16xf32>
    %eq3A = arith.constant 0.000000e+00 : f32
    %eq3A_31 = vector.broadcast %eq3A : f32 to vector<512x16xf32>
    %eq3A_32 = arith.cmpf oeq, %add3A_30, %eq3A_31 : vector<512x16xf32>
    %jit3A = arith.constant 1.000000e+00 : f32
    %broadcast_in_dim3A = vector.broadcast %jit3A : f32 to vector<512x16xf32>
    %select_n3A = arith.select %eq3A_32, %broadcast_in_dim3A, %add3A_30 : vector<512x16xi1>, vector<512x16xf32>
    %slice3A = vector.extract_strided_slice %select_n3A {offsets = [0, 0], sizes = [512, 4], strides = [1, 1]} : vector<512x16xf32> to vector<512x4xf32>
    %broadcast_in_dim3A_33 = vector.shape_cast %slice3A : vector<512x4xf32> to vector<512x4x1xf32>
    %broadcast_in_dim3A_34 = vector.shape_cast %broadcast_in_dim3A_33 : vector<512x4x1xf32> to vector<512x4x1xf32>
    %broadcast_in_dim3A_35 = vector.broadcast %broadcast_in_dim3A_34 : vector<512x4x1xf32> to vector<512x4x32xf32>
    %reshape3A = vector.shape_cast %broadcast_in_dim3A_35 : vector<512x4x32xf32> to vector<512x128xf32>
    %slice3A_36 = vector.extract_strided_slice %select_n3A {offsets = [0, 4], sizes = [512, 4], strides = [1, 1]} : vector<512x16xf32> to vector<512x4xf32>
    %broadcast_in_dim3A_37 = vector.shape_cast %slice3A_36 : vector<512x4xf32> to vector<512x4x1xf32>
    %broadcast_in_dim3A_38 = vector.shape_cast %broadcast_in_dim3A_37 : vector<512x4x1xf32> to vector<512x4x1xf32>
    %broadcast_in_dim3A_39 = vector.broadcast %broadcast_in_dim3A_38 : vector<512x4x1xf32> to vector<512x4x32xf32>
    %reshape3A_40 = vector.shape_cast %broadcast_in_dim3A_39 : vector<512x4x32xf32> to vector<512x128xf32>
    %div3A = arith.divf %add3A, %reshape3A : vector<512x128xf32>
    %div3A_41 = arith.divf %add3A_19, %reshape3A_40 : vector<512x128xf32>
    %concatenate3A = tpu.concatenate %div3A, %div3A_41 in 1 : vector<512x128xf32>, vector<512x128xf32> -> vector<512x256xf32>
    %get3A_42 = arith.constant 0 : index
    %get3A_43 = arith.constant 0 : index
    %get3A_44 = vector.load %arg4[%get3A_42, %get3A_43] : memref<1x256xf32, #tpu.memory_space<vmem>>, vector<1x256xf32>
    %add3A_45 = vector.broadcast %get3A_44 : vector<1x256xf32> to vector<512x256xf32>
    %add3A_46 = arith.addf %concatenate3A, %add3A_45 : vector<512x256xf32>
    %gt3A = arith.constant 0.000000e+00 : f32
    %gt3A_47 = vector.broadcast %gt3A : f32 to vector<512x256xf32>
    %gt3A_48 = arith.cmpf ogt, %add3A_46, %gt3A_47 : vector<512x256xf32>
    %min3A = arith.constant 0.000000e+00 : f32
    %min3A_49 = vector.broadcast %min3A : f32 to vector<512x256xf32>
    %min3A_50 = arith.minimumf %add3A_46, %min3A_49 : vector<512x256xf32>
    %exp3A = math.exp %min3A_50 : vector<512x256xf32>
    %sub3A = arith.constant 1.000000e+00 : f32
    %sub3A_51 = vector.broadcast %sub3A : f32 to vector<512x256xf32>
    %sub3A_52 = arith.subf %exp3A, %sub3A_51 : vector<512x256xf32>
    %select_n3A_53 = arith.select %gt3A_48, %add3A_46, %sub3A_52 : vector<512x256xi1>, vector<512x256xf32>
    %get3A_54 = arith.constant 0 : index
    %get3A_55 = arith.constant 0 : index
    %get3A_56 = vector.load %arg5[%get3A_54, %get3A_55] : memref<256x128xf32, #tpu.memory_space<vmem>>, vector<256x128xf32>
    %dot_general3A = arith.constant dense<0.000000e+00> : vector<512x128xf32>
    %dot_general3A_57 = tpu.matmul %select_n3A_53, %get3A_56, %dot_general3A {dimension_numbers = #tpu.dot_dimension_numbers<[1], [0], [0], [1], [0, 0, 1, 1], [], []>, transpose_lhs_hint = false} : vector<512x256xf32>, vector<256x128xf32>, vector<512x128xf32> -> vector<512x128xf32>
    %swap3A = arith.constant 0 : index
    %swap3A_58 = arith.constant 0 : index
    %swap3A_59 = vector.load %arg7[%swap3A, %swap3A_58] : memref<512x128xf32, #tpu.memory_space<vmem>>, vector<512x128xf32>
    tpu.vector_store %arg7[%swap3A, %swap3A_58], %dot_general3A_57 {strides = array<i32>} : memref<512x128xf32, #tpu.memory_space<vmem>>, vector<512x128xf32>,
    %get3A_60 = arith.constant 0 : index
    %get3A_61 = arith.constant 0 : index
    %get3A_62 = vector.load %arg6[%get3A_60, %get3A_61] : memref<128x16xf32, #tpu.memory_space<vmem>>, vector<128x16xf32>
    %dot_general3A_63 = arith.constant dense<0.000000e+00> : vector<512x16xf32>
    %dot_general3A_64 = tpu.matmul %dot_general3A_57, %get3A_62, %dot_general3A_63 {dimension_numbers = #tpu.dot_dimension_numbers<[1], [0], [0], [1], [0, 0, 1, 1], [], []>, transpose_lhs_hint = false} : vector<512x128xf32>, vector<128x16xf32>, vector<512x16xf32> -> vector<512x16xf32>
    %swap3A_65 = arith.constant 0 : index
    %swap3A_66 = arith.constant 0 : index
    %swap3A_67 = vector.load %arg8[%swap3A_65, %swap3A_66] : memref<512x16xf32, #tpu.memory_space<vmem>>, vector<512x16xf32>
    tpu.vector_store %arg8[%swap3A_65, %swap3A_66], %dot_general3A_64 {strides = array<i32>} : memref<512x16xf32, #tpu.memory_space<vmem>>, vector<512x16xf32>,
    return
  }
  func.func @transform_0(%arg0: i32) -> (i32, i32, i32) {
    %c0_i32 = arith.constant 0 : i32
    %c0_i32_0 = arith.constant 0 : i32
    %c0_i32_1 = arith.constant 0 : i32
    return %c0_i32, %arg0, %c0_i32_0 : i32, i32, i32
  }
  func.func @transform_1(%arg0: i32) -> (i32, i32, i32) {
    %c0_i32 = arith.constant 0 : i32
    %c0_i32_0 = arith.constant 0 : i32
    %c0_i32_1 = arith.constant 0 : i32
    return %c0_i32, %arg0, %c0_i32_0 : i32, i32, i32
  }
  func.func @transform_2(%arg0: i32) -> (i32, i32, i32) {
    %c0_i32 = arith.constant 0 : i32
    %c0_i32_0 = arith.constant 0 : i32
    %c0_i32_1 = arith.constant 0 : i32
    return %c0_i32, %arg0, %c0_i32_0 : i32, i32, i32
  }
  func.func @transform_3(%arg0: i32) -> (i32, i32) {
    %c0_i32 = arith.constant 0 : i32
    %c0_i32_0 = arith.constant 0 : i32
    %c0_i32_1 = arith.constant 0 : i32
    return %c0_i32, %c0_i32_0 : i32, i32
  }
  func.func @transform_4(%arg0: i32) -> (i32, i32) {
    %c0_i32 = arith.constant 0 : i32
    %c0_i32_0 = arith.constant 0 : i32
    %c0_i32_1 = arith.constant 0 : i32
    return %c0_i32, %c0_i32_0 : i32, i32
  }
  func.func @transform_5(%arg0: i32) -> (i32, i32) {
    %c0_i32 = arith.constant 0 : i32
    %c0_i32_0 = arith.constant 0 : i32
    %c0_i32_1 = arith.constant 0 : i32
    return %c0_i32, %c0_i32_0 : i32, i32
  }
  func.func @transform_6(%arg0: i32) -> (i32, i32) {
    %c0_i32 = arith.constant 0 : i32
    %c0_i32_0 = arith.constant 0 : i32
    return %arg0, %c0_i32 : i32, i32
  }
  func.func @transform_7(%arg0: i32) -> (i32, i32) {
    %c0_i32 = arith.constant 0 : i32
    %c0_i32_0 = arith.constant 0 : i32
    return %arg0, %c0_i32 : i32, i32
  }
}

module attributes {stable_mosaic.version = 14 : i64} {
  func.func @_fin_body(%arg0: i32, %arg1: memref<2x512x128xf32, #tpu.memory_space<vmem>>, %arg2: memref<2x512x16xf32, #tpu.memory_space<vmem>>, %arg3: memref<1x40xf32, #tpu.memory_space<vmem>>, %arg4: memref<512x40xf32, #tpu.memory_space<vmem>>) attributes {dimension_semantics = [#tpu.dimension_semantics<arbitrary>], iteration_bounds = array<i64: 20>, scalar_prefetch = 0 : i64, scratch_operands = 0 : i64, tpu.core_type = #tpu.core_type<tc>, window_params = [{transform_indices = @transform_0, window_bounds = array<i64: 2, 512, 128>}, {transform_indices = @transform_1, window_bounds = array<i64: 2, 512, 16>}, {pipeline_mode = #tpu.pipeline_mode<synchronous>, transform_indices = @transform_2, window_bounds = array<i64: 1, 40>}, {transform_indices = @transform_3, window_bounds = array<i64: 512, 40>}]} {
    %get3A = arith.constant 0 : index
    %get3A_0 = arith.constant 0 : index
    %get3A_1 = arith.constant 0 : index
    %get3A_2 = vector.load %arg1[%get3A, %get3A_0, %get3A_1] : memref<2x512x128xf32, #tpu.memory_space<vmem>>, vector<1x512x128xf32>
    %get3A_3 = vector.shape_cast %get3A_2 : vector<1x512x128xf32> to vector<512x128xf32>
    %get3A_4 = arith.constant 1 : index
    %get3A_5 = arith.constant 0 : index
    %get3A_6 = arith.constant 0 : index
    %get3A_7 = vector.load %arg1[%get3A_4, %get3A_5, %get3A_6] : memref<2x512x128xf32, #tpu.memory_space<vmem>>, vector<1x512x128xf32>
    %get3A_8 = vector.shape_cast %get3A_7 : vector<1x512x128xf32> to vector<512x128xf32>
    %add3A = arith.addf %get3A_3, %get3A_8 : vector<512x128xf32>
    %get3A_9 = arith.constant 0 : index
    %get3A_10 = arith.constant 0 : index
    %get3A_11 = arith.constant 0 : index
    %get3A_12 = vector.load %arg2[%get3A_9, %get3A_10, %get3A_11] : memref<2x512x16xf32, #tpu.memory_space<vmem>>, vector<1x512x1xf32>
    %get3A_13 = vector.shape_cast %get3A_12 : vector<1x512x1xf32> to vector<512x1xf32>
    %get3A_14 = arith.constant 1 : index
    %get3A_15 = arith.constant 0 : index
    %get3A_16 = arith.constant 0 : index
    %get3A_17 = vector.load %arg2[%get3A_14, %get3A_15, %get3A_16] : memref<2x512x16xf32, #tpu.memory_space<vmem>>, vector<1x512x1xf32>
    %get3A_18 = vector.shape_cast %get3A_17 : vector<1x512x1xf32> to vector<512x1xf32>
    %add3A_19 = arith.addf %get3A_13, %get3A_18 : vector<512x1xf32>
    %eq3A = arith.constant 0.000000e+00 : f32
    %eq3A_20 = vector.broadcast %eq3A : f32 to vector<512x1xf32>
    %eq3A_21 = arith.cmpf oeq, %add3A_19, %eq3A_20 : vector<512x1xf32>
    %jit3A = arith.constant 1.000000e+00 : f32
    %broadcast_in_dim3A = vector.broadcast %jit3A : f32 to vector<512x1xf32>
    %select_n3A = arith.select %eq3A_21, %broadcast_in_dim3A, %add3A_19 : vector<512x1xi1>, vector<512x1xf32>
    %slice3A = vector.extract_strided_slice %add3A {offsets = [0, 0], sizes = [512, 40], strides = [1, 1]} : vector<512x128xf32> to vector<512x40xf32>
    %div3A = vector.broadcast %select_n3A : vector<512x1xf32> to vector<512x40xf32>
    %div3A_22 = arith.divf %slice3A, %div3A : vector<512x40xf32>
    %get3A_23 = arith.constant 0 : index
    %get3A_24 = arith.constant 0 : index
    %get3A_25 = vector.load %arg3[%get3A_23, %get3A_24] : memref<1x40xf32, #tpu.memory_space<vmem>>, vector<1x40xf32>
    %add3A_26 = vector.broadcast %get3A_25 : vector<1x40xf32> to vector<512x40xf32>
    %add3A_27 = arith.addf %div3A_22, %add3A_26 : vector<512x40xf32>
    %reduce_max3A = arith.constant dense<0xFF800000> : vector<512xf32>
    %reduce_max3A_28 = vector.multi_reduction <maximumf>, %add3A_27, %reduce_max3A [1] : vector<512x40xf32> to vector<512xf32>
    %broadcast_in_dim3A_29 = vector.shape_cast %reduce_max3A_28 : vector<512xf32> to vector<512x1xf32>
    %sub3A = vector.broadcast %broadcast_in_dim3A_29 : vector<512x1xf32> to vector<512x40xf32>
    %sub3A_30 = arith.subf %add3A_27, %sub3A : vector<512x40xf32>
    %exp3A = math.exp %sub3A_30 : vector<512x40xf32>
    %reduce_sum3A = arith.constant dense<0.000000e+00> : vector<512xf32>
    %reduce_sum3A_31 = vector.multi_reduction <add>, %exp3A, %reduce_sum3A [1] : vector<512x40xf32> to vector<512xf32>
    %broadcast_in_dim3A_32 = vector.shape_cast %reduce_sum3A_31 : vector<512xf32> to vector<512x1xf32>
    %log3A = math.log %broadcast_in_dim3A_32 : vector<512x1xf32>
    %sub3A_33 = vector.broadcast %broadcast_in_dim3A_29 : vector<512x1xf32> to vector<512x40xf32>
    %sub3A_34 = arith.subf %add3A_27, %sub3A_33 : vector<512x40xf32>
    %sub3A_35 = vector.broadcast %log3A : vector<512x1xf32> to vector<512x40xf32>
    %sub3A_36 = arith.subf %sub3A_34, %sub3A_35 : vector<512x40xf32>
    %swap3A = arith.constant 0 : index
    %swap3A_37 = arith.constant 0 : index
    %swap3A_38 = vector.load %arg4[%swap3A, %swap3A_37] : memref<512x40xf32, #tpu.memory_space<vmem>>, vector<512x40xf32>
    tpu.vector_store %arg4[%swap3A, %swap3A_37], %sub3A_36 {strides = array<i32>} : memref<512x40xf32, #tpu.memory_space<vmem>>, vector<512x40xf32>,
    return
  }
  func.func @transform_0(%arg0: i32) -> (i32, i32, i32) {
    %c0_i32 = arith.constant 0 : i32
    %c0_i32_0 = arith.constant 0 : i32
    %c0_i32_1 = arith.constant 0 : i32
    return %c0_i32, %arg0, %c0_i32_0 : i32, i32, i32
  }
  func.func @transform_1(%arg0: i32) -> (i32, i32, i32) {
    %c0_i32 = arith.constant 0 : i32
    %c0_i32_0 = arith.constant 0 : i32
    %c0_i32_1 = arith.constant 0 : i32
    return %c0_i32, %arg0, %c0_i32_0 : i32, i32, i32
  }
  func.func @transform_2(%arg0: i32) -> (i32, i32) {
    %c0_i32 = arith.constant 0 : i32
    %c0_i32_0 = arith.constant 0 : i32
    %c0_i32_1 = arith.constant 0 : i32
    return %c0_i32, %c0_i32_0 : i32, i32
  }
  func.func @transform_3(%arg0: i32) -> (i32, i32) {
    %c0_i32 = arith.constant 0 : i32
    %c0_i32_0 = arith.constant 0 : i32
    return %arg0, %c0_i32 : i32, i32
  }
}

</mosaic_0001>

<sc_bundles>
// kernel: kernel.12.cloned.1.call-start
scs
__scs_entry_jumppad:
0x0: {  	(pc) =	sbr.rel $0x88, $3  }
0x1: {  	(tag) =	ssettag $0x0;
	lr =	simm.s32 $0x1  }
0x2: {  	[smem:$0x3F97] =	sst lr;
	_ =	strace $0xD0000000  }
0x3: {  	_ = 	snop  }
0x4: {  	_ = 	snop  }
0x5: {  	_ = 	snop  }
0x6: {  	_ = 	snop  }
0x7: {  	_ = 	snop  }
__scs_overlays_trampoline_lowered:
0x8: {  	[smem:$0x3FA6] =	sst s0  }
0x9: {  	[smem:$0x3FA7] =	sst s1  }
0xa: {  	[smem:$0x3FA8] =	sst s2  }
0xb: {  	[smem:$0x3FA9] =	sst s3  }
0xc: {  	[smem:$0x3FAA] =	sst s4  }
0xd: {  	[smem:$0x3FAB] =	sst s5  }
0xe: {  	[smem:$0x3FAC] =	sst s6  }
0xf: {  	[smem:$0x3FAD] =	sst s7  }
0x10: {  	[smem:$0x3FAE] =	sst s8  }
0x11: {  	[smem:$0x3FAF] =	sst s9;
	s0 =	simm.s32 @!p0 $0x0  }
0x12: {  	s1 =	sld [smem:$0x3F95];
	s0 =	simm.s32 @p0 $0x1  }
0x13: {  	[smem:$0x3FB0] =	sst s0;
	s0 =	simm.s32 @!p1 $0x0  }
0x14: {  	s2 =	sld [smem:$0x3F94];
	s0 =	simm.s32 @p1 $0x1  }
0x15: {  	[smem:$0x3FB1] =	sst s0;
	s0 =	simm.s32 @!p2 $0x0  }
0x16: {  	s3 =	sld [smem:$0x3FDB];
	s0 =	simm.s32 @p2 $0x1  }
0x17: {  	s4 =	simm.s32 $0x1BF5;
	[smem:$0x3FB3] =	sst s0  }
0x18: {  	s0 =	sld [smem:$0x3F96];
	_ =	swait.ge [sflag:s4], $0x0  }
0x19: {  	s7 =	sld [smem:$0x3F97]  }
0x1a: {  	s8 =	sadd.s32 $0xFFFFE003, lr  }
0x1b: {  	s9 =	sadd.s32 $0xFFFFFEF7, lr;
	s5 =	simm.s32 $0xFFFFFFFF;
	p2 =	slt.u32 s8, $0xFFFFF086  }
0x1c: {  	p1 =	slt.u32 s9, $0xF7A;
	s5 =	simm.s32 @!p2 $0x0  }
0x1d: {  	s5 =	simm.s32 @p1 $0x1;
	p0 =	seq.s32 s7, s2  }
0x1e: {  	s7 =	smul.u32 @!p0 $0xF7A, s2;
	p2 =	seq.s32 @!p0 s5, $0x0  }
0x1f: {  	s9 =	smul.u32 $0xF7A, s1;
	s8 =	simm.s32 @!p0 $0x1BF5;
	p2 =	por !p2, p0  }
0x20: {  	[sflag:s8] =	ssyncset.s32 @!p0 $0xFFFFF086;
	s6 =	sadd.s32 @!p0 s3, s7;
	s7 =	simm.s32 @!p0 $0x108  }
0x21: {  	s3 =	sadd.s32 s3, s9;
	s6 =	sadd.s32 @!p0 $0x88, s6;
	s7 =	simm.s32 @p2 $0x1082  }
0x22: {  	[simem:s7], [sflag:s8] =	dma.local @!p0 [hbm:s6], $0xF7A  }
0x23: {  	s9 =	sor.u32 $0xD0000000, s2;
	s6 =	simm.s32 $0x108;
	_ =	swait.ge @!p0 [sflag:s8], $0x0  }
0x24: {  	s3 =	sadd.s32 $0x88, s3;
	s6 =	simm.s32 @!p1 $0x1082;
	[sflag:s4] =	ssyncset.s32 $0xFFFFF086  }
0x25: {  	[simem:s6], [sflag:s4] =	dma.local [hbm:s3], $0xF7A  }
0x26: {  	[smem:$0x3F97] =	sst s1;
	(tag) =	ssettag s2;
	_ =	strace s9  }
0x27: {  	s1 =	sld [smem:$0x3FA7]  }
0x28: {  	s2 =	sld [smem:$0x3FA8]  }
0x29: {  	s4 =	sld [smem:$0x3FAA]  }
0x2a: {  	p0 =	seq.s32 s5, $0x0;
	s5 =	sld [smem:$0x3FAB]  }
0x2b: {  	s6 =	sld [smem:$0x3FAC]  }
0x2c: {  	s7 =	sld [smem:$0x3FAD]  }
0x2d: {  	s3 =	simm.s32 $0x108;
	s8 =	sld [smem:$0x3FAE]  }
0x2e: {  	s3 =	simm.s32 @!p0 $0x1082;
	s9 =	sld [smem:$0x3FAF]  }
0x2f: {  	lr =	sadd.s32 s0, s3;
	s0 =	sld [smem:$0x3FA6]  }
0x30: {  	s3 =	sld [smem:$0x3FA9]  }
0x31: {  	[smem:$0x3FB2] =	sst s10  }
0x32: {  	s10 =	sld [smem:$0x3FB0];
	_ =	sdelay $0x3  }
0x33: {  	p0 =	seq.s32 s10, $0x1;
	s10 =	sld [smem:$0x3FB2];
	_ =	sdelay $0x3  }
0x34: {  	[smem:$0x3FB2] =	sst s10  }
0x35: {  	s10 =	sld [smem:$0x3FB1];
	_ =	sdelay $0x3  }
0x36: {  	p1 =	seq.s32 s10, $0x1;
	s10 =	sld [smem:$0x3FB2];
	_ =	sdelay $0x3  }
0x37: {  	[smem:$0x3FB2] =	sst s10  }
0x38: {  	s10 =	sld [smem:$0x3FB3]  }
0x39: {  	_ = 	snop;
	(pc) =	sbr.ind lr, $3  }
0x3a: {  	_ = 	snop  }
0x3b: {  	_ = 	snop  }
0x3c: {  	p2 =	seq.s32 s10, $0x1;
	s10 =	sld [smem:$0x3FB2]  }
0x3d: {  	_ =	shalt  }
0x3e: {  	_ =	shalt  }
0x3f: {  	_ =	shalt  }
0x40: {  	_ =	shalt  }
0x41: {  	_ =	shalt  }
0x42: {  	_ =	shalt  }
0x43: {  	_ =	shalt  }
0x44: {  	_ =	shalt  }
0x45: {  	_ =	shalt  }
0x46: {  	_ =	shalt  }
0x47: {  	_ =	shalt  }
0x48: {  	_ =	shalt  }
0x49: {  	_ =	shalt  }
0x4a: {  	_ =	shalt  }
0x4b: {  	_ =	shalt  }
0x4c: {  	_ =	shalt  }
0x4d: {  	_ =	shalt  }
0x4e: {  	_ =	shalt  }
0x4f: {  	_ =	shalt  }
0x50: {  	_ =	shalt  }
0x51: {  	_ =	shalt  }
0x52: {  	_ =	shalt  }
0x53: {  	_ =	shalt  }
0x54: {  	_ =	shalt  }
0x55: {  	_ =	shalt  }
0x56: {  	_ =	shalt  }
0x57: {  	_ =	shalt  }
0x58: {  	_ =	shalt  }
0x59: {  	_ =	shalt  }
0x5a: {  	_ =	shalt  }
0x5b: {  	_ =	shalt  }
0x5c: {  	_ =	shalt  }
0x5d: {  	_ =	shalt  }
0x5e: {  	_ =	shalt  }
0x5f: {  	_ =	shalt  }
0x60: {  	_ =	shalt  }
0x61: {  	_ =	shalt  }
0x62: {  	_ =	shalt  }
0x63: {  	_ =	shalt  }
0x64: {  	_ =	shalt  }
0x65: {  	_ =	shalt  }
0x66: {  	_ =	shalt  }
0x67: {  	_ =	shalt  }
0x68: {  	_ =	shalt  }
0x69: {  	_ =	shalt  }
0x6a: {  	_ =	shalt  }
0x6b: {  	_ =	shalt  }
0x6c: {  	_ =	shalt  }
0x6d: {  	_ =	shalt  }
0x6e: {  	_ =	shalt  }
0x6f: {  	_ =	shalt  }
0x70: {  	_ =	shalt  }
0x71: {  	_ =	shalt  }
0x72: {  	_ =	shalt  }
0x73: {  	_ =	shalt  }
0x74: {  	_ =	shalt  }
0x75: {  	_ =	shalt  }
0x76: {  	_ =	shalt  }
0x77: {  	_ =	shalt  }
0x78: {  	_ =	shalt  }
0x79: {  	_ =	shalt  }
0x7a: {  	_ =	shalt  }
0x7b: {  	_ =	shalt  }
0x7c: {  	_ =	shalt  }
0x7d: {  	_ =	shalt  }
0x7e: {  	_ =	shalt  }
0x7f: {  	_ =	shalt  }
0x80: {  	_ =	shalt  }
0x81: {  	_ =	shalt  }
0x82: {  	_ =	shalt  }
0x83: {  	_ =	shalt  }
0x84: {  	_ =	shalt  }
0x85: {  	_ =	shalt  }
0x86: {  	_ =	shalt  }
0x87: {  	_ =	shalt  }
.Lfunc_end0:
.L_simem_size_0:
called_computation.1_lowered:
.L_overlay_start_0:
0x88: {  	s2 =	sld [smem:$0x3FD9]  }
0x89: {  	s3 =	sld [smem:$0x3FFE];
	_ =	sdelay $0x1  }
0x8a: {  	s1 =	srdreg.scid  }
0x8b: {  	s0 =	sand.u32 $0x1, s1  }
0x8c: {  	s17 =	sshll.u32 s0, $0xA;
	s2 =	sadd.s32 s3, s2  }
0x8d: {  	s2 =	sadd.s32 s2, s17  }
0x8e: {  	[smem:$0x3FBE] =	sst s2  }
0x8f: {  	_ = 	snop  }
0x90: {  	s2 =	sld [smem:$0x3FD0];
	(tm) =	ssettm $0x1  }
0x91: {  	s18 =	sld [smem:$0x3FFB];
	_ =	sdelay $0x3  }
0x92: {  	_ =	strace s18  }
0x93: {  	s3 =	sld [smem:$0x3FFC];
	_ =	sdelay $0x3  }
0x94: {  	_ =	strace s3  }
0x95: {  	s3 =	sld [smem:$0x3FFD];
	_ =	sdelay $0x3  }
0x96: {  	_ =	strace s3  }
0x97: {  	_ =	strace $0x8FFFFFFF  }
0x98: {  	s19 =	sld [smem:$0x3FDB];
	_ =	sdelay $0x1  }
0x99: {  	s4 =	simm.s32 $_scs_section_size  }
0x9a: {  	s5 =	simm.s32 $_size__tile_overlayer_lowered;
	s6 =	simm.s32 $_tile_overlayer_lowered  }
0x9b: {  	s22 =	simm.s32 $0x1BFF;
	s21 =	sshll.u32 s6, $0x1;
	s3 =	sadd.s32 s4, s19  }
0x9c: {  	s7 =	simm.s32 $0x0;
	s20 =	sshll.u32 s5, $0x1;
	s5 =	sadd.s32 s21, s3  }
0x9d: {  	[timem:s7], [sflag:s22] =	dma.local [hbm:s5], s20  }
0x9e: {  	_ =	swait.ge [sflag:s22], s20  }
0x9f: {  	s4 =	ssub.s32 $0x0, s20;
	[sflag:s22] =	ssyncset.done $0x0  }
0xa0: {  	[sflag:s22] =	ssyncadd.s32 s4;
	_ =	sdelay $0x1  }
0xa1: {  	s23 =	simm.s32 $0x1B8B  }
0xa2: {  	_ =	swait.ge [sflag:s23], $0x1  }
0xa3: {  	[sflag:s23] =	ssyncset.done $0x0  }
0xa4: {  	s25 =	simm.s32 $0x1B8E;
	s24 =	sld [smem:$0x3FFE];
	[sflag:s23] =	ssyncadd.s32 $0xFFFFFFFF  }
0xa5: {  	s26 =	simm.s32 $execute0_lowered;
	[smem:$0x3FD2] =	sst s25  }
0xa6: {  	s5 =	sshll.u32 s26, $0x1;
	_ =	strace $0x80000049;
	[dreg:$0x1] =	wrdreg $0xFFFFFFFF  }
0xa7: {  	s28 =	simm.s32 $_size_execute0_lowered;
	s3 =	sadd.s32 s3, s5;
	[dreg:$0x0] =	wrdreg $0x0  }
0xa8: {  	s5 =	sshll.u32 s28, $0x1;
	[dreg:$0x2] =	wrdreg s3  }
0xa9: {  	[dreg:$0x3] =	wrdreg s5  }
0xaa: {  	[dreg:$0x4] =	wrdreg $0xC0  }
0xab: {  	_ =	task [dreg:s7], $0x5FFFF  }
0xac: {  	[dreg:$0x1] =	wrdreg $0xFFFFFFFF  }
0xad: {  	[dreg:$0x0] =	wrdreg $0x60  }
0xae: {  	[dreg:$0x2] =	wrdreg s2  }
0xaf: {  	[dreg:$0x3] =	wrdreg s24  }
0xb0: {  	[dreg:$0x4] =	wrdreg $0xA0000  }
0xb1: {  	[dreg:$0x5] =	wrdreg $0x9  }
0xb2: {  	_ =	task.clear_ibuf [dreg:s7], $0x6FFFF;
	_ =	strace $0x90000049  }
0xb3: {  	s29 =	simm.s32 $0x9;
	_ =	strace $0x8000004B  }
0xb4: {  	_ =	swait.ge [sflag:s29], $0x1  }
0xb5: {  	[sflag:s29] =	ssyncadd.s32 $0xFFFFFFFF  }
0xb6: {  	_ =	strace $0x9000004B  }
0xb7: {  	_ =	sfence  }
0xb8: {  	s30 =	sld [smem:$0x0];
	_ =	sdelay $0x2  }
0xb9: {  	s31 =	sshll.u32 s1, $0xD;
	s1 =	sshrl.u32 s1, $0x2  }
0xba: {  	s3 =	sand.u32 $0x4000, s31;
	s1 =	sadd.s32 s1, s30  }
0xbb: {  	s0 =	sor.u32 s3, s0;
	s1 =	sshll.u32 s1, $0x11  }
0xbc: {  	s0 =	sor.u32 s1, s0  }
0xbd: {  	s0 =	sadd.s32 $0x8F2B, s0  }
0xbe: {  	[sflag:s0] =	ssyncadd.remote.s32 $0x1  }
0xbf: {  	_ =	sfence.sel $0xFFFF  }
0xc0: {  	[dreg:$0x0] =	wrdreg $0xFFFFFFFF;
	(pc) =	sbr.abs _section_cstart, $3  }
0xc1: {  	[dreg:$0x1] =	wrdreg $0xFFFFFFFF  }
0xc2: {  	_ =	task.clear_ibuf [dreg:s7], $0x2FFFF;
	_ =	strace $0x9FFFFFFF  }
0xc3: {  	(tm) =	ssettm $0x7FFFFFFF  }
tec
execute0_lowered:
.L_overlay_start_1:
0x0: {  	(tag) =	ssettag $0x1  }
0x1: {  	s0 =	srdreg.scid  }
0x2: {  	s3 =	stileid.u32;
	s1 =	rddreg [dreg:$0x0]  }
0x3: {  	s7 =	rddreg [dreg:$0x1];
	s4 =	simm.s32 $0x0;
	s18 =	simm.s32 $0x3  }
0x4: {  	s20 =	simm.s32 $0x6000;
	s21 =	simm.s32 $0x80;
	s22 =	simm.s32 $0x5800  }
0x5: {  	s23 =	simm.s32 $0x1;
	s24 =	simm.s32 $0x2;
	s25 =	simm.s32 $0x0  }
0x6: {  	s0 =	sand.u32 $0x1, s0;
	s2 =	sshll.u32 s3, $0x1;
	s9 =	smul.u32 $0x14000, s3  }
0x7: {  	[smem:$0x7FF] =	sst s4;
	s4 =	sadd.s32 $0x6E000, s7;
	s5 =	sadd.s32 $0x37000, s7  }
0x8: {  	s12 =	smul.u32 $0x50000, s3;
	s14 =	sor.u32 s0, s2;
	s2 =	rddreg [dreg:$0x2]  }
0x9: {  	s6 =	smul.u32 $0x140000, s0;
	_ =	strace $0x8000004A;
	s0 =	ssub.s32 $0x2, s0  }
0xa: {  	s8 =	smul.u32 $0x580, s14;
	s29 =	sshrl.u32 s0, $0x1;
	s30 =	sshrl.u32 s12, $0x2  }
0xb: {  	s14 =	smul.u32 $0x28800, s14;
	s11 =	sadd.s32 s9, s6;
	s6 =	sadd.s32 $0xF000, s7  }
0xc: {  	s0 =	ssub.s32 s0, s29;
	s31 =	sadd.s32 s30, s2;
	s9 =	sadd.s32 s9, s2  }
0xd: {  	s10 =	sadd.s32 s8, s7;
	s11 =	sshrl.u32 s11, $0x3;
	s12 =	sadd.s32 $0xC000, s31  }
0xe: {  	s13 =	sadd.s32 $0x10000, s31;
	s17 =	smax.u32 s0, $0x1;
	s16 =	sadd.s32 s11, s7  }
0xf: {  	s7 =	sadd.s32 s1, s8;
	s8 =	sadd.s32 $0x4000, s10;
	s10 =	sadd.s32 $0x4000, s31  }
0x10: {  	v0 =	vimm.f32 $0.0e+00;
	s11 =	sadd.s32 $0x8000, s31;
	s15 =	sadd.s32 $0x110000, s16;
	s16 =	sadd.s32 $0x160000, s16  }
.LBB2_1:
0x11: {  	s0 =	simm.s32 $0x0  }
0x12: {  	[tilespmem:s0], [sflag:$0x3] =	stream.linear.gather [hbm4b:s7+s0], $0x2C00, $0x38;
	[tilespmem:$0x1E000] =	vst v63  }
0x13: {  	_ =	swait.ge [sflag:s18], $0x2C00  }
0x14: {  	[sflag:s18] =	ssyncset.done $0x0  }
0x15: {  	s1 =	simm.s32 $0x2C00;
	[sflag:s18] =	ssyncadd.s32 $0xFFFFD400  }
0x16: {  	[tilespmem:s1], [sflag:$0x3] =	stream.linear.gather [hbm4b:s8+s0], $0x2C00, $0x38;
	[tilespmem:$0x1E000] =	vst v63  }
0x17: {  	_ =	swait.ge [sflag:s18], $0x2C00  }
0x18: {  	[sflag:s18] =	ssyncset.done $0x0  }
0x19: {  	s0 =	simm.s32 $0x0;
	s1 =	simm.s32 $0x200;
	[sflag:s18] =	ssyncadd.s32 $0xFFFFD400  }
.LBB2_2:
0x1a: {  	p0 =	sne.s32 s1, $0xFE00;
	[tilespmem:s0+$0x6070] =	vst v0  }
0x1b: {  	[tilespmem:s0+$0x6000] =	vst v0  }
0x1c: {  	[tilespmem:s0+$0x6010] =	vst v0  }
.Ltmp0:
0x1d: {  	[tilespmem:s0+$0x6020] =	vst v0;
	(pc) =	sbr.rel @p0 .LBB2_2-.Ltmp0, $4  }
0x1e: {  	[tilespmem:s0+$0x6030] =	vst v0  }
0x1f: {  	[tilespmem:s0+$0x6040] =	vst v0  }
0x20: {  	[tilespmem:s0+$0x6050] =	vst v0  }
0x21: {  	[tilespmem:s0+$0x6060] =	vst v0;
	s0 =	sshra.s32 s1, $0x2;
	s1 =	sadd.s32 $0x200, s1  }
0x22: {  	[tilespmem:s0+$0x6070] =	vst v0  }
0x23: {  	[tilespmem:s0+$0x6000] =	vst v0  }
0x24: {  	[tilespmem:s0+$0x6010] =	vst v0  }
0x25: {  	[tilespmem:s0+$0x6020] =	vst v0  }
0x26: {  	[tilespmem:s0+$0x6030] =	vst v0  }
0x27: {  	[tilespmem:s0+$0x6040] =	vst v0  }
0x28: {  	[tilespmem:s0+$0x6050] =	vst v0  }
0x29: {  	[tilespmem:s0+$0x6060] =	vst v0  }
0x2a: {  	[spmem:s9] =	stream.linear.scatter [tilespmem:s20], [sflag:$0x3], $0x4000, $0x38;
	[tilespmem:$0x1E000] =	vst v63  }
0x2b: {  	_ =	swait.ge [sflag:s18], $0x4000  }
0x2c: {  	[sflag:s18] =	ssyncset.done $0x0  }
0x2d: {  	[sflag:s18] =	ssyncadd.s32 $0xFFFFC000  }
0x2e: {  	[spmem:s10] =	stream.linear.scatter [tilespmem:s20], [sflag:$0x3], $0x4000, $0x38;
	[tilespmem:$0x1E000] =	vst v63  }
0x2f: {  	_ =	swait.ge [sflag:s18], $0x4000  }
0x30: {  	[sflag:s18] =	ssyncset.done $0x0  }
0x31: {  	[sflag:s18] =	ssyncadd.s32 $0xFFFFC000  }
0x32: {  	[spmem:s11] =	stream.linear.scatter [tilespmem:s20], [sflag:$0x3], $0x4000, $0x38;
	[tilespmem:$0x1E000] =	vst v63  }
0x33: {  	_ =	swait.ge [sflag:s18], $0x4000  }
0x34: {  	[sflag:s18] =	ssyncset.done $0x0  }
0x35: {  	[sflag:s18] =	ssyncadd.s32 $0xFFFFC000  }
0x36: {  	[spmem:s12] =	stream.linear.scatter [tilespmem:s20], [sflag:$0x3], $0x4000, $0x38;
	[tilespmem:$0x1E000] =	vst v63  }
0x37: {  	_ =	swait.ge [sflag:s18], $0x4000  }
0x38: {  	[sflag:s18] =	ssyncset.done $0x0  }
0x39: {  	[sflag:s18] =	ssyncadd.s32 $0xFFFFC000  }
0x3a: {  	[spmem:s13] =	stream.linear.scatter [tilespmem:s20], [sflag:$0x3], $0x4000, $0x38;
	[tilespmem:$0x1E000] =	vst v63  }
0x3b: {  	_ =	swait.ge [sflag:s18], $0x4000  }
0x3c: {  	[sflag:s18] =	ssyncset.done $0x0  }
0x3d: {  	[sflag:s18] =	ssyncadd.s32 $0xFFFFC000  }
0x3e: {  	s26 =	simm.s32 $0x0;
	s28 =	simm.s32 $0x0;
	[bflag:$0x0] =	sbarrier.arrive $0xFFFF  }
.LBB2_4:
0x3f: {  	s29 =	sshll.u32 s28, $0x7;
	s0 =	sshll.u32 s28, $0xB  }
0x40: {  	[tilespmem:s20], [sflag:$0x2] =	stream.indirect.gather [hbm4b:s5+s21], $0x80, s29, s21, $0xb8;
	[tilespmem:$0x1E000] =	vst v63  }
0x41: {  	s0 =	sadd.s32 s14, s0  }
0x42: {  	s0 =	sshrl.u32 s0, $0x3  }
0x43: {  	s0 =	sadd.s32 s4, s0  }
0x44: {  	[tilespmem:s22], [sflag:$0x1] =	stream.linear.gather [hbm4b:s0+s26], $0x800, $0x38;
	[tilespmem:$0x1E000] =	vst v63  }
0x45: {  	_ =	swait.ge [sflag:s23], $0x800  }
0x46: {  	[sflag:s23] =	ssyncset.done $0x0  }
0x47: {  	[sflag:s23] =	ssyncadd.s32 $0xFFFFF800  }
0x48: {  	_ =	swait.ge [sflag:s24], $0x4000  }
0x49: {  	[sflag:s24] =	ssyncset.done $0x0  }
0x4a: {  	s30 =	simm.s32 $0x6040;
	[sflag:s24] =	ssyncadd.s32 $0xFFFFC000  }
0x4b: {  	s31 =	simm.s32 $0x0;
	v8 =	vld [tilespmem:s30+$0xFFFFFFD0]  }
0x4c: {  	v3 =	vld [tilespmem:s31+$0x5800]  }
0x4d: {  	v6 =	vld [tilespmem:s30+$0x20]  }
0x4e: {  	v9 =	vld [tilespmem:s30+$0xFFFFFFC0]  }
0x4f: {  	v12 =	vld [tilespmem:s30+$0xFFFFFFE0]  }
0x50: {  	v1 =	vld [tilespmem:s30+$0xFFFFFFF0]  }
0x51: {  	v2 =	vld [tilespmem:s30+$0x30];
	v10 =	vbroadcast v3, $0x0;
	v7 =	vbroadcast v3, $0x3  }
0x52: {  	v4 =	vld [tilespmem:s30+$0x0];
	v5 =	vbroadcast v3, $0x1  }
0x53: {  	v11 =	vmul.f32 v10, v9;
	v9 =	vmul.f32 v6, v7;
	v6 =	vld [tilespmem:s30+$0x10]  }
0x54: {  	v3 =	vbroadcast v3, $0x2  }
0x55: {  	s1 =	simm.s32 $0x40;
	s19 =	simm.s32 $0x6040;
	v10 =	vmul.f32 v8, v10;
	v8 =	vmul.f32 v12, v5  }
.LBB2_5:
0x56: {  	p0 =	sne.s32 s1, $0x1FC0  }
0x57: {  	[tilespmem:s30+$0xFFFFFFC0] =	vst v11;
	v4 =	vmul.f32 v4, v3;
	v2 =	vmul.f32 v2, v7;
	s19 =	sadd.s32 $0x80, s19;
	s0 =	smov.u32 s1;
	s1 =	sadd.s32 $0x40, s1  }
0x58: {  	v5 =	vmul.f32 v1, v5;
	v3 =	vmul.f32 v6, v3;
	[tilespmem:s30+$0x20] =	vst v9  }
0x59: {  	[tilespmem:s30+$0xFFFFFFD0] =	vst v10  }
0x5a: {  	[tilespmem:s30+$0xFFFFFFE0] =	vst v8  }
0x5b: {  	[tilespmem:s30+$0x30] =	vst v2  }
0x5c: {  	v1 =	vld [tilespmem:s19+$0xFFFFFFF0];
	[tilespmem:s30+$0x10] =	vst v3  }
0x5d: {  	v8 =	vld [tilespmem:s19+$0xFFFFFFD0];
	[tilespmem:s30+$0xFFFFFFF0] =	vst v5  }
0x5e: {  	s0 =	sshra.s32 s0, $0x2;
	v9 =	vld [tilespmem:s19+$0x20];
	[tilespmem:s30+$0x0] =	vst v4;
	s30 =	smov.u32 s19  }
0x5f: {  	v3 =	vld [tilespmem:s0+$0x5800]  }
0x60: {  	v2 =	vld [tilespmem:s19+$0x30]  }
0x61: {  	v10 =	vld [tilespmem:s19+$0xFFFFFFC0]  }
0x62: {  	v12 =	vld [tilespmem:s19+$0xFFFFFFE0]  }
.Ltmp1:
0x63: {  	v4 =	vld [tilespmem:s19+$0x0];
	(pc) =	sbr.rel @p0 .LBB2_5-.Ltmp1, $4  }
0x64: {  	v13 =	vbroadcast v3, $0x0;
	v6 =	vld [tilespmem:s19+$0x10];
	v7 =	vbroadcast v3, $0x3  }
0x65: {  	v5 =	vbroadcast v3, $0x1;
	v3 =	vbroadcast v3, $0x2  }
0x66: {  	v11 =	vmul.f32 v13, v10;
	v9 =	vmul.f32 v9, v7  }
0x67: {  	v10 =	vmul.f32 v8, v13;
	v8 =	vmul.f32 v12, v5  }
0x68: {  	[tilespmem:s30+$0xFFFFFFC0] =	vst v11  }
0x69: {  	[tilespmem:s30+$0x20] =	vst v9  }
0x6a: {  	v2 =	vmul.f32 v2, v7;
	[tilespmem:s30+$0xFFFFFFD0] =	vst v10  }
0x6b: {  	v1 =	vmul.f32 v1, v5;
	[tilespmem:s30+$0xFFFFFFE0] =	vst v8  }
0x6c: {  	v6 =	vmul.f32 v6, v3;
	[tilespmem:s30+$0x30] =	vst v2  }
0x6d: {  	s28 =	sadd.s32 $0x1, s28;
	v2 =	vmul.f32 v4, v3;
	[tilespmem:s30+$0xFFFFFFF0] =	vst v1  }
0x6e: {  	p0 =	sne.s32 s28, $0x51;
	[tilespmem:s30+$0x10] =	vst v6  }
.Ltmp2:
0x6f: {  	s0 =	sadd.s32 $0x2C00, s29;
	[tilespmem:s30+$0x0] =	vst v2;
	(pc) =	sbr.rel @p0 .LBB2_4-.Ltmp2, $4  }
0x70: {  	[spmem:s2] =	stream.indirect.scatter.add.f32 [tilespmem:s20], [sflag:$0x3], $0x80, s0, s21, $0xb8;
	[tilespmem:$0x1E000] =	vst v63  }
0x71: {  	_ =	swait.ge [sflag:s18], $0x4000  }
0x72: {  	[sflag:s18] =	ssyncset.done $0x0  }
0x73: {  	[sflag:s18] =	ssyncadd.s32 $0xFFFFC000  }
0x74: {  	s0 =	stileid.u32  }
0x75: {  	s0 =	sshll.u32 s0, $0x6  }
0x76: {  	[bflag:$0x0] =	sbarrier.arrive $0xFFFF;
	s28 =	sshrl.u32 s9, $0x3;
	s26 =	sor.u32 $0x1C03, s0  }
0x77: {  	[hbm:s15], [sflag:s26] =	dma.local [spmem:s28], $0x2800  }
0x78: {  	_ =	swait.ge [sflag:s18], $0x2800  }
0x79: {  	[sflag:s18] =	ssyncset.done $0x0  }
0x7a: {  	[sflag:s18] =	ssyncadd.s32 $0xFFFFD800  }
0x7b: {  	s1 =	simm.s32 $0x200;
	s0 =	simm.s32 $0x0;
	[bflag:$0x0] =	sbarrier.arrive $0xFFFF  }
.LBB2_8:
0x7c: {  	p0 =	sne.s32 s1, $0xFE00;
	[tilespmem:s0+$0x6070] =	vst v0  }
0x7d: {  	[tilespmem:s0+$0x6000] =	vst v0  }
0x7e: {  	[tilespmem:s0+$0x6010] =	vst v0  }
.Ltmp3:
0x7f: {  	[tilespmem:s0+$0x6020] =	vst v0;
	(pc) =	sbr.rel @p0 .LBB2_8-.Ltmp3, $4  }
0x80: {  	[tilespmem:s0+$0x6030] =	vst v0  }
0x81: {  	[tilespmem:s0+$0x6040] =	vst v0  }
0x82: {  	[tilespmem:s0+$0x6050] =	vst v0  }
0x83: {  	[tilespmem:s0+$0x6060] =	vst v0;
	s0 =	sshra.s32 s1, $0x2;
	s1 =	sadd.s32 $0x200, s1  }
0x84: {  	[tilespmem:s0+$0x6070] =	vst v0  }
0x85: {  	[tilespmem:s0+$0x6000] =	vst v0  }
0x86: {  	[tilespmem:s0+$0x6010] =	vst v0  }
0x87: {  	[tilespmem:s0+$0x6020] =	vst v0  }
0x88: {  	[tilespmem:s0+$0x6030] =	vst v0  }
0x89: {  	[tilespmem:s0+$0x6040] =	vst v0  }
0x8a: {  	[tilespmem:s0+$0x6050] =	vst v0  }
0x8b: {  	[tilespmem:s0+$0x6060] =	vst v0  }
0x8c: {  	[spmem:s9] =	stream.linear.scatter [tilespmem:s20], [sflag:$0x3], $0x4000, $0x38;
	[tilespmem:$0x1E000] =	vst v63  }
0x8d: {  	_ =	swait.ge [sflag:s18], $0x4000  }
0x8e: {  	[sflag:s18] =	ssyncset.done $0x0  }
0x8f: {  	[sflag:s18] =	ssyncadd.s32 $0xFFFFC000  }
0x90: {  	[spmem:s10] =	stream.linear.scatter [tilespmem:s20], [sflag:$0x3], $0x4000, $0x38;
	[tilespmem:$0x1E000] =	vst v63  }
0x91: {  	_ =	swait.ge [sflag:s18], $0x4000  }
0x92: {  	[sflag:s18] =	ssyncset.done $0x0  }
0x93: {  	[sflag:s18] =	ssyncadd.s32 $0xFFFFC000  }
0x94: {  	[spmem:s11] =	stream.linear.scatter [tilespmem:s20], [sflag:$0x3], $0x4000, $0x38;
	[tilespmem:$0x1E000] =	vst v63  }
0x95: {  	_ =	swait.ge [sflag:s18], $0x4000  }
0x96: {  	[sflag:s18] =	ssyncset.done $0x0  }
0x97: {  	[sflag:s18] =	ssyncadd.s32 $0xFFFFC000  }
0x98: {  	[spmem:s12] =	stream.linear.scatter [tilespmem:s20], [sflag:$0x3], $0x4000, $0x38;
	[tilespmem:$0x1E000] =	vst v63  }
0x99: {  	_ =	swait.ge [sflag:s18], $0x4000  }
0x9a: {  	[sflag:s18] =	ssyncset.done $0x0  }
0x9b: {  	[sflag:s18] =	ssyncadd.s32 $0xFFFFC000  }
0x9c: {  	[spmem:s13] =	stream.linear.scatter [tilespmem:s20], [sflag:$0x3], $0x4000, $0x38;
	[tilespmem:$0x1E000] =	vst v63  }
0x9d: {  	_ =	swait.ge [sflag:s18], $0x4000  }
0x9e: {  	[sflag:s18] =	ssyncset.done $0x0  }
0x9f: {  	[sflag:s18] =	ssyncadd.s32 $0xFFFFC000  }
0xa0: {  	s29 =	simm.s32 $0x0;
	s30 =	simm.s32 $0x0;
	[bflag:$0x0] =	sbarrier.arrive $0xFFFF  }
.LBB2_10:
0xa1: {  	s31 =	sshll.u32 s30, $0x7;
	s0 =	sshll.u32 s30, $0xB  }
0xa2: {  	[tilespmem:s20], [sflag:$0x2] =	stream.indirect.gather [hbm4b:s6+s21], $0x80, s31, s21, $0xb8;
	[tilespmem:$0x1E000] =	vst v63  }
0xa3: {  	s0 =	sadd.s32 s14, s0  }
0xa4: {  	s0 =	sshrl.u32 s0, $0x3  }
0xa5: {  	s0 =	sadd.s32 s4, s0  }
0xa6: {  	[tilespmem:s22], [sflag:$0x1] =	stream.linear.gather [hbm4b:s0+s29], $0x800, $0x38;
	[tilespmem:$0x1E000] =	vst v63  }
0xa7: {  	_ =	swait.ge [sflag:s23], $0x800  }
0xa8: {  	[sflag:s23] =	ssyncset.done $0x0  }
0xa9: {  	[sflag:s23] =	ssyncadd.s32 $0xFFFFF800  }
0xaa: {  	_ =	swait.ge [sflag:s24], $0x4000  }
0xab: {  	[sflag:s24] =	ssyncset.done $0x0  }
0xac: {  	s1 =	simm.s32 $0x6040;
	[sflag:s24] =	ssyncadd.s32 $0xFFFFC000  }
0xad: {  	s19 =	simm.s32 $0x0;
	v8 =	vld [tilespmem:s1+$0xFFFFFFD0]  }
0xae: {  	v3 =	vld [tilespmem:s19+$0x5800]  }
0xaf: {  	v6 =	vld [tilespmem:s1+$0x20]  }
0xb0: {  	v9 =	vld [tilespmem:s1+$0xFFFFFFC0]  }
0xb1: {  	v12 =	vld [tilespmem:s1+$0xFFFFFFE0]  }
0xb2: {  	v1 =	vld [tilespmem:s1+$0xFFFFFFF0]  }
0xb3: {  	v2 =	vld [tilespmem:s1+$0x30];
	v10 =	vbroadcast v3, $0x4;
	v7 =	vbroadcast v3, $0x7  }
0xb4: {  	v4 =	vld [tilespmem:s1+$0x0];
	v5 =	vbroadcast v3, $0x5  }
0xb5: {  	v11 =	vmul.f32 v10, v9;
	v9 =	vmul.f32 v6, v7;
	v6 =	vld [tilespmem:s1+$0x10]  }
0xb6: {  	v3 =	vbroadcast v3, $0x6  }
0xb7: {  	s0 =	simm.s32 $0x6040;
	s19 =	simm.s32 $0x40;
	v10 =	vmul.f32 v8, v10;
	v8 =	vmul.f32 v12, v5  }
.LBB2_11:
0xb8: {  	p0 =	sne.s32 s19, $0x1FC0  }
0xb9: {  	[tilespmem:s1+$0xFFFFFFC0] =	vst v11;
	v4 =	vmul.f32 v4, v3;
	v2 =	vmul.f32 v2, v7;
	s0 =	sadd.s32 $0x80, s0;
	s3 =	smov.u32 s19;
	s19 =	sadd.s32 $0x40, s19  }
0xba: {  	v5 =	vmul.f32 v1, v5;
	v3 =	vmul.f32 v6, v3;
	[tilespmem:s1+$0x20] =	vst v9  }
0xbb: {  	[tilespmem:s1+$0xFFFFFFD0] =	vst v10  }
0xbc: {  	[tilespmem:s1+$0xFFFFFFE0] =	vst v8  }
0xbd: {  	[tilespmem:s1+$0x30] =	vst v2  }
0xbe: {  	v1 =	vld [tilespmem:s0+$0xFFFFFFF0];
	[tilespmem:s1+$0x10] =	vst v3  }
0xbf: {  	v8 =	vld [tilespmem:s0+$0xFFFFFFD0];
	[tilespmem:s1+$0xFFFFFFF0] =	vst v5  }
0xc0: {  	s3 =	sshra.s32 s3, $0x2;
	v9 =	vld [tilespmem:s0+$0x20];
	[tilespmem:s1+$0x0] =	vst v4;
	s1 =	smov.u32 s0  }
0xc1: {  	v3 =	vld [tilespmem:s3+$0x5800]  }
0xc2: {  	v2 =	vld [tilespmem:s0+$0x30]  }
0xc3: {  	v10 =	vld [tilespmem:s0+$0xFFFFFFC0]  }
0xc4: {  	v12 =	vld [tilespmem:s0+$0xFFFFFFE0]  }
.Ltmp4:
0xc5: {  	v4 =	vld [tilespmem:s0+$0x0];
	(pc) =	sbr.rel @p0 .LBB2_11-.Ltmp4, $4  }
0xc6: {  	v13 =	vbroadcast v3, $0x4;
	v6 =	vld [tilespmem:s0+$0x10];
	v7 =	vbroadcast v3, $0x7  }
0xc7: {  	v5 =	vbroadcast v3, $0x5;
	v3 =	vbroadcast v3, $0x6  }
0xc8: {  	v11 =	vmul.f32 v13, v10;
	v9 =	vmul.f32 v9, v7  }
0xc9: {  	v10 =	vmul.f32 v8, v13;
	v8 =	vmul.f32 v12, v5  }
0xca: {  	[tilespmem:s1+$0xFFFFFFC0] =	vst v11  }
0xcb: {  	[tilespmem:s1+$0x20] =	vst v9  }
0xcc: {  	v2 =	vmul.f32 v2, v7;
	[tilespmem:s1+$0xFFFFFFD0] =	vst v10  }
0xcd: {  	v1 =	vmul.f32 v1, v5;
	[tilespmem:s1+$0xFFFFFFE0] =	vst v8  }
0xce: {  	v6 =	vmul.f32 v6, v3;
	[tilespmem:s1+$0x30] =	vst v2  }
0xcf: {  	s30 =	sadd.s32 $0x1, s30;
	v2 =	vmul.f32 v4, v3;
	[tilespmem:s1+$0xFFFFFFF0] =	vst v1  }
0xd0: {  	p0 =	sne.s32 s30, $0x51;
	[tilespmem:s1+$0x10] =	vst v6  }
.Ltmp5:
0xd1: {  	s0 =	sadd.s32 $0x2C00, s31;
	[tilespmem:s1+$0x0] =	vst v2;
	(pc) =	sbr.rel @p0 .LBB2_10-.Ltmp5, $4  }
0xd2: {  	[spmem:s2] =	stream.indirect.scatter.add.f32 [tilespmem:s20], [sflag:$0x3], $0x80, s0, s21, $0xb8;
	[tilespmem:$0x1E000] =	vst v63  }
0xd3: {  	_ =	swait.ge [sflag:s18], $0x4000  }
0xd4: {  	[sflag:s18] =	ssyncset.done $0x0  }
0xd5: {  	[sflag:s18] =	ssyncadd.s32 $0xFFFFC000  }
0xd6: {  	s25 =	sadd.s32 $0x1, s25  }
0xd7: {  	p0 =	sne.s32 s25, s17  }
.Ltmp6:
0xd8: {  	[bflag:$0x0] =	sbarrier.arrive $0xFFFF;
	(pc) =	sbr.rel @p0 .LBB2_1-.Ltmp6, $4  }
0xd9: {  	[hbm:s16], [sflag:s26] =	dma.local [spmem:s28], $0x2800  }
0xda: {  	_ =	swait.ge [sflag:s18], $0x2800  }
0xdb: {  	[sflag:s18] =	ssyncset.done $0x0  }
0xdc: {  	[sflag:s18] =	ssyncadd.s32 $0xFFFFD800  }
0xdd: {  	_ =	sfence.sel $0x180000  }
0xde: {  	[bflag:$0x0] =	sbarrier.arrive $0xFFFF  }
0xdf: {  	_ =	strace $0x9000004A  }
0xe0: {  	s0 =	stileid.u32;
	[bflag:$0x2] =	sbarrier.arrive $0xFFFF  }
0xe1: {  	p0 =	sne.s32 s0, $0x0;
	s0 =	rddreg [dreg:$0x3]  }
0xe2: {  	s0 =	sadd.s32 @!p0 $0x100000, s0  }
0xe3: {  	[sflag:s0] =	ssyncadd.tile.s32 @!p0 $0x1;
	_ =	shalt  }
.Lfunc_end2:
_tile_overlayer_lowered:
.L_overlay_start_2:
0xe4: {  	(tag) =	ssettag $0x2  }
0xe5: {  	s0 =	rddreg [dreg:$0x0];
	s2 =	stileid.u32  }
0xe6: {  	s1 =	rddreg [dreg:$0x1];
	p0 =	sne.s32 s2, $0x0  }
0xe7: {  	s3 =	rddreg [dreg:$0x2];
	[bflag:$0x3] =	sbarrier.arrive $0xFFFF;
	s2 =	simm.s32 @!p0 $0x1C03  }
0xe8: {  	[timem:s3], [sflag:s2] =	dma.local @!p0 [hbm:s0], s1  }
0xe9: {  	s0 =	simm.s32 @!p0 $0x3  }
0xea: {  	_ =	swait.ge @!p0 [sflag:s0], s1  }
0xeb: {  	s1 =	ssub.s32 @!p0 $0x0, s1;
	[sflag:s0] =	ssyncset.done @!p0 $0x0  }
0xec: {  	[sflag:s0] =	ssyncadd.s32 @!p0 s1  }
0xed: {  	[bflag:$0x3] =	sbarrier.arrive $0xFFFF  }
0xee: {  	_ =	shalt  }

// kernel: kernel.15.cloned.1.call-start
scs
__scs_entry_jumppad:
0x0: {  	(pc) =	sbr.rel $0x88, $3  }
0x1: {  	(tag) =	ssettag $0x0;
	lr =	simm.s32 $0x1  }
0x2: {  	[smem:$0x3F97] =	sst lr;
	_ =	strace $0xD0000000  }
0x3: {  	_ = 	snop  }
0x4: {  	_ = 	snop  }
0x5: {  	_ = 	snop  }
0x6: {  	_ = 	snop  }
0x7: {  	_ = 	snop  }
__scs_overlays_trampoline_lowered:
0x8: {  	[smem:$0x3FA6] =	sst s0  }
0x9: {  	[smem:$0x3FA7] =	sst s1  }
0xa: {  	[smem:$0x3FA8] =	sst s2  }
0xb: {  	[smem:$0x3FA9] =	sst s3  }
0xc: {  	[smem:$0x3FAA] =	sst s4  }
0xd: {  	[smem:$0x3FAB] =	sst s5  }
0xe: {  	[smem:$0x3FAC] =	sst s6  }
0xf: {  	[smem:$0x3FAD] =	sst s7  }
0x10: {  	[smem:$0x3FAE] =	sst s8  }
0x11: {  	[smem:$0x3FAF] =	sst s9;
	s0 =	simm.s32 @!p0 $0x0  }
0x12: {  	s1 =	sld [smem:$0x3F95];
	s0 =	simm.s32 @p0 $0x1  }
0x13: {  	[smem:$0x3FB0] =	sst s0;
	s0 =	simm.s32 @!p1 $0x0  }
0x14: {  	s2 =	sld [smem:$0x3F94];
	s0 =	simm.s32 @p1 $0x1  }
0x15: {  	[smem:$0x3FB1] =	sst s0;
	s0 =	simm.s32 @!p2 $0x0  }
0x16: {  	s3 =	sld [smem:$0x3FDB];
	s0 =	simm.s32 @p2 $0x1  }
0x17: {  	s4 =	simm.s32 $0x1BF5;
	[smem:$0x3FB3] =	sst s0  }
0x18: {  	s0 =	sld [smem:$0x3F96];
	_ =	swait.ge [sflag:s4], $0x0  }
0x19: {  	s7 =	sld [smem:$0x3F97]  }
0x1a: {  	s8 =	sadd.s32 $0xFFFFE003, lr  }
0x1b: {  	s9 =	sadd.s32 $0xFFFFFEF7, lr;
	s5 =	simm.s32 $0xFFFFFFFF;
	p2 =	slt.u32 s8, $0xFFFFF086  }
0x1c: {  	p1 =	slt.u32 s9, $0xF7A;
	s5 =	simm.s32 @!p2 $0x0  }
0x1d: {  	s5 =	simm.s32 @p1 $0x1;
	p0 =	seq.s32 s7, s2  }
0x1e: {  	s7 =	smul.u32 @!p0 $0xF7A, s2;
	p2 =	seq.s32 @!p0 s5, $0x0  }
0x1f: {  	s9 =	smul.u32 $0xF7A, s1;
	s8 =	simm.s32 @!p0 $0x1BF5;
	p2 =	por !p2, p0  }
0x20: {  	[sflag:s8] =	ssyncset.s32 @!p0 $0xFFFFF086;
	s6 =	sadd.s32 @!p0 s3, s7;
	s7 =	simm.s32 @!p0 $0x108  }
0x21: {  	s3 =	sadd.s32 s3, s9;
	s6 =	sadd.s32 @!p0 $0x88, s6;
	s7 =	simm.s32 @p2 $0x1082  }
0x22: {  	[simem:s7], [sflag:s8] =	dma.local @!p0 [hbm:s6], $0xF7A  }
0x23: {  	s9 =	sor.u32 $0xD0000000, s2;
	s6 =	simm.s32 $0x108;
	_ =	swait.ge @!p0 [sflag:s8], $0x0  }
0x24: {  	s3 =	sadd.s32 $0x88, s3;
	s6 =	simm.s32 @!p1 $0x1082;
	[sflag:s4] =	ssyncset.s32 $0xFFFFF086  }
0x25: {  	[simem:s6], [sflag:s4] =	dma.local [hbm:s3], $0xF7A  }
0x26: {  	[smem:$0x3F97] =	sst s1;
	(tag) =	ssettag s2;
	_ =	strace s9  }
0x27: {  	s1 =	sld [smem:$0x3FA7]  }
0x28: {  	s2 =	sld [smem:$0x3FA8]  }
0x29: {  	s4 =	sld [smem:$0x3FAA]  }
0x2a: {  	p0 =	seq.s32 s5, $0x0;
	s5 =	sld [smem:$0x3FAB]  }
0x2b: {  	s6 =	sld [smem:$0x3FAC]  }
0x2c: {  	s7 =	sld [smem:$0x3FAD]  }
0x2d: {  	s3 =	simm.s32 $0x108;
	s8 =	sld [smem:$0x3FAE]  }
0x2e: {  	s3 =	simm.s32 @!p0 $0x1082;
	s9 =	sld [smem:$0x3FAF]  }
0x2f: {  	lr =	sadd.s32 s0, s3;
	s0 =	sld [smem:$0x3FA6]  }
0x30: {  	s3 =	sld [smem:$0x3FA9]  }
0x31: {  	[smem:$0x3FB2] =	sst s10  }
0x32: {  	s10 =	sld [smem:$0x3FB0];
	_ =	sdelay $0x3  }
0x33: {  	p0 =	seq.s32 s10, $0x1;
	s10 =	sld [smem:$0x3FB2];
	_ =	sdelay $0x3  }
0x34: {  	[smem:$0x3FB2] =	sst s10  }
0x35: {  	s10 =	sld [smem:$0x3FB1];
	_ =	sdelay $0x3  }
0x36: {  	p1 =	seq.s32 s10, $0x1;
	s10 =	sld [smem:$0x3FB2];
	_ =	sdelay $0x3  }
0x37: {  	[smem:$0x3FB2] =	sst s10  }
0x38: {  	s10 =	sld [smem:$0x3FB3]  }
0x39: {  	_ = 	snop;
	(pc) =	sbr.ind lr, $3  }
0x3a: {  	_ = 	snop  }
0x3b: {  	_ = 	snop  }
0x3c: {  	p2 =	seq.s32 s10, $0x1;
	s10 =	sld [smem:$0x3FB2]  }
0x3d: {  	_ =	shalt  }
0x3e: {  	_ =	shalt  }
0x3f: {  	_ =	shalt  }
0x40: {  	_ =	shalt  }
0x41: {  	_ =	shalt  }
0x42: {  	_ =	shalt  }
0x43: {  	_ =	shalt  }
0x44: {  	_ =	shalt  }
0x45: {  	_ =	shalt  }
0x46: {  	_ =	shalt  }
0x47: {  	_ =	shalt  }
0x48: {  	_ =	shalt  }
0x49: {  	_ =	shalt  }
0x4a: {  	_ =	shalt  }
0x4b: {  	_ =	shalt  }
0x4c: {  	_ =	shalt  }
0x4d: {  	_ =	shalt  }
0x4e: {  	_ =	shalt  }
0x4f: {  	_ =	shalt  }
0x50: {  	_ =	shalt  }
0x51: {  	_ =	shalt  }
0x52: {  	_ =	shalt  }
0x53: {  	_ =	shalt  }
0x54: {  	_ =	shalt  }
0x55: {  	_ =	shalt  }
0x56: {  	_ =	shalt  }
0x57: {  	_ =	shalt  }
0x58: {  	_ =	shalt  }
0x59: {  	_ =	shalt  }
0x5a: {  	_ =	shalt  }
0x5b: {  	_ =	shalt  }
0x5c: {  	_ =	shalt  }
0x5d: {  	_ =	shalt  }
0x5e: {  	_ =	shalt  }
0x5f: {  	_ =	shalt  }
0x60: {  	_ =	shalt  }
0x61: {  	_ =	shalt  }
0x62: {  	_ =	shalt  }
0x63: {  	_ =	shalt  }
0x64: {  	_ =	shalt  }
0x65: {  	_ =	shalt  }
0x66: {  	_ =	shalt  }
0x67: {  	_ =	shalt  }
0x68: {  	_ =	shalt  }
0x69: {  	_ =	shalt  }
0x6a: {  	_ =	shalt  }
0x6b: {  	_ =	shalt  }
0x6c: {  	_ =	shalt  }
0x6d: {  	_ =	shalt  }
0x6e: {  	_ =	shalt  }
0x6f: {  	_ =	shalt  }
0x70: {  	_ =	shalt  }
0x71: {  	_ =	shalt  }
0x72: {  	_ =	shalt  }
0x73: {  	_ =	shalt  }
0x74: {  	_ =	shalt  }
0x75: {  	_ =	shalt  }
0x76: {  	_ =	shalt  }
0x77: {  	_ =	shalt  }
0x78: {  	_ =	shalt  }
0x79: {  	_ =	shalt  }
0x7a: {  	_ =	shalt  }
0x7b: {  	_ =	shalt  }
0x7c: {  	_ =	shalt  }
0x7d: {  	_ =	shalt  }
0x7e: {  	_ =	shalt  }
0x7f: {  	_ =	shalt  }
0x80: {  	_ =	shalt  }
0x81: {  	_ =	shalt  }
0x82: {  	_ =	shalt  }
0x83: {  	_ =	shalt  }
0x84: {  	_ =	shalt  }
0x85: {  	_ =	shalt  }
0x86: {  	_ =	shalt  }
0x87: {  	_ =	shalt  }
.Lfunc_end0:
.L_simem_size_0:
called_computation.2_lowered:
.L_overlay_start_0:
0x88: {  	s2 =	sld [smem:$0x3FD9]  }
0x89: {  	s3 =	sld [smem:$0x3FFE];
	_ =	sdelay $0x1  }
0x8a: {  	s1 =	srdreg.scid  }
0x8b: {  	s0 =	sand.u32 $0x1, s1  }
0x8c: {  	s17 =	sshll.u32 s0, $0xA;
	s2 =	sadd.s32 s3, s2  }
0x8d: {  	s2 =	sadd.s32 s2, s17  }
0x8e: {  	[smem:$0x3FBE] =	sst s2  }
0x8f: {  	_ = 	snop  }
0x90: {  	s2 =	sld [smem:$0x3FD0];
	(tm) =	ssettm $0x1  }
0x91: {  	s18 =	sld [smem:$0x3FFB];
	_ =	sdelay $0x3  }
0x92: {  	_ =	strace s18  }
0x93: {  	s3 =	sld [smem:$0x3FFC];
	_ =	sdelay $0x3  }
0x94: {  	_ =	strace s3  }
0x95: {  	s3 =	sld [smem:$0x3FFD];
	_ =	sdelay $0x3  }
0x96: {  	_ =	strace s3  }
0x97: {  	_ =	strace $0x8FFFFFFF  }
0x98: {  	s19 =	sld [smem:$0x3FDB];
	_ =	sdelay $0x1  }
0x99: {  	s4 =	simm.s32 $_scs_section_size  }
0x9a: {  	s5 =	simm.s32 $_size__tile_overlayer_lowered;
	s6 =	simm.s32 $_tile_overlayer_lowered  }
0x9b: {  	s22 =	simm.s32 $0x1BFF;
	s21 =	sshll.u32 s6, $0x1;
	s3 =	sadd.s32 s4, s19  }
0x9c: {  	s7 =	simm.s32 $0x0;
	s20 =	sshll.u32 s5, $0x1;
	s5 =	sadd.s32 s21, s3  }
0x9d: {  	[timem:s7], [sflag:s22] =	dma.local [hbm:s5], s20  }
0x9e: {  	_ =	swait.ge [sflag:s22], s20  }
0x9f: {  	s4 =	ssub.s32 $0x0, s20;
	[sflag:s22] =	ssyncset.done $0x0  }
0xa0: {  	[sflag:s22] =	ssyncadd.s32 s4;
	_ =	sdelay $0x1  }
0xa1: {  	s23 =	simm.s32 $0x1B8B  }
0xa2: {  	_ =	swait.ge [sflag:s23], $0x1  }
0xa3: {  	[sflag:s23] =	ssyncset.done $0x0  }
0xa4: {  	s25 =	simm.s32 $0x1B8E;
	s24 =	sld [smem:$0x3FFE];
	[sflag:s23] =	ssyncadd.s32 $0xFFFFFFFF  }
0xa5: {  	s26 =	simm.s32 $execute0_lowered;
	[smem:$0x3FD2] =	sst s25  }
0xa6: {  	s5 =	sshll.u32 s26, $0x1;
	_ =	strace $0x8000004C;
	[dreg:$0x1] =	wrdreg $0xFFFFFFFF  }
0xa7: {  	s28 =	simm.s32 $_size_execute0_lowered;
	s3 =	sadd.s32 s3, s5;
	[dreg:$0x0] =	wrdreg $0x0  }
0xa8: {  	s5 =	sshll.u32 s28, $0x1;
	[dreg:$0x2] =	wrdreg s3  }
0xa9: {  	[dreg:$0x3] =	wrdreg s5  }
0xaa: {  	[dreg:$0x4] =	wrdreg $0xC0  }
0xab: {  	_ =	task [dreg:s7], $0x5FFFF  }
0xac: {  	[dreg:$0x1] =	wrdreg $0xFFFFFFFF  }
0xad: {  	[dreg:$0x0] =	wrdreg $0x60  }
0xae: {  	[dreg:$0x2] =	wrdreg s2  }
0xaf: {  	[dreg:$0x3] =	wrdreg s24  }
0xb0: {  	[dreg:$0x4] =	wrdreg $0x88000  }
0xb1: {  	[dreg:$0x5] =	wrdreg $0x9  }
0xb2: {  	_ =	task.clear_ibuf [dreg:s7], $0x6FFFF;
	_ =	strace $0x9000004C  }
0xb3: {  	s29 =	simm.s32 $0x9;
	_ =	strace $0x8000004E  }
0xb4: {  	_ =	swait.ge [sflag:s29], $0x1  }
0xb5: {  	[sflag:s29] =	ssyncadd.s32 $0xFFFFFFFF  }
0xb6: {  	_ =	strace $0x9000004E  }
0xb7: {  	_ =	sfence  }
0xb8: {  	s30 =	sld [smem:$0x0];
	_ =	sdelay $0x2  }
0xb9: {  	s31 =	sshll.u32 s1, $0xD;
	s1 =	sshrl.u32 s1, $0x2  }
0xba: {  	s3 =	sand.u32 $0x4000, s31;
	s1 =	sadd.s32 s1, s30  }
0xbb: {  	s0 =	sor.u32 s3, s0;
	s1 =	sshll.u32 s1, $0x11  }
0xbc: {  	s0 =	sor.u32 s1, s0  }
0xbd: {  	s0 =	sadd.s32 $0x8F2B, s0  }
0xbe: {  	[sflag:s0] =	ssyncadd.remote.s32 $0x1  }
0xbf: {  	_ =	sfence.sel $0xFFFF  }
0xc0: {  	[dreg:$0x0] =	wrdreg $0xFFFFFFFF;
	(pc) =	sbr.abs _section_cstart, $3  }
0xc1: {  	[dreg:$0x1] =	wrdreg $0xFFFFFFFF  }
0xc2: {  	_ =	task.clear_ibuf [dreg:s7], $0x2FFFF;
	_ =	strace $0x9FFFFFFF  }
0xc3: {  	(tm) =	ssettm $0x7FFFFFFF  }
tec
execute0_lowered:
.L_overlay_start_1:
0x0: {  	(tag) =	ssettag $0x1  }
0x1: {  	s0 =	srdreg.scid;
	s7 =	rddreg [dreg:$0x0]  }
0x2: {  	s12 =	stileid.u32;
	s5 =	rddreg [dreg:$0x1]  }
0x3: {  	s2 =	rddreg [dreg:$0x2];
	s3 =	simm.s32 $0x0;
	s17 =	simm.s32 $0x5  }
0x4: {  	s28 =	simm.s32 $0x3;
	s29 =	simm.s32 $0x4;
	s30 =	simm.s32 $0x8000  }
0x5: {  	s0 =	sand.u32 $0x1, s0;
	s1 =	sshll.u32 s12, $0x1;
	s9 =	smul.u32 $0x2800, s12  }
0x6: {  	[smem:$0x7FF] =	sst s3;
	s12 =	smul.u32 $0xA000, s12;
	s1 =	sor.u32 s0, s1  }
0x7: {  	s4 =	smul.u32 $0x28000, s0;
	_ =	strace $0x8000004D;
	s0 =	ssub.s32 $0x2, s0  }
0x8: {  	s8 =	smul.u32 $0x580, s1;
	s18 =	sshrl.u32 s0, $0x1;
	s21 =	sshrl.u32 s12, $0x2  }
0x9: {  	s6 =	sadd.s32 s9, s4;
	s4 =	sadd.s32 $0x37000, s5;
	s0 =	ssub.s32 s0, s18  }
0xa: {  	s9 =	sadd.s32 s9, s2;
	s10 =	sadd.s32 s8, s5;
	s6 =	sshrl.u32 s6, $0x3  }
0xb: {  	s19 =	sadd.s32 s7, s8;
	s11 =	sadd.s32 s6, s5;
	s6 =	smul.u32 $0x28800, s1  }
0xc: {  	[dreg:$0x4] =	wrdreg s19;
	s20 =	sadd.s32 $0x4000, s10;
	s1 =	sadd.s32 s21, s2  }
0xd: {  	s18 =	simm.s32 $0x0;
	[dreg:$0x5] =	wrdreg s20;
	s23 =	sadd.s32 $0x800, s1  }
0xe: {  	s16 =	smax.u32 s0, $0x1;
	s24 =	sadd.s32 $0x1000, s1;
	[dreg:$0x6] =	wrdreg s23  }
0xf: {  	s5 =	sadd.s32 $0x46000, s5;
	s25 =	sadd.s32 $0x1800, s1;
	[dreg:$0x7] =	wrdreg s24  }
0x10: {  	s19 =	simm.s32 $0x5800;
	s1 =	sadd.s32 $0x2000, s1;
	[dreg:$0x8] =	wrdreg s25  }
0x11: {  	s21 =	simm.s32 $0x6000;
	s31 =	sadd.s32 $0x3C000, s11;
	[dreg:$0x9] =	wrdreg s1  }
0x12: {  	v0 =	vlaneseq.u32;
	s20 =	simm.s32 $0x80;
	s22 =	sshrl.u32 s6, $0x3;
	[dreg:$0xb] =	wrdreg s31  }
0x13: {  	v1 =	vmul.u32 $0xFFFFFFFF, v0;
	s23 =	simm.s32 $0x7000;
	s24 =	simm.s32 $0x1;
	s7 =	sadd.s32 s5, s22  }
0x14: {  	s25 =	simm.s32 $0x2;
	s1 =	simm.s32 $0x5400;
	s26 =	sadd.s32 $0x5000, s7  }
0x15: {  	v0 =	vimm.f32 $0.0e+00;
	v1 =	vadd.s32 $0xF, v1;
	s22 =	simm.s32 $0x6800;
	[dreg:$0xa] =	wrdreg s26;
	s26 =	simm.s32 $0x7800  }
.LBB2_1:
0x16: {  	s0 =	rddreg [dreg:$0x4]  }
0x17: {  	[tilespmem:s3], [sflag:$0x5] =	stream.linear.gather [hbm4b:s0+s3], $0x2C00, $0x38;
	[tilespmem:$0xB000] =	vst v63  }
0x18: {  	_ =	swait.ge [sflag:s17], $0x2C00  }
0x19: {  	[sflag:s17] =	ssyncset.done $0x0  }
0x1a: {  	s7 =	simm.s32 $0x2C00;
	s31 =	rddreg [dreg:$0x5];
	[sflag:s17] =	ssyncadd.s32 $0xFFFFD400  }
0x1b: {  	[tilespmem:s7], [sflag:$0x5] =	stream.linear.gather [hbm4b:s31+s3], $0x2C00, $0x38;
	[tilespmem:$0xB000] =	vst v63  }
0x1c: {  	_ =	swait.ge [sflag:s17], $0x2C00  }
0x1d: {  	[sflag:s17] =	ssyncset.done $0x0  }
0x1e: {  	s0 =	simm.s32 $0x40;
	s7 =	simm.s32 $0x0;
	[sflag:s17] =	ssyncadd.s32 $0xFFFFD400  }
.LBB2_2:
0x1f: {  	p0 =	sne.s32 s0, $0x1FC0;
	[tilespmem:s7+$0x5800] =	vst v0;
	s7 =	smov.u32 s0;
	s0 =	sadd.s32 $0x40, s0  }
.Ltmp0:
0x20: {  	(pc) =	sbr.rel @p0 .LBB2_2-.Ltmp0, $2  }
0x21: {  	_ =	sdelay $0x2  }
0x22: {  	s7 =	sshra.s32 s7, $0x2  }
0x23: {  	[tilespmem:s7+$0x5800] =	vst v0  }
0x24: {  	[spmem:s9] =	stream.linear.scatter [tilespmem:s19], [sflag:$0x5], $0x800, $0x38;
	[tilespmem:$0xB000] =	vst v63  }
0x25: {  	_ =	swait.ge [sflag:s17], $0x800  }
0x26: {  	[sflag:s17] =	ssyncset.done $0x0  }
0x27: {  	s0 =	rddreg [dreg:$0x6];
	[sflag:s17] =	ssyncadd.s32 $0xFFFFF800  }
0x28: {  	[spmem:s0] =	stream.linear.scatter [tilespmem:s19], [sflag:$0x5], $0x800, $0x38;
	[tilespmem:$0xB000] =	vst v63  }
0x29: {  	_ =	swait.ge [sflag:s17], $0x800  }
0x2a: {  	[sflag:s17] =	ssyncset.done $0x0  }
0x2b: {  	s14 =	rddreg [dreg:$0x7];
	[sflag:s17] =	ssyncadd.s32 $0xFFFFF800  }
0x2c: {  	[spmem:s14] =	stream.linear.scatter [tilespmem:s19], [sflag:$0x5], $0x800, $0x38;
	[tilespmem:$0xB000] =	vst v63  }
0x2d: {  	_ =	swait.ge [sflag:s17], $0x800  }
0x2e: {  	[sflag:s17] =	ssyncset.done $0x0  }
0x2f: {  	s15 =	rddreg [dreg:$0x8];
	[sflag:s17] =	ssyncadd.s32 $0xFFFFF800  }
0x30: {  	[spmem:s15] =	stream.linear.scatter [tilespmem:s19], [sflag:$0x5], $0x800, $0x38;
	[tilespmem:$0xB000] =	vst v63  }
0x31: {  	_ =	swait.ge [sflag:s17], $0x800  }
0x32: {  	[sflag:s17] =	ssyncset.done $0x0  }
0x33: {  	s31 =	rddreg [dreg:$0x9];
	[sflag:s17] =	ssyncadd.s32 $0xFFFFF800  }
0x34: {  	[spmem:s31] =	stream.linear.scatter [tilespmem:s19], [sflag:$0x5], $0x800, $0x38;
	[tilespmem:$0xB000] =	vst v63  }
0x35: {  	_ =	swait.ge [sflag:s17], $0x800  }
0x36: {  	[sflag:s17] =	ssyncset.done $0x0  }
0x37: {  	[sflag:s17] =	ssyncadd.s32 $0xFFFFF800  }
0x38: {  	s0 =	simm.s32 $0x0;
	[bflag:$0x0] =	sbarrier.arrive $0xFFFF  }
.LBB2_4:
0x39: {  	s10 =	sshll.u32 s0, $0x8  }
0x3a: {  	[tilespmem:s19], [sflag:$0x1] =	stream.indirect.gather [hbm4b:s4+s20], $0x10, s10, s20, $0xb8;
	[tilespmem:$0xB000] =	vst v63  }
0x3b: {  	s8 =	sadd.s32 $0x2C00, s10  }
0x3c: {  	[tilespmem:s21], [sflag:$0x2] =	stream.indirect.gather [hbm4b:s4+s20], $0x10, s8, s20, $0xb8;
	[tilespmem:$0xB000] =	vst v63  }
0x3d: {  	s7 =	sor.u32 $0x80, s10  }
0x3e: {  	[tilespmem:s22], [sflag:$0x3] =	stream.indirect.gather [hbm4b:s4+s20], $0x10, s7, s20, $0xb8;
	[tilespmem:$0xB000] =	vst v63  }
0x3f: {  	s31 =	sadd.s32 $0x2C80, s10  }
0x40: {  	[tilespmem:s23], [sflag:$0x4] =	stream.indirect.gather [hbm4b:s4+s20], $0x10, s31, s20, $0xb8;
	[tilespmem:$0xB000] =	vst v63  }
0x41: {  	_ =	swait.ge [sflag:s24], $0x800  }
0x42: {  	[sflag:s24] =	ssyncset.done $0x0  }
0x43: {  	[sflag:s24] =	ssyncadd.s32 $0xFFFFF800  }
0x44: {  	_ =	swait.ge [sflag:s25], $0x800  }
0x45: {  	[sflag:s25] =	ssyncset.done $0x0  }
0x46: {  	s10 =	simm.s32 $0x0;
	[sflag:s25] =	ssyncadd.s32 $0xFFFFF800  }
0x47: {  	s11 =	simm.s32 $0x10;
	v2 =	vld [tilespmem:s10+$0x6000]  }
0x48: {  	v3 =	vld [tilespmem:s11+$0x6000]  }
0x49: {  	v4 =	vld [tilespmem:s10+$0x5800];
	_ =	sdelay $0x1  }
0x4a: {  	v5 =	vld [tilespmem:s11+$0x5800]  }
0x4b: {  	v2 =	vperm.xlane v2, v1;
	_ =	sdelay $0x1  }
0x4c: {  	v3 =	vperm.xlane v3, v1;
	v2 =	vadd.f32 v2, v4;
	_ =	sdelay $0x1  }
0x4d: {  	v3 =	vadd.f32 v3, v5;
	v5 =	vmul.f32 $2.000000030e-01, v2  }
0x4e: {  	vm0 =	vge.f32 v2, $0.0e+00  }
0x4f: {  	s12 =	simm.s32 $0x20;
	v2 =	vsel vm0, v2, v5  }
0x50: {  	v6 =	vld [tilespmem:s12+$0x6000];
	v2 =	vmul.f32 $1.442695020e+00, v2;
	_ =	sdelay $0x1  }
0x51: {  	v4 =	vld [tilespmem:s12+$0x5800];
	v7 =	vmul.f32 $2.000000030e-01, v3;
	(erf) = vpow2.f32 v2  }
0x52: {  	vm0 =	vge.f32 v3, $0.0e+00  }
0x53: {  	v3 =	vsel vm0, v3, v7  }
0x54: {  	s13 =	simm.s32 $0x30;
	v5 =	vperm.xlane v6, v1;
	v6 =	vmul.f32 $1.442695020e+00, v3  }
0x55: {  	v2 =	vld [tilespmem:s13+$0x6000]  }
0x56: {  	v3 =	vadd.f32 v5, v4;
	(erf) = vpow2.f32 v6  }
0x57: {  	v4 =	vld [tilespmem:s13+$0x5800]  }
0x58: {  	v5 =	vmul.f32 $2.000000030e-01, v3  }
0x59: {  	s14 =	simm.s32 $0x100;
	vm0 =	vge.f32 v3, $0.0e+00  }
.LBB2_5:
0x5a: {  	s15 =	sshra.s32 s14, $0x2;
	p0 =	sne.s32 s14, $0x1FC0;
	s14 =	sadd.s32 $0x40, s14;
	v6 =	vperm.xlane v2, v1;
	v3 =	vsel vm0, v3, v5;
	v5 =	vpop (erf)  }
.Ltmp1:
0x5b: {  	v2 =	vld [tilespmem:s15+$0x6000];
	v7 =	vmul.f32 $1.442695020e+00, v3;
	[tilespmem:s10+$0x7800] =	vst v5;
	s10 =	smov.u32 s11;
	s11 =	smov.u32 s12;
	(pc) =	sbr.rel @p0 .LBB2_5-.Ltmp1, $4  }
0x5c: {  	s12 =	smov.u32 s13;
	s13 =	smov.u32 s15;
	v3 =	vadd.f32 v6, v4  }
0x5d: {  	v4 =	vld [tilespmem:s13+$0x5800];
	(erf) = vpow2.f32 v7  }
0x5e: {  	v5 =	vmul.f32 $2.000000030e-01, v3  }
0x5f: {  	vm0 =	vge.f32 v3, $0.0e+00  }
0x60: {  	v2 =	vperm.xlane v2, v1;
	_ =	sdelay $0x1  }
0x61: {  	v2 =	vadd.f32 v2, v4;
	_ =	sdelay $0x1  }
0x62: {  	v4 =	vmul.f32 $2.000000030e-01, v2  }
0x63: {  	v3 =	vsel vm0, v3, v5;
	vm0 =	vge.f32 v2, $0.0e+00  }
0x64: {  	v3 =	vmul.f32 $1.442695020e+00, v3;
	v2 =	vsel vm0, v2, v4  }
0x65: {  	v2 =	vmul.f32 $1.442695020e+00, v2  }
0x66: {  	(erf) = vpow2.f32 v3  }
0x67: {  	(erf) = vpow2.f32 v2;
	_ =	sdelay $0x5  }
0x68: {  	v2 =	vpop (erf)  }
0x69: {  	s14 =	sshll.u32 s0, $0xC;
	v3 =	vpop (erf);
	[tilespmem:s10+$0x7800] =	vst v2  }
0x6a: {  	s10 =	sadd.s32 s6, s14;
	[tilespmem:s11+$0x7800] =	vst v3;
	v2 =	vpop (erf)  }
0x6b: {  	s10 =	sshrl.u32 s10, $0x3;
	[tilespmem:s12+$0x7800] =	vst v2;
	v2 =	vpop (erf)  }
0x6c: {  	s15 =	simm.s32 $0x0;
	s10 =	sadd.s32 s5, s10;
	[tilespmem:s13+$0x7800] =	vst v2  }
0x6d: {  	[hbm4b:s10+s15] =	stream.linear.scatter [tilespmem:s26], [sflag:$0x1], $0x800, $0x38;
	[tilespmem:$0xB000] =	vst v63  }
0x6e: {  	_ = 	snop  }
0x6f: {  	[spmem:s2] =	stream.indirect.scatter.add.f32 [tilespmem:s26], [sflag:$0x5], $0x10, s8, s20, $0xb8;
	[tilespmem:$0xB000] =	vst v63  }
0x70: {  	_ =	swait.ge [sflag:s17], $0x800  }
0x71: {  	[sflag:s17] =	ssyncset.done $0x0  }
0x72: {  	[sflag:s17] =	ssyncadd.s32 $0xFFFFF800  }
0x73: {  	_ =	swait.ge [sflag:s28], $0x800  }
0x74: {  	[sflag:s28] =	ssyncset.done $0x0  }
0x75: {  	[sflag:s28] =	ssyncadd.s32 $0xFFFFF800  }
0x76: {  	_ =	swait.ge [sflag:s29], $0x800  }
0x77: {  	[sflag:s29] =	ssyncset.done $0x0  }
0x78: {  	s8 =	simm.s32 $0x0;
	[sflag:s29] =	ssyncadd.s32 $0xFFFFF800  }
0x79: {  	s10 =	simm.s32 $0x10;
	v2 =	vld [tilespmem:s8+$0x7000]  }
0x7a: {  	v3 =	vld [tilespmem:s10+$0x7000]  }
0x7b: {  	v4 =	vld [tilespmem:s8+$0x6800];
	_ =	sdelay $0x1  }
0x7c: {  	v5 =	vld [tilespmem:s10+$0x6800]  }
0x7d: {  	v2 =	vperm.xlane v2, v1;
	_ =	sdelay $0x1  }
0x7e: {  	v3 =	vperm.xlane v3, v1;
	v2 =	vadd.f32 v2, v4;
	_ =	sdelay $0x1  }
0x7f: {  	v3 =	vadd.f32 v3, v5;
	v5 =	vmul.f32 $2.000000030e-01, v2  }
0x80: {  	vm0 =	vge.f32 v2, $0.0e+00  }
0x81: {  	s11 =	simm.s32 $0x20;
	v2 =	vsel vm0, v2, v5  }
0x82: {  	v6 =	vld [tilespmem:s11+$0x7000];
	v2 =	vmul.f32 $1.442695020e+00, v2;
	_ =	sdelay $0x1  }
0x83: {  	v4 =	vld [tilespmem:s11+$0x6800];
	v7 =	vmul.f32 $2.000000030e-01, v3;
	(erf) = vpow2.f32 v2  }
0x84: {  	vm0 =	vge.f32 v3, $0.0e+00  }
0x85: {  	v3 =	vsel vm0, v3, v7  }
0x86: {  	s12 =	simm.s32 $0x30;
	v5 =	vperm.xlane v6, v1;
	v6 =	vmul.f32 $1.442695020e+00, v3  }
0x87: {  	v2 =	vld [tilespmem:s12+$0x7000]  }
0x88: {  	v3 =	vadd.f32 v5, v4;
	(erf) = vpow2.f32 v6  }
0x89: {  	v4 =	vld [tilespmem:s12+$0x6800]  }
0x8a: {  	v5 =	vmul.f32 $2.000000030e-01, v3  }
0x8b: {  	s13 =	simm.s32 $0x100;
	vm0 =	vge.f32 v3, $0.0e+00  }
.LBB2_7:
0x8c: {  	s14 =	sshra.s32 s13, $0x2;
	p0 =	sne.s32 s13, $0x1FC0;
	s13 =	sadd.s32 $0x40, s13;
	v6 =	vperm.xlane v2, v1;
	v3 =	vsel vm0, v3, v5;
	v5 =	vpop (erf)  }
.Ltmp2:
0x8d: {  	v2 =	vld [tilespmem:s14+$0x7000];
	v7 =	vmul.f32 $1.442695020e+00, v3;
	[tilespmem:s8+$0x8000] =	vst v5;
	s8 =	smov.u32 s10;
	s10 =	smov.u32 s11;
	(pc) =	sbr.rel @p0 .LBB2_7-.Ltmp2, $4  }
0x8e: {  	s11 =	smov.u32 s12;
	s12 =	smov.u32 s14;
	v3 =	vadd.f32 v6, v4  }
0x8f: {  	v4 =	vld [tilespmem:s12+$0x6800];
	(erf) = vpow2.f32 v7  }
0x90: {  	v5 =	vmul.f32 $2.000000030e-01, v3  }
0x91: {  	vm0 =	vge.f32 v3, $0.0e+00  }
0x92: {  	v2 =	vperm.xlane v2, v1;
	_ =	sdelay $0x1  }
0x93: {  	v2 =	vadd.f32 v2, v4;
	_ =	sdelay $0x1  }
0x94: {  	v4 =	vmul.f32 $2.000000030e-01, v2  }
0x95: {  	v3 =	vsel vm0, v3, v5;
	vm15 =	vge.f32 v2, $0.0e+00  }
0x96: {  	v3 =	vmul.f32 $1.442695020e+00, v3;
	v2 =	vsel vm15, v2, v4  }
0x97: {  	v2 =	vmul.f32 $1.442695020e+00, v2  }
0x98: {  	(erf) = vpow2.f32 v3  }
0x99: {  	(erf) = vpow2.f32 v2;
	_ =	sdelay $0x5  }
0x9a: {  	v2 =	vpop (erf)  }
0x9b: {  	s7 =	sshll.u32 s7, $0x4;
	v3 =	vpop (erf);
	[tilespmem:s8+$0x8000] =	vst v2  }
0x9c: {  	s7 =	sadd.s32 s6, s7;
	[tilespmem:s10+$0x8000] =	vst v3;
	v2 =	vpop (erf)  }
0x9d: {  	s7 =	sshrl.u32 s7, $0x3;
	[tilespmem:s11+$0x8000] =	vst v2;
	v2 =	vpop (erf)  }
0x9e: {  	s7 =	sadd.s32 s5, s7;
	[tilespmem:s12+$0x8000] =	vst v2  }
0x9f: {  	[hbm4b:s7+s3] =	stream.linear.scatter [tilespmem:s30], [sflag:$0x2], $0x800, $0x38;
	[tilespmem:$0xB000] =	vst v63  }
0xa0: {  	_ = 	snop  }
0xa1: {  	[spmem:s2] =	stream.indirect.scatter.add.f32 [tilespmem:s30], [sflag:$0x5], $0x10, s31, s20, $0xb8;
	[tilespmem:$0xB000] =	vst v63  }
0xa2: {  	_ =	swait.ge [sflag:s17], $0x800  }
0xa3: {  	[sflag:s17] =	ssyncset.done $0x0  }
0xa4: {  	s0 =	sadd.s32 $0x1, s0;
	[sflag:s17] =	ssyncadd.s32 $0xFFFFF800  }
0xa5: {  	p0 =	sne.s32 s0, $0x28;
	_ =	swait.ge [sflag:s24], $0x800  }
.Ltmp3:
0xa6: {  	[sflag:s24] =	ssyncset.done $0x0;
	(pc) =	sbr.rel @p0 .LBB2_4-.Ltmp3, $4  }
0xa7: {  	[sflag:s24] =	ssyncadd.s32 $0xFFFFF800  }
0xa8: {  	_ =	swait.ge [sflag:s25], $0x800  }
0xa9: {  	[sflag:s25] =	ssyncset.done $0x0  }
0xaa: {  	[sflag:s25] =	ssyncadd.s32 $0xFFFFF800  }
0xab: {  	s0 =	simm.s32 $0x2800  }
0xac: {  	[tilespmem:s19], [sflag:$0x1] =	stream.indirect.gather [hbm4b:s4+s20], $0x10, s0, s20, $0xb8;
	[tilespmem:$0xB000] =	vst v63  }
0xad: {  	_ = 	snop  }
0xae: {  	[tilespmem:s21], [sflag:$0x2] =	stream.indirect.gather [hbm4b:s4+s20], $0x10, s1, s20, $0xb8;
	[tilespmem:$0xB000] =	vst v63  }
0xaf: {  	_ =	swait.ge [sflag:s24], $0x800  }
0xb0: {  	[sflag:s24] =	ssyncset.done $0x0  }
0xb1: {  	[sflag:s24] =	ssyncadd.s32 $0xFFFFF800  }
0xb2: {  	_ =	swait.ge [sflag:s25], $0x800  }
0xb3: {  	[sflag:s25] =	ssyncset.done $0x0  }
0xb4: {  	s0 =	simm.s32 $0x0;
	[sflag:s25] =	ssyncadd.s32 $0xFFFFF800  }
0xb5: {  	s7 =	simm.s32 $0x10;
	v2 =	vld [tilespmem:s0+$0x6000]  }
0xb6: {  	v3 =	vld [tilespmem:s7+$0x6000]  }
0xb7: {  	v4 =	vld [tilespmem:s0+$0x5800];
	_ =	sdelay $0x1  }
0xb8: {  	v5 =	vld [tilespmem:s7+$0x5800]  }
0xb9: {  	v2 =	vperm.xlane v2, v1;
	_ =	sdelay $0x1  }
0xba: {  	v3 =	vperm.xlane v3, v1;
	v2 =	vadd.f32 v2, v4;
	_ =	sdelay $0x1  }
0xbb: {  	v3 =	vadd.f32 v3, v5;
	v5 =	vmul.f32 $2.000000030e-01, v2  }
0xbc: {  	vm0 =	vge.f32 v2, $0.0e+00  }
0xbd: {  	s8 =	simm.s32 $0x20;
	v2 =	vsel vm0, v2, v5  }
0xbe: {  	v6 =	vld [tilespmem:s8+$0x6000];
	v2 =	vmul.f32 $1.442695020e+00, v2;
	_ =	sdelay $0x1  }
0xbf: {  	v4 =	vld [tilespmem:s8+$0x5800];
	v7 =	vmul.f32 $2.000000030e-01, v3;
	(erf) = vpow2.f32 v2  }
0xc0: {  	vm0 =	vge.f32 v3, $0.0e+00  }
0xc1: {  	v3 =	vsel vm0, v3, v7  }
0xc2: {  	s10 =	simm.s32 $0x30;
	v5 =	vperm.xlane v6, v1;
	v6 =	vmul.f32 $1.442695020e+00, v3  }
0xc3: {  	v2 =	vld [tilespmem:s10+$0x6000]  }
0xc4: {  	v3 =	vadd.f32 v5, v4;
	(erf) = vpow2.f32 v6  }
0xc5: {  	v4 =	vld [tilespmem:s10+$0x5800]  }
0xc6: {  	v5 =	vmul.f32 $2.000000030e-01, v3  }
0xc7: {  	s11 =	simm.s32 $0x100;
	vm0 =	vge.f32 v3, $0.0e+00  }
.LBB2_10:
0xc8: {  	s12 =	sshra.s32 s11, $0x2;
	p0 =	sne.s32 s11, $0x1FC0;
	s11 =	sadd.s32 $0x40, s11;
	v6 =	vperm.xlane v2, v1;
	v3 =	vsel vm0, v3, v5;
	v5 =	vpop (erf)  }
.Ltmp4:
0xc9: {  	v2 =	vld [tilespmem:s12+$0x6000];
	v7 =	vmul.f32 $1.442695020e+00, v3;
	[tilespmem:s0+$0x7800] =	vst v5;
	s0 =	smov.u32 s7;
	s7 =	smov.u32 s8;
	(pc) =	sbr.rel @p0 .LBB2_10-.Ltmp4, $4  }
0xca: {  	s8 =	smov.u32 s10;
	s10 =	smov.u32 s12;
	v3 =	vadd.f32 v6, v4  }
0xcb: {  	v4 =	vld [tilespmem:s10+$0x5800];
	(erf) = vpow2.f32 v7  }
0xcc: {  	v5 =	vmul.f32 $2.000000030e-01, v3  }
0xcd: {  	vm0 =	vge.f32 v3, $0.0e+00  }
0xce: {  	v2 =	vperm.xlane v2, v1;
	_ =	sdelay $0x1  }
0xcf: {  	v2 =	vadd.f32 v2, v4;
	_ =	sdelay $0x1  }
0xd0: {  	v4 =	vmul.f32 $2.000000030e-01, v2  }
0xd1: {  	v3 =	vsel vm0, v3, v5;
	vm15 =	vge.f32 v2, $0.0e+00  }
0xd2: {  	v3 =	vmul.f32 $1.442695020e+00, v3;
	v2 =	vsel vm15, v2, v4  }
0xd3: {  	v2 =	vmul.f32 $1.442695020e+00, v2  }
0xd4: {  	(erf) = vpow2.f32 v3  }
0xd5: {  	(erf) = vpow2.f32 v2;
	_ =	sdelay $0x5  }
0xd6: {  	v2 =	vpop (erf)  }
0xd7: {  	v3 =	vpop (erf);
	[tilespmem:s0+$0x7800] =	vst v2  }
0xd8: {  	[tilespmem:s7+$0x7800] =	vst v3;
	v2 =	vpop (erf)  }
0xd9: {  	[tilespmem:s8+$0x7800] =	vst v2;
	v2 =	vpop (erf)  }
0xda: {  	s13 =	rddreg [dreg:$0xa];
	[tilespmem:s10+$0x7800] =	vst v2  }
0xdb: {  	[hbm4b:s13+s3] =	stream.linear.scatter [tilespmem:s26], [sflag:$0x1], $0x800, $0x38;
	[tilespmem:$0xB000] =	vst v63  }
0xdc: {  	_ = 	snop  }
0xdd: {  	[spmem:s2] =	stream.indirect.scatter.add.f32 [tilespmem:s26], [sflag:$0x5], $0x10, s1, s20, $0xb8;
	[tilespmem:$0xB000] =	vst v63  }
0xde: {  	_ =	swait.ge [sflag:s17], $0x800  }
0xdf: {  	[sflag:s17] =	ssyncset.done $0x0  }
0xe0: {  	[sflag:s17] =	ssyncadd.s32 $0xFFFFF800  }
0xe1: {  	_ =	swait.ge [sflag:s24], $0x800  }
0xe2: {  	s14 =	stileid.u32;
	[sflag:s24] =	ssyncset.done $0x0  }
0xe3: {  	s15 =	sshrl.u32 s9, $0x3;
	s18 =	sadd.s32 $0x1, s18;
	[sflag:s24] =	ssyncadd.s32 $0xFFFFF800  }
0xe4: {  	p0 =	sne.s32 s18, s16;
	s0 =	sshll.u32 s14, $0x6;
	[bflag:$0x0] =	sbarrier.arrive $0xFFFF  }
.Ltmp5:
0xe5: {  	s0 =	sor.u32 $0x1C05, s0;
	s31 =	rddreg [dreg:$0xb];
	(pc) =	sbr.rel @p0 .LBB2_1-.Ltmp5, $4  }
0xe6: {  	[hbm:s31], [sflag:s0] =	dma.local [spmem:s15], $0x500  }
0xe7: {  	_ =	swait.ge [sflag:s17], $0x500  }
0xe8: {  	[sflag:s17] =	ssyncset.done $0x0  }
0xe9: {  	[sflag:s17] =	ssyncadd.s32 $0xFFFFFB00  }
0xea: {  	_ =	sfence.sel $0x180000  }
0xeb: {  	[bflag:$0x0] =	sbarrier.arrive $0xFFFF  }
0xec: {  	_ =	strace $0x9000004D  }
0xed: {  	s0 =	stileid.u32;
	[bflag:$0x2] =	sbarrier.arrive $0xFFFF  }
0xee: {  	p0 =	sne.s32 s0, $0x0;
	s0 =	rddreg [dreg:$0x3]  }
0xef: {  	s0 =	sadd.s32 @!p0 $0x100000, s0  }
0xf0: {  	[sflag:s0] =	ssyncadd.tile.s32 @!p0 $0x1;
	_ =	shalt  }
.Lfunc_end2:
_tile_overlayer_lowered:
.L_overlay_start_2:
0xf1: {  	(tag) =	ssettag $0x2  }
0xf2: {  	s0 =	rddreg [dreg:$0x0];
	s2 =	stileid.u32  }
0xf3: {  	s1 =	rddreg [dreg:$0x1];
	p0 =	sne.s32 s2, $0x0  }
0xf4: {  	s3 =	rddreg [dreg:$0x2];
	[bflag:$0x3] =	sbarrier.arrive $0xFFFF;
	s2 =	simm.s32 @!p0 $0x1C05  }
0xf5: {  	[timem:s3], [sflag:s2] =	dma.local @!p0 [hbm:s0], s1  }
0xf6: {  	s0 =	simm.s32 @!p0 $0x5  }
0xf7: {  	_ =	swait.ge @!p0 [sflag:s0], s1  }
0xf8: {  	s1 =	ssub.s32 @!p0 $0x0, s1;
	[sflag:s0] =	ssyncset.done @!p0 $0x0  }
0xf9: {  	[sflag:s0] =	ssyncadd.s32 @!p0 s1  }
0xfa: {  	[bflag:$0x3] =	sbarrier.arrive $0xFFFF  }
0xfb: {  	_ =	shalt  }

// kernel: kernel.18.cloned.1.call-start
scs
__scs_entry_jumppad:
0x0: {  	(pc) =	sbr.rel $0x88, $3  }
0x1: {  	(tag) =	ssettag $0x0;
	lr =	simm.s32 $0x1  }
0x2: {  	[smem:$0x3F97] =	sst lr;
	_ =	strace $0xD0000000  }
0x3: {  	_ = 	snop  }
0x4: {  	_ = 	snop  }
0x5: {  	_ = 	snop  }
0x6: {  	_ = 	snop  }
0x7: {  	_ = 	snop  }
__scs_overlays_trampoline_lowered:
0x8: {  	[smem:$0x3FA6] =	sst s0  }
0x9: {  	[smem:$0x3FA7] =	sst s1  }
0xa: {  	[smem:$0x3FA8] =	sst s2  }
0xb: {  	[smem:$0x3FA9] =	sst s3  }
0xc: {  	[smem:$0x3FAA] =	sst s4  }
0xd: {  	[smem:$0x3FAB] =	sst s5  }
0xe: {  	[smem:$0x3FAC] =	sst s6  }
0xf: {  	[smem:$0x3FAD] =	sst s7  }
0x10: {  	[smem:$0x3FAE] =	sst s8  }
0x11: {  	[smem:$0x3FAF] =	sst s9;
	s0 =	simm.s32 @!p0 $0x0  }
0x12: {  	s1 =	sld [smem:$0x3F95];
	s0 =	simm.s32 @p0 $0x1  }
0x13: {  	[smem:$0x3FB0] =	sst s0;
	s0 =	simm.s32 @!p1 $0x0  }
0x14: {  	s2 =	sld [smem:$0x3F94];
	s0 =	simm.s32 @p1 $0x1  }
0x15: {  	[smem:$0x3FB1] =	sst s0;
	s0 =	simm.s32 @!p2 $0x0  }
0x16: {  	s3 =	sld [smem:$0x3FDB];
	s0 =	simm.s32 @p2 $0x1  }
0x17: {  	s4 =	simm.s32 $0x1BF5;
	[smem:$0x3FB3] =	sst s0  }
0x18: {  	s0 =	sld [smem:$0x3F96];
	_ =	swait.ge [sflag:s4], $0x0  }
0x19: {  	s7 =	sld [smem:$0x3F97]  }
0x1a: {  	s8 =	sadd.s32 $0xFFFFE003, lr  }
0x1b: {  	s9 =	sadd.s32 $0xFFFFFEF7, lr;
	s5 =	simm.s32 $0xFFFFFFFF;
	p2 =	slt.u32 s8, $0xFFFFF086  }
0x1c: {  	p1 =	slt.u32 s9, $0xF7A;
	s5 =	simm.s32 @!p2 $0x0  }
0x1d: {  	s5 =	simm.s32 @p1 $0x1;
	p0 =	seq.s32 s7, s2  }
0x1e: {  	s7 =	smul.u32 @!p0 $0xF7A, s2;
	p2 =	seq.s32 @!p0 s5, $0x0  }
0x1f: {  	s9 =	smul.u32 $0xF7A, s1;
	s8 =	simm.s32 @!p0 $0x1BF5;
	p2 =	por !p2, p0  }
0x20: {  	[sflag:s8] =	ssyncset.s32 @!p0 $0xFFFFF086;
	s6 =	sadd.s32 @!p0 s3, s7;
	s7 =	simm.s32 @!p0 $0x108  }
0x21: {  	s3 =	sadd.s32 s3, s9;
	s6 =	sadd.s32 @!p0 $0x88, s6;
	s7 =	simm.s32 @p2 $0x1082  }
0x22: {  	[simem:s7], [sflag:s8] =	dma.local @!p0 [hbm:s6], $0xF7A  }
0x23: {  	s9 =	sor.u32 $0xD0000000, s2;
	s6 =	simm.s32 $0x108;
	_ =	swait.ge @!p0 [sflag:s8], $0x0  }
0x24: {  	s3 =	sadd.s32 $0x88, s3;
	s6 =	simm.s32 @!p1 $0x1082;
	[sflag:s4] =	ssyncset.s32 $0xFFFFF086  }
0x25: {  	[simem:s6], [sflag:s4] =	dma.local [hbm:s3], $0xF7A  }
0x26: {  	[smem:$0x3F97] =	sst s1;
	(tag) =	ssettag s2;
	_ =	strace s9  }
0x27: {  	s1 =	sld [smem:$0x3FA7]  }
0x28: {  	s2 =	sld [smem:$0x3FA8]  }
0x29: {  	s4 =	sld [smem:$0x3FAA]  }
0x2a: {  	p0 =	seq.s32 s5, $0x0;
	s5 =	sld [smem:$0x3FAB]  }
0x2b: {  	s6 =	sld [smem:$0x3FAC]  }
0x2c: {  	s7 =	sld [smem:$0x3FAD]  }
0x2d: {  	s3 =	simm.s32 $0x108;
	s8 =	sld [smem:$0x3FAE]  }
0x2e: {  	s3 =	simm.s32 @!p0 $0x1082;
	s9 =	sld [smem:$0x3FAF]  }
0x2f: {  	lr =	sadd.s32 s0, s3;
	s0 =	sld [smem:$0x3FA6]  }
0x30: {  	s3 =	sld [smem:$0x3FA9]  }
0x31: {  	[smem:$0x3FB2] =	sst s10  }
0x32: {  	s10 =	sld [smem:$0x3FB0];
	_ =	sdelay $0x3  }
0x33: {  	p0 =	seq.s32 s10, $0x1;
	s10 =	sld [smem:$0x3FB2];
	_ =	sdelay $0x3  }
0x34: {  	[smem:$0x3FB2] =	sst s10  }
0x35: {  	s10 =	sld [smem:$0x3FB1];
	_ =	sdelay $0x3  }
0x36: {  	p1 =	seq.s32 s10, $0x1;
	s10 =	sld [smem:$0x3FB2];
	_ =	sdelay $0x3  }
0x37: {  	[smem:$0x3FB2] =	sst s10  }
0x38: {  	s10 =	sld [smem:$0x3FB3]  }
0x39: {  	_ = 	snop;
	(pc) =	sbr.ind lr, $3  }
0x3a: {  	_ = 	snop  }
0x3b: {  	_ = 	snop  }
0x3c: {  	p2 =	seq.s32 s10, $0x1;
	s10 =	sld [smem:$0x3FB2]  }
0x3d: {  	_ =	shalt  }
0x3e: {  	_ =	shalt  }
0x3f: {  	_ =	shalt  }
0x40: {  	_ =	shalt  }
0x41: {  	_ =	shalt  }
0x42: {  	_ =	shalt  }
0x43: {  	_ =	shalt  }
0x44: {  	_ =	shalt  }
0x45: {  	_ =	shalt  }
0x46: {  	_ =	shalt  }
0x47: {  	_ =	shalt  }
0x48: {  	_ =	shalt  }
0x49: {  	_ =	shalt  }
0x4a: {  	_ =	shalt  }
0x4b: {  	_ =	shalt  }
0x4c: {  	_ =	shalt  }
0x4d: {  	_ =	shalt  }
0x4e: {  	_ =	shalt  }
0x4f: {  	_ =	shalt  }
0x50: {  	_ =	shalt  }
0x51: {  	_ =	shalt  }
0x52: {  	_ =	shalt  }
0x53: {  	_ =	shalt  }
0x54: {  	_ =	shalt  }
0x55: {  	_ =	shalt  }
0x56: {  	_ =	shalt  }
0x57: {  	_ =	shalt  }
0x58: {  	_ =	shalt  }
0x59: {  	_ =	shalt  }
0x5a: {  	_ =	shalt  }
0x5b: {  	_ =	shalt  }
0x5c: {  	_ =	shalt  }
0x5d: {  	_ =	shalt  }
0x5e: {  	_ =	shalt  }
0x5f: {  	_ =	shalt  }
0x60: {  	_ =	shalt  }
0x61: {  	_ =	shalt  }
0x62: {  	_ =	shalt  }
0x63: {  	_ =	shalt  }
0x64: {  	_ =	shalt  }
0x65: {  	_ =	shalt  }
0x66: {  	_ =	shalt  }
0x67: {  	_ =	shalt  }
0x68: {  	_ =	shalt  }
0x69: {  	_ =	shalt  }
0x6a: {  	_ =	shalt  }
0x6b: {  	_ =	shalt  }
0x6c: {  	_ =	shalt  }
0x6d: {  	_ =	shalt  }
0x6e: {  	_ =	shalt  }
0x6f: {  	_ =	shalt  }
0x70: {  	_ =	shalt  }
0x71: {  	_ =	shalt  }
0x72: {  	_ =	shalt  }
0x73: {  	_ =	shalt  }
0x74: {  	_ =	shalt  }
0x75: {  	_ =	shalt  }
0x76: {  	_ =	shalt  }
0x77: {  	_ =	shalt  }
0x78: {  	_ =	shalt  }
0x79: {  	_ =	shalt  }
0x7a: {  	_ =	shalt  }
0x7b: {  	_ =	shalt  }
0x7c: {  	_ =	shalt  }
0x7d: {  	_ =	shalt  }
0x7e: {  	_ =	shalt  }
0x7f: {  	_ =	shalt  }
0x80: {  	_ =	shalt  }
0x81: {  	_ =	shalt  }
0x82: {  	_ =	shalt  }
0x83: {  	_ =	shalt  }
0x84: {  	_ =	shalt  }
0x85: {  	_ =	shalt  }
0x86: {  	_ =	shalt  }
0x87: {  	_ =	shalt  }
.Lfunc_end0:
.L_simem_size_0:
called_computation.3_lowered:
.L_overlay_start_0:
0x88: {  	s2 =	sld [smem:$0x3FD9]  }
0x89: {  	s3 =	sld [smem:$0x3FFE];
	_ =	sdelay $0x1  }
0x8a: {  	s1 =	srdreg.scid  }
0x8b: {  	s0 =	sand.u32 $0x1, s1  }
0x8c: {  	s17 =	sshll.u32 s0, $0xA;
	s2 =	sadd.s32 s3, s2  }
0x8d: {  	s2 =	sadd.s32 s2, s17  }
0x8e: {  	[smem:$0x3FBE] =	sst s2  }
0x8f: {  	_ = 	snop  }
0x90: {  	s2 =	sld [smem:$0x3FD0];
	(tm) =	ssettm $0x1  }
0x91: {  	s18 =	sld [smem:$0x3FFB];
	_ =	sdelay $0x3  }
0x92: {  	_ =	strace s18  }
0x93: {  	s3 =	sld [smem:$0x3FFC];
	_ =	sdelay $0x3  }
0x94: {  	_ =	strace s3  }
0x95: {  	s3 =	sld [smem:$0x3FFD];
	_ =	sdelay $0x3  }
0x96: {  	_ =	strace s3  }
0x97: {  	_ =	strace $0x8FFFFFFF  }
0x98: {  	s19 =	sld [smem:$0x3FDB];
	_ =	sdelay $0x1  }
0x99: {  	s4 =	simm.s32 $_scs_section_size  }
0x9a: {  	s5 =	simm.s32 $_size__tile_overlayer_lowered;
	s6 =	simm.s32 $_tile_overlayer_lowered  }
0x9b: {  	s22 =	simm.s32 $0x1BFF;
	s21 =	sshll.u32 s6, $0x1;
	s3 =	sadd.s32 s4, s19  }
0x9c: {  	s7 =	simm.s32 $0x0;
	s20 =	sshll.u32 s5, $0x1;
	s5 =	sadd.s32 s21, s3  }
0x9d: {  	[timem:s7], [sflag:s22] =	dma.local [hbm:s5], s20  }
0x9e: {  	_ =	swait.ge [sflag:s22], s20  }
0x9f: {  	s4 =	ssub.s32 $0x0, s20;
	[sflag:s22] =	ssyncset.done $0x0  }
0xa0: {  	[sflag:s22] =	ssyncadd.s32 s4;
	_ =	sdelay $0x1  }
0xa1: {  	s23 =	simm.s32 $0x1B8B  }
0xa2: {  	_ =	swait.ge [sflag:s23], $0x1  }
0xa3: {  	[sflag:s23] =	ssyncset.done $0x0  }
0xa4: {  	s25 =	simm.s32 $0x1B8E;
	s24 =	sld [smem:$0x3FFE];
	[sflag:s23] =	ssyncadd.s32 $0xFFFFFFFF  }
0xa5: {  	s26 =	simm.s32 $execute0_lowered;
	[smem:$0x3FD2] =	sst s25  }
0xa6: {  	s5 =	sshll.u32 s26, $0x1;
	_ =	strace $0x8000004F;
	[dreg:$0x1] =	wrdreg $0xFFFFFFFF  }
0xa7: {  	s28 =	simm.s32 $_size_execute0_lowered;
	s3 =	sadd.s32 s3, s5;
	[dreg:$0x0] =	wrdreg $0x0  }
0xa8: {  	s5 =	sshll.u32 s28, $0x1;
	[dreg:$0x2] =	wrdreg s3  }
0xa9: {  	[dreg:$0x3] =	wrdreg s5  }
0xaa: {  	[dreg:$0x4] =	wrdreg $0xC0  }
0xab: {  	_ =	task [dreg:s7], $0x5FFFF  }
0xac: {  	[dreg:$0x1] =	wrdreg $0xFFFFFFFF  }
0xad: {  	[dreg:$0x0] =	wrdreg $0x60  }
0xae: {  	[dreg:$0x2] =	wrdreg s2  }
0xaf: {  	[dreg:$0x3] =	wrdreg s24  }
0xb0: {  	[dreg:$0x4] =	wrdreg $0xA0000  }
0xb1: {  	[dreg:$0x5] =	wrdreg $0x9  }
0xb2: {  	_ =	task.clear_ibuf [dreg:s7], $0x6FFFF;
	_ =	strace $0x9000004F  }
0xb3: {  	s29 =	simm.s32 $0x9;
	_ =	strace $0x80000051  }
0xb4: {  	_ =	swait.ge [sflag:s29], $0x1  }
0xb5: {  	[sflag:s29] =	ssyncadd.s32 $0xFFFFFFFF  }
0xb6: {  	_ =	strace $0x90000051  }
0xb7: {  	_ =	sfence  }
0xb8: {  	s30 =	sld [smem:$0x0];
	_ =	sdelay $0x2  }
0xb9: {  	s31 =	sshll.u32 s1, $0xD;
	s1 =	sshrl.u32 s1, $0x2  }
0xba: {  	s3 =	sand.u32 $0x4000, s31;
	s1 =	sadd.s32 s1, s30  }
0xbb: {  	s0 =	sor.u32 s3, s0;
	s1 =	sshll.u32 s1, $0x11  }
0xbc: {  	s0 =	sor.u32 s1, s0  }
0xbd: {  	s0 =	sadd.s32 $0x8F2B, s0  }
0xbe: {  	[sflag:s0] =	ssyncadd.remote.s32 $0x1  }
0xbf: {  	_ =	sfence.sel $0xFFFF  }
0xc0: {  	[dreg:$0x0] =	wrdreg $0xFFFFFFFF;
	(pc) =	sbr.abs _section_cstart, $3  }
0xc1: {  	[dreg:$0x1] =	wrdreg $0xFFFFFFFF  }
0xc2: {  	_ =	task.clear_ibuf [dreg:s7], $0x2FFFF;
	_ =	strace $0x9FFFFFFF  }
0xc3: {  	(tm) =	ssettm $0x7FFFFFFF  }
tec
execute0_lowered:
.L_overlay_start_1:
0x0: {  	(tag) =	ssettag $0x1  }
0x1: {  	s6 =	rddreg [dreg:$0x0]  }
0x2: {  	s1 =	srdreg.scid;
	s7 =	rddreg [dreg:$0x1]  }
0x3: {  	s0 =	stileid.u32;
	s2 =	rddreg [dreg:$0x2];
	s3 =	simm.s32 $0x0  }
0x4: {  	s17 =	simm.s32 $0x2C00;
	s18 =	simm.s32 $0x6000;
	s19 =	simm.s32 $0x80  }
0x5: {  	s20 =	simm.s32 $0x5800;
	s21 =	simm.s32 $0x1;
	s22 =	simm.s32 $0x2  }
0x6: {  	s23 =	simm.s32 $0x0;
	s5 =	sand.u32 $0x1, s1;
	s1 =	rddreg [dreg:$0x3]  }
0x7: {  	s28 =	sshll.u32 s0, $0x1;
	s9 =	smul.u32 $0x14000, s0;
	[smem:$0x7FF] =	sst s3  }
0x8: {  	s4 =	sadd.s32 $0x46000, s7;
	s14 =	smul.u32 $0x50000, s0;
	s13 =	sor.u32 s5, s28  }
0x9: {  	s10 =	smul.u32 $0x140000, s5;
	_ =	strace $0x80000050;
	s12 =	ssub.s32 $0x2, s5  }
0xa: {  	s5 =	sadd.s32 $0xF000, s7;
	s8 =	smul.u32 $0x580, s13;
	s29 =	sshrl.u32 s12, $0x1  }
0xb: {  	s30 =	sshrl.u32 s14, $0x2;
	s13 =	smul.u32 $0x28800, s13;
	s10 =	sadd.s32 s9, s10  }
0xc: {  	s16 =	ssub.s32 s12, s29;
	s31 =	sadd.s32 s30, s2;
	s11 =	sadd.s32 s8, s7  }
0xd: {  	s10 =	sshrl.u32 s10, $0x3;
	s6 =	sadd.s32 s6, s8;
	s8 =	sadd.s32 s9, s2  }
0xe: {  	s9 =	sadd.s32 $0x4000, s31;
	s12 =	sadd.s32 $0x10000, s31;
	s15 =	sadd.s32 s10, s7  }
0xf: {  	s7 =	sadd.s32 $0x4000, s11;
	s10 =	sadd.s32 $0x8000, s31;
	s11 =	sadd.s32 $0xC000, s31  }
0x10: {  	v0 =	vimm.f32 $0.0e+00;
	s14 =	sadd.s32 $0xE8000, s15;
	s15 =	smax.u32 s16, $0x1;
	s16 =	simm.s32 $0x3  }
.LBB2_1:
0x11: {  	[tilespmem:s3], [sflag:$0x3] =	stream.linear.gather [hbm4b:s6+s3], $0x2C00, $0x38;
	[tilespmem:$0x1E000] =	vst v63  }
0x12: {  	_ =	swait.ge [sflag:s16], $0x2C00  }
0x13: {  	[sflag:s16] =	ssyncset.done $0x0  }
0x14: {  	[sflag:s16] =	ssyncadd.s32 $0xFFFFD400  }
0x15: {  	[tilespmem:s17], [sflag:$0x3] =	stream.linear.gather [hbm4b:s7+s3], $0x2C00, $0x38;
	[tilespmem:$0x1E000] =	vst v63  }
0x16: {  	_ =	swait.ge [sflag:s16], $0x2C00  }
0x17: {  	[sflag:s16] =	ssyncset.done $0x0  }
0x18: {  	s24 =	simm.s32 $0x0;
	s25 =	simm.s32 $0x200;
	[sflag:s16] =	ssyncadd.s32 $0xFFFFD400  }
.LBB2_2:
0x19: {  	p0 =	sne.s32 s25, $0xFE00;
	[tilespmem:s24+$0x6070] =	vst v0  }
0x1a: {  	[tilespmem:s24+$0x6000] =	vst v0  }
0x1b: {  	[tilespmem:s24+$0x6010] =	vst v0  }
.Ltmp0:
0x1c: {  	[tilespmem:s24+$0x6020] =	vst v0;
	(pc) =	sbr.rel @p0 .LBB2_2-.Ltmp0, $4  }
0x1d: {  	[tilespmem:s24+$0x6030] =	vst v0  }
0x1e: {  	[tilespmem:s24+$0x6040] =	vst v0  }
0x1f: {  	[tilespmem:s24+$0x6050] =	vst v0  }
0x20: {  	[tilespmem:s24+$0x6060] =	vst v0;
	s24 =	sshra.s32 s25, $0x2;
	s25 =	sadd.s32 $0x200, s25  }
0x21: {  	[tilespmem:s24+$0x6070] =	vst v0  }
0x22: {  	[tilespmem:s24+$0x6000] =	vst v0  }
0x23: {  	[tilespmem:s24+$0x6010] =	vst v0  }
0x24: {  	[tilespmem:s24+$0x6020] =	vst v0  }
0x25: {  	[tilespmem:s24+$0x6030] =	vst v0  }
0x26: {  	[tilespmem:s24+$0x6040] =	vst v0  }
0x27: {  	[tilespmem:s24+$0x6050] =	vst v0  }
0x28: {  	[tilespmem:s24+$0x6060] =	vst v0  }
0x29: {  	[spmem:s8] =	stream.linear.scatter [tilespmem:s18], [sflag:$0x3], $0x4000, $0x38;
	[tilespmem:$0x1E000] =	vst v63  }
0x2a: {  	_ =	swait.ge [sflag:s16], $0x4000  }
0x2b: {  	[sflag:s16] =	ssyncset.done $0x0  }
0x2c: {  	[sflag:s16] =	ssyncadd.s32 $0xFFFFC000  }
0x2d: {  	[spmem:s9] =	stream.linear.scatter [tilespmem:s18], [sflag:$0x3], $0x4000, $0x38;
	[tilespmem:$0x1E000] =	vst v63  }
0x2e: {  	_ =	swait.ge [sflag:s16], $0x4000  }
0x2f: {  	[sflag:s16] =	ssyncset.done $0x0  }
0x30: {  	[sflag:s16] =	ssyncadd.s32 $0xFFFFC000  }
0x31: {  	[spmem:s10] =	stream.linear.scatter [tilespmem:s18], [sflag:$0x3], $0x4000, $0x38;
	[tilespmem:$0x1E000] =	vst v63  }
0x32: {  	_ =	swait.ge [sflag:s16], $0x4000  }
0x33: {  	[sflag:s16] =	ssyncset.done $0x0  }
0x34: {  	[sflag:s16] =	ssyncadd.s32 $0xFFFFC000  }
0x35: {  	[spmem:s11] =	stream.linear.scatter [tilespmem:s18], [sflag:$0x3], $0x4000, $0x38;
	[tilespmem:$0x1E000] =	vst v63  }
0x36: {  	_ =	swait.ge [sflag:s16], $0x4000  }
0x37: {  	[sflag:s16] =	ssyncset.done $0x0  }
0x38: {  	[sflag:s16] =	ssyncadd.s32 $0xFFFFC000  }
0x39: {  	[spmem:s12] =	stream.linear.scatter [tilespmem:s18], [sflag:$0x3], $0x4000, $0x38;
	[tilespmem:$0x1E000] =	vst v63  }
0x3a: {  	_ =	swait.ge [sflag:s16], $0x4000  }
0x3b: {  	[sflag:s16] =	ssyncset.done $0x0  }
0x3c: {  	[sflag:s16] =	ssyncadd.s32 $0xFFFFC000  }
0x3d: {  	s24 =	simm.s32 $0x0;
	s25 =	simm.s32 $0x0;
	[bflag:$0x0] =	sbarrier.arrive $0xFFFF  }
.LBB2_4:
0x3e: {  	s26 =	sshll.u32 s25, $0x7;
	s28 =	sshll.u32 s25, $0xB  }
0x3f: {  	[tilespmem:s18], [sflag:$0x2] =	stream.indirect.gather [hbm4b:s5+s19], $0x80, s26, s19, $0xb8;
	[tilespmem:$0x1E000] =	vst v63  }
0x40: {  	s28 =	sadd.s32 s13, s28  }
0x41: {  	s28 =	sshrl.u32 s28, $0x3  }
0x42: {  	s28 =	sadd.s32 s4, s28  }
0x43: {  	[tilespmem:s20], [sflag:$0x1] =	stream.linear.gather [hbm4b:s28+s24], $0x800, $0x38;
	[tilespmem:$0x1E000] =	vst v63  }
0x44: {  	_ =	swait.ge [sflag:s21], $0x800  }
0x45: {  	[sflag:s21] =	ssyncset.done $0x0  }
0x46: {  	[sflag:s21] =	ssyncadd.s32 $0xFFFFF800  }
0x47: {  	_ =	swait.ge [sflag:s22], $0x4000  }
0x48: {  	[sflag:s22] =	ssyncset.done $0x0  }
0x49: {  	s28 =	simm.s32 $0x6040;
	[sflag:s22] =	ssyncadd.s32 $0xFFFFC000  }
0x4a: {  	s29 =	simm.s32 $0x0;
	v8 =	vld [tilespmem:s28+$0xFFFFFFD0]  }
0x4b: {  	v3 =	vld [tilespmem:s29+$0x5800]  }
0x4c: {  	v6 =	vld [tilespmem:s28+$0x20]  }
0x4d: {  	v9 =	vld [tilespmem:s28+$0xFFFFFFC0]  }
0x4e: {  	v12 =	vld [tilespmem:s28+$0xFFFFFFE0]  }
0x4f: {  	v1 =	vld [tilespmem:s28+$0xFFFFFFF0]  }
0x50: {  	v2 =	vld [tilespmem:s28+$0x30];
	v10 =	vbroadcast v3, $0x0;
	v7 =	vbroadcast v3, $0x3  }
0x51: {  	v4 =	vld [tilespmem:s28+$0x0];
	v5 =	vbroadcast v3, $0x1  }
0x52: {  	v11 =	vmul.f32 v10, v9;
	v9 =	vmul.f32 v6, v7;
	v6 =	vld [tilespmem:s28+$0x10]  }
0x53: {  	v3 =	vbroadcast v3, $0x2  }
0x54: {  	s30 =	simm.s32 $0x6040;
	s29 =	simm.s32 $0x40;
	v10 =	vmul.f32 v8, v10;
	v8 =	vmul.f32 v12, v5  }
.LBB2_5:
0x55: {  	p0 =	sne.s32 s29, $0x1FC0  }
0x56: {  	[tilespmem:s28+$0xFFFFFFC0] =	vst v11;
	v4 =	vmul.f32 v4, v3;
	v2 =	vmul.f32 v2, v7;
	s30 =	sadd.s32 $0x80, s30;
	s31 =	smov.u32 s29;
	s29 =	sadd.s32 $0x40, s29  }
0x57: {  	v5 =	vmul.f32 v1, v5;
	v3 =	vmul.f32 v6, v3;
	[tilespmem:s28+$0x20] =	vst v9  }
0x58: {  	[tilespmem:s28+$0xFFFFFFD0] =	vst v10  }
0x59: {  	[tilespmem:s28+$0xFFFFFFE0] =	vst v8  }
0x5a: {  	[tilespmem:s28+$0x30] =	vst v2  }
0x5b: {  	v1 =	vld [tilespmem:s30+$0xFFFFFFF0];
	[tilespmem:s28+$0x10] =	vst v3  }
0x5c: {  	v8 =	vld [tilespmem:s30+$0xFFFFFFD0];
	[tilespmem:s28+$0xFFFFFFF0] =	vst v5  }
0x5d: {  	s31 =	sshra.s32 s31, $0x2;
	v9 =	vld [tilespmem:s30+$0x20];
	[tilespmem:s28+$0x0] =	vst v4;
	s28 =	smov.u32 s30  }
0x5e: {  	v3 =	vld [tilespmem:s31+$0x5800]  }
0x5f: {  	v2 =	vld [tilespmem:s30+$0x30]  }
0x60: {  	v10 =	vld [tilespmem:s30+$0xFFFFFFC0]  }
0x61: {  	v12 =	vld [tilespmem:s30+$0xFFFFFFE0]  }
.Ltmp1:
0x62: {  	v4 =	vld [tilespmem:s30+$0x0];
	(pc) =	sbr.rel @p0 .LBB2_5-.Ltmp1, $4  }
0x63: {  	v13 =	vbroadcast v3, $0x0;
	v6 =	vld [tilespmem:s30+$0x10];
	v7 =	vbroadcast v3, $0x3  }
0x64: {  	v5 =	vbroadcast v3, $0x1;
	v3 =	vbroadcast v3, $0x2  }
0x65: {  	v11 =	vmul.f32 v13, v10;
	v9 =	vmul.f32 v9, v7  }
0x66: {  	v10 =	vmul.f32 v8, v13;
	v8 =	vmul.f32 v12, v5  }
0x67: {  	[tilespmem:s28+$0xFFFFFFC0] =	vst v11  }
0x68: {  	[tilespmem:s28+$0x20] =	vst v9  }
0x69: {  	v2 =	vmul.f32 v2, v7;
	[tilespmem:s28+$0xFFFFFFD0] =	vst v10  }
0x6a: {  	v1 =	vmul.f32 v1, v5;
	[tilespmem:s28+$0xFFFFFFE0] =	vst v8  }
0x6b: {  	v6 =	vmul.f32 v6, v3;
	[tilespmem:s28+$0x30] =	vst v2  }
0x6c: {  	s25 =	sadd.s32 $0x1, s25;
	v2 =	vmul.f32 v4, v3;
	[tilespmem:s28+$0xFFFFFFF0] =	vst v1  }
0x6d: {  	p0 =	sne.s32 s25, $0x51;
	[tilespmem:s28+$0x10] =	vst v6  }
.Ltmp2:
0x6e: {  	s26 =	sadd.s32 $0x2C00, s26;
	[tilespmem:s28+$0x0] =	vst v2;
	(pc) =	sbr.rel @p0 .LBB2_4-.Ltmp2, $4  }
0x6f: {  	[spmem:s2] =	stream.indirect.scatter.add.f32 [tilespmem:s18], [sflag:$0x3], $0x80, s26, s19, $0xb8;
	[tilespmem:$0x1E000] =	vst v63  }
0x70: {  	_ =	swait.ge [sflag:s16], $0x4000  }
0x71: {  	[sflag:s16] =	ssyncset.done $0x0  }
0x72: {  	[sflag:s16] =	ssyncadd.s32 $0xFFFFC000  }
0x73: {  	s23 =	sadd.s32 $0x1, s23  }
0x74: {  	s24 =	sshll.u32 s0, $0x6;
	[bflag:$0x0] =	sbarrier.arrive $0xFFFF;
	p0 =	sne.s32 s23, s15  }
.Ltmp3:
0x75: {  	s25 =	sshrl.u32 s8, $0x3;
	s24 =	sor.u32 $0x1C03, s24;
	(pc) =	sbr.rel @p0 .LBB2_1-.Ltmp3, $4  }
0x76: {  	[hbm:s14], [sflag:s24] =	dma.local [spmem:s25], $0x2800  }
0x77: {  	_ =	swait.ge [sflag:s16], $0x2800  }
0x78: {  	[sflag:s16] =	ssyncset.done $0x0  }
0x79: {  	[sflag:s16] =	ssyncadd.s32 $0xFFFFD800  }
0x7a: {  	_ =	sfence.sel $0x180000  }
0x7b: {  	[bflag:$0x0] =	sbarrier.arrive $0xFFFF  }
0x7c: {  	p0 =	sne.s32 s0, $0x0;
	_ =	strace $0x90000050  }
0x7d: {  	s0 =	sadd.s32 @!p0 $0x100000, s1;
	[bflag:$0x2] =	sbarrier.arrive $0xFFFF  }
0x7e: {  	[sflag:s0] =	ssyncadd.tile.s32 @!p0 $0x1;
	_ =	shalt  }
.Lfunc_end2:
_tile_overlayer_lowered:
.L_overlay_start_2:
0x7f: {  	(tag) =	ssettag $0x2  }
0x80: {  	s0 =	rddreg [dreg:$0x0];
	s2 =	stileid.u32  }
0x81: {  	s1 =	rddreg [dreg:$0x1];
	p0 =	sne.s32 s2, $0x0  }
0x82: {  	s3 =	rddreg [dreg:$0x2];
	[bflag:$0x3] =	sbarrier.arrive $0xFFFF;
	s2 =	simm.s32 @!p0 $0x1C03  }
0x83: {  	[timem:s3], [sflag:s2] =	dma.local @!p0 [hbm:s0], s1  }
0x84: {  	s0 =	simm.s32 @!p0 $0x3  }
0x85: {  	_ =	swait.ge @!p0 [sflag:s0], s1  }
0x86: {  	s1 =	ssub.s32 @!p0 $0x0, s1;
	[sflag:s0] =	ssyncset.done @!p0 $0x0  }
0x87: {  	[sflag:s0] =	ssyncadd.s32 @!p0 s1  }
0x88: {  	[bflag:$0x3] =	sbarrier.arrive $0xFFFF  }
0x89: {  	_ =	shalt  }

// kernel: kernel.9.cloned.1.call-start
scs
__scs_entry_jumppad:
0x0: {  	(pc) =	sbr.rel $0x88, $3  }
0x1: {  	(tag) =	ssettag $0x0;
	lr =	simm.s32 $0x1  }
0x2: {  	[smem:$0x3F97] =	sst lr;
	_ =	strace $0xD0000000  }
0x3: {  	_ = 	snop  }
0x4: {  	_ = 	snop  }
0x5: {  	_ = 	snop  }
0x6: {  	_ = 	snop  }
0x7: {  	_ = 	snop  }
__scs_overlays_trampoline_lowered:
0x8: {  	[smem:$0x3FA6] =	sst s0  }
0x9: {  	[smem:$0x3FA7] =	sst s1  }
0xa: {  	[smem:$0x3FA8] =	sst s2  }
0xb: {  	[smem:$0x3FA9] =	sst s3  }
0xc: {  	[smem:$0x3FAA] =	sst s4  }
0xd: {  	[smem:$0x3FAB] =	sst s5  }
0xe: {  	[smem:$0x3FAC] =	sst s6  }
0xf: {  	[smem:$0x3FAD] =	sst s7  }
0x10: {  	[smem:$0x3FAE] =	sst s8  }
0x11: {  	[smem:$0x3FAF] =	sst s9;
	s0 =	simm.s32 @!p0 $0x0  }
0x12: {  	s1 =	sld [smem:$0x3F95];
	s0 =	simm.s32 @p0 $0x1  }
0x13: {  	[smem:$0x3FB0] =	sst s0;
	s0 =	simm.s32 @!p1 $0x0  }
0x14: {  	s2 =	sld [smem:$0x3F94];
	s0 =	simm.s32 @p1 $0x1  }
0x15: {  	[smem:$0x3FB1] =	sst s0;
	s0 =	simm.s32 @!p2 $0x0  }
0x16: {  	s3 =	sld [smem:$0x3FDB];
	s0 =	simm.s32 @p2 $0x1  }
0x17: {  	s4 =	simm.s32 $0x1BF5;
	[smem:$0x3FB3] =	sst s0  }
0x18: {  	s0 =	sld [smem:$0x3F96];
	_ =	swait.ge [sflag:s4], $0x0  }
0x19: {  	s7 =	sld [smem:$0x3F97]  }
0x1a: {  	s8 =	sadd.s32 $0xFFFFE003, lr  }
0x1b: {  	s9 =	sadd.s32 $0xFFFFFEF7, lr;
	s5 =	simm.s32 $0xFFFFFFFF;
	p2 =	slt.u32 s8, $0xFFFFF086  }
0x1c: {  	p1 =	slt.u32 s9, $0xF7A;
	s5 =	simm.s32 @!p2 $0x0  }
0x1d: {  	s5 =	simm.s32 @p1 $0x1;
	p0 =	seq.s32 s7, s2  }
0x1e: {  	s7 =	smul.u32 @!p0 $0xF7A, s2;
	p2 =	seq.s32 @!p0 s5, $0x0  }
0x1f: {  	s9 =	smul.u32 $0xF7A, s1;
	s8 =	simm.s32 @!p0 $0x1BF5;
	p2 =	por !p2, p0  }
0x20: {  	[sflag:s8] =	ssyncset.s32 @!p0 $0xFFFFF086;
	s6 =	sadd.s32 @!p0 s3, s7;
	s7 =	simm.s32 @!p0 $0x108  }
0x21: {  	s3 =	sadd.s32 s3, s9;
	s6 =	sadd.s32 @!p0 $0x88, s6;
	s7 =	simm.s32 @p2 $0x1082  }
0x22: {  	[simem:s7], [sflag:s8] =	dma.local @!p0 [hbm:s6], $0xF7A  }
0x23: {  	s9 =	sor.u32 $0xD0000000, s2;
	s6 =	simm.s32 $0x108;
	_ =	swait.ge @!p0 [sflag:s8], $0x0  }
0x24: {  	s3 =	sadd.s32 $0x88, s3;
	s6 =	simm.s32 @!p1 $0x1082;
	[sflag:s4] =	ssyncset.s32 $0xFFFFF086  }
0x25: {  	[simem:s6], [sflag:s4] =	dma.local [hbm:s3], $0xF7A  }
0x26: {  	[smem:$0x3F97] =	sst s1;
	(tag) =	ssettag s2;
	_ =	strace s9  }
0x27: {  	s1 =	sld [smem:$0x3FA7]  }
0x28: {  	s2 =	sld [smem:$0x3FA8]  }
0x29: {  	s4 =	sld [smem:$0x3FAA]  }
0x2a: {  	p0 =	seq.s32 s5, $0x0;
	s5 =	sld [smem:$0x3FAB]  }
0x2b: {  	s6 =	sld [smem:$0x3FAC]  }
0x2c: {  	s7 =	sld [smem:$0x3FAD]  }
0x2d: {  	s3 =	simm.s32 $0x108;
	s8 =	sld [smem:$0x3FAE]  }
0x2e: {  	s3 =	simm.s32 @!p0 $0x1082;
	s9 =	sld [smem:$0x3FAF]  }
0x2f: {  	lr =	sadd.s32 s0, s3;
	s0 =	sld [smem:$0x3FA6]  }
0x30: {  	s3 =	sld [smem:$0x3FA9]  }
0x31: {  	[smem:$0x3FB2] =	sst s10  }
0x32: {  	s10 =	sld [smem:$0x3FB0];
	_ =	sdelay $0x3  }
0x33: {  	p0 =	seq.s32 s10, $0x1;
	s10 =	sld [smem:$0x3FB2];
	_ =	sdelay $0x3  }
0x34: {  	[smem:$0x3FB2] =	sst s10  }
0x35: {  	s10 =	sld [smem:$0x3FB1];
	_ =	sdelay $0x3  }
0x36: {  	p1 =	seq.s32 s10, $0x1;
	s10 =	sld [smem:$0x3FB2];
	_ =	sdelay $0x3  }
0x37: {  	[smem:$0x3FB2] =	sst s10  }
0x38: {  	s10 =	sld [smem:$0x3FB3]  }
0x39: {  	_ = 	snop;
	(pc) =	sbr.ind lr, $3  }
0x3a: {  	_ = 	snop  }
0x3b: {  	_ = 	snop  }
0x3c: {  	p2 =	seq.s32 s10, $0x1;
	s10 =	sld [smem:$0x3FB2]  }
0x3d: {  	_ =	shalt  }
0x3e: {  	_ =	shalt  }
0x3f: {  	_ =	shalt  }
0x40: {  	_ =	shalt  }
0x41: {  	_ =	shalt  }
0x42: {  	_ =	shalt  }
0x43: {  	_ =	shalt  }
0x44: {  	_ =	shalt  }
0x45: {  	_ =	shalt  }
0x46: {  	_ =	shalt  }
0x47: {  	_ =	shalt  }
0x48: {  	_ =	shalt  }
0x49: {  	_ =	shalt  }
0x4a: {  	_ =	shalt  }
0x4b: {  	_ =	shalt  }
0x4c: {  	_ =	shalt  }
0x4d: {  	_ =	shalt  }
0x4e: {  	_ =	shalt  }
0x4f: {  	_ =	shalt  }
0x50: {  	_ =	shalt  }
0x51: {  	_ =	shalt  }
0x52: {  	_ =	shalt  }
0x53: {  	_ =	shalt  }
0x54: {  	_ =	shalt  }
0x55: {  	_ =	shalt  }
0x56: {  	_ =	shalt  }
0x57: {  	_ =	shalt  }
0x58: {  	_ =	shalt  }
0x59: {  	_ =	shalt  }
0x5a: {  	_ =	shalt  }
0x5b: {  	_ =	shalt  }
0x5c: {  	_ =	shalt  }
0x5d: {  	_ =	shalt  }
0x5e: {  	_ =	shalt  }
0x5f: {  	_ =	shalt  }
0x60: {  	_ =	shalt  }
0x61: {  	_ =	shalt  }
0x62: {  	_ =	shalt  }
0x63: {  	_ =	shalt  }
0x64: {  	_ =	shalt  }
0x65: {  	_ =	shalt  }
0x66: {  	_ =	shalt  }
0x67: {  	_ =	shalt  }
0x68: {  	_ =	shalt  }
0x69: {  	_ =	shalt  }
0x6a: {  	_ =	shalt  }
0x6b: {  	_ =	shalt  }
0x6c: {  	_ =	shalt  }
0x6d: {  	_ =	shalt  }
0x6e: {  	_ =	shalt  }
0x6f: {  	_ =	shalt  }
0x70: {  	_ =	shalt  }
0x71: {  	_ =	shalt  }
0x72: {  	_ =	shalt  }
0x73: {  	_ =	shalt  }
0x74: {  	_ =	shalt  }
0x75: {  	_ =	shalt  }
0x76: {  	_ =	shalt  }
0x77: {  	_ =	shalt  }
0x78: {  	_ =	shalt  }
0x79: {  	_ =	shalt  }
0x7a: {  	_ =	shalt  }
0x7b: {  	_ =	shalt  }
0x7c: {  	_ =	shalt  }
0x7d: {  	_ =	shalt  }
0x7e: {  	_ =	shalt  }
0x7f: {  	_ =	shalt  }
0x80: {  	_ =	shalt  }
0x81: {  	_ =	shalt  }
0x82: {  	_ =	shalt  }
0x83: {  	_ =	shalt  }
0x84: {  	_ =	shalt  }
0x85: {  	_ =	shalt  }
0x86: {  	_ =	shalt  }
0x87: {  	_ =	shalt  }
.Lfunc_end0:
.L_simem_size_0:
called_computation_lowered:
.L_overlay_start_0:
0x88: {  	s2 =	sld [smem:$0x3FD9]  }
0x89: {  	s3 =	sld [smem:$0x3FFE];
	_ =	sdelay $0x1  }
0x8a: {  	s1 =	srdreg.scid  }
0x8b: {  	s0 =	sand.u32 $0x1, s1  }
0x8c: {  	s17 =	sshll.u32 s0, $0xA;
	s2 =	sadd.s32 s3, s2  }
0x8d: {  	s2 =	sadd.s32 s2, s17  }
0x8e: {  	[smem:$0x3FBE] =	sst s2  }
0x8f: {  	_ = 	snop  }
0x90: {  	s2 =	sld [smem:$0x3FD0];
	(tm) =	ssettm $0x1  }
0x91: {  	s18 =	sld [smem:$0x3FFB];
	_ =	sdelay $0x3  }
0x92: {  	_ =	strace s18  }
0x93: {  	s3 =	sld [smem:$0x3FFC];
	_ =	sdelay $0x3  }
0x94: {  	_ =	strace s3  }
0x95: {  	s3 =	sld [smem:$0x3FFD];
	_ =	sdelay $0x3  }
0x96: {  	_ =	strace s3  }
0x97: {  	_ =	strace $0x8FFFFFFF  }
0x98: {  	s19 =	sld [smem:$0x3FDB];
	_ =	sdelay $0x1  }
0x99: {  	s4 =	simm.s32 $_scs_section_size  }
0x9a: {  	s5 =	simm.s32 $_size__tile_overlayer_lowered;
	s6 =	simm.s32 $_tile_overlayer_lowered  }
0x9b: {  	s22 =	simm.s32 $0x1BFF;
	s21 =	sshll.u32 s6, $0x1;
	s3 =	sadd.s32 s4, s19  }
0x9c: {  	s7 =	simm.s32 $0x0;
	s20 =	sshll.u32 s5, $0x1;
	s5 =	sadd.s32 s21, s3  }
0x9d: {  	[timem:s7], [sflag:s22] =	dma.local [hbm:s5], s20  }
0x9e: {  	_ =	swait.ge [sflag:s22], s20  }
0x9f: {  	s4 =	ssub.s32 $0x0, s20;
	[sflag:s22] =	ssyncset.done $0x0  }
0xa0: {  	[sflag:s22] =	ssyncadd.s32 s4;
	_ =	sdelay $0x1  }
0xa1: {  	s23 =	simm.s32 $0x1B8B  }
0xa2: {  	_ =	swait.ge [sflag:s23], $0x1  }
0xa3: {  	[sflag:s23] =	ssyncset.done $0x0  }
0xa4: {  	s25 =	simm.s32 $0x1B8E;
	s24 =	sld [smem:$0x3FFE];
	[sflag:s23] =	ssyncadd.s32 $0xFFFFFFFF  }
0xa5: {  	s26 =	simm.s32 $execute0_lowered;
	[smem:$0x3FD2] =	sst s25  }
0xa6: {  	s5 =	sshll.u32 s26, $0x1;
	_ =	strace $0x80000046;
	[dreg:$0x1] =	wrdreg $0xFFFFFFFF  }
0xa7: {  	s28 =	simm.s32 $_size_execute0_lowered;
	s3 =	sadd.s32 s3, s5;
	[dreg:$0x0] =	wrdreg $0x0  }
0xa8: {  	s5 =	sshll.u32 s28, $0x1;
	[dreg:$0x2] =	wrdreg s3  }
0xa9: {  	[dreg:$0x3] =	wrdreg s5  }
0xaa: {  	[dreg:$0x4] =	wrdreg $0xC0  }
0xab: {  	_ =	task [dreg:s7], $0x5FFFF  }
0xac: {  	[dreg:$0x1] =	wrdreg $0xFFFFFFFF  }
0xad: {  	[dreg:$0x0] =	wrdreg $0x60  }
0xae: {  	[dreg:$0x2] =	wrdreg s2  }
0xaf: {  	[dreg:$0x3] =	wrdreg s24  }
0xb0: {  	[dreg:$0x4] =	wrdreg $0x88000  }
0xb1: {  	[dreg:$0x5] =	wrdreg $0x9  }
0xb2: {  	_ =	task.clear_ibuf [dreg:s7], $0x6FFFF;
	_ =	strace $0x90000046  }
0xb3: {  	s29 =	simm.s32 $0x9;
	_ =	strace $0x80000048  }
0xb4: {  	_ =	swait.ge [sflag:s29], $0x1  }
0xb5: {  	[sflag:s29] =	ssyncadd.s32 $0xFFFFFFFF  }
0xb6: {  	_ =	strace $0x90000048  }
0xb7: {  	_ =	sfence  }
0xb8: {  	s30 =	sld [smem:$0x0];
	_ =	sdelay $0x2  }
0xb9: {  	s31 =	sshll.u32 s1, $0xD;
	s1 =	sshrl.u32 s1, $0x2  }
0xba: {  	s3 =	sand.u32 $0x4000, s31;
	s1 =	sadd.s32 s1, s30  }
0xbb: {  	s0 =	sor.u32 s3, s0;
	s1 =	sshll.u32 s1, $0x11  }
0xbc: {  	s0 =	sor.u32 s1, s0  }
0xbd: {  	s0 =	sadd.s32 $0x8F2B, s0  }
0xbe: {  	[sflag:s0] =	ssyncadd.remote.s32 $0x1  }
0xbf: {  	_ =	sfence.sel $0xFFFF  }
0xc0: {  	[dreg:$0x0] =	wrdreg $0xFFFFFFFF;
	(pc) =	sbr.abs _section_cstart, $3  }
0xc1: {  	[dreg:$0x1] =	wrdreg $0xFFFFFFFF  }
0xc2: {  	_ =	task.clear_ibuf [dreg:s7], $0x2FFFF;
	_ =	strace $0x9FFFFFFF  }
0xc3: {  	(tm) =	ssettm $0x7FFFFFFF  }
tec
execute0_lowered:
.L_overlay_start_1:
0x0: {  	(tag) =	ssettag $0x1  }
0x1: {  	s0 =	srdreg.scid;
	s7 =	rddreg [dreg:$0x0]  }
0x2: {  	s12 =	stileid.u32;
	s5 =	rddreg [dreg:$0x1]  }
0x3: {  	s2 =	rddreg [dreg:$0x2];
	s3 =	simm.s32 $0x0;
	s17 =	simm.s32 $0x5  }
0x4: {  	s28 =	simm.s32 $0x3;
	s29 =	simm.s32 $0x4;
	s30 =	simm.s32 $0x8000  }
0x5: {  	s0 =	sand.u32 $0x1, s0;
	s1 =	sshll.u32 s12, $0x1;
	s9 =	smul.u32 $0x2800, s12  }
0x6: {  	[smem:$0x7FF] =	sst s3;
	s12 =	smul.u32 $0xA000, s12;
	s1 =	sor.u32 s0, s1  }
0x7: {  	s4 =	smul.u32 $0x28000, s0;
	_ =	strace $0x80000047;
	s0 =	ssub.s32 $0x2, s0  }
0x8: {  	s8 =	smul.u32 $0x580, s1;
	s18 =	sshrl.u32 s0, $0x1;
	s21 =	sshrl.u32 s12, $0x2  }
0x9: {  	s6 =	sadd.s32 s9, s4;
	s4 =	sadd.s32 $0x5F000, s5;
	s0 =	ssub.s32 s0, s18  }
0xa: {  	s9 =	sadd.s32 s9, s2;
	s10 =	sadd.s32 s8, s5;
	s6 =	sshrl.u32 s6, $0x3  }
0xb: {  	s19 =	sadd.s32 s7, s8;
	s11 =	sadd.s32 s6, s5;
	s6 =	smul.u32 $0x28800, s1  }
0xc: {  	[dreg:$0x4] =	wrdreg s19;
	s20 =	sadd.s32 $0x4000, s10;
	s1 =	sadd.s32 s21, s2  }
0xd: {  	s18 =	simm.s32 $0x0;
	[dreg:$0x5] =	wrdreg s20;
	s23 =	sadd.s32 $0x800, s1  }
0xe: {  	s16 =	smax.u32 s0, $0x1;
	s24 =	sadd.s32 $0x1000, s1;
	[dreg:$0x6] =	wrdreg s23  }
0xf: {  	s5 =	sadd.s32 $0x6E000, s5;
	s25 =	sadd.s32 $0x1800, s1;
	[dreg:$0x7] =	wrdreg s24  }
0x10: {  	s19 =	simm.s32 $0x5800;
	s1 =	sadd.s32 $0x2000, s1;
	[dreg:$0x8] =	wrdreg s25  }
0x11: {  	s21 =	simm.s32 $0x6000;
	s31 =	sadd.s32 $0x64000, s11;
	[dreg:$0x9] =	wrdreg s1  }
0x12: {  	v0 =	vlaneseq.u32;
	s20 =	simm.s32 $0x80;
	s22 =	sshrl.u32 s6, $0x3;
	[dreg:$0xb] =	wrdreg s31  }
0x13: {  	v1 =	vmul.u32 $0xFFFFFFFF, v0;
	s23 =	simm.s32 $0x7000;
	s24 =	simm.s32 $0x1;
	s7 =	sadd.s32 s5, s22  }
0x14: {  	s25 =	simm.s32 $0x2;
	s1 =	simm.s32 $0x5400;
	s26 =	sadd.s32 $0x5000, s7  }
0x15: {  	v0 =	vimm.f32 $0.0e+00;
	v1 =	vadd.s32 $0xF, v1;
	s22 =	simm.s32 $0x6800;
	[dreg:$0xa] =	wrdreg s26;
	s26 =	simm.s32 $0x7800  }
.LBB2_1:
0x16: {  	s0 =	rddreg [dreg:$0x4]  }
0x17: {  	[tilespmem:s3], [sflag:$0x5] =	stream.linear.gather [hbm4b:s0+s3], $0x2C00, $0x38;
	[tilespmem:$0xB000] =	vst v63  }
0x18: {  	_ =	swait.ge [sflag:s17], $0x2C00  }
0x19: {  	[sflag:s17] =	ssyncset.done $0x0  }
0x1a: {  	s7 =	simm.s32 $0x2C00;
	s31 =	rddreg [dreg:$0x5];
	[sflag:s17] =	ssyncadd.s32 $0xFFFFD400  }
0x1b: {  	[tilespmem:s7], [sflag:$0x5] =	stream.linear.gather [hbm4b:s31+s3], $0x2C00, $0x38;
	[tilespmem:$0xB000] =	vst v63  }
0x1c: {  	_ =	swait.ge [sflag:s17], $0x2C00  }
0x1d: {  	[sflag:s17] =	ssyncset.done $0x0  }
0x1e: {  	s0 =	simm.s32 $0x40;
	s7 =	simm.s32 $0x0;
	[sflag:s17] =	ssyncadd.s32 $0xFFFFD400  }
.LBB2_2:
0x1f: {  	p0 =	sne.s32 s0, $0x1FC0;
	[tilespmem:s7+$0x5800] =	vst v0;
	s7 =	smov.u32 s0;
	s0 =	sadd.s32 $0x40, s0  }
.Ltmp0:
0x20: {  	(pc) =	sbr.rel @p0 .LBB2_2-.Ltmp0, $2  }
0x21: {  	_ =	sdelay $0x2  }
0x22: {  	s7 =	sshra.s32 s7, $0x2  }
0x23: {  	[tilespmem:s7+$0x5800] =	vst v0  }
0x24: {  	[spmem:s9] =	stream.linear.scatter [tilespmem:s19], [sflag:$0x5], $0x800, $0x38;
	[tilespmem:$0xB000] =	vst v63  }
0x25: {  	_ =	swait.ge [sflag:s17], $0x800  }
0x26: {  	[sflag:s17] =	ssyncset.done $0x0  }
0x27: {  	s0 =	rddreg [dreg:$0x6];
	[sflag:s17] =	ssyncadd.s32 $0xFFFFF800  }
0x28: {  	[spmem:s0] =	stream.linear.scatter [tilespmem:s19], [sflag:$0x5], $0x800, $0x38;
	[tilespmem:$0xB000] =	vst v63  }
0x29: {  	_ =	swait.ge [sflag:s17], $0x800  }
0x2a: {  	[sflag:s17] =	ssyncset.done $0x0  }
0x2b: {  	s14 =	rddreg [dreg:$0x7];
	[sflag:s17] =	ssyncadd.s32 $0xFFFFF800  }
0x2c: {  	[spmem:s14] =	stream.linear.scatter [tilespmem:s19], [sflag:$0x5], $0x800, $0x38;
	[tilespmem:$0xB000] =	vst v63  }
0x2d: {  	_ =	swait.ge [sflag:s17], $0x800  }
0x2e: {  	[sflag:s17] =	ssyncset.done $0x0  }
0x2f: {  	s15 =	rddreg [dreg:$0x8];
	[sflag:s17] =	ssyncadd.s32 $0xFFFFF800  }
0x30: {  	[spmem:s15] =	stream.linear.scatter [tilespmem:s19], [sflag:$0x5], $0x800, $0x38;
	[tilespmem:$0xB000] =	vst v63  }
0x31: {  	_ =	swait.ge [sflag:s17], $0x800  }
0x32: {  	[sflag:s17] =	ssyncset.done $0x0  }
0x33: {  	s31 =	rddreg [dreg:$0x9];
	[sflag:s17] =	ssyncadd.s32 $0xFFFFF800  }
0x34: {  	[spmem:s31] =	stream.linear.scatter [tilespmem:s19], [sflag:$0x5], $0x800, $0x38;
	[tilespmem:$0xB000] =	vst v63  }
0x35: {  	_ =	swait.ge [sflag:s17], $0x800  }
0x36: {  	[sflag:s17] =	ssyncset.done $0x0  }
0x37: {  	[sflag:s17] =	ssyncadd.s32 $0xFFFFF800  }
0x38: {  	s0 =	simm.s32 $0x0;
	[bflag:$0x0] =	sbarrier.arrive $0xFFFF  }
.LBB2_4:
0x39: {  	s10 =	sshll.u32 s0, $0x8  }
0x3a: {  	[tilespmem:s19], [sflag:$0x1] =	stream.indirect.gather [hbm4b:s4+s20], $0x10, s10, s20, $0xb8;
	[tilespmem:$0xB000] =	vst v63  }
0x3b: {  	s8 =	sadd.s32 $0x2C00, s10  }
0x3c: {  	[tilespmem:s21], [sflag:$0x2] =	stream.indirect.gather [hbm4b:s4+s20], $0x10, s8, s20, $0xb8;
	[tilespmem:$0xB000] =	vst v63  }
0x3d: {  	s7 =	sor.u32 $0x80, s10  }
0x3e: {  	[tilespmem:s22], [sflag:$0x3] =	stream.indirect.gather [hbm4b:s4+s20], $0x10, s7, s20, $0xb8;
	[tilespmem:$0xB000] =	vst v63  }
0x3f: {  	s31 =	sadd.s32 $0x2C80, s10  }
0x40: {  	[tilespmem:s23], [sflag:$0x4] =	stream.indirect.gather [hbm4b:s4+s20], $0x10, s31, s20, $0xb8;
	[tilespmem:$0xB000] =	vst v63  }
0x41: {  	_ =	swait.ge [sflag:s24], $0x800  }
0x42: {  	[sflag:s24] =	ssyncset.done $0x0  }
0x43: {  	[sflag:s24] =	ssyncadd.s32 $0xFFFFF800  }
0x44: {  	_ =	swait.ge [sflag:s25], $0x800  }
0x45: {  	[sflag:s25] =	ssyncset.done $0x0  }
0x46: {  	s10 =	simm.s32 $0x0;
	[sflag:s25] =	ssyncadd.s32 $0xFFFFF800  }
0x47: {  	s11 =	simm.s32 $0x10;
	v2 =	vld [tilespmem:s10+$0x6000]  }
0x48: {  	v3 =	vld [tilespmem:s11+$0x6000]  }
0x49: {  	v4 =	vld [tilespmem:s10+$0x5800];
	_ =	sdelay $0x1  }
0x4a: {  	v5 =	vld [tilespmem:s11+$0x5800]  }
0x4b: {  	v2 =	vperm.xlane v2, v1;
	_ =	sdelay $0x1  }
0x4c: {  	v3 =	vperm.xlane v3, v1;
	v2 =	vadd.f32 v2, v4;
	_ =	sdelay $0x1  }
0x4d: {  	v3 =	vadd.f32 v3, v5;
	v5 =	vmul.f32 $2.000000030e-01, v2  }
0x4e: {  	vm0 =	vge.f32 v2, $0.0e+00  }
0x4f: {  	s12 =	simm.s32 $0x20;
	v2 =	vsel vm0, v2, v5  }
0x50: {  	v6 =	vld [tilespmem:s12+$0x6000];
	v2 =	vmul.f32 $1.442695020e+00, v2;
	_ =	sdelay $0x1  }
0x51: {  	v4 =	vld [tilespmem:s12+$0x5800];
	v7 =	vmul.f32 $2.000000030e-01, v3;
	(erf) = vpow2.f32 v2  }
0x52: {  	vm0 =	vge.f32 v3, $0.0e+00  }
0x53: {  	v3 =	vsel vm0, v3, v7  }
0x54: {  	s13 =	simm.s32 $0x30;
	v5 =	vperm.xlane v6, v1;
	v6 =	vmul.f32 $1.442695020e+00, v3  }
0x55: {  	v2 =	vld [tilespmem:s13+$0x6000]  }
0x56: {  	v3 =	vadd.f32 v5, v4;
	(erf) = vpow2.f32 v6  }
0x57: {  	v4 =	vld [tilespmem:s13+$0x5800]  }
0x58: {  	v5 =	vmul.f32 $2.000000030e-01, v3  }
0x59: {  	s14 =	simm.s32 $0x100;
	vm0 =	vge.f32 v3, $0.0e+00  }
.LBB2_5:
0x5a: {  	s15 =	sshra.s32 s14, $0x2;
	p0 =	sne.s32 s14, $0x1FC0;
	s14 =	sadd.s32 $0x40, s14;
	v6 =	vperm.xlane v2, v1;
	v3 =	vsel vm0, v3, v5;
	v5 =	vpop (erf)  }
.Ltmp1:
0x5b: {  	v2 =	vld [tilespmem:s15+$0x6000];
	v7 =	vmul.f32 $1.442695020e+00, v3;
	[tilespmem:s10+$0x7800] =	vst v5;
	s10 =	smov.u32 s11;
	s11 =	smov.u32 s12;
	(pc) =	sbr.rel @p0 .LBB2_5-.Ltmp1, $4  }
0x5c: {  	s12 =	smov.u32 s13;
	s13 =	smov.u32 s15;
	v3 =	vadd.f32 v6, v4  }
0x5d: {  	v4 =	vld [tilespmem:s13+$0x5800];
	(erf) = vpow2.f32 v7  }
0x5e: {  	v5 =	vmul.f32 $2.000000030e-01, v3  }
0x5f: {  	vm0 =	vge.f32 v3, $0.0e+00  }
0x60: {  	v2 =	vperm.xlane v2, v1;
	_ =	sdelay $0x1  }
0x61: {  	v2 =	vadd.f32 v2, v4;
	_ =	sdelay $0x1  }
0x62: {  	v4 =	vmul.f32 $2.000000030e-01, v2  }
0x63: {  	v3 =	vsel vm0, v3, v5;
	vm0 =	vge.f32 v2, $0.0e+00  }
0x64: {  	v3 =	vmul.f32 $1.442695020e+00, v3;
	v2 =	vsel vm0, v2, v4  }
0x65: {  	v2 =	vmul.f32 $1.442695020e+00, v2  }
0x66: {  	(erf) = vpow2.f32 v3  }
0x67: {  	(erf) = vpow2.f32 v2;
	_ =	sdelay $0x5  }
0x68: {  	v2 =	vpop (erf)  }
0x69: {  	s14 =	sshll.u32 s0, $0xC;
	v3 =	vpop (erf);
	[tilespmem:s10+$0x7800] =	vst v2  }
0x6a: {  	s10 =	sadd.s32 s6, s14;
	[tilespmem:s11+$0x7800] =	vst v3;
	v2 =	vpop (erf)  }
0x6b: {  	s10 =	sshrl.u32 s10, $0x3;
	[tilespmem:s12+$0x7800] =	vst v2;
	v2 =	vpop (erf)  }
0x6c: {  	s15 =	simm.s32 $0x0;
	s10 =	sadd.s32 s5, s10;
	[tilespmem:s13+$0x7800] =	vst v2  }
0x6d: {  	[hbm4b:s10+s15] =	stream.linear.scatter [tilespmem:s26], [sflag:$0x1], $0x800, $0x38;
	[tilespmem:$0xB000] =	vst v63  }
0x6e: {  	_ = 	snop  }
0x6f: {  	[spmem:s2] =	stream.indirect.scatter.add.f32 [tilespmem:s26], [sflag:$0x5], $0x10, s8, s20, $0xb8;
	[tilespmem:$0xB000] =	vst v63  }
0x70: {  	_ =	swait.ge [sflag:s17], $0x800  }
0x71: {  	[sflag:s17] =	ssyncset.done $0x0  }
0x72: {  	[sflag:s17] =	ssyncadd.s32 $0xFFFFF800  }
0x73: {  	_ =	swait.ge [sflag:s28], $0x800  }
0x74: {  	[sflag:s28] =	ssyncset.done $0x0  }
0x75: {  	[sflag:s28] =	ssyncadd.s32 $0xFFFFF800  }
0x76: {  	_ =	swait.ge [sflag:s29], $0x800  }
0x77: {  	[sflag:s29] =	ssyncset.done $0x0  }
0x78: {  	s8 =	simm.s32 $0x0;
	[sflag:s29] =	ssyncadd.s32 $0xFFFFF800  }
0x79: {  	s10 =	simm.s32 $0x10;
	v2 =	vld [tilespmem:s8+$0x7000]  }
0x7a: {  	v3 =	vld [tilespmem:s10+$0x7000]  }
0x7b: {  	v4 =	vld [tilespmem:s8+$0x6800];
	_ =	sdelay $0x1  }
0x7c: {  	v5 =	vld [tilespmem:s10+$0x6800]  }
0x7d: {  	v2 =	vperm.xlane v2, v1;
	_ =	sdelay $0x1  }
0x7e: {  	v3 =	vperm.xlane v3, v1;
	v2 =	vadd.f32 v2, v4;
	_ =	sdelay $0x1  }
0x7f: {  	v3 =	vadd.f32 v3, v5;
	v5 =	vmul.f32 $2.000000030e-01, v2  }
0x80: {  	vm0 =	vge.f32 v2, $0.0e+00  }
0x81: {  	s11 =	simm.s32 $0x20;
	v2 =	vsel vm0, v2, v5  }
0x82: {  	v6 =	vld [tilespmem:s11+$0x7000];
	v2 =	vmul.f32 $1.442695020e+00, v2;
	_ =	sdelay $0x1  }
0x83: {  	v4 =	vld [tilespmem:s11+$0x6800];
	v7 =	vmul.f32 $2.000000030e-01, v3;
	(erf) = vpow2.f32 v2  }
0x84: {  	vm0 =	vge.f32 v3, $0.0e+00  }
0x85: {  	v3 =	vsel vm0, v3, v7  }
0x86: {  	s12 =	simm.s32 $0x30;
	v5 =	vperm.xlane v6, v1;
	v6 =	vmul.f32 $1.442695020e+00, v3  }
0x87: {  	v2 =	vld [tilespmem:s12+$0x7000]  }
0x88: {  	v3 =	vadd.f32 v5, v4;
	(erf) = vpow2.f32 v6  }
0x89: {  	v4 =	vld [tilespmem:s12+$0x6800]  }
0x8a: {  	v5 =	vmul.f32 $2.000000030e-01, v3  }
0x8b: {  	s13 =	simm.s32 $0x100;
	vm0 =	vge.f32 v3, $0.0e+00  }
.LBB2_7:
0x8c: {  	s14 =	sshra.s32 s13, $0x2;
	p0 =	sne.s32 s13, $0x1FC0;
	s13 =	sadd.s32 $0x40, s13;
	v6 =	vperm.xlane v2, v1;
	v3 =	vsel vm0, v3, v5;
	v5 =	vpop (erf)  }
.Ltmp2:
0x8d: {  	v2 =	vld [tilespmem:s14+$0x7000];
	v7 =	vmul.f32 $1.442695020e+00, v3;
	[tilespmem:s8+$0x8000] =	vst v5;
	s8 =	smov.u32 s10;
	s10 =	smov.u32 s11;
	(pc) =	sbr.rel @p0 .LBB2_7-.Ltmp2, $4  }
0x8e: {  	s11 =	smov.u32 s12;
	s12 =	smov.u32 s14;
	v3 =	vadd.f32 v6, v4  }
0x8f: {  	v4 =	vld [tilespmem:s12+$0x6800];
	(erf) = vpow2.f32 v7  }
0x90: {  	v5 =	vmul.f32 $2.000000030e-01, v3  }
0x91: {  	vm0 =	vge.f32 v3, $0.0e+00  }
0x92: {  	v2 =	vperm.xlane v2, v1;
	_ =	sdelay $0x1  }
0x93: {  	v2 =	vadd.f32 v2, v4;
	_ =	sdelay $0x1  }
0x94: {  	v4 =	vmul.f32 $2.000000030e-01, v2  }
0x95: {  	v3 =	vsel vm0, v3, v5;
	vm15 =	vge.f32 v2, $0.0e+00  }
0x96: {  	v3 =	vmul.f32 $1.442695020e+00, v3;
	v2 =	vsel vm15, v2, v4  }
0x97: {  	v2 =	vmul.f32 $1.442695020e+00, v2  }
0x98: {  	(erf) = vpow2.f32 v3  }
0x99: {  	(erf) = vpow2.f32 v2;
	_ =	sdelay $0x5  }
0x9a: {  	v2 =	vpop (erf)  }
0x9b: {  	s7 =	sshll.u32 s7, $0x4;
	v3 =	vpop (erf);
	[tilespmem:s8+$0x8000] =	vst v2  }
0x9c: {  	s7 =	sadd.s32 s6, s7;
	[tilespmem:s10+$0x8000] =	vst v3;
	v2 =	vpop (erf)  }
0x9d: {  	s7 =	sshrl.u32 s7, $0x3;
	[tilespmem:s11+$0x8000] =	vst v2;
	v2 =	vpop (erf)  }
0x9e: {  	s7 =	sadd.s32 s5, s7;
	[tilespmem:s12+$0x8000] =	vst v2  }
0x9f: {  	[hbm4b:s7+s3] =	stream.linear.scatter [tilespmem:s30], [sflag:$0x2], $0x800, $0x38;
	[tilespmem:$0xB000] =	vst v63  }
0xa0: {  	_ = 	snop  }
0xa1: {  	[spmem:s2] =	stream.indirect.scatter.add.f32 [tilespmem:s30], [sflag:$0x5], $0x10, s31, s20, $0xb8;
	[tilespmem:$0xB000] =	vst v63  }
0xa2: {  	_ =	swait.ge [sflag:s17], $0x800  }
0xa3: {  	[sflag:s17] =	ssyncset.done $0x0  }
0xa4: {  	s0 =	sadd.s32 $0x1, s0;
	[sflag:s17] =	ssyncadd.s32 $0xFFFFF800  }
0xa5: {  	p0 =	sne.s32 s0, $0x28;
	_ =	swait.ge [sflag:s24], $0x800  }
.Ltmp3:
0xa6: {  	[sflag:s24] =	ssyncset.done $0x0;
	(pc) =	sbr.rel @p0 .LBB2_4-.Ltmp3, $4  }
0xa7: {  	[sflag:s24] =	ssyncadd.s32 $0xFFFFF800  }
0xa8: {  	_ =	swait.ge [sflag:s25], $0x800  }
0xa9: {  	[sflag:s25] =	ssyncset.done $0x0  }
0xaa: {  	[sflag:s25] =	ssyncadd.s32 $0xFFFFF800  }
0xab: {  	s0 =	simm.s32 $0x2800  }
0xac: {  	[tilespmem:s19], [sflag:$0x1] =	stream.indirect.gather [hbm4b:s4+s20], $0x10, s0, s20, $0xb8;
	[tilespmem:$0xB000] =	vst v63  }
0xad: {  	_ = 	snop  }
0xae: {  	[tilespmem:s21], [sflag:$0x2] =	stream.indirect.gather [hbm4b:s4+s20], $0x10, s1, s20, $0xb8;
	[tilespmem:$0xB000] =	vst v63  }
0xaf: {  	_ =	swait.ge [sflag:s24], $0x800  }
0xb0: {  	[sflag:s24] =	ssyncset.done $0x0  }
0xb1: {  	[sflag:s24] =	ssyncadd.s32 $0xFFFFF800  }
0xb2: {  	_ =	swait.ge [sflag:s25], $0x800  }
0xb3: {  	[sflag:s25] =	ssyncset.done $0x0  }
0xb4: {  	s0 =	simm.s32 $0x0;
	[sflag:s25] =	ssyncadd.s32 $0xFFFFF800  }
0xb5: {  	s7 =	simm.s32 $0x10;
	v2 =	vld [tilespmem:s0+$0x6000]  }
0xb6: {  	v3 =	vld [tilespmem:s7+$0x6000]  }
0xb7: {  	v4 =	vld [tilespmem:s0+$0x5800];
	_ =	sdelay $0x1  }
0xb8: {  	v5 =	vld [tilespmem:s7+$0x5800]  }
0xb9: {  	v2 =	vperm.xlane v2, v1;
	_ =	sdelay $0x1  }
0xba: {  	v3 =	vperm.xlane v3, v1;
	v2 =	vadd.f32 v2, v4;
	_ =	sdelay $0x1  }
0xbb: {  	v3 =	vadd.f32 v3, v5;
	v5 =	vmul.f32 $2.000000030e-01, v2  }
0xbc: {  	vm0 =	vge.f32 v2, $0.0e+00  }
0xbd: {  	s8 =	simm.s32 $0x20;
	v2 =	vsel vm0, v2, v5  }
0xbe: {  	v6 =	vld [tilespmem:s8+$0x6000];
	v2 =	vmul.f32 $1.442695020e+00, v2;
	_ =	sdelay $0x1  }
0xbf: {  	v4 =	vld [tilespmem:s8+$0x5800];
	v7 =	vmul.f32 $2.000000030e-01, v3;
	(erf) = vpow2.f32 v2  }
0xc0: {  	vm0 =	vge.f32 v3, $0.0e+00  }
0xc1: {  	v3 =	vsel vm0, v3, v7  }
0xc2: {  	s10 =	simm.s32 $0x30;
	v5 =	vperm.xlane v6, v1;
	v6 =	vmul.f32 $1.442695020e+00, v3  }
0xc3: {  	v2 =	vld [tilespmem:s10+$0x6000]  }
0xc4: {  	v3 =	vadd.f32 v5, v4;
	(erf) = vpow2.f32 v6  }
0xc5: {  	v4 =	vld [tilespmem:s10+$0x5800]  }
0xc6: {  	v5 =	vmul.f32 $2.000000030e-01, v3  }
0xc7: {  	s11 =	simm.s32 $0x100;
	vm0 =	vge.f32 v3, $0.0e+00  }
.LBB2_10:
0xc8: {  	s12 =	sshra.s32 s11, $0x2;
	p0 =	sne.s32 s11, $0x1FC0;
	s11 =	sadd.s32 $0x40, s11;
	v6 =	vperm.xlane v2, v1;
	v3 =	vsel vm0, v3, v5;
	v5 =	vpop (erf)  }
.Ltmp4:
0xc9: {  	v2 =	vld [tilespmem:s12+$0x6000];
	v7 =	vmul.f32 $1.442695020e+00, v3;
	[tilespmem:s0+$0x7800] =	vst v5;
	s0 =	smov.u32 s7;
	s7 =	smov.u32 s8;
	(pc) =	sbr.rel @p0 .LBB2_10-.Ltmp4, $4  }
0xca: {  	s8 =	smov.u32 s10;
	s10 =	smov.u32 s12;
	v3 =	vadd.f32 v6, v4  }
0xcb: {  	v4 =	vld [tilespmem:s10+$0x5800];
	(erf) = vpow2.f32 v7  }
0xcc: {  	v5 =	vmul.f32 $2.000000030e-01, v3  }
0xcd: {  	vm0 =	vge.f32 v3, $0.0e+00  }
0xce: {  	v2 =	vperm.xlane v2, v1;
	_ =	sdelay $0x1  }
0xcf: {  	v2 =	vadd.f32 v2, v4;
	_ =	sdelay $0x1  }
0xd0: {  	v4 =	vmul.f32 $2.000000030e-01, v2  }
0xd1: {  	v3 =	vsel vm0, v3, v5;
	vm15 =	vge.f32 v2, $0.0e+00  }
0xd2: {  	v3 =	vmul.f32 $1.442695020e+00, v3;
	v2 =	vsel vm15, v2, v4  }
0xd3: {  	v2 =	vmul.f32 $1.442695020e+00, v2  }
0xd4: {  	(erf) = vpow2.f32 v3  }
0xd5: {  	(erf) = vpow2.f32 v2;
	_ =	sdelay $0x5  }
0xd6: {  	v2 =	vpop (erf)  }
0xd7: {  	v3 =	vpop (erf);
	[tilespmem:s0+$0x7800] =	vst v2  }
0xd8: {  	[tilespmem:s7+$0x7800] =	vst v3;
	v2 =	vpop (erf)  }
0xd9: {  	[tilespmem:s8+$0x7800] =	vst v2;
	v2 =	vpop (erf)  }
0xda: {  	s13 =	rddreg [dreg:$0xa];
	[tilespmem:s10+$0x7800] =	vst v2  }
0xdb: {  	[hbm4b:s13+s3] =	stream.linear.scatter [tilespmem:s26], [sflag:$0x1], $0x800, $0x38;
	[tilespmem:$0xB000] =	vst v63  }
0xdc: {  	_ = 	snop  }
0xdd: {  	[spmem:s2] =	stream.indirect.scatter.add.f32 [tilespmem:s26], [sflag:$0x5], $0x10, s1, s20, $0xb8;
	[tilespmem:$0xB000] =	vst v63  }
0xde: {  	_ =	swait.ge [sflag:s17], $0x800  }
0xdf: {  	[sflag:s17] =	ssyncset.done $0x0  }
0xe0: {  	[sflag:s17] =	ssyncadd.s32 $0xFFFFF800  }
0xe1: {  	_ =	swait.ge [sflag:s24], $0x800  }
0xe2: {  	s14 =	stileid.u32;
	[sflag:s24] =	ssyncset.done $0x0  }
0xe3: {  	s15 =	sshrl.u32 s9, $0x3;
	s18 =	sadd.s32 $0x1, s18;
	[sflag:s24] =	ssyncadd.s32 $0xFFFFF800  }
0xe4: {  	p0 =	sne.s32 s18, s16;
	s0 =	sshll.u32 s14, $0x6;
	[bflag:$0x0] =	sbarrier.arrive $0xFFFF  }
.Ltmp5:
0xe5: {  	s0 =	sor.u32 $0x1C05, s0;
	s31 =	rddreg [dreg:$0xb];
	(pc) =	sbr.rel @p0 .LBB2_1-.Ltmp5, $4  }
0xe6: {  	[hbm:s31], [sflag:s0] =	dma.local [spmem:s15], $0x500  }
0xe7: {  	_ =	swait.ge [sflag:s17], $0x500  }
0xe8: {  	[sflag:s17] =	ssyncset.done $0x0  }
0xe9: {  	[sflag:s17] =	ssyncadd.s32 $0xFFFFFB00  }
0xea: {  	_ =	sfence.sel $0x180000  }
0xeb: {  	[bflag:$0x0] =	sbarrier.arrive $0xFFFF  }
0xec: {  	_ =	strace $0x90000047  }
0xed: {  	s0 =	stileid.u32;
	[bflag:$0x2] =	sbarrier.arrive $0xFFFF  }
0xee: {  	p0 =	sne.s32 s0, $0x0;
	s0 =	rddreg [dreg:$0x3]  }
0xef: {  	s0 =	sadd.s32 @!p0 $0x100000, s0  }
0xf0: {  	[sflag:s0] =	ssyncadd.tile.s32 @!p0 $0x1;
	_ =	shalt  }
.Lfunc_end2:
_tile_overlayer_lowered:
.L_overlay_start_2:
0xf1: {  	(tag) =	ssettag $0x2  }
0xf2: {  	s0 =	rddreg [dreg:$0x0];
	s2 =	stileid.u32  }
0xf3: {  	s1 =	rddreg [dreg:$0x1];
	p0 =	sne.s32 s2, $0x0  }
0xf4: {  	s3 =	rddreg [dreg:$0x2];
	[bflag:$0x3] =	sbarrier.arrive $0xFFFF;
	s2 =	simm.s32 @!p0 $0x1C05  }
0xf5: {  	[timem:s3], [sflag:s2] =	dma.local @!p0 [hbm:s0], s1  }
0xf6: {  	s0 =	simm.s32 @!p0 $0x5  }
0xf7: {  	_ =	swait.ge @!p0 [sflag:s0], s1  }
0xf8: {  	s1 =	ssub.s32 @!p0 $0x0, s1;
	[sflag:s0] =	ssyncset.done @!p0 $0x0  }
0xf9: {  	[sflag:s0] =	ssyncadd.s32 @!p0 s1  }
0xfa: {  	[bflag:$0x3] =	sbarrier.arrive $0xFFFF  }
0xfb: {  	_ =	shalt  }

</sc_bundles>
